<compile_context>
chip_gen: v7x
topology: tpu7x:2x2x1
jax: 0.10.2.dev20260603
libtpu: 0.0.44.dev20260713+nightly
codegen_flags: <defaults>
</compile_context>

<pallas_src>
import functools

import jax
import jax.numpy as jnp
from jax import lax
from jax.experimental import pallas as pl
from jax.experimental.pallas import tpu as pltpu
from jax.experimental.pallas import tpu_sc as plsc

B = 16384
D = 128
P = 10
K = 20
R = P + K
RPAD = 32
NC = 2
NS = 16
NW = NC * NS
BW = B // NW
C = 16
NCHUNK = BW // C
NG = 5
G = C * R // NG
SECT = 128
CPS = SECT // C
NPASS = 3
PP = R // NPASS


def _sc_dots(in_W, out_W, labels, comb):
  mesh = plsc.VectorSubcoreMesh(core_axis_name="c", subcore_axis_name="s")

  @functools.partial(
      pl.kernel,
      out_type=jax.ShapeDtypeStruct((B * RPAD,), jnp.float32),
      mesh=mesh,
      compiler_params=pltpu.CompilerParams(needs_layout_passes=False),
      scratch_types=[
          pltpu.VMEM((BW,), jnp.int32),
          pltpu.VMEM((BW * R,), jnp.int32),
          pltpu.VMEM((SECT, D), jnp.float32),
          pltpu.VMEM((C * R, D), jnp.float32),
          pltpu.VMEM((BW * RPAD,), jnp.float32),
          pltpu.SemaphoreType.DMA,
          pltpu.SemaphoreType.DMA,
          pltpu.SemaphoreType.DMA,
          pltpu.SemaphoreType.DMA,
          pltpu.SemaphoreType.DMA,
      ],
  )
  def k(in_hbm, out_hbm, lab_hbm, comb_hbm, dots_hbm,
        lab_v, comb_v, inbuf, rowbuf, dots_v, sem0, sem1, sem2, sem3, sem4):
    sems = (sem0, sem1, sem2, sem3, sem4)
    wid = lax.axis_index("s") * NC + lax.axis_index("c")
    base = wid * BW
    pltpu.sync_copy(lab_hbm.at[pl.ds(base, BW)], lab_v)
    pltpu.sync_copy(comb_hbm.at[pl.ds(base * R, BW * R)], comb_v)

    def qcopy(chunk, q):
      off = chunk * (C * R) + q * G
      return (out_hbm.at[comb_v.at[pl.ds(off, G)]],
              rowbuf.at[pl.ds(q * G, G)])

    lanes = lax.iota(jnp.int32, 16)

    def do_pass(chunk, sect, npass):
      zeros = jnp.zeros((16,), jnp.float32)
      inrow = jnp.full((16,), chunk * C - sect * SECT, jnp.int32) + lanes

      def dstep(i, accs):
        dvec = jnp.bitwise_and(jnp.full((16,), i, jnp.int32) + lanes, D - 1)
        xg = plsc.load_gather(inbuf, [inrow, dvec])
        out = []
        for p in range(npass * PP, (npass + 1) * PP):
          v = plsc.load_gather(rowbuf, [p * C + lanes, dvec])
          out.append(accs[p - npass * PP] + v * xg)
        return tuple(out)

      accs = lax.fori_loop(0, D, dstep, (zeros,) * PP, unroll=2)
      for p in range(npass * PP, (npass + 1) * PP):
        dots_v[pl.ds(chunk * (C * RPAD) + p * C, 16)] = accs[p - npass * PP]

    for sect in range(BW // SECT):
      insrc = in_hbm.at[lab_v.at[pl.ds(sect * SECT, SECT)]]
      pltpu.async_copy(insrc, inbuf, sem0)
      pltpu.make_async_copy(insrc, inbuf, sem0).wait()

      @pl.loop(sect * CPS, (sect + 1) * CPS)
      def chunk_body(chunk, sect=sect):
        for q in range(NG):
          src, dst = qcopy(chunk, q)
          pltpu.async_copy(src, dst, sems[q])
        for q in range(2):
          src, dst = qcopy(chunk, q)
          pltpu.make_async_copy(src, dst, sems[q]).wait()
        do_pass(chunk, sect, 0)
        for q in range(2, 4):
          src, dst = qcopy(chunk, q)
          pltpu.make_async_copy(src, dst, sems[q]).wait()
        do_pass(chunk, sect, 1)
        src, dst = qcopy(chunk, 4)
        pltpu.make_async_copy(src, dst, sems[4]).wait()
        do_pass(chunk, sect, 2)

    pltpu.sync_copy(dots_v, dots_hbm.at[pl.ds(base * RPAD, BW * RPAD)])

  return k(in_W, out_W, labels, comb)


def _tc_loss(dots):
  def body(dref, oref):
    x = dref[...]
    pos = lax.broadcasted_iota(jnp.int32, x.shape, 1)
    sign = jnp.where(pos < P, 1.0, -1.0)
    v = jax.nn.log_sigmoid(sign * x)
    v = jnp.where(pos < R, v, 0.0)
    oref[...] = -jnp.sum(v, axis=1)

  return pl.pallas_call(
      body,
      out_shape=jax.ShapeDtypeStruct((B // 16, 16), jnp.float32),
  )(dots)


def kernel(in_W, out_W, input_labels, pos_labels, neg_labels):
  labels = input_labels.astype(jnp.int32)
  comb = jnp.concatenate(
      [pos_labels.astype(jnp.int32), neg_labels.astype(jnp.int32)],
      axis=1).reshape(B // C, C, R).transpose(0, 2, 1).reshape(-1)
  dots = _sc_dots(in_W, out_W, labels, comb).reshape(B // 16, RPAD, 16)
  return _tc_loss(dots).reshape(B)

# --- scband reference (transcript-rebuilt; emitter-appended) ---
"""Pipeline reference for scband-embedding-model-15547781612015 (READ-ONLY COPY).

The authoritative reference and input builder live on the scoring server;
editing this copy changes nothing except your own understanding.
"""

import jax, jax.numpy as jnp
import numpy as np

VOCAB = 100000
EMBED = 128
BATCH = 16384
N_POS = 10
N_NEG = 20


def setup_inputs(seed: int = 0) -> dict:
    key = jax.random.key(seed)
    k1, k2, k3, k4, k5 = jax.random.split(key, 5)
    init = 0.5 / EMBED
    in_W = jax.random.uniform(k1, (VOCAB, EMBED), dtype=jnp.float32, minval=-init, maxval=init)
    # torch init sets out_embed to zeros; use small uniform so gradients/activations are non-degenerate
    out_W = jax.random.uniform(k2, (VOCAB, EMBED), dtype=jnp.float32, minval=-init, maxval=init)
    input_labels = jax.random.randint(k3, (BATCH,), 0, VOCAB, dtype=jnp.int64 if jax.config.read('jax_enable_x64') else jnp.int32)
    pos_labels = jax.random.randint(k4, (BATCH, N_POS), 0, VOCAB, dtype=input_labels.dtype)
    neg_labels = jax.random.randint(k5, (BATCH, N_NEG), 0, VOCAB, dtype=input_labels.dtype)
    return {"in_W": in_W, "out_W": out_W, "input_labels": input_labels, "pos_labels": pos_labels, "neg_labels": neg_labels}


def reference(in_W, out_W, input_labels, pos_labels, neg_labels):
    # embedding lookups (gathers)
    input_embedding = jnp.take(in_W, input_labels, axis=0)          # [B, D]
    pos_embedding = jnp.take(out_W, pos_labels, axis=0)            # [B, P, D]
    neg_embedding = jnp.take(out_W, neg_labels, axis=0)            # [B, K, D]
    # bmm with unsqueezed center embedding == batched dot products
    pos_dot = jnp.einsum('bpd,bd->bp', pos_embedding, input_embedding)   # [B, P]
    neg_dot = jnp.einsum('bkd,bd->bk', neg_embedding, -input_embedding)  # [B, K]
    log_pos = jax.nn.log_sigmoid(pos_dot).sum(axis=1)
    log_neg = jax.nn.log_sigmoid(neg_dot).sum(axis=1)
    return -log_pos - log_neg

if __name__ == "__main__":
    import jax
    _d = setup_inputs()
    print(jax.jit(kernel)(*tuple(_d.values())))

</pallas_src>

<mosaic_0001>
#map = affine_map<(d0, d1) -> (0, 0)>
#map1 = affine_map<(d0, d1) -> (0)>
module attributes {stable_mosaic.version = 14 : i64} {
  func.func @k(%arg0: i32, %arg1: i32, %arg2: memref<100000x128xf32, #tpu.memory_space<hbm>>, %arg3: memref<100000x128xf32, #tpu.memory_space<hbm>>, %arg4: memref<16384xi32, #tpu.memory_space<hbm>>, %arg5: memref<491520xi32, #tpu.memory_space<hbm>>, %arg6: memref<524288xf32, #tpu.memory_space<hbm>>, %arg7: memref<512xi32, #tpu.memory_space<vmem>>, %arg8: memref<15360xi32, #tpu.memory_space<vmem>>, %arg9: memref<128x128xf32, #tpu.memory_space<vmem>>, %arg10: memref<480x128xf32, #tpu.memory_space<vmem>>, %arg11: memref<16384xf32, #tpu.memory_space<vmem>>, %arg12: memref<!tpu.dma_semaphore, #tpu.memory_space<semaphore_mem>>, %arg13: memref<!tpu.dma_semaphore, #tpu.memory_space<semaphore_mem>>, %arg14: memref<!tpu.dma_semaphore, #tpu.memory_space<semaphore_mem>>, %arg15: memref<!tpu.dma_semaphore, #tpu.memory_space<semaphore_mem>>, %arg16: memref<!tpu.dma_semaphore, #tpu.memory_space<semaphore_mem>>) attributes {dimension_semantics = [#tpu.dimension_semantics<core_parallel>, #tpu.dimension_semantics<subcore_parallel>], iteration_bounds = array<i64: 2, 16>, scalar_prefetch = 0 : i64, scratch_operands = 10 : i64, tpu.core_type = #tpu.core_type<sc_vector_subcore>, window_params = [{transform_indices = #map}, {transform_indices = #map}, {transform_indices = #map1}, {transform_indices = #map1}, {transform_indices = #map1}]} {
    %mul3A = arith.constant 2 : i32
    %mul3A_0 = arith.muli %arg1, %mul3A : i32
    %add3A = arith.addi %mul3A_0, %arg0 : i32
    %mul3A_1 = arith.constant 512 : i32
    %mul3A_2 = arith.muli %add3A, %mul3A_1 : i32
    "tpu.region"() ({
      %run_scoped3A = tpu.sem_alloc : memref<!tpu.dma_semaphore, #tpu.memory_space<semaphore_mem>>
      %dma_start3A_64 = tpu.memref_slice %arg4[%mul3A_2] : memref<16384xi32, #tpu.memory_space<hbm>> -> memref<512xi32, #tpu.memory_space<hbm>>
      %dma_start3A_65 = tpu.memref_slice %arg4[%mul3A_2] : memref<16384xi32, #tpu.memory_space<hbm>> -> memref<512xi32, #tpu.memory_space<hbm>>
      tpu.enqueue_dma source(%dma_start3A_65 : memref<512xi32, #tpu.memory_space<hbm>>) target(%arg7 : memref<512xi32, #tpu.memory_space<vmem>>) target_semaphore(%run_scoped3A : memref<!tpu.dma_semaphore, #tpu.memory_space<semaphore_mem>>)
      %dma_wait3A_66 = tpu.memref_slice %arg4[%mul3A_2] : memref<16384xi32, #tpu.memory_space<hbm>> -> memref<512xi32, #tpu.memory_space<hbm>>
      %dma_wait3A_67 = tpu.memref_slice %arg4[%mul3A_2] : memref<16384xi32, #tpu.memory_space<hbm>> -> memref<512xi32, #tpu.memory_space<hbm>>
      tpu.wait_dma2 semaphore(%run_scoped3A : memref<!tpu.dma_semaphore, #tpu.memory_space<semaphore_mem>>) src(%dma_wait3A_67 : memref<512xi32, #tpu.memory_space<hbm>>) dst(%arg7 : memref<512xi32, #tpu.memory_space<vmem>>)
      tpu.yield
    }) : () -> ()
    %mul3A_3 = arith.constant 30 : i32
    %mul3A_4 = arith.muli %mul3A_2, %mul3A_3 : i32
    "tpu.region"() ({
      %run_scoped3A = tpu.sem_alloc : memref<!tpu.dma_semaphore, #tpu.memory_space<semaphore_mem>>
      %dma_start3A_64 = tpu.memref_slice %arg5[%mul3A_4] : memref<491520xi32, #tpu.memory_space<hbm>> -> memref<15360xi32, #tpu.memory_space<hbm>>
      %dma_start3A_65 = tpu.memref_slice %arg5[%mul3A_4] : memref<491520xi32, #tpu.memory_space<hbm>> -> memref<15360xi32, #tpu.memory_space<hbm>>
      tpu.enqueue_dma source(%dma_start3A_65 : memref<15360xi32, #tpu.memory_space<hbm>>) target(%arg8 : memref<15360xi32, #tpu.memory_space<vmem>>) target_semaphore(%run_scoped3A : memref<!tpu.dma_semaphore, #tpu.memory_space<semaphore_mem>>)
      %dma_wait3A_66 = tpu.memref_slice %arg5[%mul3A_4] : memref<491520xi32, #tpu.memory_space<hbm>> -> memref<15360xi32, #tpu.memory_space<hbm>>
      %dma_wait3A_67 = tpu.memref_slice %arg5[%mul3A_4] : memref<491520xi32, #tpu.memory_space<hbm>> -> memref<15360xi32, #tpu.memory_space<hbm>>
      tpu.wait_dma2 semaphore(%run_scoped3A : memref<!tpu.dma_semaphore, #tpu.memory_space<semaphore_mem>>) src(%dma_wait3A_67 : memref<15360xi32, #tpu.memory_space<hbm>>) dst(%arg8 : memref<15360xi32, #tpu.memory_space<vmem>>)
      tpu.yield
    }) : () -> ()
    %iota3A = tpu.iota {dimensions = array<i32: 0>} : vector<16xi32>
    %dma_start3A = arith.constant 0 : i32
    %dma_start3A_5 = tpu.memref_slice %arg7[%dma_start3A] : memref<512xi32, #tpu.memory_space<vmem>> -> memref<128xi32, #tpu.memory_space<vmem>>
    %dma_start3A_6 = arith.constant 0 : i32
    %dma_start3A_7 = arith.constant 0 : i32
    %dma_start3A_8 = tpu.memref_slice %arg2[%dma_start3A_6, %dma_start3A_7] : memref<100000x128xf32, #tpu.memory_space<hbm>> -> memref<100000x128xf32, #tpu.memory_space<hbm>>
    tpu.enqueue_indirect_dma source(%dma_start3A_8 : memref<100000x128xf32, #tpu.memory_space<hbm>>) target(%arg9 : memref<128x128xf32, #tpu.memory_space<vmem>>) offsets(%dma_start3A_5 : memref<128xi32, #tpu.memory_space<vmem>>) semaphore(%arg12 : memref<!tpu.dma_semaphore, #tpu.memory_space<semaphore_mem>>)
    %dma_wait3A = arith.constant 0 : i32
    %dma_wait3A_9 = tpu.memref_slice %arg7[%dma_wait3A] : memref<512xi32, #tpu.memory_space<vmem>> -> memref<128xi32, #tpu.memory_space<vmem>>
    %dma_wait3A_10 = arith.constant 0 : i32
    %dma_wait3A_11 = arith.constant 0 : i32
    %dma_wait3A_12 = tpu.memref_slice %arg2[%dma_wait3A_10, %dma_wait3A_11] : memref<100000x128xf32, #tpu.memory_space<hbm>> -> memref<100000x128xf32, #tpu.memory_space<hbm>>
    tpu.wait_indirect_dma semaphore(%arg12 : memref<!tpu.dma_semaphore, #tpu.memory_space<semaphore_mem>>) src(%dma_wait3A_12 : memref<100000x128xf32, #tpu.memory_space<hbm>>) dst(%arg9 : memref<128x128xf32, #tpu.memory_space<vmem>>)
    %scan3A = arith.constant 0 : i32
    %scan3A_13 = arith.constant 8 : i32
    %scan3A_14 = arith.addi %scan3A, %scan3A_13 : i32
    %scan3A_15 = arith.constant 1 : i32
    scf.for %scan3A_64 = %scan3A to %scan3A_14 step %scan3A_15  : i32 {
      %mul3A_65 = arith.constant 1 : i32
      %mul3A_66 = arith.muli %scan3A_64, %mul3A_65 : i32
      %add3A_67 = arith.constant 0 : i32
      %add3A_68 = arith.addi %add3A_67, %mul3A_66 : i32
      %mul3A_69 = arith.constant 480 : i32
      %mul3A_70 = arith.muli %add3A_68, %mul3A_69 : i32
      %add3A_71 = arith.constant 0 : i32
      %add3A_72 = arith.addi %mul3A_70, %add3A_71 : i32
      %dma_start3A_73 = arith.constant 0 : i32
      %dma_start3A_74 = arith.constant 0 : i32
      %dma_start3A_75 = tpu.memref_slice %arg10[%dma_start3A_73, %dma_start3A_74] : memref<480x128xf32, #tpu.memory_space<vmem>> -> memref<96x128xf32, #tpu.memory_space<vmem>>
      %dma_start3A_76 = tpu.memref_slice %arg8[%add3A_72] : memref<15360xi32, #tpu.memory_space<vmem>> -> memref<96xi32, #tpu.memory_space<vmem>>
      %dma_start3A_77 = arith.constant 0 : i32
      %dma_start3A_78 = arith.constant 0 : i32
      %dma_start3A_79 = tpu.memref_slice %arg3[%dma_start3A_77, %dma_start3A_78] : memref<100000x128xf32, #tpu.memory_space<hbm>> -> memref<100000x128xf32, #tpu.memory_space<hbm>>
      tpu.enqueue_indirect_dma source(%dma_start3A_79 : memref<100000x128xf32, #tpu.memory_space<hbm>>) target(%dma_start3A_75 : memref<96x128xf32, #tpu.memory_space<vmem>>) offsets(%dma_start3A_76 : memref<96xi32, #tpu.memory_space<vmem>>) semaphore(%arg12 : memref<!tpu.dma_semaphore, #tpu.memory_space<semaphore_mem>>)
      %mul3A_80 = arith.constant 480 : i32
      %mul3A_81 = arith.muli %add3A_68, %mul3A_80 : i32
      %add3A_82 = arith.constant 96 : i32
      %add3A_83 = arith.addi %mul3A_81, %add3A_82 : i32
      %dma_start3A_84 = arith.constant 96 : i32
      %dma_start3A_85 = arith.constant 0 : i32
      %dma_start3A_86 = tpu.memref_slice %arg10[%dma_start3A_84, %dma_start3A_85] : memref<480x128xf32, #tpu.memory_space<vmem>> -> memref<96x128xf32, #tpu.memory_space<vmem>>
      %dma_start3A_87 = tpu.memref_slice %arg8[%add3A_83] : memref<15360xi32, #tpu.memory_space<vmem>> -> memref<96xi32, #tpu.memory_space<vmem>>
      %dma_start3A_88 = arith.constant 0 : i32
      %dma_start3A_89 = arith.constant 0 : i32
      %dma_start3A_90 = tpu.memref_slice %arg3[%dma_start3A_88, %dma_start3A_89] : memref<100000x128xf32, #tpu.memory_space<hbm>> -> memref<100000x128xf32, #tpu.memory_space<hbm>>
      tpu.enqueue_indirect_dma source(%dma_start3A_90 : memref<100000x128xf32, #tpu.memory_space<hbm>>) target(%dma_start3A_86 : memref<96x128xf32, #tpu.memory_space<vmem>>) offsets(%dma_start3A_87 : memref<96xi32, #tpu.memory_space<vmem>>) semaphore(%arg13 : memref<!tpu.dma_semaphore, #tpu.memory_space<semaphore_mem>>)
      %mul3A_91 = arith.constant 480 : i32
      %mul3A_92 = arith.muli %add3A_68, %mul3A_91 : i32
      %add3A_93 = arith.constant 192 : i32
      %add3A_94 = arith.addi %mul3A_92, %add3A_93 : i32
      %dma_start3A_95 = arith.constant 192 : i32
      %dma_start3A_96 = arith.constant 0 : i32
      %dma_start3A_97 = tpu.memref_slice %arg10[%dma_start3A_95, %dma_start3A_96] : memref<480x128xf32, #tpu.memory_space<vmem>> -> memref<96x128xf32, #tpu.memory_space<vmem>>
      %dma_start3A_98 = tpu.memref_slice %arg8[%add3A_94] : memref<15360xi32, #tpu.memory_space<vmem>> -> memref<96xi32, #tpu.memory_space<vmem>>
      %dma_start3A_99 = arith.constant 0 : i32
      %dma_start3A_100 = arith.constant 0 : i32
      %dma_start3A_101 = tpu.memref_slice %arg3[%dma_start3A_99, %dma_start3A_100] : memref<100000x128xf32, #tpu.memory_space<hbm>> -> memref<100000x128xf32, #tpu.memory_space<hbm>>
      tpu.enqueue_indirect_dma source(%dma_start3A_101 : memref<100000x128xf32, #tpu.memory_space<hbm>>) target(%dma_start3A_97 : memref<96x128xf32, #tpu.memory_space<vmem>>) offsets(%dma_start3A_98 : memref<96xi32, #tpu.memory_space<vmem>>) semaphore(%arg14 : memref<!tpu.dma_semaphore, #tpu.memory_space<semaphore_mem>>)
      %mul3A_102 = arith.constant 480 : i32
      %mul3A_103 = arith.muli %add3A_68, %mul3A_102 : i32
      %add3A_104 = arith.constant 288 : i32
      %add3A_105 = arith.addi %mul3A_103, %add3A_104 : i32
      %dma_start3A_106 = arith.constant 288 : i32
      %dma_start3A_107 = arith.constant 0 : i32
      %dma_start3A_108 = tpu.memref_slice %arg10[%dma_start3A_106, %dma_start3A_107] : memref<480x128xf32, #tpu.memory_space<vmem>> -> memref<96x128xf32, #tpu.memory_space<vmem>>
      %dma_start3A_109 = tpu.memref_slice %arg8[%add3A_105] : memref<15360xi32, #tpu.memory_space<vmem>> -> memref<96xi32, #tpu.memory_space<vmem>>
      %dma_start3A_110 = arith.constant 0 : i32
      %dma_start3A_111 = arith.constant 0 : i32
      %dma_start3A_112 = tpu.memref_slice %arg3[%dma_start3A_110, %dma_start3A_111] : memref<100000x128xf32, #tpu.memory_space<hbm>> -> memref<100000x128xf32, #tpu.memory_space<hbm>>
      tpu.enqueue_indirect_dma source(%dma_start3A_112 : memref<100000x128xf32, #tpu.memory_space<hbm>>) target(%dma_start3A_108 : memref<96x128xf32, #tpu.memory_space<vmem>>) offsets(%dma_start3A_109 : memref<96xi32, #tpu.memory_space<vmem>>) semaphore(%arg15 : memref<!tpu.dma_semaphore, #tpu.memory_space<semaphore_mem>>)
      %mul3A_113 = arith.constant 480 : i32
      %mul3A_114 = arith.muli %add3A_68, %mul3A_113 : i32
      %add3A_115 = arith.constant 384 : i32
      %add3A_116 = arith.addi %mul3A_114, %add3A_115 : i32
      %dma_start3A_117 = arith.constant 384 : i32
      %dma_start3A_118 = arith.constant 0 : i32
      %dma_start3A_119 = tpu.memref_slice %arg10[%dma_start3A_117, %dma_start3A_118] : memref<480x128xf32, #tpu.memory_space<vmem>> -> memref<96x128xf32, #tpu.memory_space<vmem>>
      %dma_start3A_120 = tpu.memref_slice %arg8[%add3A_116] : memref<15360xi32, #tpu.memory_space<vmem>> -> memref<96xi32, #tpu.memory_space<vmem>>
      %dma_start3A_121 = arith.constant 0 : i32
      %dma_start3A_122 = arith.constant 0 : i32
      %dma_start3A_123 = tpu.memref_slice %arg3[%dma_start3A_121, %dma_start3A_122] : memref<100000x128xf32, #tpu.memory_space<hbm>> -> memref<100000x128xf32, #tpu.memory_space<hbm>>
      tpu.enqueue_indirect_dma source(%dma_start3A_123 : memref<100000x128xf32, #tpu.memory_space<hbm>>) target(%dma_start3A_119 : memref<96x128xf32, #tpu.memory_space<vmem>>) offsets(%dma_start3A_120 : memref<96xi32, #tpu.memory_space<vmem>>) semaphore(%arg16 : memref<!tpu.dma_semaphore, #tpu.memory_space<semaphore_mem>>)
      %mul3A_124 = arith.constant 480 : i32
      %mul3A_125 = arith.muli %add3A_68, %mul3A_124 : i32
      %add3A_126 = arith.constant 0 : i32
      %add3A_127 = arith.addi %mul3A_125, %add3A_126 : i32
      %dma_wait3A_128 = arith.constant 0 : i32
      %dma_wait3A_129 = arith.constant 0 : i32
      %dma_wait3A_130 = tpu.memref_slice %arg10[%dma_wait3A_128, %dma_wait3A_129] : memref<480x128xf32, #tpu.memory_space<vmem>> -> memref<96x128xf32, #tpu.memory_space<vmem>>
      %dma_wait3A_131 = tpu.memref_slice %arg8[%add3A_127] : memref<15360xi32, #tpu.memory_space<vmem>> -> memref<96xi32, #tpu.memory_space<vmem>>
      %dma_wait3A_132 = arith.constant 0 : i32
      %dma_wait3A_133 = arith.constant 0 : i32
      %dma_wait3A_134 = tpu.memref_slice %arg3[%dma_wait3A_132, %dma_wait3A_133] : memref<100000x128xf32, #tpu.memory_space<hbm>> -> memref<100000x128xf32, #tpu.memory_space<hbm>>
      tpu.wait_indirect_dma semaphore(%arg12 : memref<!tpu.dma_semaphore, #tpu.memory_space<semaphore_mem>>) src(%dma_wait3A_134 : memref<100000x128xf32, #tpu.memory_space<hbm>>) dst(%dma_wait3A_130 : memref<96x128xf32, #tpu.memory_space<vmem>>)
      %mul3A_135 = arith.constant 480 : i32
      %mul3A_136 = arith.muli %add3A_68, %mul3A_135 : i32
      %add3A_137 = arith.constant 96 : i32
      %add3A_138 = arith.addi %mul3A_136, %add3A_137 : i32
      %dma_wait3A_139 = arith.constant 96 : i32
      %dma_wait3A_140 = arith.constant 0 : i32
      %dma_wait3A_141 = tpu.memref_slice %arg10[%dma_wait3A_139, %dma_wait3A_140] : memref<480x128xf32, #tpu.memory_space<vmem>> -> memref<96x128xf32, #tpu.memory_space<vmem>>
      %dma_wait3A_142 = tpu.memref_slice %arg8[%add3A_138] : memref<15360xi32, #tpu.memory_space<vmem>> -> memref<96xi32, #tpu.memory_space<vmem>>
      %dma_wait3A_143 = arith.constant 0 : i32
      %dma_wait3A_144 = arith.constant 0 : i32
      %dma_wait3A_145 = tpu.memref_slice %arg3[%dma_wait3A_143, %dma_wait3A_144] : memref<100000x128xf32, #tpu.memory_space<hbm>> -> memref<100000x128xf32, #tpu.memory_space<hbm>>
      tpu.wait_indirect_dma semaphore(%arg13 : memref<!tpu.dma_semaphore, #tpu.memory_space<semaphore_mem>>) src(%dma_wait3A_145 : memref<100000x128xf32, #tpu.memory_space<hbm>>) dst(%dma_wait3A_141 : memref<96x128xf32, #tpu.memory_space<vmem>>)
      %broadcast_in_dim3A = arith.constant 0.000000e+00 : f32
      %broadcast_in_dim3A_146 = vector.broadcast %broadcast_in_dim3A : f32 to vector<16xf32>
      %mul3A_147 = arith.constant 16 : i32
      %mul3A_148 = arith.muli %add3A_68, %mul3A_147 : i32
      %sub3A = arith.constant 0 : i32
      %sub3A_149 = arith.subi %mul3A_148, %sub3A : i32
      %broadcast_in_dim3A_150 = vector.broadcast %sub3A_149 : i32 to vector<16xi32>
      %add3A_151 = arith.addi %broadcast_in_dim3A_150, %iota3A : vector<16xi32>
      %scan3A_152 = arith.constant 0 : i32
      %scan3A_153 = arith.constant 128 : i32
      %scan3A_154 = arith.addi %scan3A_152, %scan3A_153 : i32
      %scan3A_155 = arith.constant 2 : i32
      %scan3A_156:10 = scf.for %scan3A_398 = %scan3A_152 to %scan3A_154 step %scan3A_155 iter_args(%scan3A_399 = %broadcast_in_dim3A_146, %scan3A_400 = %broadcast_in_dim3A_146, %scan3A_401 = %broadcast_in_dim3A_146, %scan3A_402 = %broadcast_in_dim3A_146, %scan3A_403 = %broadcast_in_dim3A_146, %scan3A_404 = %broadcast_in_dim3A_146, %scan3A_405 = %broadcast_in_dim3A_146, %scan3A_406 = %broadcast_in_dim3A_146, %scan3A_407 = %broadcast_in_dim3A_146, %scan3A_408 = %broadcast_in_dim3A_146) -> (vector<16xf32>, vector<16xf32>, vector<16xf32>, vector<16xf32>, vector<16xf32>, vector<16xf32>, vector<16xf32>, vector<16xf32>, vector<16xf32>, vector<16xf32>)  : i32 {
        %broadcast_in_dim3A_409 = vector.broadcast %scan3A_398 : i32 to vector<16xi32>
        %add3A_410 = arith.addi %broadcast_in_dim3A_409, %iota3A : vector<16xi32>
        %and3A = arith.constant 127 : i32
        %and3A_411 = vector.broadcast %and3A : i32 to vector<16xi32>
        %and3A_412 = arith.andi %add3A_410, %and3A_411 : vector<16xi32>
        %gather3A = tpu.vector_load_idx %arg9[%add3A_151, %and3A_412] : memref<128x128xf32, #tpu.memory_space<vmem>>[vector<16xi32>, vector<16xi32>], vector<16xf32>,
        %add3A_413 = arith.constant 0 : i32
        %add3A_414 = vector.broadcast %add3A_413 : i32 to vector<16xi32>
        %add3A_415 = arith.addi %add3A_414, %iota3A : vector<16xi32>
        %gather3A_416 = tpu.vector_load_idx %arg10[%add3A_415, %and3A_412] : memref<480x128xf32, #tpu.memory_space<vmem>>[vector<16xi32>, vector<16xi32>], vector<16xf32>,
        %mul3A_417 = arith.mulf %gather3A_416, %gather3A : vector<16xf32>
        %add3A_418 = arith.addf %scan3A_399, %mul3A_417 : vector<16xf32>
        %add3A_419 = arith.constant 16 : i32
        %add3A_420 = vector.broadcast %add3A_419 : i32 to vector<16xi32>
        %add3A_421 = arith.addi %add3A_420, %iota3A : vector<16xi32>
        %gather3A_422 = tpu.vector_load_idx %arg10[%add3A_421, %and3A_412] : memref<480x128xf32, #tpu.memory_space<vmem>>[vector<16xi32>, vector<16xi32>], vector<16xf32>,
        %mul3A_423 = arith.mulf %gather3A_422, %gather3A : vector<16xf32>
        %add3A_424 = arith.addf %scan3A_400, %mul3A_423 : vector<16xf32>
        %add3A_425 = arith.constant 32 : i32
        %add3A_426 = vector.broadcast %add3A_425 : i32 to vector<16xi32>
        %add3A_427 = arith.addi %add3A_426, %iota3A : vector<16xi32>
        %gather3A_428 = tpu.vector_load_idx %arg10[%add3A_427, %and3A_412] : memref<480x128xf32, #tpu.memory_space<vmem>>[vector<16xi32>, vector<16xi32>], vector<16xf32>,
        %mul3A_429 = arith.mulf %gather3A_428, %gather3A : vector<16xf32>
        %add3A_430 = arith.addf %scan3A_401, %mul3A_429 : vector<16xf32>
        %add3A_431 = arith.constant 48 : i32
        %add3A_432 = vector.broadcast %add3A_431 : i32 to vector<16xi32>
        %add3A_433 = arith.addi %add3A_432, %iota3A : vector<16xi32>
        %gather3A_434 = tpu.vector_load_idx %arg10[%add3A_433, %and3A_412] : memref<480x128xf32, #tpu.memory_space<vmem>>[vector<16xi32>, vector<16xi32>], vector<16xf32>,
        %mul3A_435 = arith.mulf %gather3A_434, %gather3A : vector<16xf32>
        %add3A_436 = arith.addf %scan3A_402, %mul3A_435 : vector<16xf32>
        %add3A_437 = arith.constant 64 : i32
        %add3A_438 = vector.broadcast %add3A_437 : i32 to vector<16xi32>
        %add3A_439 = arith.addi %add3A_438, %iota3A : vector<16xi32>
        %gather3A_440 = tpu.vector_load_idx %arg10[%add3A_439, %and3A_412] : memref<480x128xf32, #tpu.memory_space<vmem>>[vector<16xi32>, vector<16xi32>], vector<16xf32>,
        %mul3A_441 = arith.mulf %gather3A_440, %gather3A : vector<16xf32>
        %add3A_442 = arith.addf %scan3A_403, %mul3A_441 : vector<16xf32>
        %add3A_443 = arith.constant 80 : i32
        %add3A_444 = vector.broadcast %add3A_443 : i32 to vector<16xi32>
        %add3A_445 = arith.addi %add3A_444, %iota3A : vector<16xi32>
        %gather3A_446 = tpu.vector_load_idx %arg10[%add3A_445, %and3A_412] : memref<480x128xf32, #tpu.memory_space<vmem>>[vector<16xi32>, vector<16xi32>], vector<16xf32>,
        %mul3A_447 = arith.mulf %gather3A_446, %gather3A : vector<16xf32>
        %add3A_448 = arith.addf %scan3A_404, %mul3A_447 : vector<16xf32>
        %add3A_449 = arith.constant 96 : i32
        %add3A_450 = vector.broadcast %add3A_449 : i32 to vector<16xi32>
        %add3A_451 = arith.addi %add3A_450, %iota3A : vector<16xi32>
        %gather3A_452 = tpu.vector_load_idx %arg10[%add3A_451, %and3A_412] : memref<480x128xf32, #tpu.memory_space<vmem>>[vector<16xi32>, vector<16xi32>], vector<16xf32>,
        %mul3A_453 = arith.mulf %gather3A_452, %gather3A : vector<16xf32>
        %add3A_454 = arith.addf %scan3A_405, %mul3A_453 : vector<16xf32>
        %add3A_455 = arith.constant 112 : i32
        %add3A_456 = vector.broadcast %add3A_455 : i32 to vector<16xi32>
        %add3A_457 = arith.addi %add3A_456, %iota3A : vector<16xi32>
        %gather3A_458 = tpu.vector_load_idx %arg10[%add3A_457, %and3A_412] : memref<480x128xf32, #tpu.memory_space<vmem>>[vector<16xi32>, vector<16xi32>], vector<16xf32>,
        %mul3A_459 = arith.mulf %gather3A_458, %gather3A : vector<16xf32>
        %add3A_460 = arith.addf %scan3A_406, %mul3A_459 : vector<16xf32>
        %add3A_461 = arith.constant 128 : i32
        %add3A_462 = vector.broadcast %add3A_461 : i32 to vector<16xi32>
        %add3A_463 = arith.addi %add3A_462, %iota3A : vector<16xi32>
        %gather3A_464 = tpu.vector_load_idx %arg10[%add3A_463, %and3A_412] : memref<480x128xf32, #tpu.memory_space<vmem>>[vector<16xi32>, vector<16xi32>], vector<16xf32>,
        %mul3A_465 = arith.mulf %gather3A_464, %gather3A : vector<16xf32>
        %add3A_466 = arith.addf %scan3A_407, %mul3A_465 : vector<16xf32>
        %add3A_467 = arith.constant 144 : i32
        %add3A_468 = vector.broadcast %add3A_467 : i32 to vector<16xi32>
        %add3A_469 = arith.addi %add3A_468, %iota3A : vector<16xi32>
        %gather3A_470 = tpu.vector_load_idx %arg10[%add3A_469, %and3A_412] : memref<480x128xf32, #tpu.memory_space<vmem>>[vector<16xi32>, vector<16xi32>], vector<16xf32>,
        %mul3A_471 = arith.mulf %gather3A_470, %gather3A : vector<16xf32>
        %add3A_472 = arith.addf %scan3A_408, %mul3A_471 : vector<16xf32>
        %scan3A_473 = arith.constant 1 : i32
        %scan3A_474 = arith.addi %scan3A_398, %scan3A_473 : i32
        %broadcast_in_dim3A_475 = vector.broadcast %scan3A_474 : i32 to vector<16xi32>
        %add3A_476 = arith.addi %broadcast_in_dim3A_475, %iota3A : vector<16xi32>
        %and3A_477 = arith.constant 127 : i32
        %and3A_478 = vector.broadcast %and3A_477 : i32 to vector<16xi32>
        %and3A_479 = arith.andi %add3A_476, %and3A_478 : vector<16xi32>
        %gather3A_480 = tpu.vector_load_idx %arg9[%add3A_151, %and3A_479] : memref<128x128xf32, #tpu.memory_space<vmem>>[vector<16xi32>, vector<16xi32>], vector<16xf32>,
        %add3A_481 = arith.constant 0 : i32
        %add3A_482 = vector.broadcast %add3A_481 : i32 to vector<16xi32>
        %add3A_483 = arith.addi %add3A_482, %iota3A : vector<16xi32>
        %gather3A_484 = tpu.vector_load_idx %arg10[%add3A_483, %and3A_479] : memref<480x128xf32, #tpu.memory_space<vmem>>[vector<16xi32>, vector<16xi32>], vector<16xf32>,
        %mul3A_485 = arith.mulf %gather3A_484, %gather3A_480 : vector<16xf32>
        %add3A_486 = arith.addf %add3A_418, %mul3A_485 : vector<16xf32>
        %add3A_487 = arith.constant 16 : i32
        %add3A_488 = vector.broadcast %add3A_487 : i32 to vector<16xi32>
        %add3A_489 = arith.addi %add3A_488, %iota3A : vector<16xi32>
        %gather3A_490 = tpu.vector_load_idx %arg10[%add3A_489, %and3A_479] : memref<480x128xf32, #tpu.memory_space<vmem>>[vector<16xi32>, vector<16xi32>], vector<16xf32>,
        %mul3A_491 = arith.mulf %gather3A_490, %gather3A_480 : vector<16xf32>
        %add3A_492 = arith.addf %add3A_424, %mul3A_491 : vector<16xf32>
        %add3A_493 = arith.constant 32 : i32
        %add3A_494 = vector.broadcast %add3A_493 : i32 to vector<16xi32>
        %add3A_495 = arith.addi %add3A_494, %iota3A : vector<16xi32>
        %gather3A_496 = tpu.vector_load_idx %arg10[%add3A_495, %and3A_479] : memref<480x128xf32, #tpu.memory_space<vmem>>[vector<16xi32>, vector<16xi32>], vector<16xf32>,
        %mul3A_497 = arith.mulf %gather3A_496, %gather3A_480 : vector<16xf32>
        %add3A_498 = arith.addf %add3A_430, %mul3A_497 : vector<16xf32>
        %add3A_499 = arith.constant 48 : i32
        %add3A_500 = vector.broadcast %add3A_499 : i32 to vector<16xi32>
        %add3A_501 = arith.addi %add3A_500, %iota3A : vector<16xi32>
        %gather3A_502 = tpu.vector_load_idx %arg10[%add3A_501, %and3A_479] : memref<480x128xf32, #tpu.memory_space<vmem>>[vector<16xi32>, vector<16xi32>], vector<16xf32>,
        %mul3A_503 = arith.mulf %gather3A_502, %gather3A_480 : vector<16xf32>
        %add3A_504 = arith.addf %add3A_436, %mul3A_503 : vector<16xf32>
        %add3A_505 = arith.constant 64 : i32
        %add3A_506 = vector.broadcast %add3A_505 : i32 to vector<16xi32>
        %add3A_507 = arith.addi %add3A_506, %iota3A : vector<16xi32>
        %gather3A_508 = tpu.vector_load_idx %arg10[%add3A_507, %and3A_479] : memref<480x128xf32, #tpu.memory_space<vmem>>[vector<16xi32>, vector<16xi32>], vector<16xf32>,
        %mul3A_509 = arith.mulf %gather3A_508, %gather3A_480 : vector<16xf32>
        %add3A_510 = arith.addf %add3A_442, %mul3A_509 : vector<16xf32>
        %add3A_511 = arith.constant 80 : i32
        %add3A_512 = vector.broadcast %add3A_511 : i32 to vector<16xi32>
        %add3A_513 = arith.addi %add3A_512, %iota3A : vector<16xi32>
        %gather3A_514 = tpu.vector_load_idx %arg10[%add3A_513, %and3A_479] : memref<480x128xf32, #tpu.memory_space<vmem>>[vector<16xi32>, vector<16xi32>], vector<16xf32>,
        %mul3A_515 = arith.mulf %gather3A_514, %gather3A_480 : vector<16xf32>
        %add3A_516 = arith.addf %add3A_448, %mul3A_515 : vector<16xf32>
        %add3A_517 = arith.constant 96 : i32
        %add3A_518 = vector.broadcast %add3A_517 : i32 to vector<16xi32>
        %add3A_519 = arith.addi %add3A_518, %iota3A : vector<16xi32>
        %gather3A_520 = tpu.vector_load_idx %arg10[%add3A_519, %and3A_479] : memref<480x128xf32, #tpu.memory_space<vmem>>[vector<16xi32>, vector<16xi32>], vector<16xf32>,
        %mul3A_521 = arith.mulf %gather3A_520, %gather3A_480 : vector<16xf32>
        %add3A_522 = arith.addf %add3A_454, %mul3A_521 : vector<16xf32>
        %add3A_523 = arith.constant 112 : i32
        %add3A_524 = vector.broadcast %add3A_523 : i32 to vector<16xi32>
        %add3A_525 = arith.addi %add3A_524, %iota3A : vector<16xi32>
        %gather3A_526 = tpu.vector_load_idx %arg10[%add3A_525, %and3A_479] : memref<480x128xf32, #tpu.memory_space<vmem>>[vector<16xi32>, vector<16xi32>], vector<16xf32>,
        %mul3A_527 = arith.mulf %gather3A_526, %gather3A_480 : vector<16xf32>
        %add3A_528 = arith.addf %add3A_460, %mul3A_527 : vector<16xf32>
        %add3A_529 = arith.constant 128 : i32
        %add3A_530 = vector.broadcast %add3A_529 : i32 to vector<16xi32>
        %add3A_531 = arith.addi %add3A_530, %iota3A : vector<16xi32>
        %gather3A_532 = tpu.vector_load_idx %arg10[%add3A_531, %and3A_479] : memref<480x128xf32, #tpu.memory_space<vmem>>[vector<16xi32>, vector<16xi32>], vector<16xf32>,
        %mul3A_533 = arith.mulf %gather3A_532, %gather3A_480 : vector<16xf32>
        %add3A_534 = arith.addf %add3A_466, %mul3A_533 : vector<16xf32>
        %add3A_535 = arith.constant 144 : i32
        %add3A_536 = vector.broadcast %add3A_535 : i32 to vector<16xi32>
        %add3A_537 = arith.addi %add3A_536, %iota3A : vector<16xi32>
        %gather3A_538 = tpu.vector_load_idx %arg10[%add3A_537, %and3A_479] : memref<480x128xf32, #tpu.memory_space<vmem>>[vector<16xi32>, vector<16xi32>], vector<16xf32>,
        %mul3A_539 = arith.mulf %gather3A_538, %gather3A_480 : vector<16xf32>
        %add3A_540 = arith.addf %add3A_472, %mul3A_539 : vector<16xf32>
        scf.yield %add3A_486, %add3A_492, %add3A_498, %add3A_504, %add3A_510, %add3A_516, %add3A_522, %add3A_528, %add3A_534, %add3A_540 : vector<16xf32>, vector<16xf32>, vector<16xf32>, vector<16xf32>, vector<16xf32>, vector<16xf32>, vector<16xf32>, vector<16xf32>, vector<16xf32>, vector<16xf32>
      }
      %scan3A_157 = arith.constant 128 : i32
      %mul3A_158 = arith.constant 512 : i32
      %mul3A_159 = arith.muli %add3A_68, %mul3A_158 : i32
      %add3A_160 = arith.constant 0 : i32
      %add3A_161 = arith.addi %mul3A_159, %add3A_160 : i32
      %swap3A = arith.index_cast %add3A_161 : i32 to index
      %swap3A_162 = tpu.vector_load %arg11[%swap3A] {strides = array<i32>} : memref<16384xf32, #tpu.memory_space<vmem>>, vector<16xf32>,
      tpu.vector_store %arg11[%swap3A], %scan3A_156#0 {strides = array<i32>} : memref<16384xf32, #tpu.memory_space<vmem>>, vector<16xf32>,
      %mul3A_163 = arith.constant 512 : i32
      %mul3A_164 = arith.muli %add3A_68, %mul3A_163 : i32
      %add3A_165 = arith.constant 16 : i32
      %add3A_166 = arith.addi %mul3A_164, %add3A_165 : i32
      %swap3A_167 = arith.index_cast %add3A_166 : i32 to index
      %swap3A_168 = tpu.vector_load %arg11[%swap3A_167] {strides = array<i32>} : memref<16384xf32, #tpu.memory_space<vmem>>, vector<16xf32>,
      tpu.vector_store %arg11[%swap3A_167], %scan3A_156#1 {strides = array<i32>} : memref<16384xf32, #tpu.memory_space<vmem>>, vector<16xf32>,
      %mul3A_169 = arith.constant 512 : i32
      %mul3A_170 = arith.muli %add3A_68, %mul3A_169 : i32
      %add3A_171 = arith.constant 32 : i32
      %add3A_172 = arith.addi %mul3A_170, %add3A_171 : i32
      %swap3A_173 = arith.index_cast %add3A_172 : i32 to index
      %swap3A_174 = tpu.vector_load %arg11[%swap3A_173] {strides = array<i32>} : memref<16384xf32, #tpu.memory_space<vmem>>, vector<16xf32>,
      tpu.vector_store %arg11[%swap3A_173], %scan3A_156#2 {strides = array<i32>} : memref<16384xf32, #tpu.memory_space<vmem>>, vector<16xf32>,
      %mul3A_175 = arith.constant 512 : i32
      %mul3A_176 = arith.muli %add3A_68, %mul3A_175 : i32
      %add3A_177 = arith.constant 48 : i32
      %add3A_178 = arith.addi %mul3A_176, %add3A_177 : i32
      %swap3A_179 = arith.index_cast %add3A_178 : i32 to index
      %swap3A_180 = tpu.vector_load %arg11[%swap3A_179] {strides = array<i32>} : memref<16384xf32, #tpu.memory_space<vmem>>, vector<16xf32>,
      tpu.vector_store %arg11[%swap3A_179], %scan3A_156#3 {strides = array<i32>} : memref<16384xf32, #tpu.memory_space<vmem>>, vector<16xf32>,
      %mul3A_181 = arith.constant 512 : i32
      %mul3A_182 = arith.muli %add3A_68, %mul3A_181 : i32
      %add3A_183 = arith.constant 64 : i32
      %add3A_184 = arith.addi %mul3A_182, %add3A_183 : i32
      %swap3A_185 = arith.index_cast %add3A_184 : i32 to index
      %swap3A_186 = tpu.vector_load %arg11[%swap3A_185] {strides = array<i32>} : memref<16384xf32, #tpu.memory_space<vmem>>, vector<16xf32>,
      tpu.vector_store %arg11[%swap3A_185], %scan3A_156#4 {strides = array<i32>} : memref<16384xf32, #tpu.memory_space<vmem>>, vector<16xf32>,
      %mul3A_187 = arith.constant 512 : i32
      %mul3A_188 = arith.muli %add3A_68, %mul3A_187 : i32
      %add3A_189 = arith.constant 80 : i32
      %add3A_190 = arith.addi %mul3A_188, %add3A_189 : i32
      %swap3A_191 = arith.index_cast %add3A_190 : i32 to index
      %swap3A_192 = tpu.vector_load %arg11[%swap3A_191] {strides = array<i32>} : memref<16384xf32, #tpu.memory_space<vmem>>, vector<16xf32>,
      tpu.vector_store %arg11[%swap3A_191], %scan3A_156#5 {strides = array<i32>} : memref<16384xf32, #tpu.memory_space<vmem>>, vector<16xf32>,
      %mul3A_193 = arith.constant 512 : i32
      %mul3A_194 = arith.muli %add3A_68, %mul3A_193 : i32
      %add3A_195 = arith.constant 96 : i32
      %add3A_196 = arith.addi %mul3A_194, %add3A_195 : i32
      %swap3A_197 = arith.index_cast %add3A_196 : i32 to index
      %swap3A_198 = tpu.vector_load %arg11[%swap3A_197] {strides = array<i32>} : memref<16384xf32, #tpu.memory_space<vmem>>, vector<16xf32>,
      tpu.vector_store %arg11[%swap3A_197], %scan3A_156#6 {strides = array<i32>} : memref<16384xf32, #tpu.memory_space<vmem>>, vector<16xf32>,
      %mul3A_199 = arith.constant 512 : i32
      %mul3A_200 = arith.muli %add3A_68, %mul3A_199 : i32
      %add3A_201 = arith.constant 112 : i32
      %add3A_202 = arith.addi %mul3A_200, %add3A_201 : i32
      %swap3A_203 = arith.index_cast %add3A_202 : i32 to index
      %swap3A_204 = tpu.vector_load %arg11[%swap3A_203] {strides = array<i32>} : memref<16384xf32, #tpu.memory_space<vmem>>, vector<16xf32>,
      tpu.vector_store %arg11[%swap3A_203], %scan3A_156#7 {strides = array<i32>} : memref<16384xf32, #tpu.memory_space<vmem>>, vector<16xf32>,
      %mul3A_205 = arith.constant 512 : i32
      %mul3A_206 = arith.muli %add3A_68, %mul3A_205 : i32
      %add3A_207 = arith.constant 128 : i32
      %add3A_208 = arith.addi %mul3A_206, %add3A_207 : i32
      %swap3A_209 = arith.index_cast %add3A_208 : i32 to index
      %swap3A_210 = tpu.vector_load %arg11[%swap3A_209] {strides = array<i32>} : memref<16384xf32, #tpu.memory_space<vmem>>, vector<16xf32>,
      tpu.vector_store %arg11[%swap3A_209], %scan3A_156#8 {strides = array<i32>} : memref<16384xf32, #tpu.memory_space<vmem>>, vector<16xf32>,
      %mul3A_211 = arith.constant 512 : i32
      %mul3A_212 = arith.muli %add3A_68, %mul3A_211 : i32
      %add3A_213 = arith.constant 144 : i32
      %add3A_214 = arith.addi %mul3A_212, %add3A_213 : i32
      %swap3A_215 = arith.index_cast %add3A_214 : i32 to index
      %swap3A_216 = tpu.vector_load %arg11[%swap3A_215] {strides = array<i32>} : memref<16384xf32, #tpu.memory_space<vmem>>, vector<16xf32>,
      tpu.vector_store %arg11[%swap3A_215], %scan3A_156#9 {strides = array<i32>} : memref<16384xf32, #tpu.memory_space<vmem>>, vector<16xf32>,
      %mul3A_217 = arith.constant 480 : i32
      %mul3A_218 = arith.muli %add3A_68, %mul3A_217 : i32
      %add3A_219 = arith.constant 192 : i32
      %add3A_220 = arith.addi %mul3A_218, %add3A_219 : i32
      %dma_wait3A_221 = arith.constant 192 : i32
      %dma_wait3A_222 = arith.constant 0 : i32
      %dma_wait3A_223 = tpu.memref_slice %arg10[%dma_wait3A_221, %dma_wait3A_222] : memref<480x128xf32, #tpu.memory_space<vmem>> -> memref<96x128xf32, #tpu.memory_space<vmem>>
      %dma_wait3A_224 = tpu.memref_slice %arg8[%add3A_220] : memref<15360xi32, #tpu.memory_space<vmem>> -> memref<96xi32, #tpu.memory_space<vmem>>
      %dma_wait3A_225 = arith.constant 0 : i32
      %dma_wait3A_226 = arith.constant 0 : i32
      %dma_wait3A_227 = tpu.memref_slice %arg3[%dma_wait3A_225, %dma_wait3A_226] : memref<100000x128xf32, #tpu.memory_space<hbm>> -> memref<100000x128xf32, #tpu.memory_space<hbm>>
      tpu.wait_indirect_dma semaphore(%arg14 : memref<!tpu.dma_semaphore, #tpu.memory_space<semaphore_mem>>) src(%dma_wait3A_227 : memref<100000x128xf32, #tpu.memory_space<hbm>>) dst(%dma_wait3A_223 : memref<96x128xf32, #tpu.memory_space<vmem>>)
      %mul3A_228 = arith.constant 480 : i32
      %mul3A_229 = arith.muli %add3A_68, %mul3A_228 : i32
      %add3A_230 = arith.constant 288 : i32
      %add3A_231 = arith.addi %mul3A_229, %add3A_230 : i32
      %dma_wait3A_232 = arith.constant 288 : i32
      %dma_wait3A_233 = arith.constant 0 : i32
      %dma_wait3A_234 = tpu.memref_slice %arg10[%dma_wait3A_232, %dma_wait3A_233] : memref<480x128xf32, #tpu.memory_space<vmem>> -> memref<96x128xf32, #tpu.memory_space<vmem>>
      %dma_wait3A_235 = tpu.memref_slice %arg8[%add3A_231] : memref<15360xi32, #tpu.memory_space<vmem>> -> memref<96xi32, #tpu.memory_space<vmem>>
      %dma_wait3A_236 = arith.constant 0 : i32
      %dma_wait3A_237 = arith.constant 0 : i32
      %dma_wait3A_238 = tpu.memref_slice %arg3[%dma_wait3A_236, %dma_wait3A_237] : memref<100000x128xf32, #tpu.memory_space<hbm>> -> memref<100000x128xf32, #tpu.memory_space<hbm>>
      tpu.wait_indirect_dma semaphore(%arg15 : memref<!tpu.dma_semaphore, #tpu.memory_space<semaphore_mem>>) src(%dma_wait3A_238 : memref<100000x128xf32, #tpu.memory_space<hbm>>) dst(%dma_wait3A_234 : memref<96x128xf32, #tpu.memory_space<vmem>>)
      %broadcast_in_dim3A_239 = arith.constant 0.000000e+00 : f32
      %broadcast_in_dim3A_240 = vector.broadcast %broadcast_in_dim3A_239 : f32 to vector<16xf32>
      %mul3A_241 = arith.constant 16 : i32
      %mul3A_242 = arith.muli %add3A_68, %mul3A_241 : i32
      %sub3A_243 = arith.constant 0 : i32
      %sub3A_244 = arith.subi %mul3A_242, %sub3A_243 : i32
      %broadcast_in_dim3A_245 = vector.broadcast %sub3A_244 : i32 to vector<16xi32>
      %add3A_246 = arith.addi %broadcast_in_dim3A_245, %iota3A : vector<16xi32>
      %scan3A_247 = arith.constant 0 : i32
      %scan3A_248 = arith.constant 128 : i32
      %scan3A_249 = arith.addi %scan3A_247, %scan3A_248 : i32
      %scan3A_250 = arith.constant 2 : i32
      %scan3A_251:10 = scf.for %scan3A_398 = %scan3A_247 to %scan3A_249 step %scan3A_250 iter_args(%scan3A_399 = %broadcast_in_dim3A_240, %scan3A_400 = %broadcast_in_dim3A_240, %scan3A_401 = %broadcast_in_dim3A_240, %scan3A_402 = %broadcast_in_dim3A_240, %scan3A_403 = %broadcast_in_dim3A_240, %scan3A_404 = %broadcast_in_dim3A_240, %scan3A_405 = %broadcast_in_dim3A_240, %scan3A_406 = %broadcast_in_dim3A_240, %scan3A_407 = %broadcast_in_dim3A_240, %scan3A_408 = %broadcast_in_dim3A_240) -> (vector<16xf32>, vector<16xf32>, vector<16xf32>, vector<16xf32>, vector<16xf32>, vector<16xf32>, vector<16xf32>, vector<16xf32>, vector<16xf32>, vector<16xf32>)  : i32 {
        %broadcast_in_dim3A_409 = vector.broadcast %scan3A_398 : i32 to vector<16xi32>
        %add3A_410 = arith.addi %broadcast_in_dim3A_409, %iota3A : vector<16xi32>
        %and3A = arith.constant 127 : i32
        %and3A_411 = vector.broadcast %and3A : i32 to vector<16xi32>
        %and3A_412 = arith.andi %add3A_410, %and3A_411 : vector<16xi32>
        %gather3A = tpu.vector_load_idx %arg9[%add3A_246, %and3A_412] : memref<128x128xf32, #tpu.memory_space<vmem>>[vector<16xi32>, vector<16xi32>], vector<16xf32>,
        %add3A_413 = arith.constant 160 : i32
        %add3A_414 = vector.broadcast %add3A_413 : i32 to vector<16xi32>
        %add3A_415 = arith.addi %add3A_414, %iota3A : vector<16xi32>
        %gather3A_416 = tpu.vector_load_idx %arg10[%add3A_415, %and3A_412] : memref<480x128xf32, #tpu.memory_space<vmem>>[vector<16xi32>, vector<16xi32>], vector<16xf32>,
        %mul3A_417 = arith.mulf %gather3A_416, %gather3A : vector<16xf32>
        %add3A_418 = arith.addf %scan3A_399, %mul3A_417 : vector<16xf32>
        %add3A_419 = arith.constant 176 : i32
        %add3A_420 = vector.broadcast %add3A_419 : i32 to vector<16xi32>
        %add3A_421 = arith.addi %add3A_420, %iota3A : vector<16xi32>
        %gather3A_422 = tpu.vector_load_idx %arg10[%add3A_421, %and3A_412] : memref<480x128xf32, #tpu.memory_space<vmem>>[vector<16xi32>, vector<16xi32>], vector<16xf32>,
        %mul3A_423 = arith.mulf %gather3A_422, %gather3A : vector<16xf32>
        %add3A_424 = arith.addf %scan3A_400, %mul3A_423 : vector<16xf32>
        %add3A_425 = arith.constant 192 : i32
        %add3A_426 = vector.broadcast %add3A_425 : i32 to vector<16xi32>
        %add3A_427 = arith.addi %add3A_426, %iota3A : vector<16xi32>
        %gather3A_428 = tpu.vector_load_idx %arg10[%add3A_427, %and3A_412] : memref<480x128xf32, #tpu.memory_space<vmem>>[vector<16xi32>, vector<16xi32>], vector<16xf32>,
        %mul3A_429 = arith.mulf %gather3A_428, %gather3A : vector<16xf32>
        %add3A_430 = arith.addf %scan3A_401, %mul3A_429 : vector<16xf32>
        %add3A_431 = arith.constant 208 : i32
        %add3A_432 = vector.broadcast %add3A_431 : i32 to vector<16xi32>
        %add3A_433 = arith.addi %add3A_432, %iota3A : vector<16xi32>
        %gather3A_434 = tpu.vector_load_idx %arg10[%add3A_433, %and3A_412] : memref<480x128xf32, #tpu.memory_space<vmem>>[vector<16xi32>, vector<16xi32>], vector<16xf32>,
        %mul3A_435 = arith.mulf %gather3A_434, %gather3A : vector<16xf32>
        %add3A_436 = arith.addf %scan3A_402, %mul3A_435 : vector<16xf32>
        %add3A_437 = arith.constant 224 : i32
        %add3A_438 = vector.broadcast %add3A_437 : i32 to vector<16xi32>
        %add3A_439 = arith.addi %add3A_438, %iota3A : vector<16xi32>
        %gather3A_440 = tpu.vector_load_idx %arg10[%add3A_439, %and3A_412] : memref<480x128xf32, #tpu.memory_space<vmem>>[vector<16xi32>, vector<16xi32>], vector<16xf32>,
        %mul3A_441 = arith.mulf %gather3A_440, %gather3A : vector<16xf32>
        %add3A_442 = arith.addf %scan3A_403, %mul3A_441 : vector<16xf32>
        %add3A_443 = arith.constant 240 : i32
        %add3A_444 = vector.broadcast %add3A_443 : i32 to vector<16xi32>
        %add3A_445 = arith.addi %add3A_444, %iota3A : vector<16xi32>
        %gather3A_446 = tpu.vector_load_idx %arg10[%add3A_445, %and3A_412] : memref<480x128xf32, #tpu.memory_space<vmem>>[vector<16xi32>, vector<16xi32>], vector<16xf32>,
        %mul3A_447 = arith.mulf %gather3A_446, %gather3A : vector<16xf32>
        %add3A_448 = arith.addf %scan3A_404, %mul3A_447 : vector<16xf32>
        %add3A_449 = arith.constant 256 : i32
        %add3A_450 = vector.broadcast %add3A_449 : i32 to vector<16xi32>
        %add3A_451 = arith.addi %add3A_450, %iota3A : vector<16xi32>
        %gather3A_452 = tpu.vector_load_idx %arg10[%add3A_451, %and3A_412] : memref<480x128xf32, #tpu.memory_space<vmem>>[vector<16xi32>, vector<16xi32>], vector<16xf32>,
        %mul3A_453 = arith.mulf %gather3A_452, %gather3A : vector<16xf32>
        %add3A_454 = arith.addf %scan3A_405, %mul3A_453 : vector<16xf32>
        %add3A_455 = arith.constant 272 : i32
        %add3A_456 = vector.broadcast %add3A_455 : i32 to vector<16xi32>
        %add3A_457 = arith.addi %add3A_456, %iota3A : vector<16xi32>
        %gather3A_458 = tpu.vector_load_idx %arg10[%add3A_457, %and3A_412] : memref<480x128xf32, #tpu.memory_space<vmem>>[vector<16xi32>, vector<16xi32>], vector<16xf32>,
        %mul3A_459 = arith.mulf %gather3A_458, %gather3A : vector<16xf32>
        %add3A_460 = arith.addf %scan3A_406, %mul3A_459 : vector<16xf32>
        %add3A_461 = arith.constant 288 : i32
        %add3A_462 = vector.broadcast %add3A_461 : i32 to vector<16xi32>
        %add3A_463 = arith.addi %add3A_462, %iota3A : vector<16xi32>
        %gather3A_464 = tpu.vector_load_idx %arg10[%add3A_463, %and3A_412] : memref<480x128xf32, #tpu.memory_space<vmem>>[vector<16xi32>, vector<16xi32>], vector<16xf32>,
        %mul3A_465 = arith.mulf %gather3A_464, %gather3A : vector<16xf32>
        %add3A_466 = arith.addf %scan3A_407, %mul3A_465 : vector<16xf32>
        %add3A_467 = arith.constant 304 : i32
        %add3A_468 = vector.broadcast %add3A_467 : i32 to vector<16xi32>
        %add3A_469 = arith.addi %add3A_468, %iota3A : vector<16xi32>
        %gather3A_470 = tpu.vector_load_idx %arg10[%add3A_469, %and3A_412] : memref<480x128xf32, #tpu.memory_space<vmem>>[vector<16xi32>, vector<16xi32>], vector<16xf32>,
        %mul3A_471 = arith.mulf %gather3A_470, %gather3A : vector<16xf32>
        %add3A_472 = arith.addf %scan3A_408, %mul3A_471 : vector<16xf32>
        %scan3A_473 = arith.constant 1 : i32
        %scan3A_474 = arith.addi %scan3A_398, %scan3A_473 : i32
        %broadcast_in_dim3A_475 = vector.broadcast %scan3A_474 : i32 to vector<16xi32>
        %add3A_476 = arith.addi %broadcast_in_dim3A_475, %iota3A : vector<16xi32>
        %and3A_477 = arith.constant 127 : i32
        %and3A_478 = vector.broadcast %and3A_477 : i32 to vector<16xi32>
        %and3A_479 = arith.andi %add3A_476, %and3A_478 : vector<16xi32>
        %gather3A_480 = tpu.vector_load_idx %arg9[%add3A_246, %and3A_479] : memref<128x128xf32, #tpu.memory_space<vmem>>[vector<16xi32>, vector<16xi32>], vector<16xf32>,
        %add3A_481 = arith.constant 160 : i32
        %add3A_482 = vector.broadcast %add3A_481 : i32 to vector<16xi32>
        %add3A_483 = arith.addi %add3A_482, %iota3A : vector<16xi32>
        %gather3A_484 = tpu.vector_load_idx %arg10[%add3A_483, %and3A_479] : memref<480x128xf32, #tpu.memory_space<vmem>>[vector<16xi32>, vector<16xi32>], vector<16xf32>,
        %mul3A_485 = arith.mulf %gather3A_484, %gather3A_480 : vector<16xf32>
        %add3A_486 = arith.addf %add3A_418, %mul3A_485 : vector<16xf32>
        %add3A_487 = arith.constant 176 : i32
        %add3A_488 = vector.broadcast %add3A_487 : i32 to vector<16xi32>
        %add3A_489 = arith.addi %add3A_488, %iota3A : vector<16xi32>
        %gather3A_490 = tpu.vector_load_idx %arg10[%add3A_489, %and3A_479] : memref<480x128xf32, #tpu.memory_space<vmem>>[vector<16xi32>, vector<16xi32>], vector<16xf32>,
        %mul3A_491 = arith.mulf %gather3A_490, %gather3A_480 : vector<16xf32>
        %add3A_492 = arith.addf %add3A_424, %mul3A_491 : vector<16xf32>
        %add3A_493 = arith.constant 192 : i32
        %add3A_494 = vector.broadcast %add3A_493 : i32 to vector<16xi32>
        %add3A_495 = arith.addi %add3A_494, %iota3A : vector<16xi32>
        %gather3A_496 = tpu.vector_load_idx %arg10[%add3A_495, %and3A_479] : memref<480x128xf32, #tpu.memory_space<vmem>>[vector<16xi32>, vector<16xi32>], vector<16xf32>,
        %mul3A_497 = arith.mulf %gather3A_496, %gather3A_480 : vector<16xf32>
        %add3A_498 = arith.addf %add3A_430, %mul3A_497 : vector<16xf32>
        %add3A_499 = arith.constant 208 : i32
        %add3A_500 = vector.broadcast %add3A_499 : i32 to vector<16xi32>
        %add3A_501 = arith.addi %add3A_500, %iota3A : vector<16xi32>
        %gather3A_502 = tpu.vector_load_idx %arg10[%add3A_501, %and3A_479] : memref<480x128xf32, #tpu.memory_space<vmem>>[vector<16xi32>, vector<16xi32>], vector<16xf32>,
        %mul3A_503 = arith.mulf %gather3A_502, %gather3A_480 : vector<16xf32>
        %add3A_504 = arith.addf %add3A_436, %mul3A_503 : vector<16xf32>
        %add3A_505 = arith.constant 224 : i32
        %add3A_506 = vector.broadcast %add3A_505 : i32 to vector<16xi32>
        %add3A_507 = arith.addi %add3A_506, %iota3A : vector<16xi32>
        %gather3A_508 = tpu.vector_load_idx %arg10[%add3A_507, %and3A_479] : memref<480x128xf32, #tpu.memory_space<vmem>>[vector<16xi32>, vector<16xi32>], vector<16xf32>,
        %mul3A_509 = arith.mulf %gather3A_508, %gather3A_480 : vector<16xf32>
        %add3A_510 = arith.addf %add3A_442, %mul3A_509 : vector<16xf32>
        %add3A_511 = arith.constant 240 : i32
        %add3A_512 = vector.broadcast %add3A_511 : i32 to vector<16xi32>
        %add3A_513 = arith.addi %add3A_512, %iota3A : vector<16xi32>
        %gather3A_514 = tpu.vector_load_idx %arg10[%add3A_513, %and3A_479] : memref<480x128xf32, #tpu.memory_space<vmem>>[vector<16xi32>, vector<16xi32>], vector<16xf32>,
        %mul3A_515 = arith.mulf %gather3A_514, %gather3A_480 : vector<16xf32>
        %add3A_516 = arith.addf %add3A_448, %mul3A_515 : vector<16xf32>
        %add3A_517 = arith.constant 256 : i32
        %add3A_518 = vector.broadcast %add3A_517 : i32 to vector<16xi32>
        %add3A_519 = arith.addi %add3A_518, %iota3A : vector<16xi32>
        %gather3A_520 = tpu.vector_load_idx %arg10[%add3A_519, %and3A_479] : memref<480x128xf32, #tpu.memory_space<vmem>>[vector<16xi32>, vector<16xi32>], vector<16xf32>,
        %mul3A_521 = arith.mulf %gather3A_520, %gather3A_480 : vector<16xf32>
        %add3A_522 = arith.addf %add3A_454, %mul3A_521 : vector<16xf32>
        %add3A_523 = arith.constant 272 : i32
        %add3A_524 = vector.broadcast %add3A_523 : i32 to vector<16xi32>
        %add3A_525 = arith.addi %add3A_524, %iota3A : vector<16xi32>
        %gather3A_526 = tpu.vector_load_idx %arg10[%add3A_525, %and3A_479] : memref<480x128xf32, #tpu.memory_space<vmem>>[vector<16xi32>, vector<16xi32>], vector<16xf32>,
        %mul3A_527 = arith.mulf %gather3A_526, %gather3A_480 : vector<16xf32>
        %add3A_528 = arith.addf %add3A_460, %mul3A_527 : vector<16xf32>
        %add3A_529 = arith.constant 288 : i32
        %add3A_530 = vector.broadcast %add3A_529 : i32 to vector<16xi32>
        %add3A_531 = arith.addi %add3A_530, %iota3A : vector<16xi32>
        %gather3A_532 = tpu.vector_load_idx %arg10[%add3A_531, %and3A_479] : memref<480x128xf32, #tpu.memory_space<vmem>>[vector<16xi32>, vector<16xi32>], vector<16xf32>,
        %mul3A_533 = arith.mulf %gather3A_532, %gather3A_480 : vector<16xf32>
        %add3A_534 = arith.addf %add3A_466, %mul3A_533 : vector<16xf32>
        %add3A_535 = arith.constant 304 : i32
        %add3A_536 = vector.broadcast %add3A_535 : i32 to vector<16xi32>
        %add3A_537 = arith.addi %add3A_536, %iota3A : vector<16xi32>
        %gather3A_538 = tpu.vector_load_idx %arg10[%add3A_537, %and3A_479] : memref<480x128xf32, #tpu.memory_space<vmem>>[vector<16xi32>, vector<16xi32>], vector<16xf32>,
        %mul3A_539 = arith.mulf %gather3A_538, %gather3A_480 : vector<16xf32>
        %add3A_540 = arith.addf %add3A_472, %mul3A_539 : vector<16xf32>
        scf.yield %add3A_486, %add3A_492, %add3A_498, %add3A_504, %add3A_510, %add3A_516, %add3A_522, %add3A_528, %add3A_534, %add3A_540 : vector<16xf32>, vector<16xf32>, vector<16xf32>, vector<16xf32>, vector<16xf32>, vector<16xf32>, vector<16xf32>, vector<16xf32>, vector<16xf32>, vector<16xf32>
      }
      %scan3A_252 = arith.constant 128 : i32
      %mul3A_253 = arith.constant 512 : i32
      %mul3A_254 = arith.muli %add3A_68, %mul3A_253 : i32
      %add3A_255 = arith.constant 160 : i32
      %add3A_256 = arith.addi %mul3A_254, %add3A_255 : i32
      %swap3A_257 = arith.index_cast %add3A_256 : i32 to index
      %swap3A_258 = tpu.vector_load %arg11[%swap3A_257] {strides = array<i32>} : memref<16384xf32, #tpu.memory_space<vmem>>, vector<16xf32>,
      tpu.vector_store %arg11[%swap3A_257], %scan3A_251#0 {strides = array<i32>} : memref<16384xf32, #tpu.memory_space<vmem>>, vector<16xf32>,
      %mul3A_259 = arith.constant 512 : i32
      %mul3A_260 = arith.muli %add3A_68, %mul3A_259 : i32
      %add3A_261 = arith.constant 176 : i32
      %add3A_262 = arith.addi %mul3A_260, %add3A_261 : i32
      %swap3A_263 = arith.index_cast %add3A_262 : i32 to index
      %swap3A_264 = tpu.vector_load %arg11[%swap3A_263] {strides = array<i32>} : memref<16384xf32, #tpu.memory_space<vmem>>, vector<16xf32>,
      tpu.vector_store %arg11[%swap3A_263], %scan3A_251#1 {strides = array<i32>} : memref<16384xf32, #tpu.memory_space<vmem>>, vector<16xf32>,
      %mul3A_265 = arith.constant 512 : i32
      %mul3A_266 = arith.muli %add3A_68, %mul3A_265 : i32
      %add3A_267 = arith.constant 192 : i32
      %add3A_268 = arith.addi %mul3A_266, %add3A_267 : i32
      %swap3A_269 = arith.index_cast %add3A_268 : i32 to index
      %swap3A_270 = tpu.vector_load %arg11[%swap3A_269] {strides = array<i32>} : memref<16384xf32, #tpu.memory_space<vmem>>, vector<16xf32>,
      tpu.vector_store %arg11[%swap3A_269], %scan3A_251#2 {strides = array<i32>} : memref<16384xf32, #tpu.memory_space<vmem>>, vector<16xf32>,
      %mul3A_271 = arith.constant 512 : i32
      %mul3A_272 = arith.muli %add3A_68, %mul3A_271 : i32
      %add3A_273 = arith.constant 208 : i32
      %add3A_274 = arith.addi %mul3A_272, %add3A_273 : i32
      %swap3A_275 = arith.index_cast %add3A_274 : i32 to index
      %swap3A_276 = tpu.vector_load %arg11[%swap3A_275] {strides = array<i32>} : memref<16384xf32, #tpu.memory_space<vmem>>, vector<16xf32>,
      tpu.vector_store %arg11[%swap3A_275], %scan3A_251#3 {strides = array<i32>} : memref<16384xf32, #tpu.memory_space<vmem>>, vector<16xf32>,
      %mul3A_277 = arith.constant 512 : i32
      %mul3A_278 = arith.muli %add3A_68, %mul3A_277 : i32
      %add3A_279 = arith.constant 224 : i32
      %add3A_280 = arith.addi %mul3A_278, %add3A_279 : i32
      %swap3A_281 = arith.index_cast %add3A_280 : i32 to index
      %swap3A_282 = tpu.vector_load %arg11[%swap3A_281] {strides = array<i32>} : memref<16384xf32, #tpu.memory_space<vmem>>, vector<16xf32>,
      tpu.vector_store %arg11[%swap3A_281], %scan3A_251#4 {strides = array<i32>} : memref<16384xf32, #tpu.memory_space<vmem>>, vector<16xf32>,
      %mul3A_283 = arith.constant 512 : i32
      %mul3A_284 = arith.muli %add3A_68, %mul3A_283 : i32
      %add3A_285 = arith.constant 240 : i32
      %add3A_286 = arith.addi %mul3A_284, %add3A_285 : i32
      %swap3A_287 = arith.index_cast %add3A_286 : i32 to index
      %swap3A_288 = tpu.vector_load %arg11[%swap3A_287] {strides = array<i32>} : memref<16384xf32, #tpu.memory_space<vmem>>, vector<16xf32>,
      tpu.vector_store %arg11[%swap3A_287], %scan3A_251#5 {strides = array<i32>} : memref<16384xf32, #tpu.memory_space<vmem>>, vector<16xf32>,
      %mul3A_289 = arith.constant 512 : i32
      %mul3A_290 = arith.muli %add3A_68, %mul3A_289 : i32
      %add3A_291 = arith.constant 256 : i32
      %add3A_292 = arith.addi %mul3A_290, %add3A_291 : i32
      %swap3A_293 = arith.index_cast %add3A_292 : i32 to index
      %swap3A_294 = tpu.vector_load %arg11[%swap3A_293] {strides = array<i32>} : memref<16384xf32, #tpu.memory_space<vmem>>, vector<16xf32>,
      tpu.vector_store %arg11[%swap3A_293], %scan3A_251#6 {strides = array<i32>} : memref<16384xf32, #tpu.memory_space<vmem>>, vector<16xf32>,
      %mul3A_295 = arith.constant 512 : i32
      %mul3A_296 = arith.muli %add3A_68, %mul3A_295 : i32
      %add3A_297 = arith.constant 272 : i32
      %add3A_298 = arith.addi %mul3A_296, %add3A_297 : i32
      %swap3A_299 = arith.index_cast %add3A_298 : i32 to index
      %swap3A_300 = tpu.vector_load %arg11[%swap3A_299] {strides = array<i32>} : memref<16384xf32, #tpu.memory_space<vmem>>, vector<16xf32>,
      tpu.vector_store %arg11[%swap3A_299], %scan3A_251#7 {strides = array<i32>} : memref<16384xf32, #tpu.memory_space<vmem>>, vector<16xf32>,
      %mul3A_301 = arith.constant 512 : i32
      %mul3A_302 = arith.muli %add3A_68, %mul3A_301 : i32
      %add3A_303 = arith.constant 288 : i32
      %add3A_304 = arith.addi %mul3A_302, %add3A_303 : i32
      %swap3A_305 = arith.index_cast %add3A_304 : i32 to index
      %swap3A_306 = tpu.vector_load %arg11[%swap3A_305] {strides = array<i32>} : memref<16384xf32, #tpu.memory_space<vmem>>, vector<16xf32>,
      tpu.vector_store %arg11[%swap3A_305], %scan3A_251#8 {strides = array<i32>} : memref<16384xf32, #tpu.memory_space<vmem>>, vector<16xf32>,
      %mul3A_307 = arith.constant 512 : i32
      %mul3A_308 = arith.muli %add3A_68, %mul3A_307 : i32
      %add3A_309 = arith.constant 304 : i32
      %add3A_310 = arith.addi %mul3A_308, %add3A_309 : i32
      %swap3A_311 = arith.index_cast %add3A_310 : i32 to index
      %swap3A_312 = tpu.vector_load %arg11[%swap3A_311] {strides = array<i32>} : memref<16384xf32, #tpu.memory_space<vmem>>, vector<16xf32>,
      tpu.vector_store %arg11[%swap3A_311], %scan3A_251#9 {strides = array<i32>} : memref<16384xf32, #tpu.memory_space<vmem>>, vector<16xf32>,
      %mul3A_313 = arith.constant 480 : i32
      %mul3A_314 = arith.muli %add3A_68, %mul3A_313 : i32
      %add3A_315 = arith.constant 384 : i32
      %add3A_316 = arith.addi %mul3A_314, %add3A_315 : i32
      %dma_wait3A_317 = arith.constant 384 : i32
      %dma_wait3A_318 = arith.constant 0 : i32
      %dma_wait3A_319 = tpu.memref_slice %arg10[%dma_wait3A_317, %dma_wait3A_318] : memref<480x128xf32, #tpu.memory_space<vmem>> -> memref<96x128xf32, #tpu.memory_space<vmem>>
      %dma_wait3A_320 = tpu.memref_slice %arg8[%add3A_316] : memref<15360xi32, #tpu.memory_space<vmem>> -> memref<96xi32, #tpu.memory_space<vmem>>
      %dma_wait3A_321 = arith.constant 0 : i32
      %dma_wait3A_322 = arith.constant 0 : i32
      %dma_wait3A_323 = tpu.memref_slice %arg3[%dma_wait3A_321, %dma_wait3A_322] : memref<100000x128xf32, #tpu.memory_space<hbm>> -> memref<100000x128xf32, #tpu.memory_space<hbm>>
      tpu.wait_indirect_dma semaphore(%arg16 : memref<!tpu.dma_semaphore, #tpu.memory_space<semaphore_mem>>) src(%dma_wait3A_323 : memref<100000x128xf32, #tpu.memory_space<hbm>>) dst(%dma_wait3A_319 : memref<96x128xf32, #tpu.memory_space<vmem>>)
      %broadcast_in_dim3A_324 = arith.constant 0.000000e+00 : f32
      %broadcast_in_dim3A_325 = vector.broadcast %broadcast_in_dim3A_324 : f32 to vector<16xf32>
      %mul3A_326 = arith.constant 16 : i32
      %mul3A_327 = arith.muli %add3A_68, %mul3A_326 : i32
      %sub3A_328 = arith.constant 0 : i32
      %sub3A_329 = arith.subi %mul3A_327, %sub3A_328 : i32
      %broadcast_in_dim3A_330 = vector.broadcast %sub3A_329 : i32 to vector<16xi32>
      %add3A_331 = arith.addi %broadcast_in_dim3A_330, %iota3A : vector<16xi32>
      %scan3A_332 = arith.constant 0 : i32
      %scan3A_333 = arith.constant 128 : i32
      %scan3A_334 = arith.addi %scan3A_332, %scan3A_333 : i32
      %scan3A_335 = arith.constant 2 : i32
      %scan3A_336:10 = scf.for %scan3A_398 = %scan3A_332 to %scan3A_334 step %scan3A_335 iter_args(%scan3A_399 = %broadcast_in_dim3A_325, %scan3A_400 = %broadcast_in_dim3A_325, %scan3A_401 = %broadcast_in_dim3A_325, %scan3A_402 = %broadcast_in_dim3A_325, %scan3A_403 = %broadcast_in_dim3A_325, %scan3A_404 = %broadcast_in_dim3A_325, %scan3A_405 = %broadcast_in_dim3A_325, %scan3A_406 = %broadcast_in_dim3A_325, %scan3A_407 = %broadcast_in_dim3A_325, %scan3A_408 = %broadcast_in_dim3A_325) -> (vector<16xf32>, vector<16xf32>, vector<16xf32>, vector<16xf32>, vector<16xf32>, vector<16xf32>, vector<16xf32>, vector<16xf32>, vector<16xf32>, vector<16xf32>)  : i32 {
        %broadcast_in_dim3A_409 = vector.broadcast %scan3A_398 : i32 to vector<16xi32>
        %add3A_410 = arith.addi %broadcast_in_dim3A_409, %iota3A : vector<16xi32>
        %and3A = arith.constant 127 : i32
        %and3A_411 = vector.broadcast %and3A : i32 to vector<16xi32>
        %and3A_412 = arith.andi %add3A_410, %and3A_411 : vector<16xi32>
        %gather3A = tpu.vector_load_idx %arg9[%add3A_331, %and3A_412] : memref<128x128xf32, #tpu.memory_space<vmem>>[vector<16xi32>, vector<16xi32>], vector<16xf32>,
        %add3A_413 = arith.constant 320 : i32
        %add3A_414 = vector.broadcast %add3A_413 : i32 to vector<16xi32>
        %add3A_415 = arith.addi %add3A_414, %iota3A : vector<16xi32>
        %gather3A_416 = tpu.vector_load_idx %arg10[%add3A_415, %and3A_412] : memref<480x128xf32, #tpu.memory_space<vmem>>[vector<16xi32>, vector<16xi32>], vector<16xf32>,
        %mul3A_417 = arith.mulf %gather3A_416, %gather3A : vector<16xf32>
        %add3A_418 = arith.addf %scan3A_399, %mul3A_417 : vector<16xf32>
        %add3A_419 = arith.constant 336 : i32
        %add3A_420 = vector.broadcast %add3A_419 : i32 to vector<16xi32>
        %add3A_421 = arith.addi %add3A_420, %iota3A : vector<16xi32>
        %gather3A_422 = tpu.vector_load_idx %arg10[%add3A_421, %and3A_412] : memref<480x128xf32, #tpu.memory_space<vmem>>[vector<16xi32>, vector<16xi32>], vector<16xf32>,
        %mul3A_423 = arith.mulf %gather3A_422, %gather3A : vector<16xf32>
        %add3A_424 = arith.addf %scan3A_400, %mul3A_423 : vector<16xf32>
        %add3A_425 = arith.constant 352 : i32
        %add3A_426 = vector.broadcast %add3A_425 : i32 to vector<16xi32>
        %add3A_427 = arith.addi %add3A_426, %iota3A : vector<16xi32>
        %gather3A_428 = tpu.vector_load_idx %arg10[%add3A_427, %and3A_412] : memref<480x128xf32, #tpu.memory_space<vmem>>[vector<16xi32>, vector<16xi32>], vector<16xf32>,
        %mul3A_429 = arith.mulf %gather3A_428, %gather3A : vector<16xf32>
        %add3A_430 = arith.addf %scan3A_401, %mul3A_429 : vector<16xf32>
        %add3A_431 = arith.constant 368 : i32
        %add3A_432 = vector.broadcast %add3A_431 : i32 to vector<16xi32>
        %add3A_433 = arith.addi %add3A_432, %iota3A : vector<16xi32>
        %gather3A_434 = tpu.vector_load_idx %arg10[%add3A_433, %and3A_412] : memref<480x128xf32, #tpu.memory_space<vmem>>[vector<16xi32>, vector<16xi32>], vector<16xf32>,
        %mul3A_435 = arith.mulf %gather3A_434, %gather3A : vector<16xf32>
        %add3A_436 = arith.addf %scan3A_402, %mul3A_435 : vector<16xf32>
        %add3A_437 = arith.constant 384 : i32
        %add3A_438 = vector.broadcast %add3A_437 : i32 to vector<16xi32>
        %add3A_439 = arith.addi %add3A_438, %iota3A : vector<16xi32>
        %gather3A_440 = tpu.vector_load_idx %arg10[%add3A_439, %and3A_412] : memref<480x128xf32, #tpu.memory_space<vmem>>[vector<16xi32>, vector<16xi32>], vector<16xf32>,
        %mul3A_441 = arith.mulf %gather3A_440, %gather3A : vector<16xf32>
        %add3A_442 = arith.addf %scan3A_403, %mul3A_441 : vector<16xf32>
        %add3A_443 = arith.constant 400 : i32
        %add3A_444 = vector.broadcast %add3A_443 : i32 to vector<16xi32>
        %add3A_445 = arith.addi %add3A_444, %iota3A : vector<16xi32>
        %gather3A_446 = tpu.vector_load_idx %arg10[%add3A_445, %and3A_412] : memref<480x128xf32, #tpu.memory_space<vmem>>[vector<16xi32>, vector<16xi32>], vector<16xf32>,
        %mul3A_447 = arith.mulf %gather3A_446, %gather3A : vector<16xf32>
        %add3A_448 = arith.addf %scan3A_404, %mul3A_447 : vector<16xf32>
        %add3A_449 = arith.constant 416 : i32
        %add3A_450 = vector.broadcast %add3A_449 : i32 to vector<16xi32>
        %add3A_451 = arith.addi %add3A_450, %iota3A : vector<16xi32>
        %gather3A_452 = tpu.vector_load_idx %arg10[%add3A_451, %and3A_412] : memref<480x128xf32, #tpu.memory_space<vmem>>[vector<16xi32>, vector<16xi32>], vector<16xf32>,
        %mul3A_453 = arith.mulf %gather3A_452, %gather3A : vector<16xf32>
        %add3A_454 = arith.addf %scan3A_405, %mul3A_453 : vector<16xf32>
        %add3A_455 = arith.constant 432 : i32
        %add3A_456 = vector.broadcast %add3A_455 : i32 to vector<16xi32>
        %add3A_457 = arith.addi %add3A_456, %iota3A : vector<16xi32>
        %gather3A_458 = tpu.vector_load_idx %arg10[%add3A_457, %and3A_412] : memref<480x128xf32, #tpu.memory_space<vmem>>[vector<16xi32>, vector<16xi32>], vector<16xf32>,
        %mul3A_459 = arith.mulf %gather3A_458, %gather3A : vector<16xf32>
        %add3A_460 = arith.addf %scan3A_406, %mul3A_459 : vector<16xf32>
        %add3A_461 = arith.constant 448 : i32
        %add3A_462 = vector.broadcast %add3A_461 : i32 to vector<16xi32>
        %add3A_463 = arith.addi %add3A_462, %iota3A : vector<16xi32>
        %gather3A_464 = tpu.vector_load_idx %arg10[%add3A_463, %and3A_412] : memref<480x128xf32, #tpu.memory_space<vmem>>[vector<16xi32>, vector<16xi32>], vector<16xf32>,
        %mul3A_465 = arith.mulf %gather3A_464, %gather3A : vector<16xf32>
        %add3A_466 = arith.addf %scan3A_407, %mul3A_465 : vector<16xf32>
        %add3A_467 = arith.constant 464 : i32
        %add3A_468 = vector.broadcast %add3A_467 : i32 to vector<16xi32>
        %add3A_469 = arith.addi %add3A_468, %iota3A : vector<16xi32>
        %gather3A_470 = tpu.vector_load_idx %arg10[%add3A_469, %and3A_412] : memref<480x128xf32, #tpu.memory_space<vmem>>[vector<16xi32>, vector<16xi32>], vector<16xf32>,
        %mul3A_471 = arith.mulf %gather3A_470, %gather3A : vector<16xf32>
        %add3A_472 = arith.addf %scan3A_408, %mul3A_471 : vector<16xf32>
        %scan3A_473 = arith.constant 1 : i32
        %scan3A_474 = arith.addi %scan3A_398, %scan3A_473 : i32
        %broadcast_in_dim3A_475 = vector.broadcast %scan3A_474 : i32 to vector<16xi32>
        %add3A_476 = arith.addi %broadcast_in_dim3A_475, %iota3A : vector<16xi32>
        %and3A_477 = arith.constant 127 : i32
        %and3A_478 = vector.broadcast %and3A_477 : i32 to vector<16xi32>
        %and3A_479 = arith.andi %add3A_476, %and3A_478 : vector<16xi32>
        %gather3A_480 = tpu.vector_load_idx %arg9[%add3A_331, %and3A_479] : memref<128x128xf32, #tpu.memory_space<vmem>>[vector<16xi32>, vector<16xi32>], vector<16xf32>,
        %add3A_481 = arith.constant 320 : i32
        %add3A_482 = vector.broadcast %add3A_481 : i32 to vector<16xi32>
        %add3A_483 = arith.addi %add3A_482, %iota3A : vector<16xi32>
        %gather3A_484 = tpu.vector_load_idx %arg10[%add3A_483, %and3A_479] : memref<480x128xf32, #tpu.memory_space<vmem>>[vector<16xi32>, vector<16xi32>], vector<16xf32>,
        %mul3A_485 = arith.mulf %gather3A_484, %gather3A_480 : vector<16xf32>
        %add3A_486 = arith.addf %add3A_418, %mul3A_485 : vector<16xf32>
        %add3A_487 = arith.constant 336 : i32
        %add3A_488 = vector.broadcast %add3A_487 : i32 to vector<16xi32>
        %add3A_489 = arith.addi %add3A_488, %iota3A : vector<16xi32>
        %gather3A_490 = tpu.vector_load_idx %arg10[%add3A_489, %and3A_479] : memref<480x128xf32, #tpu.memory_space<vmem>>[vector<16xi32>, vector<16xi32>], vector<16xf32>,
        %mul3A_491 = arith.mulf %gather3A_490, %gather3A_480 : vector<16xf32>
        %add3A_492 = arith.addf %add3A_424, %mul3A_491 : vector<16xf32>
        %add3A_493 = arith.constant 352 : i32
        %add3A_494 = vector.broadcast %add3A_493 : i32 to vector<16xi32>
        %add3A_495 = arith.addi %add3A_494, %iota3A : vector<16xi32>
        %gather3A_496 = tpu.vector_load_idx %arg10[%add3A_495, %and3A_479] : memref<480x128xf32, #tpu.memory_space<vmem>>[vector<16xi32>, vector<16xi32>], vector<16xf32>,
        %mul3A_497 = arith.mulf %gather3A_496, %gather3A_480 : vector<16xf32>
        %add3A_498 = arith.addf %add3A_430, %mul3A_497 : vector<16xf32>
        %add3A_499 = arith.constant 368 : i32
        %add3A_500 = vector.broadcast %add3A_499 : i32 to vector<16xi32>
        %add3A_501 = arith.addi %add3A_500, %iota3A : vector<16xi32>
        %gather3A_502 = tpu.vector_load_idx %arg10[%add3A_501, %and3A_479] : memref<480x128xf32, #tpu.memory_space<vmem>>[vector<16xi32>, vector<16xi32>], vector<16xf32>,
        %mul3A_503 = arith.mulf %gather3A_502, %gather3A_480 : vector<16xf32>
        %add3A_504 = arith.addf %add3A_436, %mul3A_503 : vector<16xf32>
        %add3A_505 = arith.constant 384 : i32
        %add3A_506 = vector.broadcast %add3A_505 : i32 to vector<16xi32>
        %add3A_507 = arith.addi %add3A_506, %iota3A : vector<16xi32>
        %gather3A_508 = tpu.vector_load_idx %arg10[%add3A_507, %and3A_479] : memref<480x128xf32, #tpu.memory_space<vmem>>[vector<16xi32>, vector<16xi32>], vector<16xf32>,
        %mul3A_509 = arith.mulf %gather3A_508, %gather3A_480 : vector<16xf32>
        %add3A_510 = arith.addf %add3A_442, %mul3A_509 : vector<16xf32>
        %add3A_511 = arith.constant 400 : i32
        %add3A_512 = vector.broadcast %add3A_511 : i32 to vector<16xi32>
        %add3A_513 = arith.addi %add3A_512, %iota3A : vector<16xi32>
        %gather3A_514 = tpu.vector_load_idx %arg10[%add3A_513, %and3A_479] : memref<480x128xf32, #tpu.memory_space<vmem>>[vector<16xi32>, vector<16xi32>], vector<16xf32>,
        %mul3A_515 = arith.mulf %gather3A_514, %gather3A_480 : vector<16xf32>
        %add3A_516 = arith.addf %add3A_448, %mul3A_515 : vector<16xf32>
        %add3A_517 = arith.constant 416 : i32
        %add3A_518 = vector.broadcast %add3A_517 : i32 to vector<16xi32>
        %add3A_519 = arith.addi %add3A_518, %iota3A : vector<16xi32>
        %gather3A_520 = tpu.vector_load_idx %arg10[%add3A_519, %and3A_479] : memref<480x128xf32, #tpu.memory_space<vmem>>[vector<16xi32>, vector<16xi32>], vector<16xf32>,
        %mul3A_521 = arith.mulf %gather3A_520, %gather3A_480 : vector<16xf32>
        %add3A_522 = arith.addf %add3A_454, %mul3A_521 : vector<16xf32>
        %add3A_523 = arith.constant 432 : i32
        %add3A_524 = vector.broadcast %add3A_523 : i32 to vector<16xi32>
        %add3A_525 = arith.addi %add3A_524, %iota3A : vector<16xi32>
        %gather3A_526 = tpu.vector_load_idx %arg10[%add3A_525, %and3A_479] : memref<480x128xf32, #tpu.memory_space<vmem>>[vector<16xi32>, vector<16xi32>], vector<16xf32>,
        %mul3A_527 = arith.mulf %gather3A_526, %gather3A_480 : vector<16xf32>
        %add3A_528 = arith.addf %add3A_460, %mul3A_527 : vector<16xf32>
        %add3A_529 = arith.constant 448 : i32
        %add3A_530 = vector.broadcast %add3A_529 : i32 to vector<16xi32>
        %add3A_531 = arith.addi %add3A_530, %iota3A : vector<16xi32>
        %gather3A_532 = tpu.vector_load_idx %arg10[%add3A_531, %and3A_479] : memref<480x128xf32, #tpu.memory_space<vmem>>[vector<16xi32>, vector<16xi32>], vector<16xf32>,
        %mul3A_533 = arith.mulf %gather3A_532, %gather3A_480 : vector<16xf32>
        %add3A_534 = arith.addf %add3A_466, %mul3A_533 : vector<16xf32>
        %add3A_535 = arith.constant 464 : i32
        %add3A_536 = vector.broadcast %add3A_535 : i32 to vector<16xi32>
        %add3A_537 = arith.addi %add3A_536, %iota3A : vector<16xi32>
        %gather3A_538 = tpu.vector_load_idx %arg10[%add3A_537, %and3A_479] : memref<480x128xf32, #tpu.memory_space<vmem>>[vector<16xi32>, vector<16xi32>], vector<16xf32>,
        %mul3A_539 = arith.mulf %gather3A_538, %gather3A_480 : vector<16xf32>
        %add3A_540 = arith.addf %add3A_472, %mul3A_539 : vector<16xf32>
        scf.yield %add3A_486, %add3A_492, %add3A_498, %add3A_504, %add3A_510, %add3A_516, %add3A_522, %add3A_528, %add3A_534, %add3A_540 : vector<16xf32>, vector<16xf32>, vector<16xf32>, vector<16xf32>, vector<16xf32>, vector<16xf32>, vector<16xf32>, vector<16xf32>, vector<16xf32>, vector<16xf32>
      }
      %scan3A_337 = arith.constant 128 : i32
      %mul3A_338 = arith.constant 512 : i32
      %mul3A_339 = arith.muli %add3A_68, %mul3A_338 : i32
      %add3A_340 = arith.constant 320 : i32
      %add3A_341 = arith.addi %mul3A_339, %add3A_340 : i32
      %swap3A_342 = arith.index_cast %add3A_341 : i32 to index
      %swap3A_343 = tpu.vector_load %arg11[%swap3A_342] {strides = array<i32>} : memref<16384xf32, #tpu.memory_space<vmem>>, vector<16xf32>,
      tpu.vector_store %arg11[%swap3A_342], %scan3A_336#0 {strides = array<i32>} : memref<16384xf32, #tpu.memory_space<vmem>>, vector<16xf32>,
      %mul3A_344 = arith.constant 512 : i32
      %mul3A_345 = arith.muli %add3A_68, %mul3A_344 : i32
      %add3A_346 = arith.constant 336 : i32
      %add3A_347 = arith.addi %mul3A_345, %add3A_346 : i32
      %swap3A_348 = arith.index_cast %add3A_347 : i32 to index
      %swap3A_349 = tpu.vector_load %arg11[%swap3A_348] {strides = array<i32>} : memref<16384xf32, #tpu.memory_space<vmem>>, vector<16xf32>,
      tpu.vector_store %arg11[%swap3A_348], %scan3A_336#1 {strides = array<i32>} : memref<16384xf32, #tpu.memory_space<vmem>>, vector<16xf32>,
      %mul3A_350 = arith.constant 512 : i32
      %mul3A_351 = arith.muli %add3A_68, %mul3A_350 : i32
      %add3A_352 = arith.constant 352 : i32
      %add3A_353 = arith.addi %mul3A_351, %add3A_352 : i32
      %swap3A_354 = arith.index_cast %add3A_353 : i32 to index
      %swap3A_355 = tpu.vector_load %arg11[%swap3A_354] {strides = array<i32>} : memref<16384xf32, #tpu.memory_space<vmem>>, vector<16xf32>,
      tpu.vector_store %arg11[%swap3A_354], %scan3A_336#2 {strides = array<i32>} : memref<16384xf32, #tpu.memory_space<vmem>>, vector<16xf32>,
      %mul3A_356 = arith.constant 512 : i32
      %mul3A_357 = arith.muli %add3A_68, %mul3A_356 : i32
      %add3A_358 = arith.constant 368 : i32
      %add3A_359 = arith.addi %mul3A_357, %add3A_358 : i32
      %swap3A_360 = arith.index_cast %add3A_359 : i32 to index
      %swap3A_361 = tpu.vector_load %arg11[%swap3A_360] {strides = array<i32>} : memref<16384xf32, #tpu.memory_space<vmem>>, vector<16xf32>,
      tpu.vector_store %arg11[%swap3A_360], %scan3A_336#3 {strides = array<i32>} : memref<16384xf32, #tpu.memory_space<vmem>>, vector<16xf32>,
      %mul3A_362 = arith.constant 512 : i32
      %mul3A_363 = arith.muli %add3A_68, %mul3A_362 : i32
      %add3A_364 = arith.constant 384 : i32
      %add3A_365 = arith.addi %mul3A_363, %add3A_364 : i32
      %swap3A_366 = arith.index_cast %add3A_365 : i32 to index
      %swap3A_367 = tpu.vector_load %arg11[%swap3A_366] {strides = array<i32>} : memref<16384xf32, #tpu.memory_space<vmem>>, vector<16xf32>,
      tpu.vector_store %arg11[%swap3A_366], %scan3A_336#4 {strides = array<i32>} : memref<16384xf32, #tpu.memory_space<vmem>>, vector<16xf32>,
      %mul3A_368 = arith.constant 512 : i32
      %mul3A_369 = arith.muli %add3A_68, %mul3A_368 : i32
      %add3A_370 = arith.constant 400 : i32
      %add3A_371 = arith.addi %mul3A_369, %add3A_370 : i32
      %swap3A_372 = arith.index_cast %add3A_371 : i32 to index
      %swap3A_373 = tpu.vector_load %arg11[%swap3A_372] {strides = array<i32>} : memref<16384xf32, #tpu.memory_space<vmem>>, vector<16xf32>,
      tpu.vector_store %arg11[%swap3A_372], %scan3A_336#5 {strides = array<i32>} : memref<16384xf32, #tpu.memory_space<vmem>>, vector<16xf32>,
      %mul3A_374 = arith.constant 512 : i32
      %mul3A_375 = arith.muli %add3A_68, %mul3A_374 : i32
      %add3A_376 = arith.constant 416 : i32
      %add3A_377 = arith.addi %mul3A_375, %add3A_376 : i32
      %swap3A_378 = arith.index_cast %add3A_377 : i32 to index
      %swap3A_379 = tpu.vector_load %arg11[%swap3A_378] {strides = array<i32>} : memref<16384xf32, #tpu.memory_space<vmem>>, vector<16xf32>,
      tpu.vector_store %arg11[%swap3A_378], %scan3A_336#6 {strides = array<i32>} : memref<16384xf32, #tpu.memory_space<vmem>>, vector<16xf32>,
      %mul3A_380 = arith.constant 512 : i32
      %mul3A_381 = arith.muli %add3A_68, %mul3A_380 : i32
      %add3A_382 = arith.constant 432 : i32
      %add3A_383 = arith.addi %mul3A_381, %add3A_382 : i32
      %swap3A_384 = arith.index_cast %add3A_383 : i32 to index
      %swap3A_385 = tpu.vector_load %arg11[%swap3A_384] {strides = array<i32>} : memref<16384xf32, #tpu.memory_space<vmem>>, vector<16xf32>,
      tpu.vector_store %arg11[%swap3A_384], %scan3A_336#7 {strides = array<i32>} : memref<16384xf32, #tpu.memory_space<vmem>>, vector<16xf32>,
      %mul3A_386 = arith.constant 512 : i32
      %mul3A_387 = arith.muli %add3A_68, %mul3A_386 : i32
      %add3A_388 = arith.constant 448 : i32
      %add3A_389 = arith.addi %mul3A_387, %add3A_388 : i32
      %swap3A_390 = arith.index_cast %add3A_389 : i32 to index
      %swap3A_391 = tpu.vector_load %arg11[%swap3A_390] {strides = array<i32>} : memref<16384xf32, #tpu.memory_space<vmem>>, vector<16xf32>,
      tpu.vector_store %arg11[%swap3A_390], %scan3A_336#8 {strides = array<i32>} : memref<16384xf32, #tpu.memory_space<vmem>>, vector<16xf32>,
      %mul3A_392 = arith.constant 512 : i32
      %mul3A_393 = arith.muli %add3A_68, %mul3A_392 : i32
      %add3A_394 = arith.constant 464 : i32
      %add3A_395 = arith.addi %mul3A_393, %add3A_394 : i32
      %swap3A_396 = arith.index_cast %add3A_395 : i32 to index
      %swap3A_397 = tpu.vector_load %arg11[%swap3A_396] {strides = array<i32>} : memref<16384xf32, #tpu.memory_space<vmem>>, vector<16xf32>,
      tpu.vector_store %arg11[%swap3A_396], %scan3A_336#9 {strides = array<i32>} : memref<16384xf32, #tpu.memory_space<vmem>>, vector<16xf32>,
    }
    %scan3A_16 = arith.constant 8 : i32
    %dma_start3A_17 = arith.constant 128 : i32
    %dma_start3A_18 = tpu.memref_slice %arg7[%dma_start3A_17] : memref<512xi32, #tpu.memory_space<vmem>> -> memref<128xi32, #tpu.memory_space<vmem>>
    %dma_start3A_19 = arith.constant 0 : i32
    %dma_start3A_20 = arith.constant 0 : i32
    %dma_start3A_21 = tpu.memref_slice %arg2[%dma_start3A_19, %dma_start3A_20] : memref<100000x128xf32, #tpu.memory_space<hbm>> -> memref<100000x128xf32, #tpu.memory_space<hbm>>
    tpu.enqueue_indirect_dma source(%dma_start3A_21 : memref<100000x128xf32, #tpu.memory_space<hbm>>) target(%arg9 : memref<128x128xf32, #tpu.memory_space<vmem>>) offsets(%dma_start3A_18 : memref<128xi32, #tpu.memory_space<vmem>>) semaphore(%arg12 : memref<!tpu.dma_semaphore, #tpu.memory_space<semaphore_mem>>)
    %dma_wait3A_22 = arith.constant 128 : i32
    %dma_wait3A_23 = tpu.memref_slice %arg7[%dma_wait3A_22] : memref<512xi32, #tpu.memory_space<vmem>> -> memref<128xi32, #tpu.memory_space<vmem>>
    %dma_wait3A_24 = arith.constant 0 : i32
    %dma_wait3A_25 = arith.constant 0 : i32
    %dma_wait3A_26 = tpu.memref_slice %arg2[%dma_wait3A_24, %dma_wait3A_25] : memref<100000x128xf32, #tpu.memory_space<hbm>> -> memref<100000x128xf32, #tpu.memory_space<hbm>>
    tpu.wait_indirect_dma semaphore(%arg12 : memref<!tpu.dma_semaphore, #tpu.memory_space<semaphore_mem>>) src(%dma_wait3A_26 : memref<100000x128xf32, #tpu.memory_space<hbm>>) dst(%arg9 : memref<128x128xf32, #tpu.memory_space<vmem>>)
    %scan3A_27 = arith.constant 0 : i32
    %scan3A_28 = arith.constant 8 : i32
    %scan3A_29 = arith.addi %scan3A_27, %scan3A_28 : i32
    %scan3A_30 = arith.constant 1 : i32
    scf.for %scan3A_64 = %scan3A_27 to %scan3A_29 step %scan3A_30  : i32 {
      %mul3A_65 = arith.constant 1 : i32
      %mul3A_66 = arith.muli %scan3A_64, %mul3A_65 : i32
      %add3A_67 = arith.constant 8 : i32
      %add3A_68 = arith.addi %add3A_67, %mul3A_66 : i32
      %mul3A_69 = arith.constant 480 : i32
      %mul3A_70 = arith.muli %add3A_68, %mul3A_69 : i32
      %add3A_71 = arith.constant 0 : i32
      %add3A_72 = arith.addi %mul3A_70, %add3A_71 : i32
      %dma_start3A_73 = arith.constant 0 : i32
      %dma_start3A_74 = arith.constant 0 : i32
      %dma_start3A_75 = tpu.memref_slice %arg10[%dma_start3A_73, %dma_start3A_74] : memref<480x128xf32, #tpu.memory_space<vmem>> -> memref<96x128xf32, #tpu.memory_space<vmem>>
      %dma_start3A_76 = tpu.memref_slice %arg8[%add3A_72] : memref<15360xi32, #tpu.memory_space<vmem>> -> memref<96xi32, #tpu.memory_space<vmem>>
      %dma_start3A_77 = arith.constant 0 : i32
      %dma_start3A_78 = arith.constant 0 : i32
      %dma_start3A_79 = tpu.memref_slice %arg3[%dma_start3A_77, %dma_start3A_78] : memref<100000x128xf32, #tpu.memory_space<hbm>> -> memref<100000x128xf32, #tpu.memory_space<hbm>>
      tpu.enqueue_indirect_dma source(%dma_start3A_79 : memref<100000x128xf32, #tpu.memory_space<hbm>>) target(%dma_start3A_75 : memref<96x128xf32, #tpu.memory_space<vmem>>) offsets(%dma_start3A_76 : memref<96xi32, #tpu.memory_space<vmem>>) semaphore(%arg12 : memref<!tpu.dma_semaphore, #tpu.memory_space<semaphore_mem>>)
      %mul3A_80 = arith.constant 480 : i32
      %mul3A_81 = arith.muli %add3A_68, %mul3A_80 : i32
      %add3A_82 = arith.constant 96 : i32
      %add3A_83 = arith.addi %mul3A_81, %add3A_82 : i32
      %dma_start3A_84 = arith.constant 96 : i32
      %dma_start3A_85 = arith.constant 0 : i32
      %dma_start3A_86 = tpu.memref_slice %arg10[%dma_start3A_84, %dma_start3A_85] : memref<480x128xf32, #tpu.memory_space<vmem>> -> memref<96x128xf32, #tpu.memory_space<vmem>>
      %dma_start3A_87 = tpu.memref_slice %arg8[%add3A_83] : memref<15360xi32, #tpu.memory_space<vmem>> -> memref<96xi32, #tpu.memory_space<vmem>>
      %dma_start3A_88 = arith.constant 0 : i32
      %dma_start3A_89 = arith.constant 0 : i32
      %dma_start3A_90 = tpu.memref_slice %arg3[%dma_start3A_88, %dma_start3A_89] : memref<100000x128xf32, #tpu.memory_space<hbm>> -> memref<100000x128xf32, #tpu.memory_space<hbm>>
      tpu.enqueue_indirect_dma source(%dma_start3A_90 : memref<100000x128xf32, #tpu.memory_space<hbm>>) target(%dma_start3A_86 : memref<96x128xf32, #tpu.memory_space<vmem>>) offsets(%dma_start3A_87 : memref<96xi32, #tpu.memory_space<vmem>>) semaphore(%arg13 : memref<!tpu.dma_semaphore, #tpu.memory_space<semaphore_mem>>)
      %mul3A_91 = arith.constant 480 : i32
      %mul3A_92 = arith.muli %add3A_68, %mul3A_91 : i32
      %add3A_93 = arith.constant 192 : i32
      %add3A_94 = arith.addi %mul3A_92, %add3A_93 : i32
      %dma_start3A_95 = arith.constant 192 : i32
      %dma_start3A_96 = arith.constant 0 : i32
      %dma_start3A_97 = tpu.memref_slice %arg10[%dma_start3A_95, %dma_start3A_96] : memref<480x128xf32, #tpu.memory_space<vmem>> -> memref<96x128xf32, #tpu.memory_space<vmem>>
      %dma_start3A_98 = tpu.memref_slice %arg8[%add3A_94] : memref<15360xi32, #tpu.memory_space<vmem>> -> memref<96xi32, #tpu.memory_space<vmem>>
      %dma_start3A_99 = arith.constant 0 : i32
      %dma_start3A_100 = arith.constant 0 : i32
      %dma_start3A_101 = tpu.memref_slice %arg3[%dma_start3A_99, %dma_start3A_100] : memref<100000x128xf32, #tpu.memory_space<hbm>> -> memref<100000x128xf32, #tpu.memory_space<hbm>>
      tpu.enqueue_indirect_dma source(%dma_start3A_101 : memref<100000x128xf32, #tpu.memory_space<hbm>>) target(%dma_start3A_97 : memref<96x128xf32, #tpu.memory_space<vmem>>) offsets(%dma_start3A_98 : memref<96xi32, #tpu.memory_space<vmem>>) semaphore(%arg14 : memref<!tpu.dma_semaphore, #tpu.memory_space<semaphore_mem>>)
      %mul3A_102 = arith.constant 480 : i32
      %mul3A_103 = arith.muli %add3A_68, %mul3A_102 : i32
      %add3A_104 = arith.constant 288 : i32
      %add3A_105 = arith.addi %mul3A_103, %add3A_104 : i32
      %dma_start3A_106 = arith.constant 288 : i32
      %dma_start3A_107 = arith.constant 0 : i32
      %dma_start3A_108 = tpu.memref_slice %arg10[%dma_start3A_106, %dma_start3A_107] : memref<480x128xf32, #tpu.memory_space<vmem>> -> memref<96x128xf32, #tpu.memory_space<vmem>>
      %dma_start3A_109 = tpu.memref_slice %arg8[%add3A_105] : memref<15360xi32, #tpu.memory_space<vmem>> -> memref<96xi32, #tpu.memory_space<vmem>>
      %dma_start3A_110 = arith.constant 0 : i32
      %dma_start3A_111 = arith.constant 0 : i32
      %dma_start3A_112 = tpu.memref_slice %arg3[%dma_start3A_110, %dma_start3A_111] : memref<100000x128xf32, #tpu.memory_space<hbm>> -> memref<100000x128xf32, #tpu.memory_space<hbm>>
      tpu.enqueue_indirect_dma source(%dma_start3A_112 : memref<100000x128xf32, #tpu.memory_space<hbm>>) target(%dma_start3A_108 : memref<96x128xf32, #tpu.memory_space<vmem>>) offsets(%dma_start3A_109 : memref<96xi32, #tpu.memory_space<vmem>>) semaphore(%arg15 : memref<!tpu.dma_semaphore, #tpu.memory_space<semaphore_mem>>)
      %mul3A_113 = arith.constant 480 : i32
      %mul3A_114 = arith.muli %add3A_68, %mul3A_113 : i32
      %add3A_115 = arith.constant 384 : i32
      %add3A_116 = arith.addi %mul3A_114, %add3A_115 : i32
      %dma_start3A_117 = arith.constant 384 : i32
      %dma_start3A_118 = arith.constant 0 : i32
      %dma_start3A_119 = tpu.memref_slice %arg10[%dma_start3A_117, %dma_start3A_118] : memref<480x128xf32, #tpu.memory_space<vmem>> -> memref<96x128xf32, #tpu.memory_space<vmem>>
      %dma_start3A_120 = tpu.memref_slice %arg8[%add3A_116] : memref<15360xi32, #tpu.memory_space<vmem>> -> memref<96xi32, #tpu.memory_space<vmem>>
      %dma_start3A_121 = arith.constant 0 : i32
      %dma_start3A_122 = arith.constant 0 : i32
      %dma_start3A_123 = tpu.memref_slice %arg3[%dma_start3A_121, %dma_start3A_122] : memref<100000x128xf32, #tpu.memory_space<hbm>> -> memref<100000x128xf32, #tpu.memory_space<hbm>>
      tpu.enqueue_indirect_dma source(%dma_start3A_123 : memref<100000x128xf32, #tpu.memory_space<hbm>>) target(%dma_start3A_119 : memref<96x128xf32, #tpu.memory_space<vmem>>) offsets(%dma_start3A_120 : memref<96xi32, #tpu.memory_space<vmem>>) semaphore(%arg16 : memref<!tpu.dma_semaphore, #tpu.memory_space<semaphore_mem>>)
      %mul3A_124 = arith.constant 480 : i32
      %mul3A_125 = arith.muli %add3A_68, %mul3A_124 : i32
      %add3A_126 = arith.constant 0 : i32
      %add3A_127 = arith.addi %mul3A_125, %add3A_126 : i32
      %dma_wait3A_128 = arith.constant 0 : i32
      %dma_wait3A_129 = arith.constant 0 : i32
      %dma_wait3A_130 = tpu.memref_slice %arg10[%dma_wait3A_128, %dma_wait3A_129] : memref<480x128xf32, #tpu.memory_space<vmem>> -> memref<96x128xf32, #tpu.memory_space<vmem>>
      %dma_wait3A_131 = tpu.memref_slice %arg8[%add3A_127] : memref<15360xi32, #tpu.memory_space<vmem>> -> memref<96xi32, #tpu.memory_space<vmem>>
      %dma_wait3A_132 = arith.constant 0 : i32
      %dma_wait3A_133 = arith.constant 0 : i32
      %dma_wait3A_134 = tpu.memref_slice %arg3[%dma_wait3A_132, %dma_wait3A_133] : memref<100000x128xf32, #tpu.memory_space<hbm>> -> memref<100000x128xf32, #tpu.memory_space<hbm>>
      tpu.wait_indirect_dma semaphore(%arg12 : memref<!tpu.dma_semaphore, #tpu.memory_space<semaphore_mem>>) src(%dma_wait3A_134 : memref<100000x128xf32, #tpu.memory_space<hbm>>) dst(%dma_wait3A_130 : memref<96x128xf32, #tpu.memory_space<vmem>>)
      %mul3A_135 = arith.constant 480 : i32
      %mul3A_136 = arith.muli %add3A_68, %mul3A_135 : i32
      %add3A_137 = arith.constant 96 : i32
      %add3A_138 = arith.addi %mul3A_136, %add3A_137 : i32
      %dma_wait3A_139 = arith.constant 96 : i32
      %dma_wait3A_140 = arith.constant 0 : i32
      %dma_wait3A_141 = tpu.memref_slice %arg10[%dma_wait3A_139, %dma_wait3A_140] : memref<480x128xf32, #tpu.memory_space<vmem>> -> memref<96x128xf32, #tpu.memory_space<vmem>>
      %dma_wait3A_142 = tpu.memref_slice %arg8[%add3A_138] : memref<15360xi32, #tpu.memory_space<vmem>> -> memref<96xi32, #tpu.memory_space<vmem>>
      %dma_wait3A_143 = arith.constant 0 : i32
      %dma_wait3A_144 = arith.constant 0 : i32
      %dma_wait3A_145 = tpu.memref_slice %arg3[%dma_wait3A_143, %dma_wait3A_144] : memref<100000x128xf32, #tpu.memory_space<hbm>> -> memref<100000x128xf32, #tpu.memory_space<hbm>>
      tpu.wait_indirect_dma semaphore(%arg13 : memref<!tpu.dma_semaphore, #tpu.memory_space<semaphore_mem>>) src(%dma_wait3A_145 : memref<100000x128xf32, #tpu.memory_space<hbm>>) dst(%dma_wait3A_141 : memref<96x128xf32, #tpu.memory_space<vmem>>)
      %broadcast_in_dim3A = arith.constant 0.000000e+00 : f32
      %broadcast_in_dim3A_146 = vector.broadcast %broadcast_in_dim3A : f32 to vector<16xf32>
      %mul3A_147 = arith.constant 16 : i32
      %mul3A_148 = arith.muli %add3A_68, %mul3A_147 : i32
      %sub3A = arith.constant 128 : i32
      %sub3A_149 = arith.subi %mul3A_148, %sub3A : i32
      %broadcast_in_dim3A_150 = vector.broadcast %sub3A_149 : i32 to vector<16xi32>
      %add3A_151 = arith.addi %broadcast_in_dim3A_150, %iota3A : vector<16xi32>
      %scan3A_152 = arith.constant 0 : i32
      %scan3A_153 = arith.constant 128 : i32
      %scan3A_154 = arith.addi %scan3A_152, %scan3A_153 : i32
      %scan3A_155 = arith.constant 2 : i32
      %scan3A_156:10 = scf.for %scan3A_398 = %scan3A_152 to %scan3A_154 step %scan3A_155 iter_args(%scan3A_399 = %broadcast_in_dim3A_146, %scan3A_400 = %broadcast_in_dim3A_146, %scan3A_401 = %broadcast_in_dim3A_146, %scan3A_402 = %broadcast_in_dim3A_146, %scan3A_403 = %broadcast_in_dim3A_146, %scan3A_404 = %broadcast_in_dim3A_146, %scan3A_405 = %broadcast_in_dim3A_146, %scan3A_406 = %broadcast_in_dim3A_146, %scan3A_407 = %broadcast_in_dim3A_146, %scan3A_408 = %broadcast_in_dim3A_146) -> (vector<16xf32>, vector<16xf32>, vector<16xf32>, vector<16xf32>, vector<16xf32>, vector<16xf32>, vector<16xf32>, vector<16xf32>, vector<16xf32>, vector<16xf32>)  : i32 {
        %broadcast_in_dim3A_409 = vector.broadcast %scan3A_398 : i32 to vector<16xi32>
        %add3A_410 = arith.addi %broadcast_in_dim3A_409, %iota3A : vector<16xi32>
        %and3A = arith.constant 127 : i32
        %and3A_411 = vector.broadcast %and3A : i32 to vector<16xi32>
        %and3A_412 = arith.andi %add3A_410, %and3A_411 : vector<16xi32>
        %gather3A = tpu.vector_load_idx %arg9[%add3A_151, %and3A_412] : memref<128x128xf32, #tpu.memory_space<vmem>>[vector<16xi32>, vector<16xi32>], vector<16xf32>,
        %add3A_413 = arith.constant 0 : i32
        %add3A_414 = vector.broadcast %add3A_413 : i32 to vector<16xi32>
        %add3A_415 = arith.addi %add3A_414, %iota3A : vector<16xi32>
        %gather3A_416 = tpu.vector_load_idx %arg10[%add3A_415, %and3A_412] : memref<480x128xf32, #tpu.memory_space<vmem>>[vector<16xi32>, vector<16xi32>], vector<16xf32>,
        %mul3A_417 = arith.mulf %gather3A_416, %gather3A : vector<16xf32>
        %add3A_418 = arith.addf %scan3A_399, %mul3A_417 : vector<16xf32>
        %add3A_419 = arith.constant 16 : i32
        %add3A_420 = vector.broadcast %add3A_419 : i32 to vector<16xi32>
        %add3A_421 = arith.addi %add3A_420, %iota3A : vector<16xi32>
        %gather3A_422 = tpu.vector_load_idx %arg10[%add3A_421, %and3A_412] : memref<480x128xf32, #tpu.memory_space<vmem>>[vector<16xi32>, vector<16xi32>], vector<16xf32>,
        %mul3A_423 = arith.mulf %gather3A_422, %gather3A : vector<16xf32>
        %add3A_424 = arith.addf %scan3A_400, %mul3A_423 : vector<16xf32>
        %add3A_425 = arith.constant 32 : i32
        %add3A_426 = vector.broadcast %add3A_425 : i32 to vector<16xi32>
        %add3A_427 = arith.addi %add3A_426, %iota3A : vector<16xi32>
        %gather3A_428 = tpu.vector_load_idx %arg10[%add3A_427, %and3A_412] : memref<480x128xf32, #tpu.memory_space<vmem>>[vector<16xi32>, vector<16xi32>], vector<16xf32>,
        %mul3A_429 = arith.mulf %gather3A_428, %gather3A : vector<16xf32>
        %add3A_430 = arith.addf %scan3A_401, %mul3A_429 : vector<16xf32>
        %add3A_431 = arith.constant 48 : i32
        %add3A_432 = vector.broadcast %add3A_431 : i32 to vector<16xi32>
        %add3A_433 = arith.addi %add3A_432, %iota3A : vector<16xi32>
        %gather3A_434 = tpu.vector_load_idx %arg10[%add3A_433, %and3A_412] : memref<480x128xf32, #tpu.memory_space<vmem>>[vector<16xi32>, vector<16xi32>], vector<16xf32>,
        %mul3A_435 = arith.mulf %gather3A_434, %gather3A : vector<16xf32>
        %add3A_436 = arith.addf %scan3A_402, %mul3A_435 : vector<16xf32>
        %add3A_437 = arith.constant 64 : i32
        %add3A_438 = vector.broadcast %add3A_437 : i32 to vector<16xi32>
        %add3A_439 = arith.addi %add3A_438, %iota3A : vector<16xi32>
        %gather3A_440 = tpu.vector_load_idx %arg10[%add3A_439, %and3A_412] : memref<480x128xf32, #tpu.memory_space<vmem>>[vector<16xi32>, vector<16xi32>], vector<16xf32>,
        %mul3A_441 = arith.mulf %gather3A_440, %gather3A : vector<16xf32>
        %add3A_442 = arith.addf %scan3A_403, %mul3A_441 : vector<16xf32>
        %add3A_443 = arith.constant 80 : i32
        %add3A_444 = vector.broadcast %add3A_443 : i32 to vector<16xi32>
        %add3A_445 = arith.addi %add3A_444, %iota3A : vector<16xi32>
        %gather3A_446 = tpu.vector_load_idx %arg10[%add3A_445, %and3A_412] : memref<480x128xf32, #tpu.memory_space<vmem>>[vector<16xi32>, vector<16xi32>], vector<16xf32>,
        %mul3A_447 = arith.mulf %gather3A_446, %gather3A : vector<16xf32>
        %add3A_448 = arith.addf %scan3A_404, %mul3A_447 : vector<16xf32>
        %add3A_449 = arith.constant 96 : i32
        %add3A_450 = vector.broadcast %add3A_449 : i32 to vector<16xi32>
        %add3A_451 = arith.addi %add3A_450, %iota3A : vector<16xi32>
        %gather3A_452 = tpu.vector_load_idx %arg10[%add3A_451, %and3A_412] : memref<480x128xf32, #tpu.memory_space<vmem>>[vector<16xi32>, vector<16xi32>], vector<16xf32>,
        %mul3A_453 = arith.mulf %gather3A_452, %gather3A : vector<16xf32>
        %add3A_454 = arith.addf %scan3A_405, %mul3A_453 : vector<16xf32>
        %add3A_455 = arith.constant 112 : i32
        %add3A_456 = vector.broadcast %add3A_455 : i32 to vector<16xi32>
        %add3A_457 = arith.addi %add3A_456, %iota3A : vector<16xi32>
        %gather3A_458 = tpu.vector_load_idx %arg10[%add3A_457, %and3A_412] : memref<480x128xf32, #tpu.memory_space<vmem>>[vector<16xi32>, vector<16xi32>], vector<16xf32>,
        %mul3A_459 = arith.mulf %gather3A_458, %gather3A : vector<16xf32>
        %add3A_460 = arith.addf %scan3A_406, %mul3A_459 : vector<16xf32>
        %add3A_461 = arith.constant 128 : i32
        %add3A_462 = vector.broadcast %add3A_461 : i32 to vector<16xi32>
        %add3A_463 = arith.addi %add3A_462, %iota3A : vector<16xi32>
        %gather3A_464 = tpu.vector_load_idx %arg10[%add3A_463, %and3A_412] : memref<480x128xf32, #tpu.memory_space<vmem>>[vector<16xi32>, vector<16xi32>], vector<16xf32>,
        %mul3A_465 = arith.mulf %gather3A_464, %gather3A : vector<16xf32>
        %add3A_466 = arith.addf %scan3A_407, %mul3A_465 : vector<16xf32>
        %add3A_467 = arith.constant 144 : i32
        %add3A_468 = vector.broadcast %add3A_467 : i32 to vector<16xi32>
        %add3A_469 = arith.addi %add3A_468, %iota3A : vector<16xi32>
        %gather3A_470 = tpu.vector_load_idx %arg10[%add3A_469, %and3A_412] : memref<480x128xf32, #tpu.memory_space<vmem>>[vector<16xi32>, vector<16xi32>], vector<16xf32>,
        %mul3A_471 = arith.mulf %gather3A_470, %gather3A : vector<16xf32>
        %add3A_472 = arith.addf %scan3A_408, %mul3A_471 : vector<16xf32>
        %scan3A_473 = arith.constant 1 : i32
        %scan3A_474 = arith.addi %scan3A_398, %scan3A_473 : i32
        %broadcast_in_dim3A_475 = vector.broadcast %scan3A_474 : i32 to vector<16xi32>
        %add3A_476 = arith.addi %broadcast_in_dim3A_475, %iota3A : vector<16xi32>
        %and3A_477 = arith.constant 127 : i32
        %and3A_478 = vector.broadcast %and3A_477 : i32 to vector<16xi32>
        %and3A_479 = arith.andi %add3A_476, %and3A_478 : vector<16xi32>
        %gather3A_480 = tpu.vector_load_idx %arg9[%add3A_151, %and3A_479] : memref<128x128xf32, #tpu.memory_space<vmem>>[vector<16xi32>, vector<16xi32>], vector<16xf32>,
        %add3A_481 = arith.constant 0 : i32
        %add3A_482 = vector.broadcast %add3A_481 : i32 to vector<16xi32>
        %add3A_483 = arith.addi %add3A_482, %iota3A : vector<16xi32>
        %gather3A_484 = tpu.vector_load_idx %arg10[%add3A_483, %and3A_479] : memref<480x128xf32, #tpu.memory_space<vmem>>[vector<16xi32>, vector<16xi32>], vector<16xf32>,
        %mul3A_485 = arith.mulf %gather3A_484, %gather3A_480 : vector<16xf32>
        %add3A_486 = arith.addf %add3A_418, %mul3A_485 : vector<16xf32>
        %add3A_487 = arith.constant 16 : i32
        %add3A_488 = vector.broadcast %add3A_487 : i32 to vector<16xi32>
        %add3A_489 = arith.addi %add3A_488, %iota3A : vector<16xi32>
        %gather3A_490 = tpu.vector_load_idx %arg10[%add3A_489, %and3A_479] : memref<480x128xf32, #tpu.memory_space<vmem>>[vector<16xi32>, vector<16xi32>], vector<16xf32>,
        %mul3A_491 = arith.mulf %gather3A_490, %gather3A_480 : vector<16xf32>
        %add3A_492 = arith.addf %add3A_424, %mul3A_491 : vector<16xf32>
        %add3A_493 = arith.constant 32 : i32
        %add3A_494 = vector.broadcast %add3A_493 : i32 to vector<16xi32>
        %add3A_495 = arith.addi %add3A_494, %iota3A : vector<16xi32>
        %gather3A_496 = tpu.vector_load_idx %arg10[%add3A_495, %and3A_479] : memref<480x128xf32, #tpu.memory_space<vmem>>[vector<16xi32>, vector<16xi32>], vector<16xf32>,
        %mul3A_497 = arith.mulf %gather3A_496, %gather3A_480 : vector<16xf32>
        %add3A_498 = arith.addf %add3A_430, %mul3A_497 : vector<16xf32>
        %add3A_499 = arith.constant 48 : i32
        %add3A_500 = vector.broadcast %add3A_499 : i32 to vector<16xi32>
        %add3A_501 = arith.addi %add3A_500, %iota3A : vector<16xi32>
        %gather3A_502 = tpu.vector_load_idx %arg10[%add3A_501, %and3A_479] : memref<480x128xf32, #tpu.memory_space<vmem>>[vector<16xi32>, vector<16xi32>], vector<16xf32>,
        %mul3A_503 = arith.mulf %gather3A_502, %gather3A_480 : vector<16xf32>
        %add3A_504 = arith.addf %add3A_436, %mul3A_503 : vector<16xf32>
        %add3A_505 = arith.constant 64 : i32
        %add3A_506 = vector.broadcast %add3A_505 : i32 to vector<16xi32>
        %add3A_507 = arith.addi %add3A_506, %iota3A : vector<16xi32>
        %gather3A_508 = tpu.vector_load_idx %arg10[%add3A_507, %and3A_479] : memref<480x128xf32, #tpu.memory_space<vmem>>[vector<16xi32>, vector<16xi32>], vector<16xf32>,
        %mul3A_509 = arith.mulf %gather3A_508, %gather3A_480 : vector<16xf32>
        %add3A_510 = arith.addf %add3A_442, %mul3A_509 : vector<16xf32>
        %add3A_511 = arith.constant 80 : i32
        %add3A_512 = vector.broadcast %add3A_511 : i32 to vector<16xi32>
        %add3A_513 = arith.addi %add3A_512, %iota3A : vector<16xi32>
        %gather3A_514 = tpu.vector_load_idx %arg10[%add3A_513, %and3A_479] : memref<480x128xf32, #tpu.memory_space<vmem>>[vector<16xi32>, vector<16xi32>], vector<16xf32>,
        %mul3A_515 = arith.mulf %gather3A_514, %gather3A_480 : vector<16xf32>
        %add3A_516 = arith.addf %add3A_448, %mul3A_515 : vector<16xf32>
        %add3A_517 = arith.constant 96 : i32
        %add3A_518 = vector.broadcast %add3A_517 : i32 to vector<16xi32>
        %add3A_519 = arith.addi %add3A_518, %iota3A : vector<16xi32>
        %gather3A_520 = tpu.vector_load_idx %arg10[%add3A_519, %and3A_479] : memref<480x128xf32, #tpu.memory_space<vmem>>[vector<16xi32>, vector<16xi32>], vector<16xf32>,
        %mul3A_521 = arith.mulf %gather3A_520, %gather3A_480 : vector<16xf32>
        %add3A_522 = arith.addf %add3A_454, %mul3A_521 : vector<16xf32>
        %add3A_523 = arith.constant 112 : i32
        %add3A_524 = vector.broadcast %add3A_523 : i32 to vector<16xi32>
        %add3A_525 = arith.addi %add3A_524, %iota3A : vector<16xi32>
        %gather3A_526 = tpu.vector_load_idx %arg10[%add3A_525, %and3A_479] : memref<480x128xf32, #tpu.memory_space<vmem>>[vector<16xi32>, vector<16xi32>], vector<16xf32>,
        %mul3A_527 = arith.mulf %gather3A_526, %gather3A_480 : vector<16xf32>
        %add3A_528 = arith.addf %add3A_460, %mul3A_527 : vector<16xf32>
        %add3A_529 = arith.constant 128 : i32
        %add3A_530 = vector.broadcast %add3A_529 : i32 to vector<16xi32>
        %add3A_531 = arith.addi %add3A_530, %iota3A : vector<16xi32>
        %gather3A_532 = tpu.vector_load_idx %arg10[%add3A_531, %and3A_479] : memref<480x128xf32, #tpu.memory_space<vmem>>[vector<16xi32>, vector<16xi32>], vector<16xf32>,
        %mul3A_533 = arith.mulf %gather3A_532, %gather3A_480 : vector<16xf32>
        %add3A_534 = arith.addf %add3A_466, %mul3A_533 : vector<16xf32>
        %add3A_535 = arith.constant 144 : i32
        %add3A_536 = vector.broadcast %add3A_535 : i32 to vector<16xi32>
        %add3A_537 = arith.addi %add3A_536, %iota3A : vector<16xi32>
        %gather3A_538 = tpu.vector_load_idx %arg10[%add3A_537, %and3A_479] : memref<480x128xf32, #tpu.memory_space<vmem>>[vector<16xi32>, vector<16xi32>], vector<16xf32>,
        %mul3A_539 = arith.mulf %gather3A_538, %gather3A_480 : vector<16xf32>
        %add3A_540 = arith.addf %add3A_472, %mul3A_539 : vector<16xf32>
        scf.yield %add3A_486, %add3A_492, %add3A_498, %add3A_504, %add3A_510, %add3A_516, %add3A_522, %add3A_528, %add3A_534, %add3A_540 : vector<16xf32>, vector<16xf32>, vector<16xf32>, vector<16xf32>, vector<16xf32>, vector<16xf32>, vector<16xf32>, vector<16xf32>, vector<16xf32>, vector<16xf32>
      }
      %scan3A_157 = arith.constant 128 : i32
      %mul3A_158 = arith.constant 512 : i32
      %mul3A_159 = arith.muli %add3A_68, %mul3A_158 : i32
      %add3A_160 = arith.constant 0 : i32
      %add3A_161 = arith.addi %mul3A_159, %add3A_160 : i32
      %swap3A = arith.index_cast %add3A_161 : i32 to index
      %swap3A_162 = tpu.vector_load %arg11[%swap3A] {strides = array<i32>} : memref<16384xf32, #tpu.memory_space<vmem>>, vector<16xf32>,
      tpu.vector_store %arg11[%swap3A], %scan3A_156#0 {strides = array<i32>} : memref<16384xf32, #tpu.memory_space<vmem>>, vector<16xf32>,
      %mul3A_163 = arith.constant 512 : i32
      %mul3A_164 = arith.muli %add3A_68, %mul3A_163 : i32
      %add3A_165 = arith.constant 16 : i32
      %add3A_166 = arith.addi %mul3A_164, %add3A_165 : i32
      %swap3A_167 = arith.index_cast %add3A_166 : i32 to index
      %swap3A_168 = tpu.vector_load %arg11[%swap3A_167] {strides = array<i32>} : memref<16384xf32, #tpu.memory_space<vmem>>, vector<16xf32>,
      tpu.vector_store %arg11[%swap3A_167], %scan3A_156#1 {strides = array<i32>} : memref<16384xf32, #tpu.memory_space<vmem>>, vector<16xf32>,
      %mul3A_169 = arith.constant 512 : i32
      %mul3A_170 = arith.muli %add3A_68, %mul3A_169 : i32
      %add3A_171 = arith.constant 32 : i32
      %add3A_172 = arith.addi %mul3A_170, %add3A_171 : i32
      %swap3A_173 = arith.index_cast %add3A_172 : i32 to index
      %swap3A_174 = tpu.vector_load %arg11[%swap3A_173] {strides = array<i32>} : memref<16384xf32, #tpu.memory_space<vmem>>, vector<16xf32>,
      tpu.vector_store %arg11[%swap3A_173], %scan3A_156#2 {strides = array<i32>} : memref<16384xf32, #tpu.memory_space<vmem>>, vector<16xf32>,
      %mul3A_175 = arith.constant 512 : i32
      %mul3A_176 = arith.muli %add3A_68, %mul3A_175 : i32
      %add3A_177 = arith.constant 48 : i32
      %add3A_178 = arith.addi %mul3A_176, %add3A_177 : i32
      %swap3A_179 = arith.index_cast %add3A_178 : i32 to index
      %swap3A_180 = tpu.vector_load %arg11[%swap3A_179] {strides = array<i32>} : memref<16384xf32, #tpu.memory_space<vmem>>, vector<16xf32>,
      tpu.vector_store %arg11[%swap3A_179], %scan3A_156#3 {strides = array<i32>} : memref<16384xf32, #tpu.memory_space<vmem>>, vector<16xf32>,
      %mul3A_181 = arith.constant 512 : i32
      %mul3A_182 = arith.muli %add3A_68, %mul3A_181 : i32
      %add3A_183 = arith.constant 64 : i32
      %add3A_184 = arith.addi %mul3A_182, %add3A_183 : i32
      %swap3A_185 = arith.index_cast %add3A_184 : i32 to index
      %swap3A_186 = tpu.vector_load %arg11[%swap3A_185] {strides = array<i32>} : memref<16384xf32, #tpu.memory_space<vmem>>, vector<16xf32>,
      tpu.vector_store %arg11[%swap3A_185], %scan3A_156#4 {strides = array<i32>} : memref<16384xf32, #tpu.memory_space<vmem>>, vector<16xf32>,
      %mul3A_187 = arith.constant 512 : i32
      %mul3A_188 = arith.muli %add3A_68, %mul3A_187 : i32
      %add3A_189 = arith.constant 80 : i32
      %add3A_190 = arith.addi %mul3A_188, %add3A_189 : i32
      %swap3A_191 = arith.index_cast %add3A_190 : i32 to index
      %swap3A_192 = tpu.vector_load %arg11[%swap3A_191] {strides = array<i32>} : memref<16384xf32, #tpu.memory_space<vmem>>, vector<16xf32>,
      tpu.vector_store %arg11[%swap3A_191], %scan3A_156#5 {strides = array<i32>} : memref<16384xf32, #tpu.memory_space<vmem>>, vector<16xf32>,
      %mul3A_193 = arith.constant 512 : i32
      %mul3A_194 = arith.muli %add3A_68, %mul3A_193 : i32
      %add3A_195 = arith.constant 96 : i32
      %add3A_196 = arith.addi %mul3A_194, %add3A_195 : i32
      %swap3A_197 = arith.index_cast %add3A_196 : i32 to index
      %swap3A_198 = tpu.vector_load %arg11[%swap3A_197] {strides = array<i32>} : memref<16384xf32, #tpu.memory_space<vmem>>, vector<16xf32>,
      tpu.vector_store %arg11[%swap3A_197], %scan3A_156#6 {strides = array<i32>} : memref<16384xf32, #tpu.memory_space<vmem>>, vector<16xf32>,
      %mul3A_199 = arith.constant 512 : i32
      %mul3A_200 = arith.muli %add3A_68, %mul3A_199 : i32
      %add3A_201 = arith.constant 112 : i32
      %add3A_202 = arith.addi %mul3A_200, %add3A_201 : i32
      %swap3A_203 = arith.index_cast %add3A_202 : i32 to index
      %swap3A_204 = tpu.vector_load %arg11[%swap3A_203] {strides = array<i32>} : memref<16384xf32, #tpu.memory_space<vmem>>, vector<16xf32>,
      tpu.vector_store %arg11[%swap3A_203], %scan3A_156#7 {strides = array<i32>} : memref<16384xf32, #tpu.memory_space<vmem>>, vector<16xf32>,
      %mul3A_205 = arith.constant 512 : i32
      %mul3A_206 = arith.muli %add3A_68, %mul3A_205 : i32
      %add3A_207 = arith.constant 128 : i32
      %add3A_208 = arith.addi %mul3A_206, %add3A_207 : i32
      %swap3A_209 = arith.index_cast %add3A_208 : i32 to index
      %swap3A_210 = tpu.vector_load %arg11[%swap3A_209] {strides = array<i32>} : memref<16384xf32, #tpu.memory_space<vmem>>, vector<16xf32>,
      tpu.vector_store %arg11[%swap3A_209], %scan3A_156#8 {strides = array<i32>} : memref<16384xf32, #tpu.memory_space<vmem>>, vector<16xf32>,
      %mul3A_211 = arith.constant 512 : i32
      %mul3A_212 = arith.muli %add3A_68, %mul3A_211 : i32
      %add3A_213 = arith.constant 144 : i32
      %add3A_214 = arith.addi %mul3A_212, %add3A_213 : i32
      %swap3A_215 = arith.index_cast %add3A_214 : i32 to index
      %swap3A_216 = tpu.vector_load %arg11[%swap3A_215] {strides = array<i32>} : memref<16384xf32, #tpu.memory_space<vmem>>, vector<16xf32>,
      tpu.vector_store %arg11[%swap3A_215], %scan3A_156#9 {strides = array<i32>} : memref<16384xf32, #tpu.memory_space<vmem>>, vector<16xf32>,
      %mul3A_217 = arith.constant 480 : i32
      %mul3A_218 = arith.muli %add3A_68, %mul3A_217 : i32
      %add3A_219 = arith.constant 192 : i32
      %add3A_220 = arith.addi %mul3A_218, %add3A_219 : i32
      %dma_wait3A_221 = arith.constant 192 : i32
      %dma_wait3A_222 = arith.constant 0 : i32
      %dma_wait3A_223 = tpu.memref_slice %arg10[%dma_wait3A_221, %dma_wait3A_222] : memref<480x128xf32, #tpu.memory_space<vmem>> -> memref<96x128xf32, #tpu.memory_space<vmem>>
      %dma_wait3A_224 = tpu.memref_slice %arg8[%add3A_220] : memref<15360xi32, #tpu.memory_space<vmem>> -> memref<96xi32, #tpu.memory_space<vmem>>
      %dma_wait3A_225 = arith.constant 0 : i32
      %dma_wait3A_226 = arith.constant 0 : i32
      %dma_wait3A_227 = tpu.memref_slice %arg3[%dma_wait3A_225, %dma_wait3A_226] : memref<100000x128xf32, #tpu.memory_space<hbm>> -> memref<100000x128xf32, #tpu.memory_space<hbm>>
      tpu.wait_indirect_dma semaphore(%arg14 : memref<!tpu.dma_semaphore, #tpu.memory_space<semaphore_mem>>) src(%dma_wait3A_227 : memref<100000x128xf32, #tpu.memory_space<hbm>>) dst(%dma_wait3A_223 : memref<96x128xf32, #tpu.memory_space<vmem>>)
      %mul3A_228 = arith.constant 480 : i32
      %mul3A_229 = arith.muli %add3A_68, %mul3A_228 : i32
      %add3A_230 = arith.constant 288 : i32
      %add3A_231 = arith.addi %mul3A_229, %add3A_230 : i32
      %dma_wait3A_232 = arith.constant 288 : i32
      %dma_wait3A_233 = arith.constant 0 : i32
      %dma_wait3A_234 = tpu.memref_slice %arg10[%dma_wait3A_232, %dma_wait3A_233] : memref<480x128xf32, #tpu.memory_space<vmem>> -> memref<96x128xf32, #tpu.memory_space<vmem>>
      %dma_wait3A_235 = tpu.memref_slice %arg8[%add3A_231] : memref<15360xi32, #tpu.memory_space<vmem>> -> memref<96xi32, #tpu.memory_space<vmem>>
      %dma_wait3A_236 = arith.constant 0 : i32
      %dma_wait3A_237 = arith.constant 0 : i32
      %dma_wait3A_238 = tpu.memref_slice %arg3[%dma_wait3A_236, %dma_wait3A_237] : memref<100000x128xf32, #tpu.memory_space<hbm>> -> memref<100000x128xf32, #tpu.memory_space<hbm>>
      tpu.wait_indirect_dma semaphore(%arg15 : memref<!tpu.dma_semaphore, #tpu.memory_space<semaphore_mem>>) src(%dma_wait3A_238 : memref<100000x128xf32, #tpu.memory_space<hbm>>) dst(%dma_wait3A_234 : memref<96x128xf32, #tpu.memory_space<vmem>>)
      %broadcast_in_dim3A_239 = arith.constant 0.000000e+00 : f32
      %broadcast_in_dim3A_240 = vector.broadcast %broadcast_in_dim3A_239 : f32 to vector<16xf32>
      %mul3A_241 = arith.constant 16 : i32
      %mul3A_242 = arith.muli %add3A_68, %mul3A_241 : i32
      %sub3A_243 = arith.constant 128 : i32
      %sub3A_244 = arith.subi %mul3A_242, %sub3A_243 : i32
      %broadcast_in_dim3A_245 = vector.broadcast %sub3A_244 : i32 to vector<16xi32>
      %add3A_246 = arith.addi %broadcast_in_dim3A_245, %iota3A : vector<16xi32>
      %scan3A_247 = arith.constant 0 : i32
      %scan3A_248 = arith.constant 128 : i32
      %scan3A_249 = arith.addi %scan3A_247, %scan3A_248 : i32
      %scan3A_250 = arith.constant 2 : i32
      %scan3A_251:10 = scf.for %scan3A_398 = %scan3A_247 to %scan3A_249 step %scan3A_250 iter_args(%scan3A_399 = %broadcast_in_dim3A_240, %scan3A_400 = %broadcast_in_dim3A_240, %scan3A_401 = %broadcast_in_dim3A_240, %scan3A_402 = %broadcast_in_dim3A_240, %scan3A_403 = %broadcast_in_dim3A_240, %scan3A_404 = %broadcast_in_dim3A_240, %scan3A_405 = %broadcast_in_dim3A_240, %scan3A_406 = %broadcast_in_dim3A_240, %scan3A_407 = %broadcast_in_dim3A_240, %scan3A_408 = %broadcast_in_dim3A_240) -> (vector<16xf32>, vector<16xf32>, vector<16xf32>, vector<16xf32>, vector<16xf32>, vector<16xf32>, vector<16xf32>, vector<16xf32>, vector<16xf32>, vector<16xf32>)  : i32 {
        %broadcast_in_dim3A_409 = vector.broadcast %scan3A_398 : i32 to vector<16xi32>
        %add3A_410 = arith.addi %broadcast_in_dim3A_409, %iota3A : vector<16xi32>
        %and3A = arith.constant 127 : i32
        %and3A_411 = vector.broadcast %and3A : i32 to vector<16xi32>
        %and3A_412 = arith.andi %add3A_410, %and3A_411 : vector<16xi32>
        %gather3A = tpu.vector_load_idx %arg9[%add3A_246, %and3A_412] : memref<128x128xf32, #tpu.memory_space<vmem>>[vector<16xi32>, vector<16xi32>], vector<16xf32>,
        %add3A_413 = arith.constant 160 : i32
        %add3A_414 = vector.broadcast %add3A_413 : i32 to vector<16xi32>
        %add3A_415 = arith.addi %add3A_414, %iota3A : vector<16xi32>
        %gather3A_416 = tpu.vector_load_idx %arg10[%add3A_415, %and3A_412] : memref<480x128xf32, #tpu.memory_space<vmem>>[vector<16xi32>, vector<16xi32>], vector<16xf32>,
        %mul3A_417 = arith.mulf %gather3A_416, %gather3A : vector<16xf32>
        %add3A_418 = arith.addf %scan3A_399, %mul3A_417 : vector<16xf32>
        %add3A_419 = arith.constant 176 : i32
        %add3A_420 = vector.broadcast %add3A_419 : i32 to vector<16xi32>
        %add3A_421 = arith.addi %add3A_420, %iota3A : vector<16xi32>
        %gather3A_422 = tpu.vector_load_idx %arg10[%add3A_421, %and3A_412] : memref<480x128xf32, #tpu.memory_space<vmem>>[vector<16xi32>, vector<16xi32>], vector<16xf32>,
        %mul3A_423 = arith.mulf %gather3A_422, %gather3A : vector<16xf32>
        %add3A_424 = arith.addf %scan3A_400, %mul3A_423 : vector<16xf32>
        %add3A_425 = arith.constant 192 : i32
        %add3A_426 = vector.broadcast %add3A_425 : i32 to vector<16xi32>
        %add3A_427 = arith.addi %add3A_426, %iota3A : vector<16xi32>
        %gather3A_428 = tpu.vector_load_idx %arg10[%add3A_427, %and3A_412] : memref<480x128xf32, #tpu.memory_space<vmem>>[vector<16xi32>, vector<16xi32>], vector<16xf32>,
        %mul3A_429 = arith.mulf %gather3A_428, %gather3A : vector<16xf32>
        %add3A_430 = arith.addf %scan3A_401, %mul3A_429 : vector<16xf32>
        %add3A_431 = arith.constant 208 : i32
        %add3A_432 = vector.broadcast %add3A_431 : i32 to vector<16xi32>
        %add3A_433 = arith.addi %add3A_432, %iota3A : vector<16xi32>
        %gather3A_434 = tpu.vector_load_idx %arg10[%add3A_433, %and3A_412] : memref<480x128xf32, #tpu.memory_space<vmem>>[vector<16xi32>, vector<16xi32>], vector<16xf32>,
        %mul3A_435 = arith.mulf %gather3A_434, %gather3A : vector<16xf32>
        %add3A_436 = arith.addf %scan3A_402, %mul3A_435 : vector<16xf32>
        %add3A_437 = arith.constant 224 : i32
        %add3A_438 = vector.broadcast %add3A_437 : i32 to vector<16xi32>
        %add3A_439 = arith.addi %add3A_438, %iota3A : vector<16xi32>
        %gather3A_440 = tpu.vector_load_idx %arg10[%add3A_439, %and3A_412] : memref<480x128xf32, #tpu.memory_space<vmem>>[vector<16xi32>, vector<16xi32>], vector<16xf32>,
        %mul3A_441 = arith.mulf %gather3A_440, %gather3A : vector<16xf32>
        %add3A_442 = arith.addf %scan3A_403, %mul3A_441 : vector<16xf32>
        %add3A_443 = arith.constant 240 : i32
        %add3A_444 = vector.broadcast %add3A_443 : i32 to vector<16xi32>
        %add3A_445 = arith.addi %add3A_444, %iota3A : vector<16xi32>
        %gather3A_446 = tpu.vector_load_idx %arg10[%add3A_445, %and3A_412] : memref<480x128xf32, #tpu.memory_space<vmem>>[vector<16xi32>, vector<16xi32>], vector<16xf32>,
        %mul3A_447 = arith.mulf %gather3A_446, %gather3A : vector<16xf32>
        %add3A_448 = arith.addf %scan3A_404, %mul3A_447 : vector<16xf32>
        %add3A_449 = arith.constant 256 : i32
        %add3A_450 = vector.broadcast %add3A_449 : i32 to vector<16xi32>
        %add3A_451 = arith.addi %add3A_450, %iota3A : vector<16xi32>
        %gather3A_452 = tpu.vector_load_idx %arg10[%add3A_451, %and3A_412] : memref<480x128xf32, #tpu.memory_space<vmem>>[vector<16xi32>, vector<16xi32>], vector<16xf32>,
        %mul3A_453 = arith.mulf %gather3A_452, %gather3A : vector<16xf32>
        %add3A_454 = arith.addf %scan3A_405, %mul3A_453 : vector<16xf32>
        %add3A_455 = arith.constant 272 : i32
        %add3A_456 = vector.broadcast %add3A_455 : i32 to vector<16xi32>
        %add3A_457 = arith.addi %add3A_456, %iota3A : vector<16xi32>
        %gather3A_458 = tpu.vector_load_idx %arg10[%add3A_457, %and3A_412] : memref<480x128xf32, #tpu.memory_space<vmem>>[vector<16xi32>, vector<16xi32>], vector<16xf32>,
        %mul3A_459 = arith.mulf %gather3A_458, %gather3A : vector<16xf32>
        %add3A_460 = arith.addf %scan3A_406, %mul3A_459 : vector<16xf32>
        %add3A_461 = arith.constant 288 : i32
        %add3A_462 = vector.broadcast %add3A_461 : i32 to vector<16xi32>
        %add3A_463 = arith.addi %add3A_462, %iota3A : vector<16xi32>
        %gather3A_464 = tpu.vector_load_idx %arg10[%add3A_463, %and3A_412] : memref<480x128xf32, #tpu.memory_space<vmem>>[vector<16xi32>, vector<16xi32>], vector<16xf32>,
        %mul3A_465 = arith.mulf %gather3A_464, %gather3A : vector<16xf32>
        %add3A_466 = arith.addf %scan3A_407, %mul3A_465 : vector<16xf32>
        %add3A_467 = arith.constant 304 : i32
        %add3A_468 = vector.broadcast %add3A_467 : i32 to vector<16xi32>
        %add3A_469 = arith.addi %add3A_468, %iota3A : vector<16xi32>
        %gather3A_470 = tpu.vector_load_idx %arg10[%add3A_469, %and3A_412] : memref<480x128xf32, #tpu.memory_space<vmem>>[vector<16xi32>, vector<16xi32>], vector<16xf32>,
        %mul3A_471 = arith.mulf %gather3A_470, %gather3A : vector<16xf32>
        %add3A_472 = arith.addf %scan3A_408, %mul3A_471 : vector<16xf32>
        %scan3A_473 = arith.constant 1 : i32
        %scan3A_474 = arith.addi %scan3A_398, %scan3A_473 : i32
        %broadcast_in_dim3A_475 = vector.broadcast %scan3A_474 : i32 to vector<16xi32>
        %add3A_476 = arith.addi %broadcast_in_dim3A_475, %iota3A : vector<16xi32>
        %and3A_477 = arith.constant 127 : i32
        %and3A_478 = vector.broadcast %and3A_477 : i32 to vector<16xi32>
        %and3A_479 = arith.andi %add3A_476, %and3A_478 : vector<16xi32>
        %gather3A_480 = tpu.vector_load_idx %arg9[%add3A_246, %and3A_479] : memref<128x128xf32, #tpu.memory_space<vmem>>[vector<16xi32>, vector<16xi32>], vector<16xf32>,
        %add3A_481 = arith.constant 160 : i32
        %add3A_482 = vector.broadcast %add3A_481 : i32 to vector<16xi32>
        %add3A_483 = arith.addi %add3A_482, %iota3A : vector<16xi32>
        %gather3A_484 = tpu.vector_load_idx %arg10[%add3A_483, %and3A_479] : memref<480x128xf32, #tpu.memory_space<vmem>>[vector<16xi32>, vector<16xi32>], vector<16xf32>,
        %mul3A_485 = arith.mulf %gather3A_484, %gather3A_480 : vector<16xf32>
        %add3A_486 = arith.addf %add3A_418, %mul3A_485 : vector<16xf32>
        %add3A_487 = arith.constant 176 : i32
        %add3A_488 = vector.broadcast %add3A_487 : i32 to vector<16xi32>
        %add3A_489 = arith.addi %add3A_488, %iota3A : vector<16xi32>
        %gather3A_490 = tpu.vector_load_idx %arg10[%add3A_489, %and3A_479] : memref<480x128xf32, #tpu.memory_space<vmem>>[vector<16xi32>, vector<16xi32>], vector<16xf32>,
        %mul3A_491 = arith.mulf %gather3A_490, %gather3A_480 : vector<16xf32>
        %add3A_492 = arith.addf %add3A_424, %mul3A_491 : vector<16xf32>
        %add3A_493 = arith.constant 192 : i32
        %add3A_494 = vector.broadcast %add3A_493 : i32 to vector<16xi32>
        %add3A_495 = arith.addi %add3A_494, %iota3A : vector<16xi32>
        %gather3A_496 = tpu.vector_load_idx %arg10[%add3A_495, %and3A_479] : memref<480x128xf32, #tpu.memory_space<vmem>>[vector<16xi32>, vector<16xi32>], vector<16xf32>,
        %mul3A_497 = arith.mulf %gather3A_496, %gather3A_480 : vector<16xf32>
        %add3A_498 = arith.addf %add3A_430, %mul3A_497 : vector<16xf32>
        %add3A_499 = arith.constant 208 : i32
        %add3A_500 = vector.broadcast %add3A_499 : i32 to vector<16xi32>
        %add3A_501 = arith.addi %add3A_500, %iota3A : vector<16xi32>
        %gather3A_502 = tpu.vector_load_idx %arg10[%add3A_501, %and3A_479] : memref<480x128xf32, #tpu.memory_space<vmem>>[vector<16xi32>, vector<16xi32>], vector<16xf32>,
        %mul3A_503 = arith.mulf %gather3A_502, %gather3A_480 : vector<16xf32>
        %add3A_504 = arith.addf %add3A_436, %mul3A_503 : vector<16xf32>
        %add3A_505 = arith.constant 224 : i32
        %add3A_506 = vector.broadcast %add3A_505 : i32 to vector<16xi32>
        %add3A_507 = arith.addi %add3A_506, %iota3A : vector<16xi32>
        %gather3A_508 = tpu.vector_load_idx %arg10[%add3A_507, %and3A_479] : memref<480x128xf32, #tpu.memory_space<vmem>>[vector<16xi32>, vector<16xi32>], vector<16xf32>,
        %mul3A_509 = arith.mulf %gather3A_508, %gather3A_480 : vector<16xf32>
        %add3A_510 = arith.addf %add3A_442, %mul3A_509 : vector<16xf32>
        %add3A_511 = arith.constant 240 : i32
        %add3A_512 = vector.broadcast %add3A_511 : i32 to vector<16xi32>
        %add3A_513 = arith.addi %add3A_512, %iota3A : vector<16xi32>
        %gather3A_514 = tpu.vector_load_idx %arg10[%add3A_513, %and3A_479] : memref<480x128xf32, #tpu.memory_space<vmem>>[vector<16xi32>, vector<16xi32>], vector<16xf32>,
        %mul3A_515 = arith.mulf %gather3A_514, %gather3A_480 : vector<16xf32>
        %add3A_516 = arith.addf %add3A_448, %mul3A_515 : vector<16xf32>
        %add3A_517 = arith.constant 256 : i32
        %add3A_518 = vector.broadcast %add3A_517 : i32 to vector<16xi32>
        %add3A_519 = arith.addi %add3A_518, %iota3A : vector<16xi32>
        %gather3A_520 = tpu.vector_load_idx %arg10[%add3A_519, %and3A_479] : memref<480x128xf32, #tpu.memory_space<vmem>>[vector<16xi32>, vector<16xi32>], vector<16xf32>,
        %mul3A_521 = arith.mulf %gather3A_520, %gather3A_480 : vector<16xf32>
        %add3A_522 = arith.addf %add3A_454, %mul3A_521 : vector<16xf32>
        %add3A_523 = arith.constant 272 : i32
        %add3A_524 = vector.broadcast %add3A_523 : i32 to vector<16xi32>
        %add3A_525 = arith.addi %add3A_524, %iota3A : vector<16xi32>
        %gather3A_526 = tpu.vector_load_idx %arg10[%add3A_525, %and3A_479] : memref<480x128xf32, #tpu.memory_space<vmem>>[vector<16xi32>, vector<16xi32>], vector<16xf32>,
        %mul3A_527 = arith.mulf %gather3A_526, %gather3A_480 : vector<16xf32>
        %add3A_528 = arith.addf %add3A_460, %mul3A_527 : vector<16xf32>
        %add3A_529 = arith.constant 288 : i32
        %add3A_530 = vector.broadcast %add3A_529 : i32 to vector<16xi32>
        %add3A_531 = arith.addi %add3A_530, %iota3A : vector<16xi32>
        %gather3A_532 = tpu.vector_load_idx %arg10[%add3A_531, %and3A_479] : memref<480x128xf32, #tpu.memory_space<vmem>>[vector<16xi32>, vector<16xi32>], vector<16xf32>,
        %mul3A_533 = arith.mulf %gather3A_532, %gather3A_480 : vector<16xf32>
        %add3A_534 = arith.addf %add3A_466, %mul3A_533 : vector<16xf32>
        %add3A_535 = arith.constant 304 : i32
        %add3A_536 = vector.broadcast %add3A_535 : i32 to vector<16xi32>
        %add3A_537 = arith.addi %add3A_536, %iota3A : vector<16xi32>
        %gather3A_538 = tpu.vector_load_idx %arg10[%add3A_537, %and3A_479] : memref<480x128xf32, #tpu.memory_space<vmem>>[vector<16xi32>, vector<16xi32>], vector<16xf32>,
        %mul3A_539 = arith.mulf %gather3A_538, %gather3A_480 : vector<16xf32>
        %add3A_540 = arith.addf %add3A_472, %mul3A_539 : vector<16xf32>
        scf.yield %add3A_486, %add3A_492, %add3A_498, %add3A_504, %add3A_510, %add3A_516, %add3A_522, %add3A_528, %add3A_534, %add3A_540 : vector<16xf32>, vector<16xf32>, vector<16xf32>, vector<16xf32>, vector<16xf32>, vector<16xf32>, vector<16xf32>, vector<16xf32>, vector<16xf32>, vector<16xf32>
      }
      %scan3A_252 = arith.constant 128 : i32
      %mul3A_253 = arith.constant 512 : i32
      %mul3A_254 = arith.muli %add3A_68, %mul3A_253 : i32
      %add3A_255 = arith.constant 160 : i32
      %add3A_256 = arith.addi %mul3A_254, %add3A_255 : i32
      %swap3A_257 = arith.index_cast %add3A_256 : i32 to index
      %swap3A_258 = tpu.vector_load %arg11[%swap3A_257] {strides = array<i32>} : memref<16384xf32, #tpu.memory_space<vmem>>, vector<16xf32>,
      tpu.vector_store %arg11[%swap3A_257], %scan3A_251#0 {strides = array<i32>} : memref<16384xf32, #tpu.memory_space<vmem>>, vector<16xf32>,
      %mul3A_259 = arith.constant 512 : i32
      %mul3A_260 = arith.muli %add3A_68, %mul3A_259 : i32
      %add3A_261 = arith.constant 176 : i32
      %add3A_262 = arith.addi %mul3A_260, %add3A_261 : i32
      %swap3A_263 = arith.index_cast %add3A_262 : i32 to index
      %swap3A_264 = tpu.vector_load %arg11[%swap3A_263] {strides = array<i32>} : memref<16384xf32, #tpu.memory_space<vmem>>, vector<16xf32>,
      tpu.vector_store %arg11[%swap3A_263], %scan3A_251#1 {strides = array<i32>} : memref<16384xf32, #tpu.memory_space<vmem>>, vector<16xf32>,
      %mul3A_265 = arith.constant 512 : i32
      %mul3A_266 = arith.muli %add3A_68, %mul3A_265 : i32
      %add3A_267 = arith.constant 192 : i32
      %add3A_268 = arith.addi %mul3A_266, %add3A_267 : i32
      %swap3A_269 = arith.index_cast %add3A_268 : i32 to index
      %swap3A_270 = tpu.vector_load %arg11[%swap3A_269] {strides = array<i32>} : memref<16384xf32, #tpu.memory_space<vmem>>, vector<16xf32>,
      tpu.vector_store %arg11[%swap3A_269], %scan3A_251#2 {strides = array<i32>} : memref<16384xf32, #tpu.memory_space<vmem>>, vector<16xf32>,
      %mul3A_271 = arith.constant 512 : i32
      %mul3A_272 = arith.muli %add3A_68, %mul3A_271 : i32
      %add3A_273 = arith.constant 208 : i32
      %add3A_274 = arith.addi %mul3A_272, %add3A_273 : i32
      %swap3A_275 = arith.index_cast %add3A_274 : i32 to index
      %swap3A_276 = tpu.vector_load %arg11[%swap3A_275] {strides = array<i32>} : memref<16384xf32, #tpu.memory_space<vmem>>, vector<16xf32>,
      tpu.vector_store %arg11[%swap3A_275], %scan3A_251#3 {strides = array<i32>} : memref<16384xf32, #tpu.memory_space<vmem>>, vector<16xf32>,
      %mul3A_277 = arith.constant 512 : i32
      %mul3A_278 = arith.muli %add3A_68, %mul3A_277 : i32
      %add3A_279 = arith.constant 224 : i32
      %add3A_280 = arith.addi %mul3A_278, %add3A_279 : i32
      %swap3A_281 = arith.index_cast %add3A_280 : i32 to index
      %swap3A_282 = tpu.vector_load %arg11[%swap3A_281] {strides = array<i32>} : memref<16384xf32, #tpu.memory_space<vmem>>, vector<16xf32>,
      tpu.vector_store %arg11[%swap3A_281], %scan3A_251#4 {strides = array<i32>} : memref<16384xf32, #tpu.memory_space<vmem>>, vector<16xf32>,
      %mul3A_283 = arith.constant 512 : i32
      %mul3A_284 = arith.muli %add3A_68, %mul3A_283 : i32
      %add3A_285 = arith.constant 240 : i32
      %add3A_286 = arith.addi %mul3A_284, %add3A_285 : i32
      %swap3A_287 = arith.index_cast %add3A_286 : i32 to index
      %swap3A_288 = tpu.vector_load %arg11[%swap3A_287] {strides = array<i32>} : memref<16384xf32, #tpu.memory_space<vmem>>, vector<16xf32>,
      tpu.vector_store %arg11[%swap3A_287], %scan3A_251#5 {strides = array<i32>} : memref<16384xf32, #tpu.memory_space<vmem>>, vector<16xf32>,
      %mul3A_289 = arith.constant 512 : i32
      %mul3A_290 = arith.muli %add3A_68, %mul3A_289 : i32
      %add3A_291 = arith.constant 256 : i32
      %add3A_292 = arith.addi %mul3A_290, %add3A_291 : i32
      %swap3A_293 = arith.index_cast %add3A_292 : i32 to index
      %swap3A_294 = tpu.vector_load %arg11[%swap3A_293] {strides = array<i32>} : memref<16384xf32, #tpu.memory_space<vmem>>, vector<16xf32>,
      tpu.vector_store %arg11[%swap3A_293], %scan3A_251#6 {strides = array<i32>} : memref<16384xf32, #tpu.memory_space<vmem>>, vector<16xf32>,
      %mul3A_295 = arith.constant 512 : i32
      %mul3A_296 = arith.muli %add3A_68, %mul3A_295 : i32
      %add3A_297 = arith.constant 272 : i32
      %add3A_298 = arith.addi %mul3A_296, %add3A_297 : i32
      %swap3A_299 = arith.index_cast %add3A_298 : i32 to index
      %swap3A_300 = tpu.vector_load %arg11[%swap3A_299] {strides = array<i32>} : memref<16384xf32, #tpu.memory_space<vmem>>, vector<16xf32>,
      tpu.vector_store %arg11[%swap3A_299], %scan3A_251#7 {strides = array<i32>} : memref<16384xf32, #tpu.memory_space<vmem>>, vector<16xf32>,
      %mul3A_301 = arith.constant 512 : i32
      %mul3A_302 = arith.muli %add3A_68, %mul3A_301 : i32
      %add3A_303 = arith.constant 288 : i32
      %add3A_304 = arith.addi %mul3A_302, %add3A_303 : i32
      %swap3A_305 = arith.index_cast %add3A_304 : i32 to index
      %swap3A_306 = tpu.vector_load %arg11[%swap3A_305] {strides = array<i32>} : memref<16384xf32, #tpu.memory_space<vmem>>, vector<16xf32>,
      tpu.vector_store %arg11[%swap3A_305], %scan3A_251#8 {strides = array<i32>} : memref<16384xf32, #tpu.memory_space<vmem>>, vector<16xf32>,
      %mul3A_307 = arith.constant 512 : i32
      %mul3A_308 = arith.muli %add3A_68, %mul3A_307 : i32
      %add3A_309 = arith.constant 304 : i32
      %add3A_310 = arith.addi %mul3A_308, %add3A_309 : i32
      %swap3A_311 = arith.index_cast %add3A_310 : i32 to index
      %swap3A_312 = tpu.vector_load %arg11[%swap3A_311] {strides = array<i32>} : memref<16384xf32, #tpu.memory_space<vmem>>, vector<16xf32>,
      tpu.vector_store %arg11[%swap3A_311], %scan3A_251#9 {strides = array<i32>} : memref<16384xf32, #tpu.memory_space<vmem>>, vector<16xf32>,
      %mul3A_313 = arith.constant 480 : i32
      %mul3A_314 = arith.muli %add3A_68, %mul3A_313 : i32
      %add3A_315 = arith.constant 384 : i32
      %add3A_316 = arith.addi %mul3A_314, %add3A_315 : i32
      %dma_wait3A_317 = arith.constant 384 : i32
      %dma_wait3A_318 = arith.constant 0 : i32
      %dma_wait3A_319 = tpu.memref_slice %arg10[%dma_wait3A_317, %dma_wait3A_318] : memref<480x128xf32, #tpu.memory_space<vmem>> -> memref<96x128xf32, #tpu.memory_space<vmem>>
      %dma_wait3A_320 = tpu.memref_slice %arg8[%add3A_316] : memref<15360xi32, #tpu.memory_space<vmem>> -> memref<96xi32, #tpu.memory_space<vmem>>
      %dma_wait3A_321 = arith.constant 0 : i32
      %dma_wait3A_322 = arith.constant 0 : i32
      %dma_wait3A_323 = tpu.memref_slice %arg3[%dma_wait3A_321, %dma_wait3A_322] : memref<100000x128xf32, #tpu.memory_space<hbm>> -> memref<100000x128xf32, #tpu.memory_space<hbm>>
      tpu.wait_indirect_dma semaphore(%arg16 : memref<!tpu.dma_semaphore, #tpu.memory_space<semaphore_mem>>) src(%dma_wait3A_323 : memref<100000x128xf32, #tpu.memory_space<hbm>>) dst(%dma_wait3A_319 : memref<96x128xf32, #tpu.memory_space<vmem>>)
      %broadcast_in_dim3A_324 = arith.constant 0.000000e+00 : f32
      %broadcast_in_dim3A_325 = vector.broadcast %broadcast_in_dim3A_324 : f32 to vector<16xf32>
      %mul3A_326 = arith.constant 16 : i32
      %mul3A_327 = arith.muli %add3A_68, %mul3A_326 : i32
      %sub3A_328 = arith.constant 128 : i32
      %sub3A_329 = arith.subi %mul3A_327, %sub3A_328 : i32
      %broadcast_in_dim3A_330 = vector.broadcast %sub3A_329 : i32 to vector<16xi32>
      %add3A_331 = arith.addi %broadcast_in_dim3A_330, %iota3A : vector<16xi32>
      %scan3A_332 = arith.constant 0 : i32
      %scan3A_333 = arith.constant 128 : i32
      %scan3A_334 = arith.addi %scan3A_332, %scan3A_333 : i32
      %scan3A_335 = arith.constant 2 : i32
      %scan3A_336:10 = scf.for %scan3A_398 = %scan3A_332 to %scan3A_334 step %scan3A_335 iter_args(%scan3A_399 = %broadcast_in_dim3A_325, %scan3A_400 = %broadcast_in_dim3A_325, %scan3A_401 = %broadcast_in_dim3A_325, %scan3A_402 = %broadcast_in_dim3A_325, %scan3A_403 = %broadcast_in_dim3A_325, %scan3A_404 = %broadcast_in_dim3A_325, %scan3A_405 = %broadcast_in_dim3A_325, %scan3A_406 = %broadcast_in_dim3A_325, %scan3A_407 = %broadcast_in_dim3A_325, %scan3A_408 = %broadcast_in_dim3A_325) -> (vector<16xf32>, vector<16xf32>, vector<16xf32>, vector<16xf32>, vector<16xf32>, vector<16xf32>, vector<16xf32>, vector<16xf32>, vector<16xf32>, vector<16xf32>)  : i32 {
        %broadcast_in_dim3A_409 = vector.broadcast %scan3A_398 : i32 to vector<16xi32>
        %add3A_410 = arith.addi %broadcast_in_dim3A_409, %iota3A : vector<16xi32>
        %and3A = arith.constant 127 : i32
        %and3A_411 = vector.broadcast %and3A : i32 to vector<16xi32>
        %and3A_412 = arith.andi %add3A_410, %and3A_411 : vector<16xi32>
        %gather3A = tpu.vector_load_idx %arg9[%add3A_331, %and3A_412] : memref<128x128xf32, #tpu.memory_space<vmem>>[vector<16xi32>, vector<16xi32>], vector<16xf32>,
        %add3A_413 = arith.constant 320 : i32
        %add3A_414 = vector.broadcast %add3A_413 : i32 to vector<16xi32>
        %add3A_415 = arith.addi %add3A_414, %iota3A : vector<16xi32>
        %gather3A_416 = tpu.vector_load_idx %arg10[%add3A_415, %and3A_412] : memref<480x128xf32, #tpu.memory_space<vmem>>[vector<16xi32>, vector<16xi32>], vector<16xf32>,
        %mul3A_417 = arith.mulf %gather3A_416, %gather3A : vector<16xf32>
        %add3A_418 = arith.addf %scan3A_399, %mul3A_417 : vector<16xf32>
        %add3A_419 = arith.constant 336 : i32
        %add3A_420 = vector.broadcast %add3A_419 : i32 to vector<16xi32>
        %add3A_421 = arith.addi %add3A_420, %iota3A : vector<16xi32>
        %gather3A_422 = tpu.vector_load_idx %arg10[%add3A_421, %and3A_412] : memref<480x128xf32, #tpu.memory_space<vmem>>[vector<16xi32>, vector<16xi32>], vector<16xf32>,
        %mul3A_423 = arith.mulf %gather3A_422, %gather3A : vector<16xf32>
        %add3A_424 = arith.addf %scan3A_400, %mul3A_423 : vector<16xf32>
        %add3A_425 = arith.constant 352 : i32
        %add3A_426 = vector.broadcast %add3A_425 : i32 to vector<16xi32>
        %add3A_427 = arith.addi %add3A_426, %iota3A : vector<16xi32>
        %gather3A_428 = tpu.vector_load_idx %arg10[%add3A_427, %and3A_412] : memref<480x128xf32, #tpu.memory_space<vmem>>[vector<16xi32>, vector<16xi32>], vector<16xf32>,
        %mul3A_429 = arith.mulf %gather3A_428, %gather3A : vector<16xf32>
        %add3A_430 = arith.addf %scan3A_401, %mul3A_429 : vector<16xf32>
        %add3A_431 = arith.constant 368 : i32
        %add3A_432 = vector.broadcast %add3A_431 : i32 to vector<16xi32>
        %add3A_433 = arith.addi %add3A_432, %iota3A : vector<16xi32>
        %gather3A_434 = tpu.vector_load_idx %arg10[%add3A_433, %and3A_412] : memref<480x128xf32, #tpu.memory_space<vmem>>[vector<16xi32>, vector<16xi32>], vector<16xf32>,
        %mul3A_435 = arith.mulf %gather3A_434, %gather3A : vector<16xf32>
        %add3A_436 = arith.addf %scan3A_402, %mul3A_435 : vector<16xf32>
        %add3A_437 = arith.constant 384 : i32
        %add3A_438 = vector.broadcast %add3A_437 : i32 to vector<16xi32>
        %add3A_439 = arith.addi %add3A_438, %iota3A : vector<16xi32>
        %gather3A_440 = tpu.vector_load_idx %arg10[%add3A_439, %and3A_412] : memref<480x128xf32, #tpu.memory_space<vmem>>[vector<16xi32>, vector<16xi32>], vector<16xf32>,
        %mul3A_441 = arith.mulf %gather3A_440, %gather3A : vector<16xf32>
        %add3A_442 = arith.addf %scan3A_403, %mul3A_441 : vector<16xf32>
        %add3A_443 = arith.constant 400 : i32
        %add3A_444 = vector.broadcast %add3A_443 : i32 to vector<16xi32>
        %add3A_445 = arith.addi %add3A_444, %iota3A : vector<16xi32>
        %gather3A_446 = tpu.vector_load_idx %arg10[%add3A_445, %and3A_412] : memref<480x128xf32, #tpu.memory_space<vmem>>[vector<16xi32>, vector<16xi32>], vector<16xf32>,
        %mul3A_447 = arith.mulf %gather3A_446, %gather3A : vector<16xf32>
        %add3A_448 = arith.addf %scan3A_404, %mul3A_447 : vector<16xf32>
        %add3A_449 = arith.constant 416 : i32
        %add3A_450 = vector.broadcast %add3A_449 : i32 to vector<16xi32>
        %add3A_451 = arith.addi %add3A_450, %iota3A : vector<16xi32>
        %gather3A_452 = tpu.vector_load_idx %arg10[%add3A_451, %and3A_412] : memref<480x128xf32, #tpu.memory_space<vmem>>[vector<16xi32>, vector<16xi32>], vector<16xf32>,
        %mul3A_453 = arith.mulf %gather3A_452, %gather3A : vector<16xf32>
        %add3A_454 = arith.addf %scan3A_405, %mul3A_453 : vector<16xf32>
        %add3A_455 = arith.constant 432 : i32
        %add3A_456 = vector.broadcast %add3A_455 : i32 to vector<16xi32>
        %add3A_457 = arith.addi %add3A_456, %iota3A : vector<16xi32>
        %gather3A_458 = tpu.vector_load_idx %arg10[%add3A_457, %and3A_412] : memref<480x128xf32, #tpu.memory_space<vmem>>[vector<16xi32>, vector<16xi32>], vector<16xf32>,
        %mul3A_459 = arith.mulf %gather3A_458, %gather3A : vector<16xf32>
        %add3A_460 = arith.addf %scan3A_406, %mul3A_459 : vector<16xf32>
        %add3A_461 = arith.constant 448 : i32
        %add3A_462 = vector.broadcast %add3A_461 : i32 to vector<16xi32>
        %add3A_463 = arith.addi %add3A_462, %iota3A : vector<16xi32>
        %gather3A_464 = tpu.vector_load_idx %arg10[%add3A_463, %and3A_412] : memref<480x128xf32, #tpu.memory_space<vmem>>[vector<16xi32>, vector<16xi32>], vector<16xf32>,
        %mul3A_465 = arith.mulf %gather3A_464, %gather3A : vector<16xf32>
        %add3A_466 = arith.addf %scan3A_407, %mul3A_465 : vector<16xf32>
        %add3A_467 = arith.constant 464 : i32
        %add3A_468 = vector.broadcast %add3A_467 : i32 to vector<16xi32>
        %add3A_469 = arith.addi %add3A_468, %iota3A : vector<16xi32>
        %gather3A_470 = tpu.vector_load_idx %arg10[%add3A_469, %and3A_412] : memref<480x128xf32, #tpu.memory_space<vmem>>[vector<16xi32>, vector<16xi32>], vector<16xf32>,
        %mul3A_471 = arith.mulf %gather3A_470, %gather3A : vector<16xf32>
        %add3A_472 = arith.addf %scan3A_408, %mul3A_471 : vector<16xf32>
        %scan3A_473 = arith.constant 1 : i32
        %scan3A_474 = arith.addi %scan3A_398, %scan3A_473 : i32
        %broadcast_in_dim3A_475 = vector.broadcast %scan3A_474 : i32 to vector<16xi32>
        %add3A_476 = arith.addi %broadcast_in_dim3A_475, %iota3A : vector<16xi32>
        %and3A_477 = arith.constant 127 : i32
        %and3A_478 = vector.broadcast %and3A_477 : i32 to vector<16xi32>
        %and3A_479 = arith.andi %add3A_476, %and3A_478 : vector<16xi32>
        %gather3A_480 = tpu.vector_load_idx %arg9[%add3A_331, %and3A_479] : memref<128x128xf32, #tpu.memory_space<vmem>>[vector<16xi32>, vector<16xi32>], vector<16xf32>,
        %add3A_481 = arith.constant 320 : i32
        %add3A_482 = vector.broadcast %add3A_481 : i32 to vector<16xi32>
        %add3A_483 = arith.addi %add3A_482, %iota3A : vector<16xi32>
        %gather3A_484 = tpu.vector_load_idx %arg10[%add3A_483, %and3A_479] : memref<480x128xf32, #tpu.memory_space<vmem>>[vector<16xi32>, vector<16xi32>], vector<16xf32>,
        %mul3A_485 = arith.mulf %gather3A_484, %gather3A_480 : vector<16xf32>
        %add3A_486 = arith.addf %add3A_418, %mul3A_485 : vector<16xf32>
        %add3A_487 = arith.constant 336 : i32
        %add3A_488 = vector.broadcast %add3A_487 : i32 to vector<16xi32>
        %add3A_489 = arith.addi %add3A_488, %iota3A : vector<16xi32>
        %gather3A_490 = tpu.vector_load_idx %arg10[%add3A_489, %and3A_479] : memref<480x128xf32, #tpu.memory_space<vmem>>[vector<16xi32>, vector<16xi32>], vector<16xf32>,
        %mul3A_491 = arith.mulf %gather3A_490, %gather3A_480 : vector<16xf32>
        %add3A_492 = arith.addf %add3A_424, %mul3A_491 : vector<16xf32>
        %add3A_493 = arith.constant 352 : i32
        %add3A_494 = vector.broadcast %add3A_493 : i32 to vector<16xi32>
        %add3A_495 = arith.addi %add3A_494, %iota3A : vector<16xi32>
        %gather3A_496 = tpu.vector_load_idx %arg10[%add3A_495, %and3A_479] : memref<480x128xf32, #tpu.memory_space<vmem>>[vector<16xi32>, vector<16xi32>], vector<16xf32>,
        %mul3A_497 = arith.mulf %gather3A_496, %gather3A_480 : vector<16xf32>
        %add3A_498 = arith.addf %add3A_430, %mul3A_497 : vector<16xf32>
        %add3A_499 = arith.constant 368 : i32
        %add3A_500 = vector.broadcast %add3A_499 : i32 to vector<16xi32>
        %add3A_501 = arith.addi %add3A_500, %iota3A : vector<16xi32>
        %gather3A_502 = tpu.vector_load_idx %arg10[%add3A_501, %and3A_479] : memref<480x128xf32, #tpu.memory_space<vmem>>[vector<16xi32>, vector<16xi32>], vector<16xf32>,
        %mul3A_503 = arith.mulf %gather3A_502, %gather3A_480 : vector<16xf32>
        %add3A_504 = arith.addf %add3A_436, %mul3A_503 : vector<16xf32>
        %add3A_505 = arith.constant 384 : i32
        %add3A_506 = vector.broadcast %add3A_505 : i32 to vector<16xi32>
        %add3A_507 = arith.addi %add3A_506, %iota3A : vector<16xi32>
        %gather3A_508 = tpu.vector_load_idx %arg10[%add3A_507, %and3A_479] : memref<480x128xf32, #tpu.memory_space<vmem>>[vector<16xi32>, vector<16xi32>], vector<16xf32>,
        %mul3A_509 = arith.mulf %gather3A_508, %gather3A_480 : vector<16xf32>
        %add3A_510 = arith.addf %add3A_442, %mul3A_509 : vector<16xf32>
        %add3A_511 = arith.constant 400 : i32
        %add3A_512 = vector.broadcast %add3A_511 : i32 to vector<16xi32>
        %add3A_513 = arith.addi %add3A_512, %iota3A : vector<16xi32>
        %gather3A_514 = tpu.vector_load_idx %arg10[%add3A_513, %and3A_479] : memref<480x128xf32, #tpu.memory_space<vmem>>[vector<16xi32>, vector<16xi32>], vector<16xf32>,
        %mul3A_515 = arith.mulf %gather3A_514, %gather3A_480 : vector<16xf32>
        %add3A_516 = arith.addf %add3A_448, %mul3A_515 : vector<16xf32>
        %add3A_517 = arith.constant 416 : i32
        %add3A_518 = vector.broadcast %add3A_517 : i32 to vector<16xi32>
        %add3A_519 = arith.addi %add3A_518, %iota3A : vector<16xi32>
        %gather3A_520 = tpu.vector_load_idx %arg10[%add3A_519, %and3A_479] : memref<480x128xf32, #tpu.memory_space<vmem>>[vector<16xi32>, vector<16xi32>], vector<16xf32>,
        %mul3A_521 = arith.mulf %gather3A_520, %gather3A_480 : vector<16xf32>
        %add3A_522 = arith.addf %add3A_454, %mul3A_521 : vector<16xf32>
        %add3A_523 = arith.constant 432 : i32
        %add3A_524 = vector.broadcast %add3A_523 : i32 to vector<16xi32>
        %add3A_525 = arith.addi %add3A_524, %iota3A : vector<16xi32>
        %gather3A_526 = tpu.vector_load_idx %arg10[%add3A_525, %and3A_479] : memref<480x128xf32, #tpu.memory_space<vmem>>[vector<16xi32>, vector<16xi32>], vector<16xf32>,
        %mul3A_527 = arith.mulf %gather3A_526, %gather3A_480 : vector<16xf32>
        %add3A_528 = arith.addf %add3A_460, %mul3A_527 : vector<16xf32>
        %add3A_529 = arith.constant 448 : i32
        %add3A_530 = vector.broadcast %add3A_529 : i32 to vector<16xi32>
        %add3A_531 = arith.addi %add3A_530, %iota3A : vector<16xi32>
        %gather3A_532 = tpu.vector_load_idx %arg10[%add3A_531, %and3A_479] : memref<480x128xf32, #tpu.memory_space<vmem>>[vector<16xi32>, vector<16xi32>], vector<16xf32>,
        %mul3A_533 = arith.mulf %gather3A_532, %gather3A_480 : vector<16xf32>
        %add3A_534 = arith.addf %add3A_466, %mul3A_533 : vector<16xf32>
        %add3A_535 = arith.constant 464 : i32
        %add3A_536 = vector.broadcast %add3A_535 : i32 to vector<16xi32>
        %add3A_537 = arith.addi %add3A_536, %iota3A : vector<16xi32>
        %gather3A_538 = tpu.vector_load_idx %arg10[%add3A_537, %and3A_479] : memref<480x128xf32, #tpu.memory_space<vmem>>[vector<16xi32>, vector<16xi32>], vector<16xf32>,
        %mul3A_539 = arith.mulf %gather3A_538, %gather3A_480 : vector<16xf32>
        %add3A_540 = arith.addf %add3A_472, %mul3A_539 : vector<16xf32>
        scf.yield %add3A_486, %add3A_492, %add3A_498, %add3A_504, %add3A_510, %add3A_516, %add3A_522, %add3A_528, %add3A_534, %add3A_540 : vector<16xf32>, vector<16xf32>, vector<16xf32>, vector<16xf32>, vector<16xf32>, vector<16xf32>, vector<16xf32>, vector<16xf32>, vector<16xf32>, vector<16xf32>
      }
      %scan3A_337 = arith.constant 128 : i32
      %mul3A_338 = arith.constant 512 : i32
      %mul3A_339 = arith.muli %add3A_68, %mul3A_338 : i32
      %add3A_340 = arith.constant 320 : i32
      %add3A_341 = arith.addi %mul3A_339, %add3A_340 : i32
      %swap3A_342 = arith.index_cast %add3A_341 : i32 to index
      %swap3A_343 = tpu.vector_load %arg11[%swap3A_342] {strides = array<i32>} : memref<16384xf32, #tpu.memory_space<vmem>>, vector<16xf32>,
      tpu.vector_store %arg11[%swap3A_342], %scan3A_336#0 {strides = array<i32>} : memref<16384xf32, #tpu.memory_space<vmem>>, vector<16xf32>,
      %mul3A_344 = arith.constant 512 : i32
      %mul3A_345 = arith.muli %add3A_68, %mul3A_344 : i32
      %add3A_346 = arith.constant 336 : i32
      %add3A_347 = arith.addi %mul3A_345, %add3A_346 : i32
      %swap3A_348 = arith.index_cast %add3A_347 : i32 to index
      %swap3A_349 = tpu.vector_load %arg11[%swap3A_348] {strides = array<i32>} : memref<16384xf32, #tpu.memory_space<vmem>>, vector<16xf32>,
      tpu.vector_store %arg11[%swap3A_348], %scan3A_336#1 {strides = array<i32>} : memref<16384xf32, #tpu.memory_space<vmem>>, vector<16xf32>,
      %mul3A_350 = arith.constant 512 : i32
      %mul3A_351 = arith.muli %add3A_68, %mul3A_350 : i32
      %add3A_352 = arith.constant 352 : i32
      %add3A_353 = arith.addi %mul3A_351, %add3A_352 : i32
      %swap3A_354 = arith.index_cast %add3A_353 : i32 to index
      %swap3A_355 = tpu.vector_load %arg11[%swap3A_354] {strides = array<i32>} : memref<16384xf32, #tpu.memory_space<vmem>>, vector<16xf32>,
      tpu.vector_store %arg11[%swap3A_354], %scan3A_336#2 {strides = array<i32>} : memref<16384xf32, #tpu.memory_space<vmem>>, vector<16xf32>,
      %mul3A_356 = arith.constant 512 : i32
      %mul3A_357 = arith.muli %add3A_68, %mul3A_356 : i32
      %add3A_358 = arith.constant 368 : i32
      %add3A_359 = arith.addi %mul3A_357, %add3A_358 : i32
      %swap3A_360 = arith.index_cast %add3A_359 : i32 to index
      %swap3A_361 = tpu.vector_load %arg11[%swap3A_360] {strides = array<i32>} : memref<16384xf32, #tpu.memory_space<vmem>>, vector<16xf32>,
      tpu.vector_store %arg11[%swap3A_360], %scan3A_336#3 {strides = array<i32>} : memref<16384xf32, #tpu.memory_space<vmem>>, vector<16xf32>,
      %mul3A_362 = arith.constant 512 : i32
      %mul3A_363 = arith.muli %add3A_68, %mul3A_362 : i32
      %add3A_364 = arith.constant 384 : i32
      %add3A_365 = arith.addi %mul3A_363, %add3A_364 : i32
      %swap3A_366 = arith.index_cast %add3A_365 : i32 to index
      %swap3A_367 = tpu.vector_load %arg11[%swap3A_366] {strides = array<i32>} : memref<16384xf32, #tpu.memory_space<vmem>>, vector<16xf32>,
      tpu.vector_store %arg11[%swap3A_366], %scan3A_336#4 {strides = array<i32>} : memref<16384xf32, #tpu.memory_space<vmem>>, vector<16xf32>,
      %mul3A_368 = arith.constant 512 : i32
      %mul3A_369 = arith.muli %add3A_68, %mul3A_368 : i32
      %add3A_370 = arith.constant 400 : i32
      %add3A_371 = arith.addi %mul3A_369, %add3A_370 : i32
      %swap3A_372 = arith.index_cast %add3A_371 : i32 to index
      %swap3A_373 = tpu.vector_load %arg11[%swap3A_372] {strides = array<i32>} : memref<16384xf32, #tpu.memory_space<vmem>>, vector<16xf32>,
      tpu.vector_store %arg11[%swap3A_372], %scan3A_336#5 {strides = array<i32>} : memref<16384xf32, #tpu.memory_space<vmem>>, vector<16xf32>,
      %mul3A_374 = arith.constant 512 : i32
      %mul3A_375 = arith.muli %add3A_68, %mul3A_374 : i32
      %add3A_376 = arith.constant 416 : i32
      %add3A_377 = arith.addi %mul3A_375, %add3A_376 : i32
      %swap3A_378 = arith.index_cast %add3A_377 : i32 to index
      %swap3A_379 = tpu.vector_load %arg11[%swap3A_378] {strides = array<i32>} : memref<16384xf32, #tpu.memory_space<vmem>>, vector<16xf32>,
      tpu.vector_store %arg11[%swap3A_378], %scan3A_336#6 {strides = array<i32>} : memref<16384xf32, #tpu.memory_space<vmem>>, vector<16xf32>,
      %mul3A_380 = arith.constant 512 : i32
      %mul3A_381 = arith.muli %add3A_68, %mul3A_380 : i32
      %add3A_382 = arith.constant 432 : i32
      %add3A_383 = arith.addi %mul3A_381, %add3A_382 : i32
      %swap3A_384 = arith.index_cast %add3A_383 : i32 to index
      %swap3A_385 = tpu.vector_load %arg11[%swap3A_384] {strides = array<i32>} : memref<16384xf32, #tpu.memory_space<vmem>>, vector<16xf32>,
      tpu.vector_store %arg11[%swap3A_384], %scan3A_336#7 {strides = array<i32>} : memref<16384xf32, #tpu.memory_space<vmem>>, vector<16xf32>,
      %mul3A_386 = arith.constant 512 : i32
      %mul3A_387 = arith.muli %add3A_68, %mul3A_386 : i32
      %add3A_388 = arith.constant 448 : i32
      %add3A_389 = arith.addi %mul3A_387, %add3A_388 : i32
      %swap3A_390 = arith.index_cast %add3A_389 : i32 to index
      %swap3A_391 = tpu.vector_load %arg11[%swap3A_390] {strides = array<i32>} : memref<16384xf32, #tpu.memory_space<vmem>>, vector<16xf32>,
      tpu.vector_store %arg11[%swap3A_390], %scan3A_336#8 {strides = array<i32>} : memref<16384xf32, #tpu.memory_space<vmem>>, vector<16xf32>,
      %mul3A_392 = arith.constant 512 : i32
      %mul3A_393 = arith.muli %add3A_68, %mul3A_392 : i32
      %add3A_394 = arith.constant 464 : i32
      %add3A_395 = arith.addi %mul3A_393, %add3A_394 : i32
      %swap3A_396 = arith.index_cast %add3A_395 : i32 to index
      %swap3A_397 = tpu.vector_load %arg11[%swap3A_396] {strides = array<i32>} : memref<16384xf32, #tpu.memory_space<vmem>>, vector<16xf32>,
      tpu.vector_store %arg11[%swap3A_396], %scan3A_336#9 {strides = array<i32>} : memref<16384xf32, #tpu.memory_space<vmem>>, vector<16xf32>,
    }
    %scan3A_31 = arith.constant 8 : i32
    %dma_start3A_32 = arith.constant 256 : i32
    %dma_start3A_33 = tpu.memref_slice %arg7[%dma_start3A_32] : memref<512xi32, #tpu.memory_space<vmem>> -> memref<128xi32, #tpu.memory_space<vmem>>
    %dma_start3A_34 = arith.constant 0 : i32
    %dma_start3A_35 = arith.constant 0 : i32
    %dma_start3A_36 = tpu.memref_slice %arg2[%dma_start3A_34, %dma_start3A_35] : memref<100000x128xf32, #tpu.memory_space<hbm>> -> memref<100000x128xf32, #tpu.memory_space<hbm>>
    tpu.enqueue_indirect_dma source(%dma_start3A_36 : memref<100000x128xf32, #tpu.memory_space<hbm>>) target(%arg9 : memref<128x128xf32, #tpu.memory_space<vmem>>) offsets(%dma_start3A_33 : memref<128xi32, #tpu.memory_space<vmem>>) semaphore(%arg12 : memref<!tpu.dma_semaphore, #tpu.memory_space<semaphore_mem>>)
    %dma_wait3A_37 = arith.constant 256 : i32
    %dma_wait3A_38 = tpu.memref_slice %arg7[%dma_wait3A_37] : memref<512xi32, #tpu.memory_space<vmem>> -> memref<128xi32, #tpu.memory_space<vmem>>
    %dma_wait3A_39 = arith.constant 0 : i32
    %dma_wait3A_40 = arith.constant 0 : i32
    %dma_wait3A_41 = tpu.memref_slice %arg2[%dma_wait3A_39, %dma_wait3A_40] : memref<100000x128xf32, #tpu.memory_space<hbm>> -> memref<100000x128xf32, #tpu.memory_space<hbm>>
    tpu.wait_indirect_dma semaphore(%arg12 : memref<!tpu.dma_semaphore, #tpu.memory_space<semaphore_mem>>) src(%dma_wait3A_41 : memref<100000x128xf32, #tpu.memory_space<hbm>>) dst(%arg9 : memref<128x128xf32, #tpu.memory_space<vmem>>)
    %scan3A_42 = arith.constant 0 : i32
    %scan3A_43 = arith.constant 8 : i32
    %scan3A_44 = arith.addi %scan3A_42, %scan3A_43 : i32
    %scan3A_45 = arith.constant 1 : i32
    scf.for %scan3A_64 = %scan3A_42 to %scan3A_44 step %scan3A_45  : i32 {
      %mul3A_65 = arith.constant 1 : i32
      %mul3A_66 = arith.muli %scan3A_64, %mul3A_65 : i32
      %add3A_67 = arith.constant 16 : i32
      %add3A_68 = arith.addi %add3A_67, %mul3A_66 : i32
      %mul3A_69 = arith.constant 480 : i32
      %mul3A_70 = arith.muli %add3A_68, %mul3A_69 : i32
      %add3A_71 = arith.constant 0 : i32
      %add3A_72 = arith.addi %mul3A_70, %add3A_71 : i32
      %dma_start3A_73 = arith.constant 0 : i32
      %dma_start3A_74 = arith.constant 0 : i32
      %dma_start3A_75 = tpu.memref_slice %arg10[%dma_start3A_73, %dma_start3A_74] : memref<480x128xf32, #tpu.memory_space<vmem>> -> memref<96x128xf32, #tpu.memory_space<vmem>>
      %dma_start3A_76 = tpu.memref_slice %arg8[%add3A_72] : memref<15360xi32, #tpu.memory_space<vmem>> -> memref<96xi32, #tpu.memory_space<vmem>>
      %dma_start3A_77 = arith.constant 0 : i32
      %dma_start3A_78 = arith.constant 0 : i32
      %dma_start3A_79 = tpu.memref_slice %arg3[%dma_start3A_77, %dma_start3A_78] : memref<100000x128xf32, #tpu.memory_space<hbm>> -> memref<100000x128xf32, #tpu.memory_space<hbm>>
      tpu.enqueue_indirect_dma source(%dma_start3A_79 : memref<100000x128xf32, #tpu.memory_space<hbm>>) target(%dma_start3A_75 : memref<96x128xf32, #tpu.memory_space<vmem>>) offsets(%dma_start3A_76 : memref<96xi32, #tpu.memory_space<vmem>>) semaphore(%arg12 : memref<!tpu.dma_semaphore, #tpu.memory_space<semaphore_mem>>)
      %mul3A_80 = arith.constant 480 : i32
      %mul3A_81 = arith.muli %add3A_68, %mul3A_80 : i32
      %add3A_82 = arith.constant 96 : i32
      %add3A_83 = arith.addi %mul3A_81, %add3A_82 : i32
      %dma_start3A_84 = arith.constant 96 : i32
      %dma_start3A_85 = arith.constant 0 : i32
      %dma_start3A_86 = tpu.memref_slice %arg10[%dma_start3A_84, %dma_start3A_85] : memref<480x128xf32, #tpu.memory_space<vmem>> -> memref<96x128xf32, #tpu.memory_space<vmem>>
      %dma_start3A_87 = tpu.memref_slice %arg8[%add3A_83] : memref<15360xi32, #tpu.memory_space<vmem>> -> memref<96xi32, #tpu.memory_space<vmem>>
      %dma_start3A_88 = arith.constant 0 : i32
      %dma_start3A_89 = arith.constant 0 : i32
      %dma_start3A_90 = tpu.memref_slice %arg3[%dma_start3A_88, %dma_start3A_89] : memref<100000x128xf32, #tpu.memory_space<hbm>> -> memref<100000x128xf32, #tpu.memory_space<hbm>>
      tpu.enqueue_indirect_dma source(%dma_start3A_90 : memref<100000x128xf32, #tpu.memory_space<hbm>>) target(%dma_start3A_86 : memref<96x128xf32, #tpu.memory_space<vmem>>) offsets(%dma_start3A_87 : memref<96xi32, #tpu.memory_space<vmem>>) semaphore(%arg13 : memref<!tpu.dma_semaphore, #tpu.memory_space<semaphore_mem>>)
      %mul3A_91 = arith.constant 480 : i32
      %mul3A_92 = arith.muli %add3A_68, %mul3A_91 : i32
      %add3A_93 = arith.constant 192 : i32
      %add3A_94 = arith.addi %mul3A_92, %add3A_93 : i32
      %dma_start3A_95 = arith.constant 192 : i32
      %dma_start3A_96 = arith.constant 0 : i32
      %dma_start3A_97 = tpu.memref_slice %arg10[%dma_start3A_95, %dma_start3A_96] : memref<480x128xf32, #tpu.memory_space<vmem>> -> memref<96x128xf32, #tpu.memory_space<vmem>>
      %dma_start3A_98 = tpu.memref_slice %arg8[%add3A_94] : memref<15360xi32, #tpu.memory_space<vmem>> -> memref<96xi32, #tpu.memory_space<vmem>>
      %dma_start3A_99 = arith.constant 0 : i32
      %dma_start3A_100 = arith.constant 0 : i32
      %dma_start3A_101 = tpu.memref_slice %arg3[%dma_start3A_99, %dma_start3A_100] : memref<100000x128xf32, #tpu.memory_space<hbm>> -> memref<100000x128xf32, #tpu.memory_space<hbm>>
      tpu.enqueue_indirect_dma source(%dma_start3A_101 : memref<100000x128xf32, #tpu.memory_space<hbm>>) target(%dma_start3A_97 : memref<96x128xf32, #tpu.memory_space<vmem>>) offsets(%dma_start3A_98 : memref<96xi32, #tpu.memory_space<vmem>>) semaphore(%arg14 : memref<!tpu.dma_semaphore, #tpu.memory_space<semaphore_mem>>)
      %mul3A_102 = arith.constant 480 : i32
      %mul3A_103 = arith.muli %add3A_68, %mul3A_102 : i32
      %add3A_104 = arith.constant 288 : i32
      %add3A_105 = arith.addi %mul3A_103, %add3A_104 : i32
      %dma_start3A_106 = arith.constant 288 : i32
      %dma_start3A_107 = arith.constant 0 : i32
      %dma_start3A_108 = tpu.memref_slice %arg10[%dma_start3A_106, %dma_start3A_107] : memref<480x128xf32, #tpu.memory_space<vmem>> -> memref<96x128xf32, #tpu.memory_space<vmem>>
      %dma_start3A_109 = tpu.memref_slice %arg8[%add3A_105] : memref<15360xi32, #tpu.memory_space<vmem>> -> memref<96xi32, #tpu.memory_space<vmem>>
      %dma_start3A_110 = arith.constant 0 : i32
      %dma_start3A_111 = arith.constant 0 : i32
      %dma_start3A_112 = tpu.memref_slice %arg3[%dma_start3A_110, %dma_start3A_111] : memref<100000x128xf32, #tpu.memory_space<hbm>> -> memref<100000x128xf32, #tpu.memory_space<hbm>>
      tpu.enqueue_indirect_dma source(%dma_start3A_112 : memref<100000x128xf32, #tpu.memory_space<hbm>>) target(%dma_start3A_108 : memref<96x128xf32, #tpu.memory_space<vmem>>) offsets(%dma_start3A_109 : memref<96xi32, #tpu.memory_space<vmem>>) semaphore(%arg15 : memref<!tpu.dma_semaphore, #tpu.memory_space<semaphore_mem>>)
      %mul3A_113 = arith.constant 480 : i32
      %mul3A_114 = arith.muli %add3A_68, %mul3A_113 : i32
      %add3A_115 = arith.constant 384 : i32
      %add3A_116 = arith.addi %mul3A_114, %add3A_115 : i32
      %dma_start3A_117 = arith.constant 384 : i32
      %dma_start3A_118 = arith.constant 0 : i32
      %dma_start3A_119 = tpu.memref_slice %arg10[%dma_start3A_117, %dma_start3A_118] : memref<480x128xf32, #tpu.memory_space<vmem>> -> memref<96x128xf32, #tpu.memory_space<vmem>>
      %dma_start3A_120 = tpu.memref_slice %arg8[%add3A_116] : memref<15360xi32, #tpu.memory_space<vmem>> -> memref<96xi32, #tpu.memory_space<vmem>>
      %dma_start3A_121 = arith.constant 0 : i32
      %dma_start3A_122 = arith.constant 0 : i32
      %dma_start3A_123 = tpu.memref_slice %arg3[%dma_start3A_121, %dma_start3A_122] : memref<100000x128xf32, #tpu.memory_space<hbm>> -> memref<100000x128xf32, #tpu.memory_space<hbm>>
      tpu.enqueue_indirect_dma source(%dma_start3A_123 : memref<100000x128xf32, #tpu.memory_space<hbm>>) target(%dma_start3A_119 : memref<96x128xf32, #tpu.memory_space<vmem>>) offsets(%dma_start3A_120 : memref<96xi32, #tpu.memory_space<vmem>>) semaphore(%arg16 : memref<!tpu.dma_semaphore, #tpu.memory_space<semaphore_mem>>)
      %mul3A_124 = arith.constant 480 : i32
      %mul3A_125 = arith.muli %add3A_68, %mul3A_124 : i32
      %add3A_126 = arith.constant 0 : i32
      %add3A_127 = arith.addi %mul3A_125, %add3A_126 : i32
      %dma_wait3A_128 = arith.constant 0 : i32
      %dma_wait3A_129 = arith.constant 0 : i32
      %dma_wait3A_130 = tpu.memref_slice %arg10[%dma_wait3A_128, %dma_wait3A_129] : memref<480x128xf32, #tpu.memory_space<vmem>> -> memref<96x128xf32, #tpu.memory_space<vmem>>
      %dma_wait3A_131 = tpu.memref_slice %arg8[%add3A_127] : memref<15360xi32, #tpu.memory_space<vmem>> -> memref<96xi32, #tpu.memory_space<vmem>>
      %dma_wait3A_132 = arith.constant 0 : i32
      %dma_wait3A_133 = arith.constant 0 : i32
      %dma_wait3A_134 = tpu.memref_slice %arg3[%dma_wait3A_132, %dma_wait3A_133] : memref<100000x128xf32, #tpu.memory_space<hbm>> -> memref<100000x128xf32, #tpu.memory_space<hbm>>
      tpu.wait_indirect_dma semaphore(%arg12 : memref<!tpu.dma_semaphore, #tpu.memory_space<semaphore_mem>>) src(%dma_wait3A_134 : memref<100000x128xf32, #tpu.memory_space<hbm>>) dst(%dma_wait3A_130 : memref<96x128xf32, #tpu.memory_space<vmem>>)
      %mul3A_135 = arith.constant 480 : i32
      %mul3A_136 = arith.muli %add3A_68, %mul3A_135 : i32
      %add3A_137 = arith.constant 96 : i32
      %add3A_138 = arith.addi %mul3A_136, %add3A_137 : i32
      %dma_wait3A_139 = arith.constant 96 : i32
      %dma_wait3A_140 = arith.constant 0 : i32
      %dma_wait3A_141 = tpu.memref_slice %arg10[%dma_wait3A_139, %dma_wait3A_140] : memref<480x128xf32, #tpu.memory_space<vmem>> -> memref<96x128xf32, #tpu.memory_space<vmem>>
      %dma_wait3A_142 = tpu.memref_slice %arg8[%add3A_138] : memref<15360xi32, #tpu.memory_space<vmem>> -> memref<96xi32, #tpu.memory_space<vmem>>
      %dma_wait3A_143 = arith.constant 0 : i32
      %dma_wait3A_144 = arith.constant 0 : i32
      %dma_wait3A_145 = tpu.memref_slice %arg3[%dma_wait3A_143, %dma_wait3A_144] : memref<100000x128xf32, #tpu.memory_space<hbm>> -> memref<100000x128xf32, #tpu.memory_space<hbm>>
      tpu.wait_indirect_dma semaphore(%arg13 : memref<!tpu.dma_semaphore, #tpu.memory_space<semaphore_mem>>) src(%dma_wait3A_145 : memref<100000x128xf32, #tpu.memory_space<hbm>>) dst(%dma_wait3A_141 : memref<96x128xf32, #tpu.memory_space<vmem>>)
      %broadcast_in_dim3A = arith.constant 0.000000e+00 : f32
      %broadcast_in_dim3A_146 = vector.broadcast %broadcast_in_dim3A : f32 to vector<16xf32>
      %mul3A_147 = arith.constant 16 : i32
      %mul3A_148 = arith.muli %add3A_68, %mul3A_147 : i32
      %sub3A = arith.constant 256 : i32
      %sub3A_149 = arith.subi %mul3A_148, %sub3A : i32
      %broadcast_in_dim3A_150 = vector.broadcast %sub3A_149 : i32 to vector<16xi32>
      %add3A_151 = arith.addi %broadcast_in_dim3A_150, %iota3A : vector<16xi32>
      %scan3A_152 = arith.constant 0 : i32
      %scan3A_153 = arith.constant 128 : i32
      %scan3A_154 = arith.addi %scan3A_152, %scan3A_153 : i32
      %scan3A_155 = arith.constant 2 : i32
      %scan3A_156:10 = scf.for %scan3A_398 = %scan3A_152 to %scan3A_154 step %scan3A_155 iter_args(%scan3A_399 = %broadcast_in_dim3A_146, %scan3A_400 = %broadcast_in_dim3A_146, %scan3A_401 = %broadcast_in_dim3A_146, %scan3A_402 = %broadcast_in_dim3A_146, %scan3A_403 = %broadcast_in_dim3A_146, %scan3A_404 = %broadcast_in_dim3A_146, %scan3A_405 = %broadcast_in_dim3A_146, %scan3A_406 = %broadcast_in_dim3A_146, %scan3A_407 = %broadcast_in_dim3A_146, %scan3A_408 = %broadcast_in_dim3A_146) -> (vector<16xf32>, vector<16xf32>, vector<16xf32>, vector<16xf32>, vector<16xf32>, vector<16xf32>, vector<16xf32>, vector<16xf32>, vector<16xf32>, vector<16xf32>)  : i32 {
        %broadcast_in_dim3A_409 = vector.broadcast %scan3A_398 : i32 to vector<16xi32>
        %add3A_410 = arith.addi %broadcast_in_dim3A_409, %iota3A : vector<16xi32>
        %and3A = arith.constant 127 : i32
        %and3A_411 = vector.broadcast %and3A : i32 to vector<16xi32>
        %and3A_412 = arith.andi %add3A_410, %and3A_411 : vector<16xi32>
        %gather3A = tpu.vector_load_idx %arg9[%add3A_151, %and3A_412] : memref<128x128xf32, #tpu.memory_space<vmem>>[vector<16xi32>, vector<16xi32>], vector<16xf32>,
        %add3A_413 = arith.constant 0 : i32
        %add3A_414 = vector.broadcast %add3A_413 : i32 to vector<16xi32>
        %add3A_415 = arith.addi %add3A_414, %iota3A : vector<16xi32>
        %gather3A_416 = tpu.vector_load_idx %arg10[%add3A_415, %and3A_412] : memref<480x128xf32, #tpu.memory_space<vmem>>[vector<16xi32>, vector<16xi32>], vector<16xf32>,
        %mul3A_417 = arith.mulf %gather3A_416, %gather3A : vector<16xf32>
        %add3A_418 = arith.addf %scan3A_399, %mul3A_417 : vector<16xf32>
        %add3A_419 = arith.constant 16 : i32
        %add3A_420 = vector.broadcast %add3A_419 : i32 to vector<16xi32>
        %add3A_421 = arith.addi %add3A_420, %iota3A : vector<16xi32>
        %gather3A_422 = tpu.vector_load_idx %arg10[%add3A_421, %and3A_412] : memref<480x128xf32, #tpu.memory_space<vmem>>[vector<16xi32>, vector<16xi32>], vector<16xf32>,
        %mul3A_423 = arith.mulf %gather3A_422, %gather3A : vector<16xf32>
        %add3A_424 = arith.addf %scan3A_400, %mul3A_423 : vector<16xf32>
        %add3A_425 = arith.constant 32 : i32
        %add3A_426 = vector.broadcast %add3A_425 : i32 to vector<16xi32>
        %add3A_427 = arith.addi %add3A_426, %iota3A : vector<16xi32>
        %gather3A_428 = tpu.vector_load_idx %arg10[%add3A_427, %and3A_412] : memref<480x128xf32, #tpu.memory_space<vmem>>[vector<16xi32>, vector<16xi32>], vector<16xf32>,
        %mul3A_429 = arith.mulf %gather3A_428, %gather3A : vector<16xf32>
        %add3A_430 = arith.addf %scan3A_401, %mul3A_429 : vector<16xf32>
        %add3A_431 = arith.constant 48 : i32
        %add3A_432 = vector.broadcast %add3A_431 : i32 to vector<16xi32>
        %add3A_433 = arith.addi %add3A_432, %iota3A : vector<16xi32>
        %gather3A_434 = tpu.vector_load_idx %arg10[%add3A_433, %and3A_412] : memref<480x128xf32, #tpu.memory_space<vmem>>[vector<16xi32>, vector<16xi32>], vector<16xf32>,
        %mul3A_435 = arith.mulf %gather3A_434, %gather3A : vector<16xf32>
        %add3A_436 = arith.addf %scan3A_402, %mul3A_435 : vector<16xf32>
        %add3A_437 = arith.constant 64 : i32
        %add3A_438 = vector.broadcast %add3A_437 : i32 to vector<16xi32>
        %add3A_439 = arith.addi %add3A_438, %iota3A : vector<16xi32>
        %gather3A_440 = tpu.vector_load_idx %arg10[%add3A_439, %and3A_412] : memref<480x128xf32, #tpu.memory_space<vmem>>[vector<16xi32>, vector<16xi32>], vector<16xf32>,
        %mul3A_441 = arith.mulf %gather3A_440, %gather3A : vector<16xf32>
        %add3A_442 = arith.addf %scan3A_403, %mul3A_441 : vector<16xf32>
        %add3A_443 = arith.constant 80 : i32
        %add3A_444 = vector.broadcast %add3A_443 : i32 to vector<16xi32>
        %add3A_445 = arith.addi %add3A_444, %iota3A : vector<16xi32>
        %gather3A_446 = tpu.vector_load_idx %arg10[%add3A_445, %and3A_412] : memref<480x128xf32, #tpu.memory_space<vmem>>[vector<16xi32>, vector<16xi32>], vector<16xf32>,
        %mul3A_447 = arith.mulf %gather3A_446, %gather3A : vector<16xf32>
        %add3A_448 = arith.addf %scan3A_404, %mul3A_447 : vector<16xf32>
        %add3A_449 = arith.constant 96 : i32
        %add3A_450 = vector.broadcast %add3A_449 : i32 to vector<16xi32>
        %add3A_451 = arith.addi %add3A_450, %iota3A : vector<16xi32>
        %gather3A_452 = tpu.vector_load_idx %arg10[%add3A_451, %and3A_412] : memref<480x128xf32, #tpu.memory_space<vmem>>[vector<16xi32>, vector<16xi32>], vector<16xf32>,
        %mul3A_453 = arith.mulf %gather3A_452, %gather3A : vector<16xf32>
        %add3A_454 = arith.addf %scan3A_405, %mul3A_453 : vector<16xf32>
        %add3A_455 = arith.constant 112 : i32
        %add3A_456 = vector.broadcast %add3A_455 : i32 to vector<16xi32>
        %add3A_457 = arith.addi %add3A_456, %iota3A : vector<16xi32>
        %gather3A_458 = tpu.vector_load_idx %arg10[%add3A_457, %and3A_412] : memref<480x128xf32, #tpu.memory_space<vmem>>[vector<16xi32>, vector<16xi32>], vector<16xf32>,
        %mul3A_459 = arith.mulf %gather3A_458, %gather3A : vector<16xf32>
        %add3A_460 = arith.addf %scan3A_406, %mul3A_459 : vector<16xf32>
        %add3A_461 = arith.constant 128 : i32
        %add3A_462 = vector.broadcast %add3A_461 : i32 to vector<16xi32>
        %add3A_463 = arith.addi %add3A_462, %iota3A : vector<16xi32>
        %gather3A_464 = tpu.vector_load_idx %arg10[%add3A_463, %and3A_412] : memref<480x128xf32, #tpu.memory_space<vmem>>[vector<16xi32>, vector<16xi32>], vector<16xf32>,
        %mul3A_465 = arith.mulf %gather3A_464, %gather3A : vector<16xf32>
        %add3A_466 = arith.addf %scan3A_407, %mul3A_465 : vector<16xf32>
        %add3A_467 = arith.constant 144 : i32
        %add3A_468 = vector.broadcast %add3A_467 : i32 to vector<16xi32>
        %add3A_469 = arith.addi %add3A_468, %iota3A : vector<16xi32>
        %gather3A_470 = tpu.vector_load_idx %arg10[%add3A_469, %and3A_412] : memref<480x128xf32, #tpu.memory_space<vmem>>[vector<16xi32>, vector<16xi32>], vector<16xf32>,
        %mul3A_471 = arith.mulf %gather3A_470, %gather3A : vector<16xf32>
        %add3A_472 = arith.addf %scan3A_408, %mul3A_471 : vector<16xf32>
        %scan3A_473 = arith.constant 1 : i32
        %scan3A_474 = arith.addi %scan3A_398, %scan3A_473 : i32
        %broadcast_in_dim3A_475 = vector.broadcast %scan3A_474 : i32 to vector<16xi32>
        %add3A_476 = arith.addi %broadcast_in_dim3A_475, %iota3A : vector<16xi32>
        %and3A_477 = arith.constant 127 : i32
        %and3A_478 = vector.broadcast %and3A_477 : i32 to vector<16xi32>
        %and3A_479 = arith.andi %add3A_476, %and3A_478 : vector<16xi32>
        %gather3A_480 = tpu.vector_load_idx %arg9[%add3A_151, %and3A_479] : memref<128x128xf32, #tpu.memory_space<vmem>>[vector<16xi32>, vector<16xi32>], vector<16xf32>,
        %add3A_481 = arith.constant 0 : i32
        %add3A_482 = vector.broadcast %add3A_481 : i32 to vector<16xi32>
        %add3A_483 = arith.addi %add3A_482, %iota3A : vector<16xi32>
        %gather3A_484 = tpu.vector_load_idx %arg10[%add3A_483, %and3A_479] : memref<480x128xf32, #tpu.memory_space<vmem>>[vector<16xi32>, vector<16xi32>], vector<16xf32>,
        %mul3A_485 = arith.mulf %gather3A_484, %gather3A_480 : vector<16xf32>
        %add3A_486 = arith.addf %add3A_418, %mul3A_485 : vector<16xf32>
        %add3A_487 = arith.constant 16 : i32
        %add3A_488 = vector.broadcast %add3A_487 : i32 to vector<16xi32>
        %add3A_489 = arith.addi %add3A_488, %iota3A : vector<16xi32>
        %gather3A_490 = tpu.vector_load_idx %arg10[%add3A_489, %and3A_479] : memref<480x128xf32, #tpu.memory_space<vmem>>[vector<16xi32>, vector<16xi32>], vector<16xf32>,
        %mul3A_491 = arith.mulf %gather3A_490, %gather3A_480 : vector<16xf32>
        %add3A_492 = arith.addf %add3A_424, %mul3A_491 : vector<16xf32>
        %add3A_493 = arith.constant 32 : i32
        %add3A_494 = vector.broadcast %add3A_493 : i32 to vector<16xi32>
        %add3A_495 = arith.addi %add3A_494, %iota3A : vector<16xi32>
        %gather3A_496 = tpu.vector_load_idx %arg10[%add3A_495, %and3A_479] : memref<480x128xf32, #tpu.memory_space<vmem>>[vector<16xi32>, vector<16xi32>], vector<16xf32>,
        %mul3A_497 = arith.mulf %gather3A_496, %gather3A_480 : vector<16xf32>
        %add3A_498 = arith.addf %add3A_430, %mul3A_497 : vector<16xf32>
        %add3A_499 = arith.constant 48 : i32
        %add3A_500 = vector.broadcast %add3A_499 : i32 to vector<16xi32>
        %add3A_501 = arith.addi %add3A_500, %iota3A : vector<16xi32>
        %gather3A_502 = tpu.vector_load_idx %arg10[%add3A_501, %and3A_479] : memref<480x128xf32, #tpu.memory_space<vmem>>[vector<16xi32>, vector<16xi32>], vector<16xf32>,
        %mul3A_503 = arith.mulf %gather3A_502, %gather3A_480 : vector<16xf32>
        %add3A_504 = arith.addf %add3A_436, %mul3A_503 : vector<16xf32>
        %add3A_505 = arith.constant 64 : i32
        %add3A_506 = vector.broadcast %add3A_505 : i32 to vector<16xi32>
        %add3A_507 = arith.addi %add3A_506, %iota3A : vector<16xi32>
        %gather3A_508 = tpu.vector_load_idx %arg10[%add3A_507, %and3A_479] : memref<480x128xf32, #tpu.memory_space<vmem>>[vector<16xi32>, vector<16xi32>], vector<16xf32>,
        %mul3A_509 = arith.mulf %gather3A_508, %gather3A_480 : vector<16xf32>
        %add3A_510 = arith.addf %add3A_442, %mul3A_509 : vector<16xf32>
        %add3A_511 = arith.constant 80 : i32
        %add3A_512 = vector.broadcast %add3A_511 : i32 to vector<16xi32>
        %add3A_513 = arith.addi %add3A_512, %iota3A : vector<16xi32>
        %gather3A_514 = tpu.vector_load_idx %arg10[%add3A_513, %and3A_479] : memref<480x128xf32, #tpu.memory_space<vmem>>[vector<16xi32>, vector<16xi32>], vector<16xf32>,
        %mul3A_515 = arith.mulf %gather3A_514, %gather3A_480 : vector<16xf32>
        %add3A_516 = arith.addf %add3A_448, %mul3A_515 : vector<16xf32>
        %add3A_517 = arith.constant 96 : i32
        %add3A_518 = vector.broadcast %add3A_517 : i32 to vector<16xi32>
        %add3A_519 = arith.addi %add3A_518, %iota3A : vector<16xi32>
        %gather3A_520 = tpu.vector_load_idx %arg10[%add3A_519, %and3A_479] : memref<480x128xf32, #tpu.memory_space<vmem>>[vector<16xi32>, vector<16xi32>], vector<16xf32>,
        %mul3A_521 = arith.mulf %gather3A_520, %gather3A_480 : vector<16xf32>
        %add3A_522 = arith.addf %add3A_454, %mul3A_521 : vector<16xf32>
        %add3A_523 = arith.constant 112 : i32
        %add3A_524 = vector.broadcast %add3A_523 : i32 to vector<16xi32>
        %add3A_525 = arith.addi %add3A_524, %iota3A : vector<16xi32>
        %gather3A_526 = tpu.vector_load_idx %arg10[%add3A_525, %and3A_479] : memref<480x128xf32, #tpu.memory_space<vmem>>[vector<16xi32>, vector<16xi32>], vector<16xf32>,
        %mul3A_527 = arith.mulf %gather3A_526, %gather3A_480 : vector<16xf32>
        %add3A_528 = arith.addf %add3A_460, %mul3A_527 : vector<16xf32>
        %add3A_529 = arith.constant 128 : i32
        %add3A_530 = vector.broadcast %add3A_529 : i32 to vector<16xi32>
        %add3A_531 = arith.addi %add3A_530, %iota3A : vector<16xi32>
        %gather3A_532 = tpu.vector_load_idx %arg10[%add3A_531, %and3A_479] : memref<480x128xf32, #tpu.memory_space<vmem>>[vector<16xi32>, vector<16xi32>], vector<16xf32>,
        %mul3A_533 = arith.mulf %gather3A_532, %gather3A_480 : vector<16xf32>
        %add3A_534 = arith.addf %add3A_466, %mul3A_533 : vector<16xf32>
        %add3A_535 = arith.constant 144 : i32
        %add3A_536 = vector.broadcast %add3A_535 : i32 to vector<16xi32>
        %add3A_537 = arith.addi %add3A_536, %iota3A : vector<16xi32>
        %gather3A_538 = tpu.vector_load_idx %arg10[%add3A_537, %and3A_479] : memref<480x128xf32, #tpu.memory_space<vmem>>[vector<16xi32>, vector<16xi32>], vector<16xf32>,
        %mul3A_539 = arith.mulf %gather3A_538, %gather3A_480 : vector<16xf32>
        %add3A_540 = arith.addf %add3A_472, %mul3A_539 : vector<16xf32>
        scf.yield %add3A_486, %add3A_492, %add3A_498, %add3A_504, %add3A_510, %add3A_516, %add3A_522, %add3A_528, %add3A_534, %add3A_540 : vector<16xf32>, vector<16xf32>, vector<16xf32>, vector<16xf32>, vector<16xf32>, vector<16xf32>, vector<16xf32>, vector<16xf32>, vector<16xf32>, vector<16xf32>
      }
      %scan3A_157 = arith.constant 128 : i32
      %mul3A_158 = arith.constant 512 : i32
      %mul3A_159 = arith.muli %add3A_68, %mul3A_158 : i32
      %add3A_160 = arith.constant 0 : i32
      %add3A_161 = arith.addi %mul3A_159, %add3A_160 : i32
      %swap3A = arith.index_cast %add3A_161 : i32 to index
      %swap3A_162 = tpu.vector_load %arg11[%swap3A] {strides = array<i32>} : memref<16384xf32, #tpu.memory_space<vmem>>, vector<16xf32>,
      tpu.vector_store %arg11[%swap3A], %scan3A_156#0 {strides = array<i32>} : memref<16384xf32, #tpu.memory_space<vmem>>, vector<16xf32>,
      %mul3A_163 = arith.constant 512 : i32
      %mul3A_164 = arith.muli %add3A_68, %mul3A_163 : i32
      %add3A_165 = arith.constant 16 : i32
      %add3A_166 = arith.addi %mul3A_164, %add3A_165 : i32
      %swap3A_167 = arith.index_cast %add3A_166 : i32 to index
      %swap3A_168 = tpu.vector_load %arg11[%swap3A_167] {strides = array<i32>} : memref<16384xf32, #tpu.memory_space<vmem>>, vector<16xf32>,
      tpu.vector_store %arg11[%swap3A_167], %scan3A_156#1 {strides = array<i32>} : memref<16384xf32, #tpu.memory_space<vmem>>, vector<16xf32>,
      %mul3A_169 = arith.constant 512 : i32
      %mul3A_170 = arith.muli %add3A_68, %mul3A_169 : i32
      %add3A_171 = arith.constant 32 : i32
      %add3A_172 = arith.addi %mul3A_170, %add3A_171 : i32
      %swap3A_173 = arith.index_cast %add3A_172 : i32 to index
      %swap3A_174 = tpu.vector_load %arg11[%swap3A_173] {strides = array<i32>} : memref<16384xf32, #tpu.memory_space<vmem>>, vector<16xf32>,
      tpu.vector_store %arg11[%swap3A_173], %scan3A_156#2 {strides = array<i32>} : memref<16384xf32, #tpu.memory_space<vmem>>, vector<16xf32>,
      %mul3A_175 = arith.constant 512 : i32
      %mul3A_176 = arith.muli %add3A_68, %mul3A_175 : i32
      %add3A_177 = arith.constant 48 : i32
      %add3A_178 = arith.addi %mul3A_176, %add3A_177 : i32
      %swap3A_179 = arith.index_cast %add3A_178 : i32 to index
      %swap3A_180 = tpu.vector_load %arg11[%swap3A_179] {strides = array<i32>} : memref<16384xf32, #tpu.memory_space<vmem>>, vector<16xf32>,
      tpu.vector_store %arg11[%swap3A_179], %scan3A_156#3 {strides = array<i32>} : memref<16384xf32, #tpu.memory_space<vmem>>, vector<16xf32>,
      %mul3A_181 = arith.constant 512 : i32
      %mul3A_182 = arith.muli %add3A_68, %mul3A_181 : i32
      %add3A_183 = arith.constant 64 : i32
      %add3A_184 = arith.addi %mul3A_182, %add3A_183 : i32
      %swap3A_185 = arith.index_cast %add3A_184 : i32 to index
      %swap3A_186 = tpu.vector_load %arg11[%swap3A_185] {strides = array<i32>} : memref<16384xf32, #tpu.memory_space<vmem>>, vector<16xf32>,
      tpu.vector_store %arg11[%swap3A_185], %scan3A_156#4 {strides = array<i32>} : memref<16384xf32, #tpu.memory_space<vmem>>, vector<16xf32>,
      %mul3A_187 = arith.constant 512 : i32
      %mul3A_188 = arith.muli %add3A_68, %mul3A_187 : i32
      %add3A_189 = arith.constant 80 : i32
      %add3A_190 = arith.addi %mul3A_188, %add3A_189 : i32
      %swap3A_191 = arith.index_cast %add3A_190 : i32 to index
      %swap3A_192 = tpu.vector_load %arg11[%swap3A_191] {strides = array<i32>} : memref<16384xf32, #tpu.memory_space<vmem>>, vector<16xf32>,
      tpu.vector_store %arg11[%swap3A_191], %scan3A_156#5 {strides = array<i32>} : memref<16384xf32, #tpu.memory_space<vmem>>, vector<16xf32>,
      %mul3A_193 = arith.constant 512 : i32
      %mul3A_194 = arith.muli %add3A_68, %mul3A_193 : i32
      %add3A_195 = arith.constant 96 : i32
      %add3A_196 = arith.addi %mul3A_194, %add3A_195 : i32
      %swap3A_197 = arith.index_cast %add3A_196 : i32 to index
      %swap3A_198 = tpu.vector_load %arg11[%swap3A_197] {strides = array<i32>} : memref<16384xf32, #tpu.memory_space<vmem>>, vector<16xf32>,
      tpu.vector_store %arg11[%swap3A_197], %scan3A_156#6 {strides = array<i32>} : memref<16384xf32, #tpu.memory_space<vmem>>, vector<16xf32>,
      %mul3A_199 = arith.constant 512 : i32
      %mul3A_200 = arith.muli %add3A_68, %mul3A_199 : i32
      %add3A_201 = arith.constant 112 : i32
      %add3A_202 = arith.addi %mul3A_200, %add3A_201 : i32
      %swap3A_203 = arith.index_cast %add3A_202 : i32 to index
      %swap3A_204 = tpu.vector_load %arg11[%swap3A_203] {strides = array<i32>} : memref<16384xf32, #tpu.memory_space<vmem>>, vector<16xf32>,
      tpu.vector_store %arg11[%swap3A_203], %scan3A_156#7 {strides = array<i32>} : memref<16384xf32, #tpu.memory_space<vmem>>, vector<16xf32>,
      %mul3A_205 = arith.constant 512 : i32
      %mul3A_206 = arith.muli %add3A_68, %mul3A_205 : i32
      %add3A_207 = arith.constant 128 : i32
      %add3A_208 = arith.addi %mul3A_206, %add3A_207 : i32
      %swap3A_209 = arith.index_cast %add3A_208 : i32 to index
      %swap3A_210 = tpu.vector_load %arg11[%swap3A_209] {strides = array<i32>} : memref<16384xf32, #tpu.memory_space<vmem>>, vector<16xf32>,
      tpu.vector_store %arg11[%swap3A_209], %scan3A_156#8 {strides = array<i32>} : memref<16384xf32, #tpu.memory_space<vmem>>, vector<16xf32>,
      %mul3A_211 = arith.constant 512 : i32
      %mul3A_212 = arith.muli %add3A_68, %mul3A_211 : i32
      %add3A_213 = arith.constant 144 : i32
      %add3A_214 = arith.addi %mul3A_212, %add3A_213 : i32
      %swap3A_215 = arith.index_cast %add3A_214 : i32 to index
      %swap3A_216 = tpu.vector_load %arg11[%swap3A_215] {strides = array<i32>} : memref<16384xf32, #tpu.memory_space<vmem>>, vector<16xf32>,
      tpu.vector_store %arg11[%swap3A_215], %scan3A_156#9 {strides = array<i32>} : memref<16384xf32, #tpu.memory_space<vmem>>, vector<16xf32>,
      %mul3A_217 = arith.constant 480 : i32
      %mul3A_218 = arith.muli %add3A_68, %mul3A_217 : i32
      %add3A_219 = arith.constant 192 : i32
      %add3A_220 = arith.addi %mul3A_218, %add3A_219 : i32
      %dma_wait3A_221 = arith.constant 192 : i32
      %dma_wait3A_222 = arith.constant 0 : i32
      %dma_wait3A_223 = tpu.memref_slice %arg10[%dma_wait3A_221, %dma_wait3A_222] : memref<480x128xf32, #tpu.memory_space<vmem>> -> memref<96x128xf32, #tpu.memory_space<vmem>>
      %dma_wait3A_224 = tpu.memref_slice %arg8[%add3A_220] : memref<15360xi32, #tpu.memory_space<vmem>> -> memref<96xi32, #tpu.memory_space<vmem>>
      %dma_wait3A_225 = arith.constant 0 : i32
      %dma_wait3A_226 = arith.constant 0 : i32
      %dma_wait3A_227 = tpu.memref_slice %arg3[%dma_wait3A_225, %dma_wait3A_226] : memref<100000x128xf32, #tpu.memory_space<hbm>> -> memref<100000x128xf32, #tpu.memory_space<hbm>>
      tpu.wait_indirect_dma semaphore(%arg14 : memref<!tpu.dma_semaphore, #tpu.memory_space<semaphore_mem>>) src(%dma_wait3A_227 : memref<100000x128xf32, #tpu.memory_space<hbm>>) dst(%dma_wait3A_223 : memref<96x128xf32, #tpu.memory_space<vmem>>)
      %mul3A_228 = arith.constant 480 : i32
      %mul3A_229 = arith.muli %add3A_68, %mul3A_228 : i32
      %add3A_230 = arith.constant 288 : i32
      %add3A_231 = arith.addi %mul3A_229, %add3A_230 : i32
      %dma_wait3A_232 = arith.constant 288 : i32
      %dma_wait3A_233 = arith.constant 0 : i32
      %dma_wait3A_234 = tpu.memref_slice %arg10[%dma_wait3A_232, %dma_wait3A_233] : memref<480x128xf32, #tpu.memory_space<vmem>> -> memref<96x128xf32, #tpu.memory_space<vmem>>
      %dma_wait3A_235 = tpu.memref_slice %arg8[%add3A_231] : memref<15360xi32, #tpu.memory_space<vmem>> -> memref<96xi32, #tpu.memory_space<vmem>>
      %dma_wait3A_236 = arith.constant 0 : i32
      %dma_wait3A_237 = arith.constant 0 : i32
      %dma_wait3A_238 = tpu.memref_slice %arg3[%dma_wait3A_236, %dma_wait3A_237] : memref<100000x128xf32, #tpu.memory_space<hbm>> -> memref<100000x128xf32, #tpu.memory_space<hbm>>
      tpu.wait_indirect_dma semaphore(%arg15 : memref<!tpu.dma_semaphore, #tpu.memory_space<semaphore_mem>>) src(%dma_wait3A_238 : memref<100000x128xf32, #tpu.memory_space<hbm>>) dst(%dma_wait3A_234 : memref<96x128xf32, #tpu.memory_space<vmem>>)
      %broadcast_in_dim3A_239 = arith.constant 0.000000e+00 : f32
      %broadcast_in_dim3A_240 = vector.broadcast %broadcast_in_dim3A_239 : f32 to vector<16xf32>
      %mul3A_241 = arith.constant 16 : i32
      %mul3A_242 = arith.muli %add3A_68, %mul3A_241 : i32
      %sub3A_243 = arith.constant 256 : i32
      %sub3A_244 = arith.subi %mul3A_242, %sub3A_243 : i32
      %broadcast_in_dim3A_245 = vector.broadcast %sub3A_244 : i32 to vector<16xi32>
      %add3A_246 = arith.addi %broadcast_in_dim3A_245, %iota3A : vector<16xi32>
      %scan3A_247 = arith.constant 0 : i32
      %scan3A_248 = arith.constant 128 : i32
      %scan3A_249 = arith.addi %scan3A_247, %scan3A_248 : i32
      %scan3A_250 = arith.constant 2 : i32
      %scan3A_251:10 = scf.for %scan3A_398 = %scan3A_247 to %scan3A_249 step %scan3A_250 iter_args(%scan3A_399 = %broadcast_in_dim3A_240, %scan3A_400 = %broadcast_in_dim3A_240, %scan3A_401 = %broadcast_in_dim3A_240, %scan3A_402 = %broadcast_in_dim3A_240, %scan3A_403 = %broadcast_in_dim3A_240, %scan3A_404 = %broadcast_in_dim3A_240, %scan3A_405 = %broadcast_in_dim3A_240, %scan3A_406 = %broadcast_in_dim3A_240, %scan3A_407 = %broadcast_in_dim3A_240, %scan3A_408 = %broadcast_in_dim3A_240) -> (vector<16xf32>, vector<16xf32>, vector<16xf32>, vector<16xf32>, vector<16xf32>, vector<16xf32>, vector<16xf32>, vector<16xf32>, vector<16xf32>, vector<16xf32>)  : i32 {
        %broadcast_in_dim3A_409 = vector.broadcast %scan3A_398 : i32 to vector<16xi32>
        %add3A_410 = arith.addi %broadcast_in_dim3A_409, %iota3A : vector<16xi32>
        %and3A = arith.constant 127 : i32
        %and3A_411 = vector.broadcast %and3A : i32 to vector<16xi32>
        %and3A_412 = arith.andi %add3A_410, %and3A_411 : vector<16xi32>
        %gather3A = tpu.vector_load_idx %arg9[%add3A_246, %and3A_412] : memref<128x128xf32, #tpu.memory_space<vmem>>[vector<16xi32>, vector<16xi32>], vector<16xf32>,
        %add3A_413 = arith.constant 160 : i32
        %add3A_414 = vector.broadcast %add3A_413 : i32 to vector<16xi32>
        %add3A_415 = arith.addi %add3A_414, %iota3A : vector<16xi32>
        %gather3A_416 = tpu.vector_load_idx %arg10[%add3A_415, %and3A_412] : memref<480x128xf32, #tpu.memory_space<vmem>>[vector<16xi32>, vector<16xi32>], vector<16xf32>,
        %mul3A_417 = arith.mulf %gather3A_416, %gather3A : vector<16xf32>
        %add3A_418 = arith.addf %scan3A_399, %mul3A_417 : vector<16xf32>
        %add3A_419 = arith.constant 176 : i32
        %add3A_420 = vector.broadcast %add3A_419 : i32 to vector<16xi32>
        %add3A_421 = arith.addi %add3A_420, %iota3A : vector<16xi32>
        %gather3A_422 = tpu.vector_load_idx %arg10[%add3A_421, %and3A_412] : memref<480x128xf32, #tpu.memory_space<vmem>>[vector<16xi32>, vector<16xi32>], vector<16xf32>,
        %mul3A_423 = arith.mulf %gather3A_422, %gather3A : vector<16xf32>
        %add3A_424 = arith.addf %scan3A_400, %mul3A_423 : vector<16xf32>
        %add3A_425 = arith.constant 192 : i32
        %add3A_426 = vector.broadcast %add3A_425 : i32 to vector<16xi32>
        %add3A_427 = arith.addi %add3A_426, %iota3A : vector<16xi32>
        %gather3A_428 = tpu.vector_load_idx %arg10[%add3A_427, %and3A_412] : memref<480x128xf32, #tpu.memory_space<vmem>>[vector<16xi32>, vector<16xi32>], vector<16xf32>,
        %mul3A_429 = arith.mulf %gather3A_428, %gather3A : vector<16xf32>
        %add3A_430 = arith.addf %scan3A_401, %mul3A_429 : vector<16xf32>
        %add3A_431 = arith.constant 208 : i32
        %add3A_432 = vector.broadcast %add3A_431 : i32 to vector<16xi32>
        %add3A_433 = arith.addi %add3A_432, %iota3A : vector<16xi32>
        %gather3A_434 = tpu.vector_load_idx %arg10[%add3A_433, %and3A_412] : memref<480x128xf32, #tpu.memory_space<vmem>>[vector<16xi32>, vector<16xi32>], vector<16xf32>,
        %mul3A_435 = arith.mulf %gather3A_434, %gather3A : vector<16xf32>
        %add3A_436 = arith.addf %scan3A_402, %mul3A_435 : vector<16xf32>
        %add3A_437 = arith.constant 224 : i32
        %add3A_438 = vector.broadcast %add3A_437 : i32 to vector<16xi32>
        %add3A_439 = arith.addi %add3A_438, %iota3A : vector<16xi32>
        %gather3A_440 = tpu.vector_load_idx %arg10[%add3A_439, %and3A_412] : memref<480x128xf32, #tpu.memory_space<vmem>>[vector<16xi32>, vector<16xi32>], vector<16xf32>,
        %mul3A_441 = arith.mulf %gather3A_440, %gather3A : vector<16xf32>
        %add3A_442 = arith.addf %scan3A_403, %mul3A_441 : vector<16xf32>
        %add3A_443 = arith.constant 240 : i32
        %add3A_444 = vector.broadcast %add3A_443 : i32 to vector<16xi32>
        %add3A_445 = arith.addi %add3A_444, %iota3A : vector<16xi32>
        %gather3A_446 = tpu.vector_load_idx %arg10[%add3A_445, %and3A_412] : memref<480x128xf32, #tpu.memory_space<vmem>>[vector<16xi32>, vector<16xi32>], vector<16xf32>,
        %mul3A_447 = arith.mulf %gather3A_446, %gather3A : vector<16xf32>
        %add3A_448 = arith.addf %scan3A_404, %mul3A_447 : vector<16xf32>
        %add3A_449 = arith.constant 256 : i32
        %add3A_450 = vector.broadcast %add3A_449 : i32 to vector<16xi32>
        %add3A_451 = arith.addi %add3A_450, %iota3A : vector<16xi32>
        %gather3A_452 = tpu.vector_load_idx %arg10[%add3A_451, %and3A_412] : memref<480x128xf32, #tpu.memory_space<vmem>>[vector<16xi32>, vector<16xi32>], vector<16xf32>,
        %mul3A_453 = arith.mulf %gather3A_452, %gather3A : vector<16xf32>
        %add3A_454 = arith.addf %scan3A_405, %mul3A_453 : vector<16xf32>
        %add3A_455 = arith.constant 272 : i32
        %add3A_456 = vector.broadcast %add3A_455 : i32 to vector<16xi32>
        %add3A_457 = arith.addi %add3A_456, %iota3A : vector<16xi32>
        %gather3A_458 = tpu.vector_load_idx %arg10[%add3A_457, %and3A_412] : memref<480x128xf32, #tpu.memory_space<vmem>>[vector<16xi32>, vector<16xi32>], vector<16xf32>,
        %mul3A_459 = arith.mulf %gather3A_458, %gather3A : vector<16xf32>
        %add3A_460 = arith.addf %scan3A_406, %mul3A_459 : vector<16xf32>
        %add3A_461 = arith.constant 288 : i32
        %add3A_462 = vector.broadcast %add3A_461 : i32 to vector<16xi32>
        %add3A_463 = arith.addi %add3A_462, %iota3A : vector<16xi32>
        %gather3A_464 = tpu.vector_load_idx %arg10[%add3A_463, %and3A_412] : memref<480x128xf32, #tpu.memory_space<vmem>>[vector<16xi32>, vector<16xi32>], vector<16xf32>,
        %mul3A_465 = arith.mulf %gather3A_464, %gather3A : vector<16xf32>
        %add3A_466 = arith.addf %scan3A_407, %mul3A_465 : vector<16xf32>
        %add3A_467 = arith.constant 304 : i32
        %add3A_468 = vector.broadcast %add3A_467 : i32 to vector<16xi32>
        %add3A_469 = arith.addi %add3A_468, %iota3A : vector<16xi32>
        %gather3A_470 = tpu.vector_load_idx %arg10[%add3A_469, %and3A_412] : memref<480x128xf32, #tpu.memory_space<vmem>>[vector<16xi32>, vector<16xi32>], vector<16xf32>,
        %mul3A_471 = arith.mulf %gather3A_470, %gather3A : vector<16xf32>
        %add3A_472 = arith.addf %scan3A_408, %mul3A_471 : vector<16xf32>
        %scan3A_473 = arith.constant 1 : i32
        %scan3A_474 = arith.addi %scan3A_398, %scan3A_473 : i32
        %broadcast_in_dim3A_475 = vector.broadcast %scan3A_474 : i32 to vector<16xi32>
        %add3A_476 = arith.addi %broadcast_in_dim3A_475, %iota3A : vector<16xi32>
        %and3A_477 = arith.constant 127 : i32
        %and3A_478 = vector.broadcast %and3A_477 : i32 to vector<16xi32>
        %and3A_479 = arith.andi %add3A_476, %and3A_478 : vector<16xi32>
        %gather3A_480 = tpu.vector_load_idx %arg9[%add3A_246, %and3A_479] : memref<128x128xf32, #tpu.memory_space<vmem>>[vector<16xi32>, vector<16xi32>], vector<16xf32>,
        %add3A_481 = arith.constant 160 : i32
        %add3A_482 = vector.broadcast %add3A_481 : i32 to vector<16xi32>
        %add3A_483 = arith.addi %add3A_482, %iota3A : vector<16xi32>
        %gather3A_484 = tpu.vector_load_idx %arg10[%add3A_483, %and3A_479] : memref<480x128xf32, #tpu.memory_space<vmem>>[vector<16xi32>, vector<16xi32>], vector<16xf32>,
        %mul3A_485 = arith.mulf %gather3A_484, %gather3A_480 : vector<16xf32>
        %add3A_486 = arith.addf %add3A_418, %mul3A_485 : vector<16xf32>
        %add3A_487 = arith.constant 176 : i32
        %add3A_488 = vector.broadcast %add3A_487 : i32 to vector<16xi32>
        %add3A_489 = arith.addi %add3A_488, %iota3A : vector<16xi32>
        %gather3A_490 = tpu.vector_load_idx %arg10[%add3A_489, %and3A_479] : memref<480x128xf32, #tpu.memory_space<vmem>>[vector<16xi32>, vector<16xi32>], vector<16xf32>,
        %mul3A_491 = arith.mulf %gather3A_490, %gather3A_480 : vector<16xf32>
        %add3A_492 = arith.addf %add3A_424, %mul3A_491 : vector<16xf32>
        %add3A_493 = arith.constant 192 : i32
        %add3A_494 = vector.broadcast %add3A_493 : i32 to vector<16xi32>
        %add3A_495 = arith.addi %add3A_494, %iota3A : vector<16xi32>
        %gather3A_496 = tpu.vector_load_idx %arg10[%add3A_495, %and3A_479] : memref<480x128xf32, #tpu.memory_space<vmem>>[vector<16xi32>, vector<16xi32>], vector<16xf32>,
        %mul3A_497 = arith.mulf %gather3A_496, %gather3A_480 : vector<16xf32>
        %add3A_498 = arith.addf %add3A_430, %mul3A_497 : vector<16xf32>
        %add3A_499 = arith.constant 208 : i32
        %add3A_500 = vector.broadcast %add3A_499 : i32 to vector<16xi32>
        %add3A_501 = arith.addi %add3A_500, %iota3A : vector<16xi32>
        %gather3A_502 = tpu.vector_load_idx %arg10[%add3A_501, %and3A_479] : memref<480x128xf32, #tpu.memory_space<vmem>>[vector<16xi32>, vector<16xi32>], vector<16xf32>,
        %mul3A_503 = arith.mulf %gather3A_502, %gather3A_480 : vector<16xf32>
        %add3A_504 = arith.addf %add3A_436, %mul3A_503 : vector<16xf32>
        %add3A_505 = arith.constant 224 : i32
        %add3A_506 = vector.broadcast %add3A_505 : i32 to vector<16xi32>
        %add3A_507 = arith.addi %add3A_506, %iota3A : vector<16xi32>
        %gather3A_508 = tpu.vector_load_idx %arg10[%add3A_507, %and3A_479] : memref<480x128xf32, #tpu.memory_space<vmem>>[vector<16xi32>, vector<16xi32>], vector<16xf32>,
        %mul3A_509 = arith.mulf %gather3A_508, %gather3A_480 : vector<16xf32>
        %add3A_510 = arith.addf %add3A_442, %mul3A_509 : vector<16xf32>
        %add3A_511 = arith.constant 240 : i32
        %add3A_512 = vector.broadcast %add3A_511 : i32 to vector<16xi32>
        %add3A_513 = arith.addi %add3A_512, %iota3A : vector<16xi32>
        %gather3A_514 = tpu.vector_load_idx %arg10[%add3A_513, %and3A_479] : memref<480x128xf32, #tpu.memory_space<vmem>>[vector<16xi32>, vector<16xi32>], vector<16xf32>,
        %mul3A_515 = arith.mulf %gather3A_514, %gather3A_480 : vector<16xf32>
        %add3A_516 = arith.addf %add3A_448, %mul3A_515 : vector<16xf32>
        %add3A_517 = arith.constant 256 : i32
        %add3A_518 = vector.broadcast %add3A_517 : i32 to vector<16xi32>
        %add3A_519 = arith.addi %add3A_518, %iota3A : vector<16xi32>
        %gather3A_520 = tpu.vector_load_idx %arg10[%add3A_519, %and3A_479] : memref<480x128xf32, #tpu.memory_space<vmem>>[vector<16xi32>, vector<16xi32>], vector<16xf32>,
        %mul3A_521 = arith.mulf %gather3A_520, %gather3A_480 : vector<16xf32>
        %add3A_522 = arith.addf %add3A_454, %mul3A_521 : vector<16xf32>
        %add3A_523 = arith.constant 272 : i32
        %add3A_524 = vector.broadcast %add3A_523 : i32 to vector<16xi32>
        %add3A_525 = arith.addi %add3A_524, %iota3A : vector<16xi32>
        %gather3A_526 = tpu.vector_load_idx %arg10[%add3A_525, %and3A_479] : memref<480x128xf32, #tpu.memory_space<vmem>>[vector<16xi32>, vector<16xi32>], vector<16xf32>,
        %mul3A_527 = arith.mulf %gather3A_526, %gather3A_480 : vector<16xf32>
        %add3A_528 = arith.addf %add3A_460, %mul3A_527 : vector<16xf32>
        %add3A_529 = arith.constant 288 : i32
        %add3A_530 = vector.broadcast %add3A_529 : i32 to vector<16xi32>
        %add3A_531 = arith.addi %add3A_530, %iota3A : vector<16xi32>
        %gather3A_532 = tpu.vector_load_idx %arg10[%add3A_531, %and3A_479] : memref<480x128xf32, #tpu.memory_space<vmem>>[vector<16xi32>, vector<16xi32>], vector<16xf32>,
        %mul3A_533 = arith.mulf %gather3A_532, %gather3A_480 : vector<16xf32>
        %add3A_534 = arith.addf %add3A_466, %mul3A_533 : vector<16xf32>
        %add3A_535 = arith.constant 304 : i32
        %add3A_536 = vector.broadcast %add3A_535 : i32 to vector<16xi32>
        %add3A_537 = arith.addi %add3A_536, %iota3A : vector<16xi32>
        %gather3A_538 = tpu.vector_load_idx %arg10[%add3A_537, %and3A_479] : memref<480x128xf32, #tpu.memory_space<vmem>>[vector<16xi32>, vector<16xi32>], vector<16xf32>,
        %mul3A_539 = arith.mulf %gather3A_538, %gather3A_480 : vector<16xf32>
        %add3A_540 = arith.addf %add3A_472, %mul3A_539 : vector<16xf32>
        scf.yield %add3A_486, %add3A_492, %add3A_498, %add3A_504, %add3A_510, %add3A_516, %add3A_522, %add3A_528, %add3A_534, %add3A_540 : vector<16xf32>, vector<16xf32>, vector<16xf32>, vector<16xf32>, vector<16xf32>, vector<16xf32>, vector<16xf32>, vector<16xf32>, vector<16xf32>, vector<16xf32>
      }
      %scan3A_252 = arith.constant 128 : i32
      %mul3A_253 = arith.constant 512 : i32
      %mul3A_254 = arith.muli %add3A_68, %mul3A_253 : i32
      %add3A_255 = arith.constant 160 : i32
      %add3A_256 = arith.addi %mul3A_254, %add3A_255 : i32
      %swap3A_257 = arith.index_cast %add3A_256 : i32 to index
      %swap3A_258 = tpu.vector_load %arg11[%swap3A_257] {strides = array<i32>} : memref<16384xf32, #tpu.memory_space<vmem>>, vector<16xf32>,
      tpu.vector_store %arg11[%swap3A_257], %scan3A_251#0 {strides = array<i32>} : memref<16384xf32, #tpu.memory_space<vmem>>, vector<16xf32>,
      %mul3A_259 = arith.constant 512 : i32
      %mul3A_260 = arith.muli %add3A_68, %mul3A_259 : i32
      %add3A_261 = arith.constant 176 : i32
      %add3A_262 = arith.addi %mul3A_260, %add3A_261 : i32
      %swap3A_263 = arith.index_cast %add3A_262 : i32 to index
      %swap3A_264 = tpu.vector_load %arg11[%swap3A_263] {strides = array<i32>} : memref<16384xf32, #tpu.memory_space<vmem>>, vector<16xf32>,
      tpu.vector_store %arg11[%swap3A_263], %scan3A_251#1 {strides = array<i32>} : memref<16384xf32, #tpu.memory_space<vmem>>, vector<16xf32>,
      %mul3A_265 = arith.constant 512 : i32
      %mul3A_266 = arith.muli %add3A_68, %mul3A_265 : i32
      %add3A_267 = arith.constant 192 : i32
      %add3A_268 = arith.addi %mul3A_266, %add3A_267 : i32
      %swap3A_269 = arith.index_cast %add3A_268 : i32 to index
      %swap3A_270 = tpu.vector_load %arg11[%swap3A_269] {strides = array<i32>} : memref<16384xf32, #tpu.memory_space<vmem>>, vector<16xf32>,
      tpu.vector_store %arg11[%swap3A_269], %scan3A_251#2 {strides = array<i32>} : memref<16384xf32, #tpu.memory_space<vmem>>, vector<16xf32>,
      %mul3A_271 = arith.constant 512 : i32
      %mul3A_272 = arith.muli %add3A_68, %mul3A_271 : i32
      %add3A_273 = arith.constant 208 : i32
      %add3A_274 = arith.addi %mul3A_272, %add3A_273 : i32
      %swap3A_275 = arith.index_cast %add3A_274 : i32 to index
      %swap3A_276 = tpu.vector_load %arg11[%swap3A_275] {strides = array<i32>} : memref<16384xf32, #tpu.memory_space<vmem>>, vector<16xf32>,
      tpu.vector_store %arg11[%swap3A_275], %scan3A_251#3 {strides = array<i32>} : memref<16384xf32, #tpu.memory_space<vmem>>, vector<16xf32>,
      %mul3A_277 = arith.constant 512 : i32
      %mul3A_278 = arith.muli %add3A_68, %mul3A_277 : i32
      %add3A_279 = arith.constant 224 : i32
      %add3A_280 = arith.addi %mul3A_278, %add3A_279 : i32
      %swap3A_281 = arith.index_cast %add3A_280 : i32 to index
      %swap3A_282 = tpu.vector_load %arg11[%swap3A_281] {strides = array<i32>} : memref<16384xf32, #tpu.memory_space<vmem>>, vector<16xf32>,
      tpu.vector_store %arg11[%swap3A_281], %scan3A_251#4 {strides = array<i32>} : memref<16384xf32, #tpu.memory_space<vmem>>, vector<16xf32>,
      %mul3A_283 = arith.constant 512 : i32
      %mul3A_284 = arith.muli %add3A_68, %mul3A_283 : i32
      %add3A_285 = arith.constant 240 : i32
      %add3A_286 = arith.addi %mul3A_284, %add3A_285 : i32
      %swap3A_287 = arith.index_cast %add3A_286 : i32 to index
      %swap3A_288 = tpu.vector_load %arg11[%swap3A_287] {strides = array<i32>} : memref<16384xf32, #tpu.memory_space<vmem>>, vector<16xf32>,
      tpu.vector_store %arg11[%swap3A_287], %scan3A_251#5 {strides = array<i32>} : memref<16384xf32, #tpu.memory_space<vmem>>, vector<16xf32>,
      %mul3A_289 = arith.constant 512 : i32
      %mul3A_290 = arith.muli %add3A_68, %mul3A_289 : i32
      %add3A_291 = arith.constant 256 : i32
      %add3A_292 = arith.addi %mul3A_290, %add3A_291 : i32
      %swap3A_293 = arith.index_cast %add3A_292 : i32 to index
      %swap3A_294 = tpu.vector_load %arg11[%swap3A_293] {strides = array<i32>} : memref<16384xf32, #tpu.memory_space<vmem>>, vector<16xf32>,
      tpu.vector_store %arg11[%swap3A_293], %scan3A_251#6 {strides = array<i32>} : memref<16384xf32, #tpu.memory_space<vmem>>, vector<16xf32>,
      %mul3A_295 = arith.constant 512 : i32
      %mul3A_296 = arith.muli %add3A_68, %mul3A_295 : i32
      %add3A_297 = arith.constant 272 : i32
      %add3A_298 = arith.addi %mul3A_296, %add3A_297 : i32
      %swap3A_299 = arith.index_cast %add3A_298 : i32 to index
      %swap3A_300 = tpu.vector_load %arg11[%swap3A_299] {strides = array<i32>} : memref<16384xf32, #tpu.memory_space<vmem>>, vector<16xf32>,
      tpu.vector_store %arg11[%swap3A_299], %scan3A_251#7 {strides = array<i32>} : memref<16384xf32, #tpu.memory_space<vmem>>, vector<16xf32>,
      %mul3A_301 = arith.constant 512 : i32
      %mul3A_302 = arith.muli %add3A_68, %mul3A_301 : i32
      %add3A_303 = arith.constant 288 : i32
      %add3A_304 = arith.addi %mul3A_302, %add3A_303 : i32
      %swap3A_305 = arith.index_cast %add3A_304 : i32 to index
      %swap3A_306 = tpu.vector_load %arg11[%swap3A_305] {strides = array<i32>} : memref<16384xf32, #tpu.memory_space<vmem>>, vector<16xf32>,
      tpu.vector_store %arg11[%swap3A_305], %scan3A_251#8 {strides = array<i32>} : memref<16384xf32, #tpu.memory_space<vmem>>, vector<16xf32>,
      %mul3A_307 = arith.constant 512 : i32
      %mul3A_308 = arith.muli %add3A_68, %mul3A_307 : i32
      %add3A_309 = arith.constant 304 : i32
      %add3A_310 = arith.addi %mul3A_308, %add3A_309 : i32
      %swap3A_311 = arith.index_cast %add3A_310 : i32 to index
      %swap3A_312 = tpu.vector_load %arg11[%swap3A_311] {strides = array<i32>} : memref<16384xf32, #tpu.memory_space<vmem>>, vector<16xf32>,
      tpu.vector_store %arg11[%swap3A_311], %scan3A_251#9 {strides = array<i32>} : memref<16384xf32, #tpu.memory_space<vmem>>, vector<16xf32>,
      %mul3A_313 = arith.constant 480 : i32
      %mul3A_314 = arith.muli %add3A_68, %mul3A_313 : i32
      %add3A_315 = arith.constant 384 : i32
      %add3A_316 = arith.addi %mul3A_314, %add3A_315 : i32
      %dma_wait3A_317 = arith.constant 384 : i32
      %dma_wait3A_318 = arith.constant 0 : i32
      %dma_wait3A_319 = tpu.memref_slice %arg10[%dma_wait3A_317, %dma_wait3A_318] : memref<480x128xf32, #tpu.memory_space<vmem>> -> memref<96x128xf32, #tpu.memory_space<vmem>>
      %dma_wait3A_320 = tpu.memref_slice %arg8[%add3A_316] : memref<15360xi32, #tpu.memory_space<vmem>> -> memref<96xi32, #tpu.memory_space<vmem>>
      %dma_wait3A_321 = arith.constant 0 : i32
      %dma_wait3A_322 = arith.constant 0 : i32
      %dma_wait3A_323 = tpu.memref_slice %arg3[%dma_wait3A_321, %dma_wait3A_322] : memref<100000x128xf32, #tpu.memory_space<hbm>> -> memref<100000x128xf32, #tpu.memory_space<hbm>>
      tpu.wait_indirect_dma semaphore(%arg16 : memref<!tpu.dma_semaphore, #tpu.memory_space<semaphore_mem>>) src(%dma_wait3A_323 : memref<100000x128xf32, #tpu.memory_space<hbm>>) dst(%dma_wait3A_319 : memref<96x128xf32, #tpu.memory_space<vmem>>)
      %broadcast_in_dim3A_324 = arith.constant 0.000000e+00 : f32
      %broadcast_in_dim3A_325 = vector.broadcast %broadcast_in_dim3A_324 : f32 to vector<16xf32>
      %mul3A_326 = arith.constant 16 : i32
      %mul3A_327 = arith.muli %add3A_68, %mul3A_326 : i32
      %sub3A_328 = arith.constant 256 : i32
      %sub3A_329 = arith.subi %mul3A_327, %sub3A_328 : i32
      %broadcast_in_dim3A_330 = vector.broadcast %sub3A_329 : i32 to vector<16xi32>
      %add3A_331 = arith.addi %broadcast_in_dim3A_330, %iota3A : vector<16xi32>
      %scan3A_332 = arith.constant 0 : i32
      %scan3A_333 = arith.constant 128 : i32
      %scan3A_334 = arith.addi %scan3A_332, %scan3A_333 : i32
      %scan3A_335 = arith.constant 2 : i32
      %scan3A_336:10 = scf.for %scan3A_398 = %scan3A_332 to %scan3A_334 step %scan3A_335 iter_args(%scan3A_399 = %broadcast_in_dim3A_325, %scan3A_400 = %broadcast_in_dim3A_325, %scan3A_401 = %broadcast_in_dim3A_325, %scan3A_402 = %broadcast_in_dim3A_325, %scan3A_403 = %broadcast_in_dim3A_325, %scan3A_404 = %broadcast_in_dim3A_325, %scan3A_405 = %broadcast_in_dim3A_325, %scan3A_406 = %broadcast_in_dim3A_325, %scan3A_407 = %broadcast_in_dim3A_325, %scan3A_408 = %broadcast_in_dim3A_325) -> (vector<16xf32>, vector<16xf32>, vector<16xf32>, vector<16xf32>, vector<16xf32>, vector<16xf32>, vector<16xf32>, vector<16xf32>, vector<16xf32>, vector<16xf32>)  : i32 {
        %broadcast_in_dim3A_409 = vector.broadcast %scan3A_398 : i32 to vector<16xi32>
        %add3A_410 = arith.addi %broadcast_in_dim3A_409, %iota3A : vector<16xi32>
        %and3A = arith.constant 127 : i32
        %and3A_411 = vector.broadcast %and3A : i32 to vector<16xi32>
        %and3A_412 = arith.andi %add3A_410, %and3A_411 : vector<16xi32>
        %gather3A = tpu.vector_load_idx %arg9[%add3A_331, %and3A_412] : memref<128x128xf32, #tpu.memory_space<vmem>>[vector<16xi32>, vector<16xi32>], vector<16xf32>,
        %add3A_413 = arith.constant 320 : i32
        %add3A_414 = vector.broadcast %add3A_413 : i32 to vector<16xi32>
        %add3A_415 = arith.addi %add3A_414, %iota3A : vector<16xi32>
        %gather3A_416 = tpu.vector_load_idx %arg10[%add3A_415, %and3A_412] : memref<480x128xf32, #tpu.memory_space<vmem>>[vector<16xi32>, vector<16xi32>], vector<16xf32>,
        %mul3A_417 = arith.mulf %gather3A_416, %gather3A : vector<16xf32>
        %add3A_418 = arith.addf %scan3A_399, %mul3A_417 : vector<16xf32>
        %add3A_419 = arith.constant 336 : i32
        %add3A_420 = vector.broadcast %add3A_419 : i32 to vector<16xi32>
        %add3A_421 = arith.addi %add3A_420, %iota3A : vector<16xi32>
        %gather3A_422 = tpu.vector_load_idx %arg10[%add3A_421, %and3A_412] : memref<480x128xf32, #tpu.memory_space<vmem>>[vector<16xi32>, vector<16xi32>], vector<16xf32>,
        %mul3A_423 = arith.mulf %gather3A_422, %gather3A : vector<16xf32>
        %add3A_424 = arith.addf %scan3A_400, %mul3A_423 : vector<16xf32>
        %add3A_425 = arith.constant 352 : i32
        %add3A_426 = vector.broadcast %add3A_425 : i32 to vector<16xi32>
        %add3A_427 = arith.addi %add3A_426, %iota3A : vector<16xi32>
        %gather3A_428 = tpu.vector_load_idx %arg10[%add3A_427, %and3A_412] : memref<480x128xf32, #tpu.memory_space<vmem>>[vector<16xi32>, vector<16xi32>], vector<16xf32>,
        %mul3A_429 = arith.mulf %gather3A_428, %gather3A : vector<16xf32>
        %add3A_430 = arith.addf %scan3A_401, %mul3A_429 : vector<16xf32>
        %add3A_431 = arith.constant 368 : i32
        %add3A_432 = vector.broadcast %add3A_431 : i32 to vector<16xi32>
        %add3A_433 = arith.addi %add3A_432, %iota3A : vector<16xi32>
        %gather3A_434 = tpu.vector_load_idx %arg10[%add3A_433, %and3A_412] : memref<480x128xf32, #tpu.memory_space<vmem>>[vector<16xi32>, vector<16xi32>], vector<16xf32>,
        %mul3A_435 = arith.mulf %gather3A_434, %gather3A : vector<16xf32>
        %add3A_436 = arith.addf %scan3A_402, %mul3A_435 : vector<16xf32>
        %add3A_437 = arith.constant 384 : i32
        %add3A_438 = vector.broadcast %add3A_437 : i32 to vector<16xi32>
        %add3A_439 = arith.addi %add3A_438, %iota3A : vector<16xi32>
        %gather3A_440 = tpu.vector_load_idx %arg10[%add3A_439, %and3A_412] : memref<480x128xf32, #tpu.memory_space<vmem>>[vector<16xi32>, vector<16xi32>], vector<16xf32>,
        %mul3A_441 = arith.mulf %gather3A_440, %gather3A : vector<16xf32>
        %add3A_442 = arith.addf %scan3A_403, %mul3A_441 : vector<16xf32>
        %add3A_443 = arith.constant 400 : i32
        %add3A_444 = vector.broadcast %add3A_443 : i32 to vector<16xi32>
        %add3A_445 = arith.addi %add3A_444, %iota3A : vector<16xi32>
        %gather3A_446 = tpu.vector_load_idx %arg10[%add3A_445, %and3A_412] : memref<480x128xf32, #tpu.memory_space<vmem>>[vector<16xi32>, vector<16xi32>], vector<16xf32>,
        %mul3A_447 = arith.mulf %gather3A_446, %gather3A : vector<16xf32>
        %add3A_448 = arith.addf %scan3A_404, %mul3A_447 : vector<16xf32>
        %add3A_449 = arith.constant 416 : i32
        %add3A_450 = vector.broadcast %add3A_449 : i32 to vector<16xi32>
        %add3A_451 = arith.addi %add3A_450, %iota3A : vector<16xi32>
        %gather3A_452 = tpu.vector_load_idx %arg10[%add3A_451, %and3A_412] : memref<480x128xf32, #tpu.memory_space<vmem>>[vector<16xi32>, vector<16xi32>], vector<16xf32>,
        %mul3A_453 = arith.mulf %gather3A_452, %gather3A : vector<16xf32>
        %add3A_454 = arith.addf %scan3A_405, %mul3A_453 : vector<16xf32>
        %add3A_455 = arith.constant 432 : i32
        %add3A_456 = vector.broadcast %add3A_455 : i32 to vector<16xi32>
        %add3A_457 = arith.addi %add3A_456, %iota3A : vector<16xi32>
        %gather3A_458 = tpu.vector_load_idx %arg10[%add3A_457, %and3A_412] : memref<480x128xf32, #tpu.memory_space<vmem>>[vector<16xi32>, vector<16xi32>], vector<16xf32>,
        %mul3A_459 = arith.mulf %gather3A_458, %gather3A : vector<16xf32>
        %add3A_460 = arith.addf %scan3A_406, %mul3A_459 : vector<16xf32>
        %add3A_461 = arith.constant 448 : i32
        %add3A_462 = vector.broadcast %add3A_461 : i32 to vector<16xi32>
        %add3A_463 = arith.addi %add3A_462, %iota3A : vector<16xi32>
        %gather3A_464 = tpu.vector_load_idx %arg10[%add3A_463, %and3A_412] : memref<480x128xf32, #tpu.memory_space<vmem>>[vector<16xi32>, vector<16xi32>], vector<16xf32>,
        %mul3A_465 = arith.mulf %gather3A_464, %gather3A : vector<16xf32>
        %add3A_466 = arith.addf %scan3A_407, %mul3A_465 : vector<16xf32>
        %add3A_467 = arith.constant 464 : i32
        %add3A_468 = vector.broadcast %add3A_467 : i32 to vector<16xi32>
        %add3A_469 = arith.addi %add3A_468, %iota3A : vector<16xi32>
        %gather3A_470 = tpu.vector_load_idx %arg10[%add3A_469, %and3A_412] : memref<480x128xf32, #tpu.memory_space<vmem>>[vector<16xi32>, vector<16xi32>], vector<16xf32>,
        %mul3A_471 = arith.mulf %gather3A_470, %gather3A : vector<16xf32>
        %add3A_472 = arith.addf %scan3A_408, %mul3A_471 : vector<16xf32>
        %scan3A_473 = arith.constant 1 : i32
        %scan3A_474 = arith.addi %scan3A_398, %scan3A_473 : i32
        %broadcast_in_dim3A_475 = vector.broadcast %scan3A_474 : i32 to vector<16xi32>
        %add3A_476 = arith.addi %broadcast_in_dim3A_475, %iota3A : vector<16xi32>
        %and3A_477 = arith.constant 127 : i32
        %and3A_478 = vector.broadcast %and3A_477 : i32 to vector<16xi32>
        %and3A_479 = arith.andi %add3A_476, %and3A_478 : vector<16xi32>
        %gather3A_480 = tpu.vector_load_idx %arg9[%add3A_331, %and3A_479] : memref<128x128xf32, #tpu.memory_space<vmem>>[vector<16xi32>, vector<16xi32>], vector<16xf32>,
        %add3A_481 = arith.constant 320 : i32
        %add3A_482 = vector.broadcast %add3A_481 : i32 to vector<16xi32>
        %add3A_483 = arith.addi %add3A_482, %iota3A : vector<16xi32>
        %gather3A_484 = tpu.vector_load_idx %arg10[%add3A_483, %and3A_479] : memref<480x128xf32, #tpu.memory_space<vmem>>[vector<16xi32>, vector<16xi32>], vector<16xf32>,
        %mul3A_485 = arith.mulf %gather3A_484, %gather3A_480 : vector<16xf32>
        %add3A_486 = arith.addf %add3A_418, %mul3A_485 : vector<16xf32>
        %add3A_487 = arith.constant 336 : i32
        %add3A_488 = vector.broadcast %add3A_487 : i32 to vector<16xi32>
        %add3A_489 = arith.addi %add3A_488, %iota3A : vector<16xi32>
        %gather3A_490 = tpu.vector_load_idx %arg10[%add3A_489, %and3A_479] : memref<480x128xf32, #tpu.memory_space<vmem>>[vector<16xi32>, vector<16xi32>], vector<16xf32>,
        %mul3A_491 = arith.mulf %gather3A_490, %gather3A_480 : vector<16xf32>
        %add3A_492 = arith.addf %add3A_424, %mul3A_491 : vector<16xf32>
        %add3A_493 = arith.constant 352 : i32
        %add3A_494 = vector.broadcast %add3A_493 : i32 to vector<16xi32>
        %add3A_495 = arith.addi %add3A_494, %iota3A : vector<16xi32>
        %gather3A_496 = tpu.vector_load_idx %arg10[%add3A_495, %and3A_479] : memref<480x128xf32, #tpu.memory_space<vmem>>[vector<16xi32>, vector<16xi32>], vector<16xf32>,
        %mul3A_497 = arith.mulf %gather3A_496, %gather3A_480 : vector<16xf32>
        %add3A_498 = arith.addf %add3A_430, %mul3A_497 : vector<16xf32>
        %add3A_499 = arith.constant 368 : i32
        %add3A_500 = vector.broadcast %add3A_499 : i32 to vector<16xi32>
        %add3A_501 = arith.addi %add3A_500, %iota3A : vector<16xi32>
        %gather3A_502 = tpu.vector_load_idx %arg10[%add3A_501, %and3A_479] : memref<480x128xf32, #tpu.memory_space<vmem>>[vector<16xi32>, vector<16xi32>], vector<16xf32>,
        %mul3A_503 = arith.mulf %gather3A_502, %gather3A_480 : vector<16xf32>
        %add3A_504 = arith.addf %add3A_436, %mul3A_503 : vector<16xf32>
        %add3A_505 = arith.constant 384 : i32
        %add3A_506 = vector.broadcast %add3A_505 : i32 to vector<16xi32>
        %add3A_507 = arith.addi %add3A_506, %iota3A : vector<16xi32>
        %gather3A_508 = tpu.vector_load_idx %arg10[%add3A_507, %and3A_479] : memref<480x128xf32, #tpu.memory_space<vmem>>[vector<16xi32>, vector<16xi32>], vector<16xf32>,
        %mul3A_509 = arith.mulf %gather3A_508, %gather3A_480 : vector<16xf32>
        %add3A_510 = arith.addf %add3A_442, %mul3A_509 : vector<16xf32>
        %add3A_511 = arith.constant 400 : i32
        %add3A_512 = vector.broadcast %add3A_511 : i32 to vector<16xi32>
        %add3A_513 = arith.addi %add3A_512, %iota3A : vector<16xi32>
        %gather3A_514 = tpu.vector_load_idx %arg10[%add3A_513, %and3A_479] : memref<480x128xf32, #tpu.memory_space<vmem>>[vector<16xi32>, vector<16xi32>], vector<16xf32>,
        %mul3A_515 = arith.mulf %gather3A_514, %gather3A_480 : vector<16xf32>
        %add3A_516 = arith.addf %add3A_448, %mul3A_515 : vector<16xf32>
        %add3A_517 = arith.constant 416 : i32
        %add3A_518 = vector.broadcast %add3A_517 : i32 to vector<16xi32>
        %add3A_519 = arith.addi %add3A_518, %iota3A : vector<16xi32>
        %gather3A_520 = tpu.vector_load_idx %arg10[%add3A_519, %and3A_479] : memref<480x128xf32, #tpu.memory_space<vmem>>[vector<16xi32>, vector<16xi32>], vector<16xf32>,
        %mul3A_521 = arith.mulf %gather3A_520, %gather3A_480 : vector<16xf32>
        %add3A_522 = arith.addf %add3A_454, %mul3A_521 : vector<16xf32>
        %add3A_523 = arith.constant 432 : i32
        %add3A_524 = vector.broadcast %add3A_523 : i32 to vector<16xi32>
        %add3A_525 = arith.addi %add3A_524, %iota3A : vector<16xi32>
        %gather3A_526 = tpu.vector_load_idx %arg10[%add3A_525, %and3A_479] : memref<480x128xf32, #tpu.memory_space<vmem>>[vector<16xi32>, vector<16xi32>], vector<16xf32>,
        %mul3A_527 = arith.mulf %gather3A_526, %gather3A_480 : vector<16xf32>
        %add3A_528 = arith.addf %add3A_460, %mul3A_527 : vector<16xf32>
        %add3A_529 = arith.constant 448 : i32
        %add3A_530 = vector.broadcast %add3A_529 : i32 to vector<16xi32>
        %add3A_531 = arith.addi %add3A_530, %iota3A : vector<16xi32>
        %gather3A_532 = tpu.vector_load_idx %arg10[%add3A_531, %and3A_479] : memref<480x128xf32, #tpu.memory_space<vmem>>[vector<16xi32>, vector<16xi32>], vector<16xf32>,
        %mul3A_533 = arith.mulf %gather3A_532, %gather3A_480 : vector<16xf32>
        %add3A_534 = arith.addf %add3A_466, %mul3A_533 : vector<16xf32>
        %add3A_535 = arith.constant 464 : i32
        %add3A_536 = vector.broadcast %add3A_535 : i32 to vector<16xi32>
        %add3A_537 = arith.addi %add3A_536, %iota3A : vector<16xi32>
        %gather3A_538 = tpu.vector_load_idx %arg10[%add3A_537, %and3A_479] : memref<480x128xf32, #tpu.memory_space<vmem>>[vector<16xi32>, vector<16xi32>], vector<16xf32>,
        %mul3A_539 = arith.mulf %gather3A_538, %gather3A_480 : vector<16xf32>
        %add3A_540 = arith.addf %add3A_472, %mul3A_539 : vector<16xf32>
        scf.yield %add3A_486, %add3A_492, %add3A_498, %add3A_504, %add3A_510, %add3A_516, %add3A_522, %add3A_528, %add3A_534, %add3A_540 : vector<16xf32>, vector<16xf32>, vector<16xf32>, vector<16xf32>, vector<16xf32>, vector<16xf32>, vector<16xf32>, vector<16xf32>, vector<16xf32>, vector<16xf32>
      }
      %scan3A_337 = arith.constant 128 : i32
      %mul3A_338 = arith.constant 512 : i32
      %mul3A_339 = arith.muli %add3A_68, %mul3A_338 : i32
      %add3A_340 = arith.constant 320 : i32
      %add3A_341 = arith.addi %mul3A_339, %add3A_340 : i32
      %swap3A_342 = arith.index_cast %add3A_341 : i32 to index
      %swap3A_343 = tpu.vector_load %arg11[%swap3A_342] {strides = array<i32>} : memref<16384xf32, #tpu.memory_space<vmem>>, vector<16xf32>,
      tpu.vector_store %arg11[%swap3A_342], %scan3A_336#0 {strides = array<i32>} : memref<16384xf32, #tpu.memory_space<vmem>>, vector<16xf32>,
      %mul3A_344 = arith.constant 512 : i32
      %mul3A_345 = arith.muli %add3A_68, %mul3A_344 : i32
      %add3A_346 = arith.constant 336 : i32
      %add3A_347 = arith.addi %mul3A_345, %add3A_346 : i32
      %swap3A_348 = arith.index_cast %add3A_347 : i32 to index
      %swap3A_349 = tpu.vector_load %arg11[%swap3A_348] {strides = array<i32>} : memref<16384xf32, #tpu.memory_space<vmem>>, vector<16xf32>,
      tpu.vector_store %arg11[%swap3A_348], %scan3A_336#1 {strides = array<i32>} : memref<16384xf32, #tpu.memory_space<vmem>>, vector<16xf32>,
      %mul3A_350 = arith.constant 512 : i32
      %mul3A_351 = arith.muli %add3A_68, %mul3A_350 : i32
      %add3A_352 = arith.constant 352 : i32
      %add3A_353 = arith.addi %mul3A_351, %add3A_352 : i32
      %swap3A_354 = arith.index_cast %add3A_353 : i32 to index
      %swap3A_355 = tpu.vector_load %arg11[%swap3A_354] {strides = array<i32>} : memref<16384xf32, #tpu.memory_space<vmem>>, vector<16xf32>,
      tpu.vector_store %arg11[%swap3A_354], %scan3A_336#2 {strides = array<i32>} : memref<16384xf32, #tpu.memory_space<vmem>>, vector<16xf32>,
      %mul3A_356 = arith.constant 512 : i32
      %mul3A_357 = arith.muli %add3A_68, %mul3A_356 : i32
      %add3A_358 = arith.constant 368 : i32
      %add3A_359 = arith.addi %mul3A_357, %add3A_358 : i32
      %swap3A_360 = arith.index_cast %add3A_359 : i32 to index
      %swap3A_361 = tpu.vector_load %arg11[%swap3A_360] {strides = array<i32>} : memref<16384xf32, #tpu.memory_space<vmem>>, vector<16xf32>,
      tpu.vector_store %arg11[%swap3A_360], %scan3A_336#3 {strides = array<i32>} : memref<16384xf32, #tpu.memory_space<vmem>>, vector<16xf32>,
      %mul3A_362 = arith.constant 512 : i32
      %mul3A_363 = arith.muli %add3A_68, %mul3A_362 : i32
      %add3A_364 = arith.constant 384 : i32
      %add3A_365 = arith.addi %mul3A_363, %add3A_364 : i32
      %swap3A_366 = arith.index_cast %add3A_365 : i32 to index
      %swap3A_367 = tpu.vector_load %arg11[%swap3A_366] {strides = array<i32>} : memref<16384xf32, #tpu.memory_space<vmem>>, vector<16xf32>,
      tpu.vector_store %arg11[%swap3A_366], %scan3A_336#4 {strides = array<i32>} : memref<16384xf32, #tpu.memory_space<vmem>>, vector<16xf32>,
      %mul3A_368 = arith.constant 512 : i32
      %mul3A_369 = arith.muli %add3A_68, %mul3A_368 : i32
      %add3A_370 = arith.constant 400 : i32
      %add3A_371 = arith.addi %mul3A_369, %add3A_370 : i32
      %swap3A_372 = arith.index_cast %add3A_371 : i32 to index
      %swap3A_373 = tpu.vector_load %arg11[%swap3A_372] {strides = array<i32>} : memref<16384xf32, #tpu.memory_space<vmem>>, vector<16xf32>,
      tpu.vector_store %arg11[%swap3A_372], %scan3A_336#5 {strides = array<i32>} : memref<16384xf32, #tpu.memory_space<vmem>>, vector<16xf32>,
      %mul3A_374 = arith.constant 512 : i32
      %mul3A_375 = arith.muli %add3A_68, %mul3A_374 : i32
      %add3A_376 = arith.constant 416 : i32
      %add3A_377 = arith.addi %mul3A_375, %add3A_376 : i32
      %swap3A_378 = arith.index_cast %add3A_377 : i32 to index
      %swap3A_379 = tpu.vector_load %arg11[%swap3A_378] {strides = array<i32>} : memref<16384xf32, #tpu.memory_space<vmem>>, vector<16xf32>,
      tpu.vector_store %arg11[%swap3A_378], %scan3A_336#6 {strides = array<i32>} : memref<16384xf32, #tpu.memory_space<vmem>>, vector<16xf32>,
      %mul3A_380 = arith.constant 512 : i32
      %mul3A_381 = arith.muli %add3A_68, %mul3A_380 : i32
      %add3A_382 = arith.constant 432 : i32
      %add3A_383 = arith.addi %mul3A_381, %add3A_382 : i32
      %swap3A_384 = arith.index_cast %add3A_383 : i32 to index
      %swap3A_385 = tpu.vector_load %arg11[%swap3A_384] {strides = array<i32>} : memref<16384xf32, #tpu.memory_space<vmem>>, vector<16xf32>,
      tpu.vector_store %arg11[%swap3A_384], %scan3A_336#7 {strides = array<i32>} : memref<16384xf32, #tpu.memory_space<vmem>>, vector<16xf32>,
      %mul3A_386 = arith.constant 512 : i32
      %mul3A_387 = arith.muli %add3A_68, %mul3A_386 : i32
      %add3A_388 = arith.constant 448 : i32
      %add3A_389 = arith.addi %mul3A_387, %add3A_388 : i32
      %swap3A_390 = arith.index_cast %add3A_389 : i32 to index
      %swap3A_391 = tpu.vector_load %arg11[%swap3A_390] {strides = array<i32>} : memref<16384xf32, #tpu.memory_space<vmem>>, vector<16xf32>,
      tpu.vector_store %arg11[%swap3A_390], %scan3A_336#8 {strides = array<i32>} : memref<16384xf32, #tpu.memory_space<vmem>>, vector<16xf32>,
      %mul3A_392 = arith.constant 512 : i32
      %mul3A_393 = arith.muli %add3A_68, %mul3A_392 : i32
      %add3A_394 = arith.constant 464 : i32
      %add3A_395 = arith.addi %mul3A_393, %add3A_394 : i32
      %swap3A_396 = arith.index_cast %add3A_395 : i32 to index
      %swap3A_397 = tpu.vector_load %arg11[%swap3A_396] {strides = array<i32>} : memref<16384xf32, #tpu.memory_space<vmem>>, vector<16xf32>,
      tpu.vector_store %arg11[%swap3A_396], %scan3A_336#9 {strides = array<i32>} : memref<16384xf32, #tpu.memory_space<vmem>>, vector<16xf32>,
    }
    %scan3A_46 = arith.constant 8 : i32
    %dma_start3A_47 = arith.constant 384 : i32
    %dma_start3A_48 = tpu.memref_slice %arg7[%dma_start3A_47] : memref<512xi32, #tpu.memory_space<vmem>> -> memref<128xi32, #tpu.memory_space<vmem>>
    %dma_start3A_49 = arith.constant 0 : i32
    %dma_start3A_50 = arith.constant 0 : i32
    %dma_start3A_51 = tpu.memref_slice %arg2[%dma_start3A_49, %dma_start3A_50] : memref<100000x128xf32, #tpu.memory_space<hbm>> -> memref<100000x128xf32, #tpu.memory_space<hbm>>
    tpu.enqueue_indirect_dma source(%dma_start3A_51 : memref<100000x128xf32, #tpu.memory_space<hbm>>) target(%arg9 : memref<128x128xf32, #tpu.memory_space<vmem>>) offsets(%dma_start3A_48 : memref<128xi32, #tpu.memory_space<vmem>>) semaphore(%arg12 : memref<!tpu.dma_semaphore, #tpu.memory_space<semaphore_mem>>)
    %dma_wait3A_52 = arith.constant 384 : i32
    %dma_wait3A_53 = tpu.memref_slice %arg7[%dma_wait3A_52] : memref<512xi32, #tpu.memory_space<vmem>> -> memref<128xi32, #tpu.memory_space<vmem>>
    %dma_wait3A_54 = arith.constant 0 : i32
    %dma_wait3A_55 = arith.constant 0 : i32
    %dma_wait3A_56 = tpu.memref_slice %arg2[%dma_wait3A_54, %dma_wait3A_55] : memref<100000x128xf32, #tpu.memory_space<hbm>> -> memref<100000x128xf32, #tpu.memory_space<hbm>>
    tpu.wait_indirect_dma semaphore(%arg12 : memref<!tpu.dma_semaphore, #tpu.memory_space<semaphore_mem>>) src(%dma_wait3A_56 : memref<100000x128xf32, #tpu.memory_space<hbm>>) dst(%arg9 : memref<128x128xf32, #tpu.memory_space<vmem>>)
    %scan3A_57 = arith.constant 0 : i32
    %scan3A_58 = arith.constant 8 : i32
    %scan3A_59 = arith.addi %scan3A_57, %scan3A_58 : i32
    %scan3A_60 = arith.constant 1 : i32
    scf.for %scan3A_64 = %scan3A_57 to %scan3A_59 step %scan3A_60  : i32 {
      %mul3A_65 = arith.constant 1 : i32
      %mul3A_66 = arith.muli %scan3A_64, %mul3A_65 : i32
      %add3A_67 = arith.constant 24 : i32
      %add3A_68 = arith.addi %add3A_67, %mul3A_66 : i32
      %mul3A_69 = arith.constant 480 : i32
      %mul3A_70 = arith.muli %add3A_68, %mul3A_69 : i32
      %add3A_71 = arith.constant 0 : i32
      %add3A_72 = arith.addi %mul3A_70, %add3A_71 : i32
      %dma_start3A_73 = arith.constant 0 : i32
      %dma_start3A_74 = arith.constant 0 : i32
      %dma_start3A_75 = tpu.memref_slice %arg10[%dma_start3A_73, %dma_start3A_74] : memref<480x128xf32, #tpu.memory_space<vmem>> -> memref<96x128xf32, #tpu.memory_space<vmem>>
      %dma_start3A_76 = tpu.memref_slice %arg8[%add3A_72] : memref<15360xi32, #tpu.memory_space<vmem>> -> memref<96xi32, #tpu.memory_space<vmem>>
      %dma_start3A_77 = arith.constant 0 : i32
      %dma_start3A_78 = arith.constant 0 : i32
      %dma_start3A_79 = tpu.memref_slice %arg3[%dma_start3A_77, %dma_start3A_78] : memref<100000x128xf32, #tpu.memory_space<hbm>> -> memref<100000x128xf32, #tpu.memory_space<hbm>>
      tpu.enqueue_indirect_dma source(%dma_start3A_79 : memref<100000x128xf32, #tpu.memory_space<hbm>>) target(%dma_start3A_75 : memref<96x128xf32, #tpu.memory_space<vmem>>) offsets(%dma_start3A_76 : memref<96xi32, #tpu.memory_space<vmem>>) semaphore(%arg12 : memref<!tpu.dma_semaphore, #tpu.memory_space<semaphore_mem>>)
      %mul3A_80 = arith.constant 480 : i32
      %mul3A_81 = arith.muli %add3A_68, %mul3A_80 : i32
      %add3A_82 = arith.constant 96 : i32
      %add3A_83 = arith.addi %mul3A_81, %add3A_82 : i32
      %dma_start3A_84 = arith.constant 96 : i32
      %dma_start3A_85 = arith.constant 0 : i32
      %dma_start3A_86 = tpu.memref_slice %arg10[%dma_start3A_84, %dma_start3A_85] : memref<480x128xf32, #tpu.memory_space<vmem>> -> memref<96x128xf32, #tpu.memory_space<vmem>>
      %dma_start3A_87 = tpu.memref_slice %arg8[%add3A_83] : memref<15360xi32, #tpu.memory_space<vmem>> -> memref<96xi32, #tpu.memory_space<vmem>>
      %dma_start3A_88 = arith.constant 0 : i32
      %dma_start3A_89 = arith.constant 0 : i32
      %dma_start3A_90 = tpu.memref_slice %arg3[%dma_start3A_88, %dma_start3A_89] : memref<100000x128xf32, #tpu.memory_space<hbm>> -> memref<100000x128xf32, #tpu.memory_space<hbm>>
      tpu.enqueue_indirect_dma source(%dma_start3A_90 : memref<100000x128xf32, #tpu.memory_space<hbm>>) target(%dma_start3A_86 : memref<96x128xf32, #tpu.memory_space<vmem>>) offsets(%dma_start3A_87 : memref<96xi32, #tpu.memory_space<vmem>>) semaphore(%arg13 : memref<!tpu.dma_semaphore, #tpu.memory_space<semaphore_mem>>)
      %mul3A_91 = arith.constant 480 : i32
      %mul3A_92 = arith.muli %add3A_68, %mul3A_91 : i32
      %add3A_93 = arith.constant 192 : i32
      %add3A_94 = arith.addi %mul3A_92, %add3A_93 : i32
      %dma_start3A_95 = arith.constant 192 : i32
      %dma_start3A_96 = arith.constant 0 : i32
      %dma_start3A_97 = tpu.memref_slice %arg10[%dma_start3A_95, %dma_start3A_96] : memref<480x128xf32, #tpu.memory_space<vmem>> -> memref<96x128xf32, #tpu.memory_space<vmem>>
      %dma_start3A_98 = tpu.memref_slice %arg8[%add3A_94] : memref<15360xi32, #tpu.memory_space<vmem>> -> memref<96xi32, #tpu.memory_space<vmem>>
      %dma_start3A_99 = arith.constant 0 : i32
      %dma_start3A_100 = arith.constant 0 : i32
      %dma_start3A_101 = tpu.memref_slice %arg3[%dma_start3A_99, %dma_start3A_100] : memref<100000x128xf32, #tpu.memory_space<hbm>> -> memref<100000x128xf32, #tpu.memory_space<hbm>>
      tpu.enqueue_indirect_dma source(%dma_start3A_101 : memref<100000x128xf32, #tpu.memory_space<hbm>>) target(%dma_start3A_97 : memref<96x128xf32, #tpu.memory_space<vmem>>) offsets(%dma_start3A_98 : memref<96xi32, #tpu.memory_space<vmem>>) semaphore(%arg14 : memref<!tpu.dma_semaphore, #tpu.memory_space<semaphore_mem>>)
      %mul3A_102 = arith.constant 480 : i32
      %mul3A_103 = arith.muli %add3A_68, %mul3A_102 : i32
      %add3A_104 = arith.constant 288 : i32
      %add3A_105 = arith.addi %mul3A_103, %add3A_104 : i32
      %dma_start3A_106 = arith.constant 288 : i32
      %dma_start3A_107 = arith.constant 0 : i32
      %dma_start3A_108 = tpu.memref_slice %arg10[%dma_start3A_106, %dma_start3A_107] : memref<480x128xf32, #tpu.memory_space<vmem>> -> memref<96x128xf32, #tpu.memory_space<vmem>>
      %dma_start3A_109 = tpu.memref_slice %arg8[%add3A_105] : memref<15360xi32, #tpu.memory_space<vmem>> -> memref<96xi32, #tpu.memory_space<vmem>>
      %dma_start3A_110 = arith.constant 0 : i32
      %dma_start3A_111 = arith.constant 0 : i32
      %dma_start3A_112 = tpu.memref_slice %arg3[%dma_start3A_110, %dma_start3A_111] : memref<100000x128xf32, #tpu.memory_space<hbm>> -> memref<100000x128xf32, #tpu.memory_space<hbm>>
      tpu.enqueue_indirect_dma source(%dma_start3A_112 : memref<100000x128xf32, #tpu.memory_space<hbm>>) target(%dma_start3A_108 : memref<96x128xf32, #tpu.memory_space<vmem>>) offsets(%dma_start3A_109 : memref<96xi32, #tpu.memory_space<vmem>>) semaphore(%arg15 : memref<!tpu.dma_semaphore, #tpu.memory_space<semaphore_mem>>)
      %mul3A_113 = arith.constant 480 : i32
      %mul3A_114 = arith.muli %add3A_68, %mul3A_113 : i32
      %add3A_115 = arith.constant 384 : i32
      %add3A_116 = arith.addi %mul3A_114, %add3A_115 : i32
      %dma_start3A_117 = arith.constant 384 : i32
      %dma_start3A_118 = arith.constant 0 : i32
      %dma_start3A_119 = tpu.memref_slice %arg10[%dma_start3A_117, %dma_start3A_118] : memref<480x128xf32, #tpu.memory_space<vmem>> -> memref<96x128xf32, #tpu.memory_space<vmem>>
      %dma_start3A_120 = tpu.memref_slice %arg8[%add3A_116] : memref<15360xi32, #tpu.memory_space<vmem>> -> memref<96xi32, #tpu.memory_space<vmem>>
      %dma_start3A_121 = arith.constant 0 : i32
      %dma_start3A_122 = arith.constant 0 : i32
      %dma_start3A_123 = tpu.memref_slice %arg3[%dma_start3A_121, %dma_start3A_122] : memref<100000x128xf32, #tpu.memory_space<hbm>> -> memref<100000x128xf32, #tpu.memory_space<hbm>>
      tpu.enqueue_indirect_dma source(%dma_start3A_123 : memref<100000x128xf32, #tpu.memory_space<hbm>>) target(%dma_start3A_119 : memref<96x128xf32, #tpu.memory_space<vmem>>) offsets(%dma_start3A_120 : memref<96xi32, #tpu.memory_space<vmem>>) semaphore(%arg16 : memref<!tpu.dma_semaphore, #tpu.memory_space<semaphore_mem>>)
      %mul3A_124 = arith.constant 480 : i32
      %mul3A_125 = arith.muli %add3A_68, %mul3A_124 : i32
      %add3A_126 = arith.constant 0 : i32
      %add3A_127 = arith.addi %mul3A_125, %add3A_126 : i32
      %dma_wait3A_128 = arith.constant 0 : i32
      %dma_wait3A_129 = arith.constant 0 : i32
      %dma_wait3A_130 = tpu.memref_slice %arg10[%dma_wait3A_128, %dma_wait3A_129] : memref<480x128xf32, #tpu.memory_space<vmem>> -> memref<96x128xf32, #tpu.memory_space<vmem>>
      %dma_wait3A_131 = tpu.memref_slice %arg8[%add3A_127] : memref<15360xi32, #tpu.memory_space<vmem>> -> memref<96xi32, #tpu.memory_space<vmem>>
      %dma_wait3A_132 = arith.constant 0 : i32
      %dma_wait3A_133 = arith.constant 0 : i32
      %dma_wait3A_134 = tpu.memref_slice %arg3[%dma_wait3A_132, %dma_wait3A_133] : memref<100000x128xf32, #tpu.memory_space<hbm>> -> memref<100000x128xf32, #tpu.memory_space<hbm>>
      tpu.wait_indirect_dma semaphore(%arg12 : memref<!tpu.dma_semaphore, #tpu.memory_space<semaphore_mem>>) src(%dma_wait3A_134 : memref<100000x128xf32, #tpu.memory_space<hbm>>) dst(%dma_wait3A_130 : memref<96x128xf32, #tpu.memory_space<vmem>>)
      %mul3A_135 = arith.constant 480 : i32
      %mul3A_136 = arith.muli %add3A_68, %mul3A_135 : i32
      %add3A_137 = arith.constant 96 : i32
      %add3A_138 = arith.addi %mul3A_136, %add3A_137 : i32
      %dma_wait3A_139 = arith.constant 96 : i32
      %dma_wait3A_140 = arith.constant 0 : i32
      %dma_wait3A_141 = tpu.memref_slice %arg10[%dma_wait3A_139, %dma_wait3A_140] : memref<480x128xf32, #tpu.memory_space<vmem>> -> memref<96x128xf32, #tpu.memory_space<vmem>>
      %dma_wait3A_142 = tpu.memref_slice %arg8[%add3A_138] : memref<15360xi32, #tpu.memory_space<vmem>> -> memref<96xi32, #tpu.memory_space<vmem>>
      %dma_wait3A_143 = arith.constant 0 : i32
      %dma_wait3A_144 = arith.constant 0 : i32
      %dma_wait3A_145 = tpu.memref_slice %arg3[%dma_wait3A_143, %dma_wait3A_144] : memref<100000x128xf32, #tpu.memory_space<hbm>> -> memref<100000x128xf32, #tpu.memory_space<hbm>>
      tpu.wait_indirect_dma semaphore(%arg13 : memref<!tpu.dma_semaphore, #tpu.memory_space<semaphore_mem>>) src(%dma_wait3A_145 : memref<100000x128xf32, #tpu.memory_space<hbm>>) dst(%dma_wait3A_141 : memref<96x128xf32, #tpu.memory_space<vmem>>)
      %broadcast_in_dim3A = arith.constant 0.000000e+00 : f32
      %broadcast_in_dim3A_146 = vector.broadcast %broadcast_in_dim3A : f32 to vector<16xf32>
      %mul3A_147 = arith.constant 16 : i32
      %mul3A_148 = arith.muli %add3A_68, %mul3A_147 : i32
      %sub3A = arith.constant 384 : i32
      %sub3A_149 = arith.subi %mul3A_148, %sub3A : i32
      %broadcast_in_dim3A_150 = vector.broadcast %sub3A_149 : i32 to vector<16xi32>
      %add3A_151 = arith.addi %broadcast_in_dim3A_150, %iota3A : vector<16xi32>
      %scan3A_152 = arith.constant 0 : i32
      %scan3A_153 = arith.constant 128 : i32
      %scan3A_154 = arith.addi %scan3A_152, %scan3A_153 : i32
      %scan3A_155 = arith.constant 2 : i32
      %scan3A_156:10 = scf.for %scan3A_398 = %scan3A_152 to %scan3A_154 step %scan3A_155 iter_args(%scan3A_399 = %broadcast_in_dim3A_146, %scan3A_400 = %broadcast_in_dim3A_146, %scan3A_401 = %broadcast_in_dim3A_146, %scan3A_402 = %broadcast_in_dim3A_146, %scan3A_403 = %broadcast_in_dim3A_146, %scan3A_404 = %broadcast_in_dim3A_146, %scan3A_405 = %broadcast_in_dim3A_146, %scan3A_406 = %broadcast_in_dim3A_146, %scan3A_407 = %broadcast_in_dim3A_146, %scan3A_408 = %broadcast_in_dim3A_146) -> (vector<16xf32>, vector<16xf32>, vector<16xf32>, vector<16xf32>, vector<16xf32>, vector<16xf32>, vector<16xf32>, vector<16xf32>, vector<16xf32>, vector<16xf32>)  : i32 {
        %broadcast_in_dim3A_409 = vector.broadcast %scan3A_398 : i32 to vector<16xi32>
        %add3A_410 = arith.addi %broadcast_in_dim3A_409, %iota3A : vector<16xi32>
        %and3A = arith.constant 127 : i32
        %and3A_411 = vector.broadcast %and3A : i32 to vector<16xi32>
        %and3A_412 = arith.andi %add3A_410, %and3A_411 : vector<16xi32>
        %gather3A = tpu.vector_load_idx %arg9[%add3A_151, %and3A_412] : memref<128x128xf32, #tpu.memory_space<vmem>>[vector<16xi32>, vector<16xi32>], vector<16xf32>,
        %add3A_413 = arith.constant 0 : i32
        %add3A_414 = vector.broadcast %add3A_413 : i32 to vector<16xi32>
        %add3A_415 = arith.addi %add3A_414, %iota3A : vector<16xi32>
        %gather3A_416 = tpu.vector_load_idx %arg10[%add3A_415, %and3A_412] : memref<480x128xf32, #tpu.memory_space<vmem>>[vector<16xi32>, vector<16xi32>], vector<16xf32>,
        %mul3A_417 = arith.mulf %gather3A_416, %gather3A : vector<16xf32>
        %add3A_418 = arith.addf %scan3A_399, %mul3A_417 : vector<16xf32>
        %add3A_419 = arith.constant 16 : i32
        %add3A_420 = vector.broadcast %add3A_419 : i32 to vector<16xi32>
        %add3A_421 = arith.addi %add3A_420, %iota3A : vector<16xi32>
        %gather3A_422 = tpu.vector_load_idx %arg10[%add3A_421, %and3A_412] : memref<480x128xf32, #tpu.memory_space<vmem>>[vector<16xi32>, vector<16xi32>], vector<16xf32>,
        %mul3A_423 = arith.mulf %gather3A_422, %gather3A : vector<16xf32>
        %add3A_424 = arith.addf %scan3A_400, %mul3A_423 : vector<16xf32>
        %add3A_425 = arith.constant 32 : i32
        %add3A_426 = vector.broadcast %add3A_425 : i32 to vector<16xi32>
        %add3A_427 = arith.addi %add3A_426, %iota3A : vector<16xi32>
        %gather3A_428 = tpu.vector_load_idx %arg10[%add3A_427, %and3A_412] : memref<480x128xf32, #tpu.memory_space<vmem>>[vector<16xi32>, vector<16xi32>], vector<16xf32>,
        %mul3A_429 = arith.mulf %gather3A_428, %gather3A : vector<16xf32>
        %add3A_430 = arith.addf %scan3A_401, %mul3A_429 : vector<16xf32>
        %add3A_431 = arith.constant 48 : i32
        %add3A_432 = vector.broadcast %add3A_431 : i32 to vector<16xi32>
        %add3A_433 = arith.addi %add3A_432, %iota3A : vector<16xi32>
        %gather3A_434 = tpu.vector_load_idx %arg10[%add3A_433, %and3A_412] : memref<480x128xf32, #tpu.memory_space<vmem>>[vector<16xi32>, vector<16xi32>], vector<16xf32>,
        %mul3A_435 = arith.mulf %gather3A_434, %gather3A : vector<16xf32>
        %add3A_436 = arith.addf %scan3A_402, %mul3A_435 : vector<16xf32>
        %add3A_437 = arith.constant 64 : i32
        %add3A_438 = vector.broadcast %add3A_437 : i32 to vector<16xi32>
        %add3A_439 = arith.addi %add3A_438, %iota3A : vector<16xi32>
        %gather3A_440 = tpu.vector_load_idx %arg10[%add3A_439, %and3A_412] : memref<480x128xf32, #tpu.memory_space<vmem>>[vector<16xi32>, vector<16xi32>], vector<16xf32>,
        %mul3A_441 = arith.mulf %gather3A_440, %gather3A : vector<16xf32>
        %add3A_442 = arith.addf %scan3A_403, %mul3A_441 : vector<16xf32>
        %add3A_443 = arith.constant 80 : i32
        %add3A_444 = vector.broadcast %add3A_443 : i32 to vector<16xi32>
        %add3A_445 = arith.addi %add3A_444, %iota3A : vector<16xi32>
        %gather3A_446 = tpu.vector_load_idx %arg10[%add3A_445, %and3A_412] : memref<480x128xf32, #tpu.memory_space<vmem>>[vector<16xi32>, vector<16xi32>], vector<16xf32>,
        %mul3A_447 = arith.mulf %gather3A_446, %gather3A : vector<16xf32>
        %add3A_448 = arith.addf %scan3A_404, %mul3A_447 : vector<16xf32>
        %add3A_449 = arith.constant 96 : i32
        %add3A_450 = vector.broadcast %add3A_449 : i32 to vector<16xi32>
        %add3A_451 = arith.addi %add3A_450, %iota3A : vector<16xi32>
        %gather3A_452 = tpu.vector_load_idx %arg10[%add3A_451, %and3A_412] : memref<480x128xf32, #tpu.memory_space<vmem>>[vector<16xi32>, vector<16xi32>], vector<16xf32>,
        %mul3A_453 = arith.mulf %gather3A_452, %gather3A : vector<16xf32>
        %add3A_454 = arith.addf %scan3A_405, %mul3A_453 : vector<16xf32>
        %add3A_455 = arith.constant 112 : i32
        %add3A_456 = vector.broadcast %add3A_455 : i32 to vector<16xi32>
        %add3A_457 = arith.addi %add3A_456, %iota3A : vector<16xi32>
        %gather3A_458 = tpu.vector_load_idx %arg10[%add3A_457, %and3A_412] : memref<480x128xf32, #tpu.memory_space<vmem>>[vector<16xi32>, vector<16xi32>], vector<16xf32>,
        %mul3A_459 = arith.mulf %gather3A_458, %gather3A : vector<16xf32>
        %add3A_460 = arith.addf %scan3A_406, %mul3A_459 : vector<16xf32>
        %add3A_461 = arith.constant 128 : i32
        %add3A_462 = vector.broadcast %add3A_461 : i32 to vector<16xi32>
        %add3A_463 = arith.addi %add3A_462, %iota3A : vector<16xi32>
        %gather3A_464 = tpu.vector_load_idx %arg10[%add3A_463, %and3A_412] : memref<480x128xf32, #tpu.memory_space<vmem>>[vector<16xi32>, vector<16xi32>], vector<16xf32>,
        %mul3A_465 = arith.mulf %gather3A_464, %gather3A : vector<16xf32>
        %add3A_466 = arith.addf %scan3A_407, %mul3A_465 : vector<16xf32>
        %add3A_467 = arith.constant 144 : i32
        %add3A_468 = vector.broadcast %add3A_467 : i32 to vector<16xi32>
        %add3A_469 = arith.addi %add3A_468, %iota3A : vector<16xi32>
        %gather3A_470 = tpu.vector_load_idx %arg10[%add3A_469, %and3A_412] : memref<480x128xf32, #tpu.memory_space<vmem>>[vector<16xi32>, vector<16xi32>], vector<16xf32>,
        %mul3A_471 = arith.mulf %gather3A_470, %gather3A : vector<16xf32>
        %add3A_472 = arith.addf %scan3A_408, %mul3A_471 : vector<16xf32>
        %scan3A_473 = arith.constant 1 : i32
        %scan3A_474 = arith.addi %scan3A_398, %scan3A_473 : i32
        %broadcast_in_dim3A_475 = vector.broadcast %scan3A_474 : i32 to vector<16xi32>
        %add3A_476 = arith.addi %broadcast_in_dim3A_475, %iota3A : vector<16xi32>
        %and3A_477 = arith.constant 127 : i32
        %and3A_478 = vector.broadcast %and3A_477 : i32 to vector<16xi32>
        %and3A_479 = arith.andi %add3A_476, %and3A_478 : vector<16xi32>
        %gather3A_480 = tpu.vector_load_idx %arg9[%add3A_151, %and3A_479] : memref<128x128xf32, #tpu.memory_space<vmem>>[vector<16xi32>, vector<16xi32>], vector<16xf32>,
        %add3A_481 = arith.constant 0 : i32
        %add3A_482 = vector.broadcast %add3A_481 : i32 to vector<16xi32>
        %add3A_483 = arith.addi %add3A_482, %iota3A : vector<16xi32>
        %gather3A_484 = tpu.vector_load_idx %arg10[%add3A_483, %and3A_479] : memref<480x128xf32, #tpu.memory_space<vmem>>[vector<16xi32>, vector<16xi32>], vector<16xf32>,
        %mul3A_485 = arith.mulf %gather3A_484, %gather3A_480 : vector<16xf32>
        %add3A_486 = arith.addf %add3A_418, %mul3A_485 : vector<16xf32>
        %add3A_487 = arith.constant 16 : i32
        %add3A_488 = vector.broadcast %add3A_487 : i32 to vector<16xi32>
        %add3A_489 = arith.addi %add3A_488, %iota3A : vector<16xi32>
        %gather3A_490 = tpu.vector_load_idx %arg10[%add3A_489, %and3A_479] : memref<480x128xf32, #tpu.memory_space<vmem>>[vector<16xi32>, vector<16xi32>], vector<16xf32>,
        %mul3A_491 = arith.mulf %gather3A_490, %gather3A_480 : vector<16xf32>
        %add3A_492 = arith.addf %add3A_424, %mul3A_491 : vector<16xf32>
        %add3A_493 = arith.constant 32 : i32
        %add3A_494 = vector.broadcast %add3A_493 : i32 to vector<16xi32>
        %add3A_495 = arith.addi %add3A_494, %iota3A : vector<16xi32>
        %gather3A_496 = tpu.vector_load_idx %arg10[%add3A_495, %and3A_479] : memref<480x128xf32, #tpu.memory_space<vmem>>[vector<16xi32>, vector<16xi32>], vector<16xf32>,
        %mul3A_497 = arith.mulf %gather3A_496, %gather3A_480 : vector<16xf32>
        %add3A_498 = arith.addf %add3A_430, %mul3A_497 : vector<16xf32>
        %add3A_499 = arith.constant 48 : i32
        %add3A_500 = vector.broadcast %add3A_499 : i32 to vector<16xi32>
        %add3A_501 = arith.addi %add3A_500, %iota3A : vector<16xi32>
        %gather3A_502 = tpu.vector_load_idx %arg10[%add3A_501, %and3A_479] : memref<480x128xf32, #tpu.memory_space<vmem>>[vector<16xi32>, vector<16xi32>], vector<16xf32>,
        %mul3A_503 = arith.mulf %gather3A_502, %gather3A_480 : vector<16xf32>
        %add3A_504 = arith.addf %add3A_436, %mul3A_503 : vector<16xf32>
        %add3A_505 = arith.constant 64 : i32
        %add3A_506 = vector.broadcast %add3A_505 : i32 to vector<16xi32>
        %add3A_507 = arith.addi %add3A_506, %iota3A : vector<16xi32>
        %gather3A_508 = tpu.vector_load_idx %arg10[%add3A_507, %and3A_479] : memref<480x128xf32, #tpu.memory_space<vmem>>[vector<16xi32>, vector<16xi32>], vector<16xf32>,
        %mul3A_509 = arith.mulf %gather3A_508, %gather3A_480 : vector<16xf32>
        %add3A_510 = arith.addf %add3A_442, %mul3A_509 : vector<16xf32>
        %add3A_511 = arith.constant 80 : i32
        %add3A_512 = vector.broadcast %add3A_511 : i32 to vector<16xi32>
        %add3A_513 = arith.addi %add3A_512, %iota3A : vector<16xi32>
        %gather3A_514 = tpu.vector_load_idx %arg10[%add3A_513, %and3A_479] : memref<480x128xf32, #tpu.memory_space<vmem>>[vector<16xi32>, vector<16xi32>], vector<16xf32>,
        %mul3A_515 = arith.mulf %gather3A_514, %gather3A_480 : vector<16xf32>
        %add3A_516 = arith.addf %add3A_448, %mul3A_515 : vector<16xf32>
        %add3A_517 = arith.constant 96 : i32
        %add3A_518 = vector.broadcast %add3A_517 : i32 to vector<16xi32>
        %add3A_519 = arith.addi %add3A_518, %iota3A : vector<16xi32>
        %gather3A_520 = tpu.vector_load_idx %arg10[%add3A_519, %and3A_479] : memref<480x128xf32, #tpu.memory_space<vmem>>[vector<16xi32>, vector<16xi32>], vector<16xf32>,
        %mul3A_521 = arith.mulf %gather3A_520, %gather3A_480 : vector<16xf32>
        %add3A_522 = arith.addf %add3A_454, %mul3A_521 : vector<16xf32>
        %add3A_523 = arith.constant 112 : i32
        %add3A_524 = vector.broadcast %add3A_523 : i32 to vector<16xi32>
        %add3A_525 = arith.addi %add3A_524, %iota3A : vector<16xi32>
        %gather3A_526 = tpu.vector_load_idx %arg10[%add3A_525, %and3A_479] : memref<480x128xf32, #tpu.memory_space<vmem>>[vector<16xi32>, vector<16xi32>], vector<16xf32>,
        %mul3A_527 = arith.mulf %gather3A_526, %gather3A_480 : vector<16xf32>
        %add3A_528 = arith.addf %add3A_460, %mul3A_527 : vector<16xf32>
        %add3A_529 = arith.constant 128 : i32
        %add3A_530 = vector.broadcast %add3A_529 : i32 to vector<16xi32>
        %add3A_531 = arith.addi %add3A_530, %iota3A : vector<16xi32>
        %gather3A_532 = tpu.vector_load_idx %arg10[%add3A_531, %and3A_479] : memref<480x128xf32, #tpu.memory_space<vmem>>[vector<16xi32>, vector<16xi32>], vector<16xf32>,
        %mul3A_533 = arith.mulf %gather3A_532, %gather3A_480 : vector<16xf32>
        %add3A_534 = arith.addf %add3A_466, %mul3A_533 : vector<16xf32>
        %add3A_535 = arith.constant 144 : i32
        %add3A_536 = vector.broadcast %add3A_535 : i32 to vector<16xi32>
        %add3A_537 = arith.addi %add3A_536, %iota3A : vector<16xi32>
        %gather3A_538 = tpu.vector_load_idx %arg10[%add3A_537, %and3A_479] : memref<480x128xf32, #tpu.memory_space<vmem>>[vector<16xi32>, vector<16xi32>], vector<16xf32>,
        %mul3A_539 = arith.mulf %gather3A_538, %gather3A_480 : vector<16xf32>
        %add3A_540 = arith.addf %add3A_472, %mul3A_539 : vector<16xf32>
        scf.yield %add3A_486, %add3A_492, %add3A_498, %add3A_504, %add3A_510, %add3A_516, %add3A_522, %add3A_528, %add3A_534, %add3A_540 : vector<16xf32>, vector<16xf32>, vector<16xf32>, vector<16xf32>, vector<16xf32>, vector<16xf32>, vector<16xf32>, vector<16xf32>, vector<16xf32>, vector<16xf32>
      }
      %scan3A_157 = arith.constant 128 : i32
      %mul3A_158 = arith.constant 512 : i32
      %mul3A_159 = arith.muli %add3A_68, %mul3A_158 : i32
      %add3A_160 = arith.constant 0 : i32
      %add3A_161 = arith.addi %mul3A_159, %add3A_160 : i32
      %swap3A = arith.index_cast %add3A_161 : i32 to index
      %swap3A_162 = tpu.vector_load %arg11[%swap3A] {strides = array<i32>} : memref<16384xf32, #tpu.memory_space<vmem>>, vector<16xf32>,
      tpu.vector_store %arg11[%swap3A], %scan3A_156#0 {strides = array<i32>} : memref<16384xf32, #tpu.memory_space<vmem>>, vector<16xf32>,
      %mul3A_163 = arith.constant 512 : i32
      %mul3A_164 = arith.muli %add3A_68, %mul3A_163 : i32
      %add3A_165 = arith.constant 16 : i32
      %add3A_166 = arith.addi %mul3A_164, %add3A_165 : i32
      %swap3A_167 = arith.index_cast %add3A_166 : i32 to index
      %swap3A_168 = tpu.vector_load %arg11[%swap3A_167] {strides = array<i32>} : memref<16384xf32, #tpu.memory_space<vmem>>, vector<16xf32>,
      tpu.vector_store %arg11[%swap3A_167], %scan3A_156#1 {strides = array<i32>} : memref<16384xf32, #tpu.memory_space<vmem>>, vector<16xf32>,
      %mul3A_169 = arith.constant 512 : i32
      %mul3A_170 = arith.muli %add3A_68, %mul3A_169 : i32
      %add3A_171 = arith.constant 32 : i32
      %add3A_172 = arith.addi %mul3A_170, %add3A_171 : i32
      %swap3A_173 = arith.index_cast %add3A_172 : i32 to index
      %swap3A_174 = tpu.vector_load %arg11[%swap3A_173] {strides = array<i32>} : memref<16384xf32, #tpu.memory_space<vmem>>, vector<16xf32>,
      tpu.vector_store %arg11[%swap3A_173], %scan3A_156#2 {strides = array<i32>} : memref<16384xf32, #tpu.memory_space<vmem>>, vector<16xf32>,
      %mul3A_175 = arith.constant 512 : i32
      %mul3A_176 = arith.muli %add3A_68, %mul3A_175 : i32
      %add3A_177 = arith.constant 48 : i32
      %add3A_178 = arith.addi %mul3A_176, %add3A_177 : i32
      %swap3A_179 = arith.index_cast %add3A_178 : i32 to index
      %swap3A_180 = tpu.vector_load %arg11[%swap3A_179] {strides = array<i32>} : memref<16384xf32, #tpu.memory_space<vmem>>, vector<16xf32>,
      tpu.vector_store %arg11[%swap3A_179], %scan3A_156#3 {strides = array<i32>} : memref<16384xf32, #tpu.memory_space<vmem>>, vector<16xf32>,
      %mul3A_181 = arith.constant 512 : i32
      %mul3A_182 = arith.muli %add3A_68, %mul3A_181 : i32
      %add3A_183 = arith.constant 64 : i32
      %add3A_184 = arith.addi %mul3A_182, %add3A_183 : i32
      %swap3A_185 = arith.index_cast %add3A_184 : i32 to index
      %swap3A_186 = tpu.vector_load %arg11[%swap3A_185] {strides = array<i32>} : memref<16384xf32, #tpu.memory_space<vmem>>, vector<16xf32>,
      tpu.vector_store %arg11[%swap3A_185], %scan3A_156#4 {strides = array<i32>} : memref<16384xf32, #tpu.memory_space<vmem>>, vector<16xf32>,
      %mul3A_187 = arith.constant 512 : i32
      %mul3A_188 = arith.muli %add3A_68, %mul3A_187 : i32
      %add3A_189 = arith.constant 80 : i32
      %add3A_190 = arith.addi %mul3A_188, %add3A_189 : i32
      %swap3A_191 = arith.index_cast %add3A_190 : i32 to index
      %swap3A_192 = tpu.vector_load %arg11[%swap3A_191] {strides = array<i32>} : memref<16384xf32, #tpu.memory_space<vmem>>, vector<16xf32>,
      tpu.vector_store %arg11[%swap3A_191], %scan3A_156#5 {strides = array<i32>} : memref<16384xf32, #tpu.memory_space<vmem>>, vector<16xf32>,
      %mul3A_193 = arith.constant 512 : i32
      %mul3A_194 = arith.muli %add3A_68, %mul3A_193 : i32
      %add3A_195 = arith.constant 96 : i32
      %add3A_196 = arith.addi %mul3A_194, %add3A_195 : i32
      %swap3A_197 = arith.index_cast %add3A_196 : i32 to index
      %swap3A_198 = tpu.vector_load %arg11[%swap3A_197] {strides = array<i32>} : memref<16384xf32, #tpu.memory_space<vmem>>, vector<16xf32>,
      tpu.vector_store %arg11[%swap3A_197], %scan3A_156#6 {strides = array<i32>} : memref<16384xf32, #tpu.memory_space<vmem>>, vector<16xf32>,
      %mul3A_199 = arith.constant 512 : i32
      %mul3A_200 = arith.muli %add3A_68, %mul3A_199 : i32
      %add3A_201 = arith.constant 112 : i32
      %add3A_202 = arith.addi %mul3A_200, %add3A_201 : i32
      %swap3A_203 = arith.index_cast %add3A_202 : i32 to index
      %swap3A_204 = tpu.vector_load %arg11[%swap3A_203] {strides = array<i32>} : memref<16384xf32, #tpu.memory_space<vmem>>, vector<16xf32>,
      tpu.vector_store %arg11[%swap3A_203], %scan3A_156#7 {strides = array<i32>} : memref<16384xf32, #tpu.memory_space<vmem>>, vector<16xf32>,
      %mul3A_205 = arith.constant 512 : i32
      %mul3A_206 = arith.muli %add3A_68, %mul3A_205 : i32
      %add3A_207 = arith.constant 128 : i32
      %add3A_208 = arith.addi %mul3A_206, %add3A_207 : i32
      %swap3A_209 = arith.index_cast %add3A_208 : i32 to index
      %swap3A_210 = tpu.vector_load %arg11[%swap3A_209] {strides = array<i32>} : memref<16384xf32, #tpu.memory_space<vmem>>, vector<16xf32>,
      tpu.vector_store %arg11[%swap3A_209], %scan3A_156#8 {strides = array<i32>} : memref<16384xf32, #tpu.memory_space<vmem>>, vector<16xf32>,
      %mul3A_211 = arith.constant 512 : i32
      %mul3A_212 = arith.muli %add3A_68, %mul3A_211 : i32
      %add3A_213 = arith.constant 144 : i32
      %add3A_214 = arith.addi %mul3A_212, %add3A_213 : i32
      %swap3A_215 = arith.index_cast %add3A_214 : i32 to index
      %swap3A_216 = tpu.vector_load %arg11[%swap3A_215] {strides = array<i32>} : memref<16384xf32, #tpu.memory_space<vmem>>, vector<16xf32>,
      tpu.vector_store %arg11[%swap3A_215], %scan3A_156#9 {strides = array<i32>} : memref<16384xf32, #tpu.memory_space<vmem>>, vector<16xf32>,
      %mul3A_217 = arith.constant 480 : i32
      %mul3A_218 = arith.muli %add3A_68, %mul3A_217 : i32
      %add3A_219 = arith.constant 192 : i32
      %add3A_220 = arith.addi %mul3A_218, %add3A_219 : i32
      %dma_wait3A_221 = arith.constant 192 : i32
      %dma_wait3A_222 = arith.constant 0 : i32
      %dma_wait3A_223 = tpu.memref_slice %arg10[%dma_wait3A_221, %dma_wait3A_222] : memref<480x128xf32, #tpu.memory_space<vmem>> -> memref<96x128xf32, #tpu.memory_space<vmem>>
      %dma_wait3A_224 = tpu.memref_slice %arg8[%add3A_220] : memref<15360xi32, #tpu.memory_space<vmem>> -> memref<96xi32, #tpu.memory_space<vmem>>
      %dma_wait3A_225 = arith.constant 0 : i32
      %dma_wait3A_226 = arith.constant 0 : i32
      %dma_wait3A_227 = tpu.memref_slice %arg3[%dma_wait3A_225, %dma_wait3A_226] : memref<100000x128xf32, #tpu.memory_space<hbm>> -> memref<100000x128xf32, #tpu.memory_space<hbm>>
      tpu.wait_indirect_dma semaphore(%arg14 : memref<!tpu.dma_semaphore, #tpu.memory_space<semaphore_mem>>) src(%dma_wait3A_227 : memref<100000x128xf32, #tpu.memory_space<hbm>>) dst(%dma_wait3A_223 : memref<96x128xf32, #tpu.memory_space<vmem>>)
      %mul3A_228 = arith.constant 480 : i32
      %mul3A_229 = arith.muli %add3A_68, %mul3A_228 : i32
      %add3A_230 = arith.constant 288 : i32
      %add3A_231 = arith.addi %mul3A_229, %add3A_230 : i32
      %dma_wait3A_232 = arith.constant 288 : i32
      %dma_wait3A_233 = arith.constant 0 : i32
      %dma_wait3A_234 = tpu.memref_slice %arg10[%dma_wait3A_232, %dma_wait3A_233] : memref<480x128xf32, #tpu.memory_space<vmem>> -> memref<96x128xf32, #tpu.memory_space<vmem>>
      %dma_wait3A_235 = tpu.memref_slice %arg8[%add3A_231] : memref<15360xi32, #tpu.memory_space<vmem>> -> memref<96xi32, #tpu.memory_space<vmem>>
      %dma_wait3A_236 = arith.constant 0 : i32
      %dma_wait3A_237 = arith.constant 0 : i32
      %dma_wait3A_238 = tpu.memref_slice %arg3[%dma_wait3A_236, %dma_wait3A_237] : memref<100000x128xf32, #tpu.memory_space<hbm>> -> memref<100000x128xf32, #tpu.memory_space<hbm>>
      tpu.wait_indirect_dma semaphore(%arg15 : memref<!tpu.dma_semaphore, #tpu.memory_space<semaphore_mem>>) src(%dma_wait3A_238 : memref<100000x128xf32, #tpu.memory_space<hbm>>) dst(%dma_wait3A_234 : memref<96x128xf32, #tpu.memory_space<vmem>>)
      %broadcast_in_dim3A_239 = arith.constant 0.000000e+00 : f32
      %broadcast_in_dim3A_240 = vector.broadcast %broadcast_in_dim3A_239 : f32 to vector<16xf32>
      %mul3A_241 = arith.constant 16 : i32
      %mul3A_242 = arith.muli %add3A_68, %mul3A_241 : i32
      %sub3A_243 = arith.constant 384 : i32
      %sub3A_244 = arith.subi %mul3A_242, %sub3A_243 : i32
      %broadcast_in_dim3A_245 = vector.broadcast %sub3A_244 : i32 to vector<16xi32>
      %add3A_246 = arith.addi %broadcast_in_dim3A_245, %iota3A : vector<16xi32>
      %scan3A_247 = arith.constant 0 : i32
      %scan3A_248 = arith.constant 128 : i32
      %scan3A_249 = arith.addi %scan3A_247, %scan3A_248 : i32
      %scan3A_250 = arith.constant 2 : i32
      %scan3A_251:10 = scf.for %scan3A_398 = %scan3A_247 to %scan3A_249 step %scan3A_250 iter_args(%scan3A_399 = %broadcast_in_dim3A_240, %scan3A_400 = %broadcast_in_dim3A_240, %scan3A_401 = %broadcast_in_dim3A_240, %scan3A_402 = %broadcast_in_dim3A_240, %scan3A_403 = %broadcast_in_dim3A_240, %scan3A_404 = %broadcast_in_dim3A_240, %scan3A_405 = %broadcast_in_dim3A_240, %scan3A_406 = %broadcast_in_dim3A_240, %scan3A_407 = %broadcast_in_dim3A_240, %scan3A_408 = %broadcast_in_dim3A_240) -> (vector<16xf32>, vector<16xf32>, vector<16xf32>, vector<16xf32>, vector<16xf32>, vector<16xf32>, vector<16xf32>, vector<16xf32>, vector<16xf32>, vector<16xf32>)  : i32 {
        %broadcast_in_dim3A_409 = vector.broadcast %scan3A_398 : i32 to vector<16xi32>
        %add3A_410 = arith.addi %broadcast_in_dim3A_409, %iota3A : vector<16xi32>
        %and3A = arith.constant 127 : i32
        %and3A_411 = vector.broadcast %and3A : i32 to vector<16xi32>
        %and3A_412 = arith.andi %add3A_410, %and3A_411 : vector<16xi32>
        %gather3A = tpu.vector_load_idx %arg9[%add3A_246, %and3A_412] : memref<128x128xf32, #tpu.memory_space<vmem>>[vector<16xi32>, vector<16xi32>], vector<16xf32>,
        %add3A_413 = arith.constant 160 : i32
        %add3A_414 = vector.broadcast %add3A_413 : i32 to vector<16xi32>
        %add3A_415 = arith.addi %add3A_414, %iota3A : vector<16xi32>
        %gather3A_416 = tpu.vector_load_idx %arg10[%add3A_415, %and3A_412] : memref<480x128xf32, #tpu.memory_space<vmem>>[vector<16xi32>, vector<16xi32>], vector<16xf32>,
        %mul3A_417 = arith.mulf %gather3A_416, %gather3A : vector<16xf32>
        %add3A_418 = arith.addf %scan3A_399, %mul3A_417 : vector<16xf32>
        %add3A_419 = arith.constant 176 : i32
        %add3A_420 = vector.broadcast %add3A_419 : i32 to vector<16xi32>
        %add3A_421 = arith.addi %add3A_420, %iota3A : vector<16xi32>
        %gather3A_422 = tpu.vector_load_idx %arg10[%add3A_421, %and3A_412] : memref<480x128xf32, #tpu.memory_space<vmem>>[vector<16xi32>, vector<16xi32>], vector<16xf32>,
        %mul3A_423 = arith.mulf %gather3A_422, %gather3A : vector<16xf32>
        %add3A_424 = arith.addf %scan3A_400, %mul3A_423 : vector<16xf32>
        %add3A_425 = arith.constant 192 : i32
        %add3A_426 = vector.broadcast %add3A_425 : i32 to vector<16xi32>
        %add3A_427 = arith.addi %add3A_426, %iota3A : vector<16xi32>
        %gather3A_428 = tpu.vector_load_idx %arg10[%add3A_427, %and3A_412] : memref<480x128xf32, #tpu.memory_space<vmem>>[vector<16xi32>, vector<16xi32>], vector<16xf32>,
        %mul3A_429 = arith.mulf %gather3A_428, %gather3A : vector<16xf32>
        %add3A_430 = arith.addf %scan3A_401, %mul3A_429 : vector<16xf32>
        %add3A_431 = arith.constant 208 : i32
        %add3A_432 = vector.broadcast %add3A_431 : i32 to vector<16xi32>
        %add3A_433 = arith.addi %add3A_432, %iota3A : vector<16xi32>
        %gather3A_434 = tpu.vector_load_idx %arg10[%add3A_433, %and3A_412] : memref<480x128xf32, #tpu.memory_space<vmem>>[vector<16xi32>, vector<16xi32>], vector<16xf32>,
        %mul3A_435 = arith.mulf %gather3A_434, %gather3A : vector<16xf32>
        %add3A_436 = arith.addf %scan3A_402, %mul3A_435 : vector<16xf32>
        %add3A_437 = arith.constant 224 : i32
        %add3A_438 = vector.broadcast %add3A_437 : i32 to vector<16xi32>
        %add3A_439 = arith.addi %add3A_438, %iota3A : vector<16xi32>
        %gather3A_440 = tpu.vector_load_idx %arg10[%add3A_439, %and3A_412] : memref<480x128xf32, #tpu.memory_space<vmem>>[vector<16xi32>, vector<16xi32>], vector<16xf32>,
        %mul3A_441 = arith.mulf %gather3A_440, %gather3A : vector<16xf32>
        %add3A_442 = arith.addf %scan3A_403, %mul3A_441 : vector<16xf32>
        %add3A_443 = arith.constant 240 : i32
        %add3A_444 = vector.broadcast %add3A_443 : i32 to vector<16xi32>
        %add3A_445 = arith.addi %add3A_444, %iota3A : vector<16xi32>
        %gather3A_446 = tpu.vector_load_idx %arg10[%add3A_445, %and3A_412] : memref<480x128xf32, #tpu.memory_space<vmem>>[vector<16xi32>, vector<16xi32>], vector<16xf32>,
        %mul3A_447 = arith.mulf %gather3A_446, %gather3A : vector<16xf32>
        %add3A_448 = arith.addf %scan3A_404, %mul3A_447 : vector<16xf32>
        %add3A_449 = arith.constant 256 : i32
        %add3A_450 = vector.broadcast %add3A_449 : i32 to vector<16xi32>
        %add3A_451 = arith.addi %add3A_450, %iota3A : vector<16xi32>
        %gather3A_452 = tpu.vector_load_idx %arg10[%add3A_451, %and3A_412] : memref<480x128xf32, #tpu.memory_space<vmem>>[vector<16xi32>, vector<16xi32>], vector<16xf32>,
        %mul3A_453 = arith.mulf %gather3A_452, %gather3A : vector<16xf32>
        %add3A_454 = arith.addf %scan3A_405, %mul3A_453 : vector<16xf32>
        %add3A_455 = arith.constant 272 : i32
        %add3A_456 = vector.broadcast %add3A_455 : i32 to vector<16xi32>
        %add3A_457 = arith.addi %add3A_456, %iota3A : vector<16xi32>
        %gather3A_458 = tpu.vector_load_idx %arg10[%add3A_457, %and3A_412] : memref<480x128xf32, #tpu.memory_space<vmem>>[vector<16xi32>, vector<16xi32>], vector<16xf32>,
        %mul3A_459 = arith.mulf %gather3A_458, %gather3A : vector<16xf32>
        %add3A_460 = arith.addf %scan3A_406, %mul3A_459 : vector<16xf32>
        %add3A_461 = arith.constant 288 : i32
        %add3A_462 = vector.broadcast %add3A_461 : i32 to vector<16xi32>
        %add3A_463 = arith.addi %add3A_462, %iota3A : vector<16xi32>
        %gather3A_464 = tpu.vector_load_idx %arg10[%add3A_463, %and3A_412] : memref<480x128xf32, #tpu.memory_space<vmem>>[vector<16xi32>, vector<16xi32>], vector<16xf32>,
        %mul3A_465 = arith.mulf %gather3A_464, %gather3A : vector<16xf32>
        %add3A_466 = arith.addf %scan3A_407, %mul3A_465 : vector<16xf32>
        %add3A_467 = arith.constant 304 : i32
        %add3A_468 = vector.broadcast %add3A_467 : i32 to vector<16xi32>
        %add3A_469 = arith.addi %add3A_468, %iota3A : vector<16xi32>
        %gather3A_470 = tpu.vector_load_idx %arg10[%add3A_469, %and3A_412] : memref<480x128xf32, #tpu.memory_space<vmem>>[vector<16xi32>, vector<16xi32>], vector<16xf32>,
        %mul3A_471 = arith.mulf %gather3A_470, %gather3A : vector<16xf32>
        %add3A_472 = arith.addf %scan3A_408, %mul3A_471 : vector<16xf32>
        %scan3A_473 = arith.constant 1 : i32
        %scan3A_474 = arith.addi %scan3A_398, %scan3A_473 : i32
        %broadcast_in_dim3A_475 = vector.broadcast %scan3A_474 : i32 to vector<16xi32>
        %add3A_476 = arith.addi %broadcast_in_dim3A_475, %iota3A : vector<16xi32>
        %and3A_477 = arith.constant 127 : i32
        %and3A_478 = vector.broadcast %and3A_477 : i32 to vector<16xi32>
        %and3A_479 = arith.andi %add3A_476, %and3A_478 : vector<16xi32>
        %gather3A_480 = tpu.vector_load_idx %arg9[%add3A_246, %and3A_479] : memref<128x128xf32, #tpu.memory_space<vmem>>[vector<16xi32>, vector<16xi32>], vector<16xf32>,
        %add3A_481 = arith.constant 160 : i32
        %add3A_482 = vector.broadcast %add3A_481 : i32 to vector<16xi32>
        %add3A_483 = arith.addi %add3A_482, %iota3A : vector<16xi32>
        %gather3A_484 = tpu.vector_load_idx %arg10[%add3A_483, %and3A_479] : memref<480x128xf32, #tpu.memory_space<vmem>>[vector<16xi32>, vector<16xi32>], vector<16xf32>,
        %mul3A_485 = arith.mulf %gather3A_484, %gather3A_480 : vector<16xf32>
        %add3A_486 = arith.addf %add3A_418, %mul3A_485 : vector<16xf32>
        %add3A_487 = arith.constant 176 : i32
        %add3A_488 = vector.broadcast %add3A_487 : i32 to vector<16xi32>
        %add3A_489 = arith.addi %add3A_488, %iota3A : vector<16xi32>
        %gather3A_490 = tpu.vector_load_idx %arg10[%add3A_489, %and3A_479] : memref<480x128xf32, #tpu.memory_space<vmem>>[vector<16xi32>, vector<16xi32>], vector<16xf32>,
        %mul3A_491 = arith.mulf %gather3A_490, %gather3A_480 : vector<16xf32>
        %add3A_492 = arith.addf %add3A_424, %mul3A_491 : vector<16xf32>
        %add3A_493 = arith.constant 192 : i32
        %add3A_494 = vector.broadcast %add3A_493 : i32 to vector<16xi32>
        %add3A_495 = arith.addi %add3A_494, %iota3A : vector<16xi32>
        %gather3A_496 = tpu.vector_load_idx %arg10[%add3A_495, %and3A_479] : memref<480x128xf32, #tpu.memory_space<vmem>>[vector<16xi32>, vector<16xi32>], vector<16xf32>,
        %mul3A_497 = arith.mulf %gather3A_496, %gather3A_480 : vector<16xf32>
        %add3A_498 = arith.addf %add3A_430, %mul3A_497 : vector<16xf32>
        %add3A_499 = arith.constant 208 : i32
        %add3A_500 = vector.broadcast %add3A_499 : i32 to vector<16xi32>
        %add3A_501 = arith.addi %add3A_500, %iota3A : vector<16xi32>
        %gather3A_502 = tpu.vector_load_idx %arg10[%add3A_501, %and3A_479] : memref<480x128xf32, #tpu.memory_space<vmem>>[vector<16xi32>, vector<16xi32>], vector<16xf32>,
        %mul3A_503 = arith.mulf %gather3A_502, %gather3A_480 : vector<16xf32>
        %add3A_504 = arith.addf %add3A_436, %mul3A_503 : vector<16xf32>
        %add3A_505 = arith.constant 224 : i32
        %add3A_506 = vector.broadcast %add3A_505 : i32 to vector<16xi32>
        %add3A_507 = arith.addi %add3A_506, %iota3A : vector<16xi32>
        %gather3A_508 = tpu.vector_load_idx %arg10[%add3A_507, %and3A_479] : memref<480x128xf32, #tpu.memory_space<vmem>>[vector<16xi32>, vector<16xi32>], vector<16xf32>,
        %mul3A_509 = arith.mulf %gather3A_508, %gather3A_480 : vector<16xf32>
        %add3A_510 = arith.addf %add3A_442, %mul3A_509 : vector<16xf32>
        %add3A_511 = arith.constant 240 : i32
        %add3A_512 = vector.broadcast %add3A_511 : i32 to vector<16xi32>
        %add3A_513 = arith.addi %add3A_512, %iota3A : vector<16xi32>
        %gather3A_514 = tpu.vector_load_idx %arg10[%add3A_513, %and3A_479] : memref<480x128xf32, #tpu.memory_space<vmem>>[vector<16xi32>, vector<16xi32>], vector<16xf32>,
        %mul3A_515 = arith.mulf %gather3A_514, %gather3A_480 : vector<16xf32>
        %add3A_516 = arith.addf %add3A_448, %mul3A_515 : vector<16xf32>
        %add3A_517 = arith.constant 256 : i32
        %add3A_518 = vector.broadcast %add3A_517 : i32 to vector<16xi32>
        %add3A_519 = arith.addi %add3A_518, %iota3A : vector<16xi32>
        %gather3A_520 = tpu.vector_load_idx %arg10[%add3A_519, %and3A_479] : memref<480x128xf32, #tpu.memory_space<vmem>>[vector<16xi32>, vector<16xi32>], vector<16xf32>,
        %mul3A_521 = arith.mulf %gather3A_520, %gather3A_480 : vector<16xf32>
        %add3A_522 = arith.addf %add3A_454, %mul3A_521 : vector<16xf32>
        %add3A_523 = arith.constant 272 : i32
        %add3A_524 = vector.broadcast %add3A_523 : i32 to vector<16xi32>
        %add3A_525 = arith.addi %add3A_524, %iota3A : vector<16xi32>
        %gather3A_526 = tpu.vector_load_idx %arg10[%add3A_525, %and3A_479] : memref<480x128xf32, #tpu.memory_space<vmem>>[vector<16xi32>, vector<16xi32>], vector<16xf32>,
        %mul3A_527 = arith.mulf %gather3A_526, %gather3A_480 : vector<16xf32>
        %add3A_528 = arith.addf %add3A_460, %mul3A_527 : vector<16xf32>
        %add3A_529 = arith.constant 288 : i32
        %add3A_530 = vector.broadcast %add3A_529 : i32 to vector<16xi32>
        %add3A_531 = arith.addi %add3A_530, %iota3A : vector<16xi32>
        %gather3A_532 = tpu.vector_load_idx %arg10[%add3A_531, %and3A_479] : memref<480x128xf32, #tpu.memory_space<vmem>>[vector<16xi32>, vector<16xi32>], vector<16xf32>,
        %mul3A_533 = arith.mulf %gather3A_532, %gather3A_480 : vector<16xf32>
        %add3A_534 = arith.addf %add3A_466, %mul3A_533 : vector<16xf32>
        %add3A_535 = arith.constant 304 : i32
        %add3A_536 = vector.broadcast %add3A_535 : i32 to vector<16xi32>
        %add3A_537 = arith.addi %add3A_536, %iota3A : vector<16xi32>
        %gather3A_538 = tpu.vector_load_idx %arg10[%add3A_537, %and3A_479] : memref<480x128xf32, #tpu.memory_space<vmem>>[vector<16xi32>, vector<16xi32>], vector<16xf32>,
        %mul3A_539 = arith.mulf %gather3A_538, %gather3A_480 : vector<16xf32>
        %add3A_540 = arith.addf %add3A_472, %mul3A_539 : vector<16xf32>
        scf.yield %add3A_486, %add3A_492, %add3A_498, %add3A_504, %add3A_510, %add3A_516, %add3A_522, %add3A_528, %add3A_534, %add3A_540 : vector<16xf32>, vector<16xf32>, vector<16xf32>, vector<16xf32>, vector<16xf32>, vector<16xf32>, vector<16xf32>, vector<16xf32>, vector<16xf32>, vector<16xf32>
      }
      %scan3A_252 = arith.constant 128 : i32
      %mul3A_253 = arith.constant 512 : i32
      %mul3A_254 = arith.muli %add3A_68, %mul3A_253 : i32
      %add3A_255 = arith.constant 160 : i32
      %add3A_256 = arith.addi %mul3A_254, %add3A_255 : i32
      %swap3A_257 = arith.index_cast %add3A_256 : i32 to index
      %swap3A_258 = tpu.vector_load %arg11[%swap3A_257] {strides = array<i32>} : memref<16384xf32, #tpu.memory_space<vmem>>, vector<16xf32>,
      tpu.vector_store %arg11[%swap3A_257], %scan3A_251#0 {strides = array<i32>} : memref<16384xf32, #tpu.memory_space<vmem>>, vector<16xf32>,
      %mul3A_259 = arith.constant 512 : i32
      %mul3A_260 = arith.muli %add3A_68, %mul3A_259 : i32
      %add3A_261 = arith.constant 176 : i32
      %add3A_262 = arith.addi %mul3A_260, %add3A_261 : i32
      %swap3A_263 = arith.index_cast %add3A_262 : i32 to index
      %swap3A_264 = tpu.vector_load %arg11[%swap3A_263] {strides = array<i32>} : memref<16384xf32, #tpu.memory_space<vmem>>, vector<16xf32>,
      tpu.vector_store %arg11[%swap3A_263], %scan3A_251#1 {strides = array<i32>} : memref<16384xf32, #tpu.memory_space<vmem>>, vector<16xf32>,
      %mul3A_265 = arith.constant 512 : i32
      %mul3A_266 = arith.muli %add3A_68, %mul3A_265 : i32
      %add3A_267 = arith.constant 192 : i32
      %add3A_268 = arith.addi %mul3A_266, %add3A_267 : i32
      %swap3A_269 = arith.index_cast %add3A_268 : i32 to index
      %swap3A_270 = tpu.vector_load %arg11[%swap3A_269] {strides = array<i32>} : memref<16384xf32, #tpu.memory_space<vmem>>, vector<16xf32>,
      tpu.vector_store %arg11[%swap3A_269], %scan3A_251#2 {strides = array<i32>} : memref<16384xf32, #tpu.memory_space<vmem>>, vector<16xf32>,
      %mul3A_271 = arith.constant 512 : i32
      %mul3A_272 = arith.muli %add3A_68, %mul3A_271 : i32
      %add3A_273 = arith.constant 208 : i32
      %add3A_274 = arith.addi %mul3A_272, %add3A_273 : i32
      %swap3A_275 = arith.index_cast %add3A_274 : i32 to index
      %swap3A_276 = tpu.vector_load %arg11[%swap3A_275] {strides = array<i32>} : memref<16384xf32, #tpu.memory_space<vmem>>, vector<16xf32>,
      tpu.vector_store %arg11[%swap3A_275], %scan3A_251#3 {strides = array<i32>} : memref<16384xf32, #tpu.memory_space<vmem>>, vector<16xf32>,
      %mul3A_277 = arith.constant 512 : i32
      %mul3A_278 = arith.muli %add3A_68, %mul3A_277 : i32
      %add3A_279 = arith.constant 224 : i32
      %add3A_280 = arith.addi %mul3A_278, %add3A_279 : i32
      %swap3A_281 = arith.index_cast %add3A_280 : i32 to index
      %swap3A_282 = tpu.vector_load %arg11[%swap3A_281] {strides = array<i32>} : memref<16384xf32, #tpu.memory_space<vmem>>, vector<16xf32>,
      tpu.vector_store %arg11[%swap3A_281], %scan3A_251#4 {strides = array<i32>} : memref<16384xf32, #tpu.memory_space<vmem>>, vector<16xf32>,
      %mul3A_283 = arith.constant 512 : i32
      %mul3A_284 = arith.muli %add3A_68, %mul3A_283 : i32
      %add3A_285 = arith.constant 240 : i32
      %add3A_286 = arith.addi %mul3A_284, %add3A_285 : i32
      %swap3A_287 = arith.index_cast %add3A_286 : i32 to index
      %swap3A_288 = tpu.vector_load %arg11[%swap3A_287] {strides = array<i32>} : memref<16384xf32, #tpu.memory_space<vmem>>, vector<16xf32>,
      tpu.vector_store %arg11[%swap3A_287], %scan3A_251#5 {strides = array<i32>} : memref<16384xf32, #tpu.memory_space<vmem>>, vector<16xf32>,
      %mul3A_289 = arith.constant 512 : i32
      %mul3A_290 = arith.muli %add3A_68, %mul3A_289 : i32
      %add3A_291 = arith.constant 256 : i32
      %add3A_292 = arith.addi %mul3A_290, %add3A_291 : i32
      %swap3A_293 = arith.index_cast %add3A_292 : i32 to index
      %swap3A_294 = tpu.vector_load %arg11[%swap3A_293] {strides = array<i32>} : memref<16384xf32, #tpu.memory_space<vmem>>, vector<16xf32>,
      tpu.vector_store %arg11[%swap3A_293], %scan3A_251#6 {strides = array<i32>} : memref<16384xf32, #tpu.memory_space<vmem>>, vector<16xf32>,
      %mul3A_295 = arith.constant 512 : i32
      %mul3A_296 = arith.muli %add3A_68, %mul3A_295 : i32
      %add3A_297 = arith.constant 272 : i32
      %add3A_298 = arith.addi %mul3A_296, %add3A_297 : i32
      %swap3A_299 = arith.index_cast %add3A_298 : i32 to index
      %swap3A_300 = tpu.vector_load %arg11[%swap3A_299] {strides = array<i32>} : memref<16384xf32, #tpu.memory_space<vmem>>, vector<16xf32>,
      tpu.vector_store %arg11[%swap3A_299], %scan3A_251#7 {strides = array<i32>} : memref<16384xf32, #tpu.memory_space<vmem>>, vector<16xf32>,
      %mul3A_301 = arith.constant 512 : i32
      %mul3A_302 = arith.muli %add3A_68, %mul3A_301 : i32
      %add3A_303 = arith.constant 288 : i32
      %add3A_304 = arith.addi %mul3A_302, %add3A_303 : i32
      %swap3A_305 = arith.index_cast %add3A_304 : i32 to index
      %swap3A_306 = tpu.vector_load %arg11[%swap3A_305] {strides = array<i32>} : memref<16384xf32, #tpu.memory_space<vmem>>, vector<16xf32>,
      tpu.vector_store %arg11[%swap3A_305], %scan3A_251#8 {strides = array<i32>} : memref<16384xf32, #tpu.memory_space<vmem>>, vector<16xf32>,
      %mul3A_307 = arith.constant 512 : i32
      %mul3A_308 = arith.muli %add3A_68, %mul3A_307 : i32
      %add3A_309 = arith.constant 304 : i32
      %add3A_310 = arith.addi %mul3A_308, %add3A_309 : i32
      %swap3A_311 = arith.index_cast %add3A_310 : i32 to index
      %swap3A_312 = tpu.vector_load %arg11[%swap3A_311] {strides = array<i32>} : memref<16384xf32, #tpu.memory_space<vmem>>, vector<16xf32>,
      tpu.vector_store %arg11[%swap3A_311], %scan3A_251#9 {strides = array<i32>} : memref<16384xf32, #tpu.memory_space<vmem>>, vector<16xf32>,
      %mul3A_313 = arith.constant 480 : i32
      %mul3A_314 = arith.muli %add3A_68, %mul3A_313 : i32
      %add3A_315 = arith.constant 384 : i32
      %add3A_316 = arith.addi %mul3A_314, %add3A_315 : i32
      %dma_wait3A_317 = arith.constant 384 : i32
      %dma_wait3A_318 = arith.constant 0 : i32
      %dma_wait3A_319 = tpu.memref_slice %arg10[%dma_wait3A_317, %dma_wait3A_318] : memref<480x128xf32, #tpu.memory_space<vmem>> -> memref<96x128xf32, #tpu.memory_space<vmem>>
      %dma_wait3A_320 = tpu.memref_slice %arg8[%add3A_316] : memref<15360xi32, #tpu.memory_space<vmem>> -> memref<96xi32, #tpu.memory_space<vmem>>
      %dma_wait3A_321 = arith.constant 0 : i32
      %dma_wait3A_322 = arith.constant 0 : i32
      %dma_wait3A_323 = tpu.memref_slice %arg3[%dma_wait3A_321, %dma_wait3A_322] : memref<100000x128xf32, #tpu.memory_space<hbm>> -> memref<100000x128xf32, #tpu.memory_space<hbm>>
      tpu.wait_indirect_dma semaphore(%arg16 : memref<!tpu.dma_semaphore, #tpu.memory_space<semaphore_mem>>) src(%dma_wait3A_323 : memref<100000x128xf32, #tpu.memory_space<hbm>>) dst(%dma_wait3A_319 : memref<96x128xf32, #tpu.memory_space<vmem>>)
      %broadcast_in_dim3A_324 = arith.constant 0.000000e+00 : f32
      %broadcast_in_dim3A_325 = vector.broadcast %broadcast_in_dim3A_324 : f32 to vector<16xf32>
      %mul3A_326 = arith.constant 16 : i32
      %mul3A_327 = arith.muli %add3A_68, %mul3A_326 : i32
      %sub3A_328 = arith.constant 384 : i32
      %sub3A_329 = arith.subi %mul3A_327, %sub3A_328 : i32
      %broadcast_in_dim3A_330 = vector.broadcast %sub3A_329 : i32 to vector<16xi32>
      %add3A_331 = arith.addi %broadcast_in_dim3A_330, %iota3A : vector<16xi32>
      %scan3A_332 = arith.constant 0 : i32
      %scan3A_333 = arith.constant 128 : i32
      %scan3A_334 = arith.addi %scan3A_332, %scan3A_333 : i32
      %scan3A_335 = arith.constant 2 : i32
      %scan3A_336:10 = scf.for %scan3A_398 = %scan3A_332 to %scan3A_334 step %scan3A_335 iter_args(%scan3A_399 = %broadcast_in_dim3A_325, %scan3A_400 = %broadcast_in_dim3A_325, %scan3A_401 = %broadcast_in_dim3A_325, %scan3A_402 = %broadcast_in_dim3A_325, %scan3A_403 = %broadcast_in_dim3A_325, %scan3A_404 = %broadcast_in_dim3A_325, %scan3A_405 = %broadcast_in_dim3A_325, %scan3A_406 = %broadcast_in_dim3A_325, %scan3A_407 = %broadcast_in_dim3A_325, %scan3A_408 = %broadcast_in_dim3A_325) -> (vector<16xf32>, vector<16xf32>, vector<16xf32>, vector<16xf32>, vector<16xf32>, vector<16xf32>, vector<16xf32>, vector<16xf32>, vector<16xf32>, vector<16xf32>)  : i32 {
        %broadcast_in_dim3A_409 = vector.broadcast %scan3A_398 : i32 to vector<16xi32>
        %add3A_410 = arith.addi %broadcast_in_dim3A_409, %iota3A : vector<16xi32>
        %and3A = arith.constant 127 : i32
        %and3A_411 = vector.broadcast %and3A : i32 to vector<16xi32>
        %and3A_412 = arith.andi %add3A_410, %and3A_411 : vector<16xi32>
        %gather3A = tpu.vector_load_idx %arg9[%add3A_331, %and3A_412] : memref<128x128xf32, #tpu.memory_space<vmem>>[vector<16xi32>, vector<16xi32>], vector<16xf32>,
        %add3A_413 = arith.constant 320 : i32
        %add3A_414 = vector.broadcast %add3A_413 : i32 to vector<16xi32>
        %add3A_415 = arith.addi %add3A_414, %iota3A : vector<16xi32>
        %gather3A_416 = tpu.vector_load_idx %arg10[%add3A_415, %and3A_412] : memref<480x128xf32, #tpu.memory_space<vmem>>[vector<16xi32>, vector<16xi32>], vector<16xf32>,
        %mul3A_417 = arith.mulf %gather3A_416, %gather3A : vector<16xf32>
        %add3A_418 = arith.addf %scan3A_399, %mul3A_417 : vector<16xf32>
        %add3A_419 = arith.constant 336 : i32
        %add3A_420 = vector.broadcast %add3A_419 : i32 to vector<16xi32>
        %add3A_421 = arith.addi %add3A_420, %iota3A : vector<16xi32>
        %gather3A_422 = tpu.vector_load_idx %arg10[%add3A_421, %and3A_412] : memref<480x128xf32, #tpu.memory_space<vmem>>[vector<16xi32>, vector<16xi32>], vector<16xf32>,
        %mul3A_423 = arith.mulf %gather3A_422, %gather3A : vector<16xf32>
        %add3A_424 = arith.addf %scan3A_400, %mul3A_423 : vector<16xf32>
        %add3A_425 = arith.constant 352 : i32
        %add3A_426 = vector.broadcast %add3A_425 : i32 to vector<16xi32>
        %add3A_427 = arith.addi %add3A_426, %iota3A : vector<16xi32>
        %gather3A_428 = tpu.vector_load_idx %arg10[%add3A_427, %and3A_412] : memref<480x128xf32, #tpu.memory_space<vmem>>[vector<16xi32>, vector<16xi32>], vector<16xf32>,
        %mul3A_429 = arith.mulf %gather3A_428, %gather3A : vector<16xf32>
        %add3A_430 = arith.addf %scan3A_401, %mul3A_429 : vector<16xf32>
        %add3A_431 = arith.constant 368 : i32
        %add3A_432 = vector.broadcast %add3A_431 : i32 to vector<16xi32>
        %add3A_433 = arith.addi %add3A_432, %iota3A : vector<16xi32>
        %gather3A_434 = tpu.vector_load_idx %arg10[%add3A_433, %and3A_412] : memref<480x128xf32, #tpu.memory_space<vmem>>[vector<16xi32>, vector<16xi32>], vector<16xf32>,
        %mul3A_435 = arith.mulf %gather3A_434, %gather3A : vector<16xf32>
        %add3A_436 = arith.addf %scan3A_402, %mul3A_435 : vector<16xf32>
        %add3A_437 = arith.constant 384 : i32
        %add3A_438 = vector.broadcast %add3A_437 : i32 to vector<16xi32>
        %add3A_439 = arith.addi %add3A_438, %iota3A : vector<16xi32>
        %gather3A_440 = tpu.vector_load_idx %arg10[%add3A_439, %and3A_412] : memref<480x128xf32, #tpu.memory_space<vmem>>[vector<16xi32>, vector<16xi32>], vector<16xf32>,
        %mul3A_441 = arith.mulf %gather3A_440, %gather3A : vector<16xf32>
        %add3A_442 = arith.addf %scan3A_403, %mul3A_441 : vector<16xf32>
        %add3A_443 = arith.constant 400 : i32
        %add3A_444 = vector.broadcast %add3A_443 : i32 to vector<16xi32>
        %add3A_445 = arith.addi %add3A_444, %iota3A : vector<16xi32>
        %gather3A_446 = tpu.vector_load_idx %arg10[%add3A_445, %and3A_412] : memref<480x128xf32, #tpu.memory_space<vmem>>[vector<16xi32>, vector<16xi32>], vector<16xf32>,
        %mul3A_447 = arith.mulf %gather3A_446, %gather3A : vector<16xf32>
        %add3A_448 = arith.addf %scan3A_404, %mul3A_447 : vector<16xf32>
        %add3A_449 = arith.constant 416 : i32
        %add3A_450 = vector.broadcast %add3A_449 : i32 to vector<16xi32>
        %add3A_451 = arith.addi %add3A_450, %iota3A : vector<16xi32>
        %gather3A_452 = tpu.vector_load_idx %arg10[%add3A_451, %and3A_412] : memref<480x128xf32, #tpu.memory_space<vmem>>[vector<16xi32>, vector<16xi32>], vector<16xf32>,
        %mul3A_453 = arith.mulf %gather3A_452, %gather3A : vector<16xf32>
        %add3A_454 = arith.addf %scan3A_405, %mul3A_453 : vector<16xf32>
        %add3A_455 = arith.constant 432 : i32
        %add3A_456 = vector.broadcast %add3A_455 : i32 to vector<16xi32>
        %add3A_457 = arith.addi %add3A_456, %iota3A : vector<16xi32>
        %gather3A_458 = tpu.vector_load_idx %arg10[%add3A_457, %and3A_412] : memref<480x128xf32, #tpu.memory_space<vmem>>[vector<16xi32>, vector<16xi32>], vector<16xf32>,
        %mul3A_459 = arith.mulf %gather3A_458, %gather3A : vector<16xf32>
        %add3A_460 = arith.addf %scan3A_406, %mul3A_459 : vector<16xf32>
        %add3A_461 = arith.constant 448 : i32
        %add3A_462 = vector.broadcast %add3A_461 : i32 to vector<16xi32>
        %add3A_463 = arith.addi %add3A_462, %iota3A : vector<16xi32>
        %gather3A_464 = tpu.vector_load_idx %arg10[%add3A_463, %and3A_412] : memref<480x128xf32, #tpu.memory_space<vmem>>[vector<16xi32>, vector<16xi32>], vector<16xf32>,
        %mul3A_465 = arith.mulf %gather3A_464, %gather3A : vector<16xf32>
        %add3A_466 = arith.addf %scan3A_407, %mul3A_465 : vector<16xf32>
        %add3A_467 = arith.constant 464 : i32
        %add3A_468 = vector.broadcast %add3A_467 : i32 to vector<16xi32>
        %add3A_469 = arith.addi %add3A_468, %iota3A : vector<16xi32>
        %gather3A_470 = tpu.vector_load_idx %arg10[%add3A_469, %and3A_412] : memref<480x128xf32, #tpu.memory_space<vmem>>[vector<16xi32>, vector<16xi32>], vector<16xf32>,
        %mul3A_471 = arith.mulf %gather3A_470, %gather3A : vector<16xf32>
        %add3A_472 = arith.addf %scan3A_408, %mul3A_471 : vector<16xf32>
        %scan3A_473 = arith.constant 1 : i32
        %scan3A_474 = arith.addi %scan3A_398, %scan3A_473 : i32
        %broadcast_in_dim3A_475 = vector.broadcast %scan3A_474 : i32 to vector<16xi32>
        %add3A_476 = arith.addi %broadcast_in_dim3A_475, %iota3A : vector<16xi32>
        %and3A_477 = arith.constant 127 : i32
        %and3A_478 = vector.broadcast %and3A_477 : i32 to vector<16xi32>
        %and3A_479 = arith.andi %add3A_476, %and3A_478 : vector<16xi32>
        %gather3A_480 = tpu.vector_load_idx %arg9[%add3A_331, %and3A_479] : memref<128x128xf32, #tpu.memory_space<vmem>>[vector<16xi32>, vector<16xi32>], vector<16xf32>,
        %add3A_481 = arith.constant 320 : i32
        %add3A_482 = vector.broadcast %add3A_481 : i32 to vector<16xi32>
        %add3A_483 = arith.addi %add3A_482, %iota3A : vector<16xi32>
        %gather3A_484 = tpu.vector_load_idx %arg10[%add3A_483, %and3A_479] : memref<480x128xf32, #tpu.memory_space<vmem>>[vector<16xi32>, vector<16xi32>], vector<16xf32>,
        %mul3A_485 = arith.mulf %gather3A_484, %gather3A_480 : vector<16xf32>
        %add3A_486 = arith.addf %add3A_418, %mul3A_485 : vector<16xf32>
        %add3A_487 = arith.constant 336 : i32
        %add3A_488 = vector.broadcast %add3A_487 : i32 to vector<16xi32>
        %add3A_489 = arith.addi %add3A_488, %iota3A : vector<16xi32>
        %gather3A_490 = tpu.vector_load_idx %arg10[%add3A_489, %and3A_479] : memref<480x128xf32, #tpu.memory_space<vmem>>[vector<16xi32>, vector<16xi32>], vector<16xf32>,
        %mul3A_491 = arith.mulf %gather3A_490, %gather3A_480 : vector<16xf32>
        %add3A_492 = arith.addf %add3A_424, %mul3A_491 : vector<16xf32>
        %add3A_493 = arith.constant 352 : i32
        %add3A_494 = vector.broadcast %add3A_493 : i32 to vector<16xi32>
        %add3A_495 = arith.addi %add3A_494, %iota3A : vector<16xi32>
        %gather3A_496 = tpu.vector_load_idx %arg10[%add3A_495, %and3A_479] : memref<480x128xf32, #tpu.memory_space<vmem>>[vector<16xi32>, vector<16xi32>], vector<16xf32>,
        %mul3A_497 = arith.mulf %gather3A_496, %gather3A_480 : vector<16xf32>
        %add3A_498 = arith.addf %add3A_430, %mul3A_497 : vector<16xf32>
        %add3A_499 = arith.constant 368 : i32
        %add3A_500 = vector.broadcast %add3A_499 : i32 to vector<16xi32>
        %add3A_501 = arith.addi %add3A_500, %iota3A : vector<16xi32>
        %gather3A_502 = tpu.vector_load_idx %arg10[%add3A_501, %and3A_479] : memref<480x128xf32, #tpu.memory_space<vmem>>[vector<16xi32>, vector<16xi32>], vector<16xf32>,
        %mul3A_503 = arith.mulf %gather3A_502, %gather3A_480 : vector<16xf32>
        %add3A_504 = arith.addf %add3A_436, %mul3A_503 : vector<16xf32>
        %add3A_505 = arith.constant 384 : i32
        %add3A_506 = vector.broadcast %add3A_505 : i32 to vector<16xi32>
        %add3A_507 = arith.addi %add3A_506, %iota3A : vector<16xi32>
        %gather3A_508 = tpu.vector_load_idx %arg10[%add3A_507, %and3A_479] : memref<480x128xf32, #tpu.memory_space<vmem>>[vector<16xi32>, vector<16xi32>], vector<16xf32>,
        %mul3A_509 = arith.mulf %gather3A_508, %gather3A_480 : vector<16xf32>
        %add3A_510 = arith.addf %add3A_442, %mul3A_509 : vector<16xf32>
        %add3A_511 = arith.constant 400 : i32
        %add3A_512 = vector.broadcast %add3A_511 : i32 to vector<16xi32>
        %add3A_513 = arith.addi %add3A_512, %iota3A : vector<16xi32>
        %gather3A_514 = tpu.vector_load_idx %arg10[%add3A_513, %and3A_479] : memref<480x128xf32, #tpu.memory_space<vmem>>[vector<16xi32>, vector<16xi32>], vector<16xf32>,
        %mul3A_515 = arith.mulf %gather3A_514, %gather3A_480 : vector<16xf32>
        %add3A_516 = arith.addf %add3A_448, %mul3A_515 : vector<16xf32>
        %add3A_517 = arith.constant 416 : i32
        %add3A_518 = vector.broadcast %add3A_517 : i32 to vector<16xi32>
        %add3A_519 = arith.addi %add3A_518, %iota3A : vector<16xi32>
        %gather3A_520 = tpu.vector_load_idx %arg10[%add3A_519, %and3A_479] : memref<480x128xf32, #tpu.memory_space<vmem>>[vector<16xi32>, vector<16xi32>], vector<16xf32>,
        %mul3A_521 = arith.mulf %gather3A_520, %gather3A_480 : vector<16xf32>
        %add3A_522 = arith.addf %add3A_454, %mul3A_521 : vector<16xf32>
        %add3A_523 = arith.constant 432 : i32
        %add3A_524 = vector.broadcast %add3A_523 : i32 to vector<16xi32>
        %add3A_525 = arith.addi %add3A_524, %iota3A : vector<16xi32>
        %gather3A_526 = tpu.vector_load_idx %arg10[%add3A_525, %and3A_479] : memref<480x128xf32, #tpu.memory_space<vmem>>[vector<16xi32>, vector<16xi32>], vector<16xf32>,
        %mul3A_527 = arith.mulf %gather3A_526, %gather3A_480 : vector<16xf32>
        %add3A_528 = arith.addf %add3A_460, %mul3A_527 : vector<16xf32>
        %add3A_529 = arith.constant 448 : i32
        %add3A_530 = vector.broadcast %add3A_529 : i32 to vector<16xi32>
        %add3A_531 = arith.addi %add3A_530, %iota3A : vector<16xi32>
        %gather3A_532 = tpu.vector_load_idx %arg10[%add3A_531, %and3A_479] : memref<480x128xf32, #tpu.memory_space<vmem>>[vector<16xi32>, vector<16xi32>], vector<16xf32>,
        %mul3A_533 = arith.mulf %gather3A_532, %gather3A_480 : vector<16xf32>
        %add3A_534 = arith.addf %add3A_466, %mul3A_533 : vector<16xf32>
        %add3A_535 = arith.constant 464 : i32
        %add3A_536 = vector.broadcast %add3A_535 : i32 to vector<16xi32>
        %add3A_537 = arith.addi %add3A_536, %iota3A : vector<16xi32>
        %gather3A_538 = tpu.vector_load_idx %arg10[%add3A_537, %and3A_479] : memref<480x128xf32, #tpu.memory_space<vmem>>[vector<16xi32>, vector<16xi32>], vector<16xf32>,
        %mul3A_539 = arith.mulf %gather3A_538, %gather3A_480 : vector<16xf32>
        %add3A_540 = arith.addf %add3A_472, %mul3A_539 : vector<16xf32>
        scf.yield %add3A_486, %add3A_492, %add3A_498, %add3A_504, %add3A_510, %add3A_516, %add3A_522, %add3A_528, %add3A_534, %add3A_540 : vector<16xf32>, vector<16xf32>, vector<16xf32>, vector<16xf32>, vector<16xf32>, vector<16xf32>, vector<16xf32>, vector<16xf32>, vector<16xf32>, vector<16xf32>
      }
      %scan3A_337 = arith.constant 128 : i32
      %mul3A_338 = arith.constant 512 : i32
      %mul3A_339 = arith.muli %add3A_68, %mul3A_338 : i32
      %add3A_340 = arith.constant 320 : i32
      %add3A_341 = arith.addi %mul3A_339, %add3A_340 : i32
      %swap3A_342 = arith.index_cast %add3A_341 : i32 to index
      %swap3A_343 = tpu.vector_load %arg11[%swap3A_342] {strides = array<i32>} : memref<16384xf32, #tpu.memory_space<vmem>>, vector<16xf32>,
      tpu.vector_store %arg11[%swap3A_342], %scan3A_336#0 {strides = array<i32>} : memref<16384xf32, #tpu.memory_space<vmem>>, vector<16xf32>,
      %mul3A_344 = arith.constant 512 : i32
      %mul3A_345 = arith.muli %add3A_68, %mul3A_344 : i32
      %add3A_346 = arith.constant 336 : i32
      %add3A_347 = arith.addi %mul3A_345, %add3A_346 : i32
      %swap3A_348 = arith.index_cast %add3A_347 : i32 to index
      %swap3A_349 = tpu.vector_load %arg11[%swap3A_348] {strides = array<i32>} : memref<16384xf32, #tpu.memory_space<vmem>>, vector<16xf32>,
      tpu.vector_store %arg11[%swap3A_348], %scan3A_336#1 {strides = array<i32>} : memref<16384xf32, #tpu.memory_space<vmem>>, vector<16xf32>,
      %mul3A_350 = arith.constant 512 : i32
      %mul3A_351 = arith.muli %add3A_68, %mul3A_350 : i32
      %add3A_352 = arith.constant 352 : i32
      %add3A_353 = arith.addi %mul3A_351, %add3A_352 : i32
      %swap3A_354 = arith.index_cast %add3A_353 : i32 to index
      %swap3A_355 = tpu.vector_load %arg11[%swap3A_354] {strides = array<i32>} : memref<16384xf32, #tpu.memory_space<vmem>>, vector<16xf32>,
      tpu.vector_store %arg11[%swap3A_354], %scan3A_336#2 {strides = array<i32>} : memref<16384xf32, #tpu.memory_space<vmem>>, vector<16xf32>,
      %mul3A_356 = arith.constant 512 : i32
      %mul3A_357 = arith.muli %add3A_68, %mul3A_356 : i32
      %add3A_358 = arith.constant 368 : i32
      %add3A_359 = arith.addi %mul3A_357, %add3A_358 : i32
      %swap3A_360 = arith.index_cast %add3A_359 : i32 to index
      %swap3A_361 = tpu.vector_load %arg11[%swap3A_360] {strides = array<i32>} : memref<16384xf32, #tpu.memory_space<vmem>>, vector<16xf32>,
      tpu.vector_store %arg11[%swap3A_360], %scan3A_336#3 {strides = array<i32>} : memref<16384xf32, #tpu.memory_space<vmem>>, vector<16xf32>,
      %mul3A_362 = arith.constant 512 : i32
      %mul3A_363 = arith.muli %add3A_68, %mul3A_362 : i32
      %add3A_364 = arith.constant 384 : i32
      %add3A_365 = arith.addi %mul3A_363, %add3A_364 : i32
      %swap3A_366 = arith.index_cast %add3A_365 : i32 to index
      %swap3A_367 = tpu.vector_load %arg11[%swap3A_366] {strides = array<i32>} : memref<16384xf32, #tpu.memory_space<vmem>>, vector<16xf32>,
      tpu.vector_store %arg11[%swap3A_366], %scan3A_336#4 {strides = array<i32>} : memref<16384xf32, #tpu.memory_space<vmem>>, vector<16xf32>,
      %mul3A_368 = arith.constant 512 : i32
      %mul3A_369 = arith.muli %add3A_68, %mul3A_368 : i32
      %add3A_370 = arith.constant 400 : i32
      %add3A_371 = arith.addi %mul3A_369, %add3A_370 : i32
      %swap3A_372 = arith.index_cast %add3A_371 : i32 to index
      %swap3A_373 = tpu.vector_load %arg11[%swap3A_372] {strides = array<i32>} : memref<16384xf32, #tpu.memory_space<vmem>>, vector<16xf32>,
      tpu.vector_store %arg11[%swap3A_372], %scan3A_336#5 {strides = array<i32>} : memref<16384xf32, #tpu.memory_space<vmem>>, vector<16xf32>,
      %mul3A_374 = arith.constant 512 : i32
      %mul3A_375 = arith.muli %add3A_68, %mul3A_374 : i32
      %add3A_376 = arith.constant 416 : i32
      %add3A_377 = arith.addi %mul3A_375, %add3A_376 : i32
      %swap3A_378 = arith.index_cast %add3A_377 : i32 to index
      %swap3A_379 = tpu.vector_load %arg11[%swap3A_378] {strides = array<i32>} : memref<16384xf32, #tpu.memory_space<vmem>>, vector<16xf32>,
      tpu.vector_store %arg11[%swap3A_378], %scan3A_336#6 {strides = array<i32>} : memref<16384xf32, #tpu.memory_space<vmem>>, vector<16xf32>,
      %mul3A_380 = arith.constant 512 : i32
      %mul3A_381 = arith.muli %add3A_68, %mul3A_380 : i32
      %add3A_382 = arith.constant 432 : i32
      %add3A_383 = arith.addi %mul3A_381, %add3A_382 : i32
      %swap3A_384 = arith.index_cast %add3A_383 : i32 to index
      %swap3A_385 = tpu.vector_load %arg11[%swap3A_384] {strides = array<i32>} : memref<16384xf32, #tpu.memory_space<vmem>>, vector<16xf32>,
      tpu.vector_store %arg11[%swap3A_384], %scan3A_336#7 {strides = array<i32>} : memref<16384xf32, #tpu.memory_space<vmem>>, vector<16xf32>,
      %mul3A_386 = arith.constant 512 : i32
      %mul3A_387 = arith.muli %add3A_68, %mul3A_386 : i32
      %add3A_388 = arith.constant 448 : i32
      %add3A_389 = arith.addi %mul3A_387, %add3A_388 : i32
      %swap3A_390 = arith.index_cast %add3A_389 : i32 to index
      %swap3A_391 = tpu.vector_load %arg11[%swap3A_390] {strides = array<i32>} : memref<16384xf32, #tpu.memory_space<vmem>>, vector<16xf32>,
      tpu.vector_store %arg11[%swap3A_390], %scan3A_336#8 {strides = array<i32>} : memref<16384xf32, #tpu.memory_space<vmem>>, vector<16xf32>,
      %mul3A_392 = arith.constant 512 : i32
      %mul3A_393 = arith.muli %add3A_68, %mul3A_392 : i32
      %add3A_394 = arith.constant 464 : i32
      %add3A_395 = arith.addi %mul3A_393, %add3A_394 : i32
      %swap3A_396 = arith.index_cast %add3A_395 : i32 to index
      %swap3A_397 = tpu.vector_load %arg11[%swap3A_396] {strides = array<i32>} : memref<16384xf32, #tpu.memory_space<vmem>>, vector<16xf32>,
      tpu.vector_store %arg11[%swap3A_396], %scan3A_336#9 {strides = array<i32>} : memref<16384xf32, #tpu.memory_space<vmem>>, vector<16xf32>,
    }
    %scan3A_61 = arith.constant 8 : i32
    %mul3A_62 = arith.constant 32 : i32
    %mul3A_63 = arith.muli %mul3A_2, %mul3A_62 : i32
    "tpu.region"() ({
      %run_scoped3A = tpu.sem_alloc : memref<!tpu.dma_semaphore, #tpu.memory_space<semaphore_mem>>
      %dma_start3A_64 = tpu.memref_slice %arg6[%mul3A_63] : memref<524288xf32, #tpu.memory_space<hbm>> -> memref<16384xf32, #tpu.memory_space<hbm>>
      %dma_start3A_65 = tpu.memref_slice %arg6[%mul3A_63] : memref<524288xf32, #tpu.memory_space<hbm>> -> memref<16384xf32, #tpu.memory_space<hbm>>
      tpu.enqueue_dma source(%arg11 : memref<16384xf32, #tpu.memory_space<vmem>>) target(%dma_start3A_65 : memref<16384xf32, #tpu.memory_space<hbm>>) target_semaphore(%run_scoped3A : memref<!tpu.dma_semaphore, #tpu.memory_space<semaphore_mem>>)
      %dma_wait3A_66 = tpu.memref_slice %arg6[%mul3A_63] : memref<524288xf32, #tpu.memory_space<hbm>> -> memref<16384xf32, #tpu.memory_space<hbm>>
      %dma_wait3A_67 = tpu.memref_slice %arg6[%mul3A_63] : memref<524288xf32, #tpu.memory_space<hbm>> -> memref<16384xf32, #tpu.memory_space<hbm>>
      tpu.wait_dma2 semaphore(%run_scoped3A : memref<!tpu.dma_semaphore, #tpu.memory_space<semaphore_mem>>) src(%arg11 : memref<16384xf32, #tpu.memory_space<vmem>>) dst(%dma_wait3A_67 : memref<16384xf32, #tpu.memory_space<hbm>>)
      tpu.yield
    }) : () -> ()
    return
  }
}

module attributes {stable_mosaic.version = 14 : i64} {
  func.func @body(%arg0: memref<1024x32x16xf32, #tpu.memory_space<vmem>>, %arg1: memref<1024x16xf32, #tpu.memory_space<vmem>>) attributes {dimension_semantics = [], scalar_prefetch = 0 : i64, scratch_operands = 0 : i64, tpu.core_type = #tpu.core_type<tc>} {
    %get3A = arith.constant 0 : index
    %get3A_0 = arith.constant 0 : index
    %get3A_1 = arith.constant 0 : index
    %get3A_2 = vector.load %arg0[%get3A, %get3A_0, %get3A_1] : memref<1024x32x16xf32, #tpu.memory_space<vmem>>, vector<1024x32x16xf32>
    %iota3A = tpu.iota {dimensions = array<i32: 1>} : vector<1024x32x16xi32>
    %lt3A = arith.constant 10 : i32
    %lt3A_3 = vector.broadcast %lt3A : i32 to vector<1024x32x16xi32>
    %lt3A_4 = arith.cmpi slt, %iota3A, %lt3A_3 : vector<1024x32x16xi32>
    %jit3A = arith.constant 1.000000e+00 : f32
    %jit3A_5 = arith.constant -1.000000e+00 : f32
    %broadcast_in_dim3A = vector.broadcast %jit3A : f32 to vector<1024x32x16xf32>
    %broadcast_in_dim3A_6 = vector.broadcast %jit3A_5 : f32 to vector<1024x32x16xf32>
    %select_n3A = arith.select %lt3A_4, %broadcast_in_dim3A, %broadcast_in_dim3A_6 : vector<1024x32x16xi1>, vector<1024x32x16xf32>
    %mul3A = arith.mulf %select_n3A, %get3A_2 : vector<1024x32x16xf32>
    %neg3A = arith.constant 0.000000e+00 : f32
    %neg3A_7 = vector.broadcast %neg3A : f32 to vector<1024x32x16xf32>
    %neg3A_8 = arith.subf %neg3A_7, %mul3A : vector<1024x32x16xf32>
    %custom_jvp_call3A = arith.constant 0.000000e+00 : f32
    %max3A = vector.broadcast %custom_jvp_call3A : f32 to vector<1024x32x16xf32>
    %max3A_9 = arith.maximumf %neg3A_8, %max3A : vector<1024x32x16xf32>
    %sub3A = vector.broadcast %custom_jvp_call3A : f32 to vector<1024x32x16xf32>
    %sub3A_10 = arith.subf %neg3A_8, %sub3A : vector<1024x32x16xf32>
    %ne3A = arith.cmpf one, %sub3A_10, %sub3A_10 : vector<1024x32x16xf32>
    %add3A = vector.broadcast %custom_jvp_call3A : f32 to vector<1024x32x16xf32>
    %add3A_11 = arith.addf %neg3A_8, %add3A : vector<1024x32x16xf32>
    %abs3A = math.absf %sub3A_10 : vector<1024x32x16xf32>
    %neg3A_12 = arith.constant 0.000000e+00 : f32
    %neg3A_13 = vector.broadcast %neg3A_12 : f32 to vector<1024x32x16xf32>
    %neg3A_14 = arith.subf %neg3A_13, %abs3A : vector<1024x32x16xf32>
    %exp3A = math.exp %neg3A_14 : vector<1024x32x16xf32>
    %log1p3A = math.log1p %exp3A : vector<1024x32x16xf32>
    %add3A_15 = arith.addf %max3A_9, %log1p3A : vector<1024x32x16xf32>
    %select_n3A_16 = arith.select %ne3A, %add3A_11, %add3A_15 : vector<1024x32x16xi1>, vector<1024x32x16xf32>
    %neg3A_17 = arith.constant 0.000000e+00 : f32
    %neg3A_18 = vector.broadcast %neg3A_17 : f32 to vector<1024x32x16xf32>
    %neg3A_19 = arith.subf %neg3A_18, %select_n3A_16 : vector<1024x32x16xf32>
    %lt3A_20 = arith.constant 30 : i32
    %lt3A_21 = vector.broadcast %lt3A_20 : i32 to vector<1024x32x16xi32>
    %lt3A_22 = arith.cmpi slt, %iota3A, %lt3A_21 : vector<1024x32x16xi32>
    %jit3A_23 = arith.constant 0.000000e+00 : f32
    %broadcast_in_dim3A_24 = vector.broadcast %jit3A_23 : f32 to vector<1024x32x16xf32>
    %select_n3A_25 = arith.select %lt3A_22, %neg3A_19, %broadcast_in_dim3A_24 : vector<1024x32x16xi1>, vector<1024x32x16xf32>
    %reduce_sum3A = arith.constant dense<0.000000e+00> : vector<1024x16xf32>
    %reduce_sum3A_26 = vector.multi_reduction <add>, %select_n3A_25, %reduce_sum3A [1] : vector<1024x32x16xf32> to vector<1024x16xf32>
    %neg3A_27 = arith.constant 0.000000e+00 : f32
    %neg3A_28 = vector.broadcast %neg3A_27 : f32 to vector<1024x16xf32>
    %neg3A_29 = arith.subf %neg3A_28, %reduce_sum3A_26 : vector<1024x16xf32>
    %swap3A = arith.constant 0 : index
    %swap3A_30 = arith.constant 0 : index
    %swap3A_31 = vector.load %arg1[%swap3A, %swap3A_30] : memref<1024x16xf32, #tpu.memory_space<vmem>>, vector<1024x16xf32>
    tpu.vector_store %arg1[%swap3A, %swap3A_30], %neg3A_29 {strides = array<i32>} : memref<1024x16xf32, #tpu.memory_space<vmem>>, vector<1024x16xf32>,
    return
  }
}

</mosaic_0001>

<sc_bundles>
// kernel: kernel.4.cloned.1.call-start
scs
__scs_entry_jumppad:
0x0: {  	(pc) =	sbr.rel $0x88, $3  }
0x1: {  	(tag) =	ssettag $0x0;
	lr =	simm.s32 $0x1  }
0x2: {  	[smem:$0x3F9C] =	sst lr;
	_ =	strace $0xD0000000  }
0x3: {  	_ = 	snop  }
0x4: {  	_ = 	snop  }
0x5: {  	_ = 	snop  }
0x6: {  	_ = 	snop  }
0x7: {  	_ = 	snop  }
__scs_overlays_trampoline_lowered:
0x8: {  	[smem:$0x3FAB] =	sst s0  }
0x9: {  	[smem:$0x3FAC] =	sst s1  }
0xa: {  	[smem:$0x3FAD] =	sst s2  }
0xb: {  	[smem:$0x3FAE] =	sst s3  }
0xc: {  	[smem:$0x3FAF] =	sst s4  }
0xd: {  	[smem:$0x3FB0] =	sst s5  }
0xe: {  	[smem:$0x3FB1] =	sst s6  }
0xf: {  	[smem:$0x3FB2] =	sst s7  }
0x10: {  	[smem:$0x3FB3] =	sst s8  }
0x11: {  	[smem:$0x3FB4] =	sst s9;
	s0 =	simm.s32 @!p0 $0x0  }
0x12: {  	s1 =	sld [smem:$0x3F9A];
	s0 =	simm.s32 @p0 $0x1  }
0x13: {  	[smem:$0x3FB5] =	sst s0;
	s0 =	simm.s32 @!p1 $0x0  }
0x14: {  	s2 =	sld [smem:$0x3F99];
	s0 =	simm.s32 @p1 $0x1  }
0x15: {  	[smem:$0x3FB6] =	sst s0;
	s0 =	simm.s32 @!p2 $0x0  }
0x16: {  	s3 =	sld [smem:$0x3FDB];
	s0 =	simm.s32 @p2 $0x1  }
0x17: {  	s4 =	simm.s32 $0x1BF5;
	[smem:$0x3FB8] =	sst s0  }
0x18: {  	s0 =	sld [smem:$0x3F9B];
	_ =	swait.ge [sflag:s4], $0x0  }
0x19: {  	s7 =	sld [smem:$0x3F9C]  }
0x1a: {  	s8 =	sadd.s32 $0xFFFFE003, lr  }
0x1b: {  	s9 =	sadd.s32 $0xFFFFFEF7, lr;
	s5 =	simm.s32 $0xFFFFFFFF;
	p2 =	slt.u32 s8, $0xFFFFF086  }
0x1c: {  	p1 =	slt.u32 s9, $0xF7A;
	s5 =	simm.s32 @!p2 $0x0  }
0x1d: {  	s5 =	simm.s32 @p1 $0x1;
	p0 =	seq.s32 s7, s2  }
0x1e: {  	s7 =	smul.u32 @!p0 $0xF7A, s2;
	p2 =	seq.s32 @!p0 s5, $0x0  }
0x1f: {  	s9 =	smul.u32 $0xF7A, s1;
	s8 =	simm.s32 @!p0 $0x1BF5;
	p2 =	por !p2, p0  }
0x20: {  	[sflag:s8] =	ssyncset.s32 @!p0 $0xFFFFF086;
	s6 =	sadd.s32 @!p0 s3, s7;
	s7 =	simm.s32 @!p0 $0x108  }
0x21: {  	s3 =	sadd.s32 s3, s9;
	s6 =	sadd.s32 @!p0 $0x88, s6;
	s7 =	simm.s32 @p2 $0x1082  }
0x22: {  	[simem:s7], [sflag:s8] =	dma.local @!p0 [hbm:s6], $0xF7A  }
0x23: {  	s9 =	sor.u32 $0xD0000000, s2;
	s6 =	simm.s32 $0x108;
	_ =	swait.ge @!p0 [sflag:s8], $0x0  }
0x24: {  	s3 =	sadd.s32 $0x88, s3;
	s6 =	simm.s32 @!p1 $0x1082;
	[sflag:s4] =	ssyncset.s32 $0xFFFFF086  }
0x25: {  	[simem:s6], [sflag:s4] =	dma.local [hbm:s3], $0xF7A  }
0x26: {  	[smem:$0x3F9C] =	sst s1;
	(tag) =	ssettag s2;
	_ =	strace s9  }
0x27: {  	s1 =	sld [smem:$0x3FAC]  }
0x28: {  	s2 =	sld [smem:$0x3FAD]  }
0x29: {  	s4 =	sld [smem:$0x3FAF]  }
0x2a: {  	p0 =	seq.s32 s5, $0x0;
	s5 =	sld [smem:$0x3FB0]  }
0x2b: {  	s6 =	sld [smem:$0x3FB1]  }
0x2c: {  	s7 =	sld [smem:$0x3FB2]  }
0x2d: {  	s3 =	simm.s32 $0x108;
	s8 =	sld [smem:$0x3FB3]  }
0x2e: {  	s3 =	simm.s32 @!p0 $0x1082;
	s9 =	sld [smem:$0x3FB4]  }
0x2f: {  	lr =	sadd.s32 s0, s3;
	s0 =	sld [smem:$0x3FAB]  }
0x30: {  	s3 =	sld [smem:$0x3FAE]  }
0x31: {  	[smem:$0x3FB7] =	sst s10  }
0x32: {  	s10 =	sld [smem:$0x3FB5];
	_ =	sdelay $0x3  }
0x33: {  	p0 =	seq.s32 s10, $0x1;
	s10 =	sld [smem:$0x3FB7];
	_ =	sdelay $0x3  }
0x34: {  	[smem:$0x3FB7] =	sst s10  }
0x35: {  	s10 =	sld [smem:$0x3FB6];
	_ =	sdelay $0x3  }
0x36: {  	p1 =	seq.s32 s10, $0x1;
	s10 =	sld [smem:$0x3FB7];
	_ =	sdelay $0x3  }
0x37: {  	[smem:$0x3FB7] =	sst s10  }
0x38: {  	s10 =	sld [smem:$0x3FB8]  }
0x39: {  	_ = 	snop;
	(pc) =	sbr.ind lr, $3  }
0x3a: {  	_ = 	snop  }
0x3b: {  	_ = 	snop  }
0x3c: {  	p2 =	seq.s32 s10, $0x1;
	s10 =	sld [smem:$0x3FB7]  }
0x3d: {  	_ =	shalt  }
0x3e: {  	_ =	shalt  }
0x3f: {  	_ =	shalt  }
0x40: {  	_ =	shalt  }
0x41: {  	_ =	shalt  }
0x42: {  	_ =	shalt  }
0x43: {  	_ =	shalt  }
0x44: {  	_ =	shalt  }
0x45: {  	_ =	shalt  }
0x46: {  	_ =	shalt  }
0x47: {  	_ =	shalt  }
0x48: {  	_ =	shalt  }
0x49: {  	_ =	shalt  }
0x4a: {  	_ =	shalt  }
0x4b: {  	_ =	shalt  }
0x4c: {  	_ =	shalt  }
0x4d: {  	_ =	shalt  }
0x4e: {  	_ =	shalt  }
0x4f: {  	_ =	shalt  }
0x50: {  	_ =	shalt  }
0x51: {  	_ =	shalt  }
0x52: {  	_ =	shalt  }
0x53: {  	_ =	shalt  }
0x54: {  	_ =	shalt  }
0x55: {  	_ =	shalt  }
0x56: {  	_ =	shalt  }
0x57: {  	_ =	shalt  }
0x58: {  	_ =	shalt  }
0x59: {  	_ =	shalt  }
0x5a: {  	_ =	shalt  }
0x5b: {  	_ =	shalt  }
0x5c: {  	_ =	shalt  }
0x5d: {  	_ =	shalt  }
0x5e: {  	_ =	shalt  }
0x5f: {  	_ =	shalt  }
0x60: {  	_ =	shalt  }
0x61: {  	_ =	shalt  }
0x62: {  	_ =	shalt  }
0x63: {  	_ =	shalt  }
0x64: {  	_ =	shalt  }
0x65: {  	_ =	shalt  }
0x66: {  	_ =	shalt  }
0x67: {  	_ =	shalt  }
0x68: {  	_ =	shalt  }
0x69: {  	_ =	shalt  }
0x6a: {  	_ =	shalt  }
0x6b: {  	_ =	shalt  }
0x6c: {  	_ =	shalt  }
0x6d: {  	_ =	shalt  }
0x6e: {  	_ =	shalt  }
0x6f: {  	_ =	shalt  }
0x70: {  	_ =	shalt  }
0x71: {  	_ =	shalt  }
0x72: {  	_ =	shalt  }
0x73: {  	_ =	shalt  }
0x74: {  	_ =	shalt  }
0x75: {  	_ =	shalt  }
0x76: {  	_ =	shalt  }
0x77: {  	_ =	shalt  }
0x78: {  	_ =	shalt  }
0x79: {  	_ =	shalt  }
0x7a: {  	_ =	shalt  }
0x7b: {  	_ =	shalt  }
0x7c: {  	_ =	shalt  }
0x7d: {  	_ =	shalt  }
0x7e: {  	_ =	shalt  }
0x7f: {  	_ =	shalt  }
0x80: {  	_ =	shalt  }
0x81: {  	_ =	shalt  }
0x82: {  	_ =	shalt  }
0x83: {  	_ =	shalt  }
0x84: {  	_ =	shalt  }
0x85: {  	_ =	shalt  }
0x86: {  	_ =	shalt  }
0x87: {  	_ =	shalt  }
.Lfunc_end0:
.L_simem_size_0:
called_computation_lowered:
.L_overlay_start_0:
0x88: {  	s2 =	sld [smem:$0x3FD9]  }
0x89: {  	s3 =	sld [smem:$0x3FFE];
	_ =	sdelay $0x1  }
0x8a: {  	s1 =	srdreg.scid  }
0x8b: {  	s0 =	sand.u32 $0x1, s1  }
0x8c: {  	s17 =	sshll.u32 s0, $0xA;
	s2 =	sadd.s32 s3, s2  }
0x8d: {  	s2 =	sadd.s32 s2, s17  }
0x8e: {  	[smem:$0x3FC3] =	sst s2  }
0x8f: {  	_ = 	snop  }
0x90: {  	s2 =	sld [smem:$0x3FC9]  }
0x91: {  	s18 =	sld [smem:$0x3FC8]  }
0x92: {  	s4 =	sld [smem:$0x3FC7];
	(tm) =	ssettm $0x1  }
0x93: {  	s5 =	sld [smem:$0x3FFB];
	_ =	sdelay $0x3  }
0x94: {  	_ =	strace s5  }
0x95: {  	s5 =	sld [smem:$0x3FFC];
	_ =	sdelay $0x3  }
0x96: {  	_ =	strace s5  }
0x97: {  	s5 =	sld [smem:$0x3FFD];
	_ =	sdelay $0x3  }
0x98: {  	_ =	strace s5  }
0x99: {  	_ =	strace $0x8FFFFFFF  }
0x9a: {  	s19 =	sld [smem:$0x3FDB];
	_ =	sdelay $0x1  }
0x9b: {  	s6 =	simm.s32 $_scs_section_size  }
0x9c: {  	s7 =	simm.s32 $_size__tile_overlayer_lowered;
	s8 =	simm.s32 $_tile_overlayer_lowered  }
0x9d: {  	s22 =	simm.s32 $0x1BFF;
	s21 =	sshll.u32 s8, $0x1;
	s5 =	sadd.s32 s6, s19  }
0x9e: {  	s9 =	simm.s32 $0x0;
	s20 =	sshll.u32 s7, $0x1;
	s7 =	sadd.s32 s21, s5  }
0x9f: {  	[timem:s9], [sflag:s22] =	dma.local [hbm:s7], s20  }
0xa0: {  	_ =	swait.ge [sflag:s22], s20  }
0xa1: {  	s6 =	ssub.s32 $0x0, s20;
	[sflag:s22] =	ssyncset.done $0x0  }
0xa2: {  	[sflag:s22] =	ssyncadd.s32 s6;
	_ =	sdelay $0x1  }
0xa3: {  	s23 =	simm.s32 $0x1B8B  }
0xa4: {  	_ =	swait.ge [sflag:s23], $0x1  }
0xa5: {  	[sflag:s23] =	ssyncset.done $0x0  }
0xa6: {  	s25 =	simm.s32 $0x1B8E;
	s24 =	sld [smem:$0x3FFE];
	[sflag:s23] =	ssyncadd.s32 $0xFFFFFFFF  }
0xa7: {  	s26 =	simm.s32 $execute0_lowered;
	[smem:$0x3FD2] =	sst s25  }
0xa8: {  	s7 =	sshll.u32 s26, $0x1;
	_ =	strace $0x80000046;
	[dreg:$0x1] =	wrdreg $0xFFFFFFFF  }
0xa9: {  	s28 =	simm.s32 $_size_execute0_lowered;
	s5 =	sadd.s32 s5, s7;
	[dreg:$0x0] =	wrdreg $0x0  }
0xaa: {  	s7 =	sshll.u32 s28, $0x1;
	[dreg:$0x2] =	wrdreg s5  }
0xab: {  	[dreg:$0x3] =	wrdreg s7  }
0xac: {  	[dreg:$0x4] =	wrdreg $0xC0  }
0xad: {  	_ =	task [dreg:s9], $0x5FFFF  }
0xae: {  	[dreg:$0x1] =	wrdreg $0xFFFFFFFF  }
0xaf: {  	[dreg:$0x0] =	wrdreg $0x60  }
0xb0: {  	[dreg:$0x2] =	wrdreg s2  }
0xb1: {  	[dreg:$0x3] =	wrdreg s18  }
0xb2: {  	[dreg:$0x4] =	wrdreg s4  }
0xb3: {  	[dreg:$0x5] =	wrdreg s24  }
0xb4: {  	[dreg:$0x6] =	wrdreg $0x9  }
0xb5: {  	_ =	task.clear_ibuf [dreg:s9], $0x7FFFF;
	_ =	strace $0x90000046  }
0xb6: {  	s29 =	simm.s32 $0x9;
	_ =	strace $0x80000048  }
0xb7: {  	_ =	swait.ge [sflag:s29], $0x1  }
0xb8: {  	[sflag:s29] =	ssyncadd.s32 $0xFFFFFFFF  }
0xb9: {  	_ =	strace $0x90000048  }
0xba: {  	_ =	sfence  }
0xbb: {  	s30 =	sld [smem:$0x0];
	_ =	sdelay $0x2  }
0xbc: {  	s31 =	sshll.u32 s1, $0xD;
	s1 =	sshrl.u32 s1, $0x2  }
0xbd: {  	s3 =	sand.u32 $0x4000, s31;
	s1 =	sadd.s32 s1, s30  }
0xbe: {  	s0 =	sor.u32 s3, s0;
	s1 =	sshll.u32 s1, $0x11  }
0xbf: {  	s0 =	sor.u32 s1, s0  }
0xc0: {  	s0 =	sadd.s32 $0x8F2B, s0  }
0xc1: {  	[sflag:s0] =	ssyncadd.remote.s32 $0x1  }
0xc2: {  	_ =	sfence.sel $0xFFFF  }
0xc3: {  	[dreg:$0x0] =	wrdreg $0xFFFFFFFF;
	(pc) =	sbr.abs _section_cstart, $3  }
0xc4: {  	[dreg:$0x1] =	wrdreg $0xFFFFFFFF  }
0xc5: {  	_ =	task.clear_ibuf [dreg:s9], $0x2FFFF;
	_ =	strace $0x9FFFFFFF  }
0xc6: {  	(tm) =	ssettm $0x7FFFFFFF  }
0xc7: {  	_ =	shalt  }
tec
execute0_lowered:
.L_overlay_start_1:
0x0: {  	(tag) =	ssettag $0x1  }
0x1: {  	s1 =	rddreg [dreg:$0x0]  }
0x2: {  	s2 =	rddreg [dreg:$0x1];
	s4 =	srdreg.scid;
	v19 =	vlaneseq.u32  }
0x3: {  	s3 =	rddreg [dreg:$0x2];
	s6 =	sand.u32 $0x1, s4;
	s4 =	simm.s32 $0x0;
	v20 =	vmul.u32 $0x80, v19  }
0x4: {  	[smem:$0x7FF] =	sst s4  }
0x5: {  	s5 =	rddreg [dreg:$0x3];
	_ =	strace $0x80000047;
	v0 =	vor.u32 $0x1000, v20;
	[tilespmem:$0x1FF20] =	vst v20  }
0x6: {  	v1 =	vor.u32 $0x4800, v20;
	[tilespmem:$0x1FE20] =	vst v0  }
0x7: {  	v25 =	vor.u32 $0x800, v20;
	[tilespmem:$0x1FE40] =	vst v1  }
0x8: {  	v29 =	vor.u32 $0x2000, v20;
	[tilespmem:$0x1FF30] =	vst v25  }
0x9: {  	v22 =	vor.u32 $0x2800, v20;
	[tilespmem:$0x1FF40] =	vst v29  }
0xa: {  	v24 =	vor.u32 $0x3000, v20;
	[tilespmem:$0x1FF50] =	vst v22  }
0xb: {  	v27 =	vor.u32 $0x1800, v20;
	[tilespmem:$0x1FF60] =	vst v24  }
0xc: {  	v23 =	vor.u32 $0x7000, v20;
	[tilespmem:$0x1FF80] =	vst v27  }
0xd: {  	v21 =	vor.u32 $0x7800, v20;
	[tilespmem:$0x1FF90] =	vst v23  }
0xe: {  	v2 =	vor.u32 $0x9800, v20;
	[tilespmem:$0x1FFA0] =	vst v21  }
0xf: {  	v28 =	vor.u32 $0xC000, v20;
	[tilespmem:$0x1FFB0] =	vst v2  }
0x10: {  	v30 =	vor.u32 $0xC800, v20;
	[tilespmem:$0x1FFC0] =	vst v28  }
0x11: {  	v3 =	vor.u32 $0xE000, v20;
	[tilespmem:$0x1FFD0] =	vst v30  }
0x12: {  	v0 =	vor.u32 $0x3800, v20;
	[tilespmem:$0x1FFE0] =	vst v3  }
0x13: {  	v1 =	vor.u32 $0x5000, v20;
	[tilespmem:$0x1FE30] =	vst v0  }
0x14: {  	[tilespmem:$0x1FE50] =	vst v1;
	v1 =	vor.u32 $0x5800, v20  }
0x15: {  	v0 =	vor.u32 $0x4000, v20;
	[tilespmem:$0x1FE60] =	vst v1  }
0x16: {  	v1 =	vor.u32 $0x6000, v20;
	[tilespmem:$0x1FF70] =	vst v0  }
0x17: {  	[tilespmem:$0x1FE70] =	vst v1;
	v1 =	vor.u32 $0x6800, v20  }
0x18: {  	s0 =	stileid.u32;
	s11 =	simm.s32 $0x80;
	s12 =	simm.s32 $0x3E00;
	[tilespmem:$0x1FE80] =	vst v1;
	v1 =	vor.u32 $0x8000, v20  }
0x19: {  	s13 =	simm.s32 $0x1;
	s14 =	simm.s32 $0x60;
	s15 =	simm.s32 $0x7E00;
	[tilespmem:$0x1FE90] =	vst v1;
	v1 =	vor.u32 $0x8800, v20  }
0x1a: {  	s16 =	simm.s32 $0xAE00;
	s17 =	simm.s32 $0xDE00;
	s18 =	simm.s32 $0x10E00;
	[tilespmem:$0x1FEA0] =	vst v1;
	v1 =	vor.u32 $0x9000, v20  }
0x1b: {  	s19 =	simm.s32 $0x13E00;
	s20 =	simm.s32 $0x2;
	s21 =	simm.s32 $0x3;
	[tilespmem:$0x1FEB0] =	vst v1;
	v1 =	vor.u32 $0xA000, v20  }
0x1c: {  	s22 =	simm.s32 $0x4;
	s23 =	simm.s32 $0x5;
	s24 =	simm.s32 $0x100;
	[tilespmem:$0x1FEC0] =	vst v1;
	v1 =	vor.u32 $0xA800, v20  }
0x1d: {  	s25 =	simm.s32 $0x180;
	s26 =	simm.s32 $0x16E00;
	s7 =	sshll.u32 s0, $0x1;
	[tilespmem:$0x1FED0] =	vst v1;
	v1 =	vor.u32 $0xB000, v20  }
0x1e: {  	s28 =	simm.s32 $0x0;
	s7 =	sor.u32 s6, s7;
	s6 =	ssub.s32 $0x2, s6;
	[tilespmem:$0x1FEE0] =	vst v1;
	v1 =	vor.u32 $0xB800, v20  }
0x1f: {  	s8 =	smul.u32 $0x780, s7;
	s9 =	sshll.u32 s7, $0xB;
	s31 =	sshrl.u32 s6, $0x1;
	[tilespmem:$0x1FEF0] =	vst v1;
	v1 =	vor.u32 $0xD000, v20  }
0x20: {  	s7 =	sshll.u32 s7, $0x6;
	s9 =	sadd.s32 s9, s5;
	s10 =	ssub.s32 s6, s31;
	[tilespmem:$0x1FF00] =	vst v1;
	v1 =	vor.u32 $0xD800, v20  }
0x21: {  	s8 =	sadd.s32 s8, s5;
	s5 =	sadd.s32 s3, s7;
	s7 =	sadd.s32 $0xF400, s9;
	[tilespmem:$0x1FF10] =	vst v1;
	v1 =	vor.u32 $0xE800, v20  }
0x22: {  	s9 =	simm.s32 $0x6;
	s6 =	sadd.s32 $0x400, s8;
	s8 =	smax.u32 s10, $0x1;
	[tilespmem:$0x1FFF0] =	vst v1  }
.LBB2_1:
0x23: {  	[tilespmem:s4], [sflag:$0x6] =	stream.linear.gather [hbm4b:s5+s4], $0x200, $0x38;
	[tilespmem:$0x1AE00] =	vst v63  }
0x24: {  	_ =	swait.ge [sflag:s9], $0x200  }
0x25: {  	[sflag:s9] =	ssyncset.done $0x0  }
0x26: {  	s0 =	simm.s32 $0x200;
	[sflag:s9] =	ssyncadd.s32 $0xFFFFFE00  }
0x27: {  	[tilespmem:s0], [sflag:$0x6] =	stream.linear.gather [hbm4b:s6+s4], $0x3C00, $0x38;
	[tilespmem:$0x1AE00] =	vst v63  }
0x28: {  	_ =	swait.ge [sflag:s9], $0x3C00  }
0x29: {  	[sflag:s9] =	ssyncset.done $0x0  }
0x2a: {  	[sflag:s9] =	ssyncadd.s32 $0xFFFFC400  }
0x2b: {  	[tilespmem:s12], [sflag:$0x1] =	stream.indirect.gather [hbm4b:s1+s11], $0x80, s4, s11, $0xb8;
	[tilespmem:$0x1AE00] =	vst v63  }
0x2c: {  	_ =	swait.ge [sflag:s13], $0x4000  }
0x2d: {  	[sflag:s13] =	ssyncset.done $0x0  }
0x2e: {  	s29 =	simm.s32 $0x0;
	[sflag:s13] =	ssyncadd.s32 $0xFFFFC000  }
.LBB2_2:
0x2f: {  	s3 =	smul.u32 $0x780, s29;
	_ =	sdelay $0x1  }
0x30: {  	s3 =	sshra.s32 s3, $0x2  }
0x31: {  	s30 =	sadd.s32 $0x200, s3  }
0x32: {  	[tilespmem:s15], [sflag:$0x1] =	stream.indirect.gather [hbm4b:s2+s14], $0x80, s30, s14, $0xb8;
	[tilespmem:$0x1AE00] =	vst v63  }
0x33: {  	s30 =	sadd.s32 $0x260, s3  }
0x34: {  	[tilespmem:s16], [sflag:$0x2] =	stream.indirect.gather [hbm4b:s2+s14], $0x80, s30, s14, $0xb8;
	[tilespmem:$0x1AE00] =	vst v63  }
0x35: {  	s30 =	sadd.s32 $0x2C0, s3  }
0x36: {  	[tilespmem:s17], [sflag:$0x3] =	stream.indirect.gather [hbm4b:s2+s14], $0x80, s30, s14, $0xb8;
	[tilespmem:$0x1AE00] =	vst v63  }
0x37: {  	s30 =	sadd.s32 $0x320, s3  }
0x38: {  	[tilespmem:s18], [sflag:$0x4] =	stream.indirect.gather [hbm4b:s2+s14], $0x80, s30, s14, $0xb8;
	[tilespmem:$0x1AE00] =	vst v63  }
0x39: {  	s30 =	sshll.u32 s29, $0x4  }
0x3a: {  	s3 =	sadd.s32 $0x380, s3;
	v1 =	vmov s30;
	s30 =	simm.s32 $0x0  }
0x3b: {  	[tilespmem:s19], [sflag:$0x5] =	stream.indirect.gather [hbm4b:s2+s14], $0x80, s3, s14, $0xb8;
	[tilespmem:$0x1AE00] =	vst v63  }
0x3c: {  	v1 =	vshll.u32 v1, $0x7;
	v2 =	vadd.s32 s30, v19;
	_ =	swait.ge [sflag:s13], $0x3000  }
0x3d: {  	v31 =	vor.u32 v20, v1;
	v1 =	vand.u32 $0x7F, v2;
	[sflag:s13] =	ssyncset.done $0x0  }
0x3e: {  	v2 =	vor.u32 v31, v1;
	[sflag:s13] =	ssyncadd.s32 $0xFFFFD000  }
0x3f: {  	v3 =	vor.u32 v20, v1;
	_ =	swait.ge [sflag:s20], $0x3000  }
0x40: {  	v4 =	vor.u32 v25, v1;
	v17 =	vld [tilespmem:$0x1FE20]  }
0x41: {  	s0 =	simm.s32 $0x1;
	v5 =	vor.u32 v22, v1;
	[sflag:s20] =	ssyncset.done $0x0;
	v18 =	vld [tilespmem:$0x1FE30]  }
0x42: {  	v32 =	vadd.s32 s0, v19;
	v33 =	vor.u32 v24, v1;
	v16 =	vld [tilespmem:$0x1FE40];
	[sflag:s20] =	ssyncadd.s32 $0xFFFFD000  }
0x43: {  	v32 =	vand.u32 $0x7F, v32;
	v34 =	vor.u32 v0, v1;
	v2 =	vld.idx.msk [tilespmem:v2+s12+$0x0], $0xffff  }
0x44: {  	v35 =	vor.u32 v29, v32;
	v3 =	vld.idx.msk [tilespmem:v3+s15+$0x0], $0xffff  }
0x45: {  	v36 =	vor.u32 v31, v32;
	v4 =	vld.idx.msk [tilespmem:v4+s15+$0x0], $0xffff  }
0x46: {  	v40 =	vor.u32 v0, v32;
	v5 =	vld.idx.msk [tilespmem:v5+s15+$0x0], $0xffff  }
0x47: {  	v42 =	vor.u32 v27, v1;
	v39 =	vld.idx.msk [tilespmem:v33+s15+$0x0], $0xffff  }
0x48: {  	v62 =	vor.u32 v29, v1;
	v34 =	vld.idx.msk [tilespmem:v34+s15+$0x0], $0xffff  }
0x49: {  	v45 =	vor.u32 v27, v32;
	v35 =	vld.idx.msk [tilespmem:v35+s15+$0x0], $0xffff  }
0x4a: {  	v48 =	vor.u32 v20, v32;
	v46 =	vld.idx.msk [tilespmem:v36+s12+$0x0], $0xffff  }
0x4b: {  	s10 =	simm.s32 $0x3;
	s31 =	simm.s32 $0x2;
	v50 =	vor.u32 v24, v32;
	v40 =	vld.idx.msk [tilespmem:v40+s15+$0x0], $0xffff  }
0x4c: {  	v51 =	vadd.s32 s10, v19;
	v11 =	vadd.s32 s31, v19;
	v43 =	vor.u32 v22, v32;
	v63 =	vld.idx.msk [tilespmem:v42+s15+$0x0], $0xffff  }
0x4d: {  	v52 =	vand.u32 $0x7F, v11;
	v51 =	vand.u32 $0x7F, v51;
	v44 =	vor.u32 v25, v32;
	v36 =	vld.idx.msk [tilespmem:v62+s15+$0x0], $0xffff  }
0x4e: {  	v14 =	vor.u32 v20, v52;
	v53 =	vor.u32 v25, v52;
	v45 =	vld.idx.msk [tilespmem:v45+s15+$0x0], $0xffff;
	v37 =	vor.u32 v17, v1  }
0x4f: {  	v59 =	vor.u32 v22, v52;
	v60 =	vor.u32 v24, v52;
	v12 =	vld.idx.msk [tilespmem:v48+s15+$0x0], $0xffff;
	v38 =	vor.u32 v18, v1  }
0x50: {  	v13 =	vor.u32 v31, v52;
	v33 =	vimm.f32 $0.0e+00;
	v50 =	vld.idx.msk [tilespmem:v50+s15+$0x0], $0xffff;
	v41 =	vor.u32 v16, v32  }
0x51: {  	v10 =	vld.idx.msk [tilespmem:v43+s15+$0x0], $0xffff;
	v62 =	vor.u32 v0, v52;
	v43 =	vor.u32 v25, v51;
	v47 =	vor.u32 v17, v32  }
0x52: {  	v44 =	vld.idx.msk [tilespmem:v44+s15+$0x0], $0xffff;
	v57 =	vor.u32 v16, v1;
	v49 =	vor.u32 v18, v32;
	v9 =	vor.u32 v17, v52  }
0x53: {  	v58 =	vor.u32 v18, v52;
	v3 =	vmul.f32 v3, v2;
	v32 =	vmul.f32 v5, v2;
	v37 =	vld.idx.msk [tilespmem:v37+s15+$0x0], $0xffff  }
0x54: {  	v1 =	vor.u32 v29, v51;
	v4 =	vmul.f32 v4, v2;
	v34 =	vmul.f32 v34, v2;
	v38 =	vld.idx.msk [tilespmem:v38+s15+$0x0], $0xffff  }
0x55: {  	v48 =	vor.u32 v16, v51;
	v39 =	vmul.f32 v39, v2;
	v42 =	vmul.f32 v35, v46;
	v5 =	vld.idx.msk [tilespmem:v41+s15+$0x0], $0xffff  }
0x56: {  	v8 =	vmul.f32 v40, v46;
	v40 =	vor.u32 v27, v52;
	v7 =	vadd.f32 v34, v33;
	v34 =	vld.idx.msk [tilespmem:v47+s15+$0x0], $0xffff  }
0x57: {  	v36 =	vmul.f32 v36, v2;
	v12 =	vmul.f32 v12, v46;
	v55 =	vadd.f32 v3, v33;
	v49 =	vld.idx.msk [tilespmem:v49+s15+$0x0], $0xffff  }
0x58: {  	v45 =	vmul.f32 v45, v46;
	v6 =	vadd.f32 v4, v33;
	v54 =	vadd.f32 v39, v33;
	v4 =	vld.idx.msk [tilespmem:v57+s15+$0x0], $0xffff  }
0x59: {  	v36 =	vadd.f32 v36, v33;
	v3 =	vld.idx.msk [tilespmem:v14+s15+$0x0], $0xffff;
	v14 =	vmul.f32 v44, v46;
	v41 =	vmul.f32 v63, v2  }
0x5a: {  	v63 =	vor.u32 v0, v51;
	v57 =	vor.u32 v20, v51;
	v37 =	vmul.f32 v37, v2  }
0x5b: {  	v53 =	vld.idx.msk [tilespmem:v53+s15+$0x0], $0xffff;
	v36 =	vadd.f32 v42, v36;
	v38 =	vmul.f32 v38, v2;
	v61 =	vmul.f32 v34, v46  }
0x5c: {  	v59 =	vld.idx.msk [tilespmem:v59+s15+$0x0], $0xffff;
	v47 =	vmul.f32 v5, v46;
	v5 =	vor.u32 v31, v51;
	v49 =	vmul.f32 v49, v46  }
0x5d: {  	v34 =	vld.idx.msk [tilespmem:v13+s12+$0x0], $0xffff;
	v13 =	vmul.f32 v50, v46;
	v4 =	vmul.f32 v4, v2;
	v2 =	vadd.f32 v14, v6  }
0x5e: {  	v62 =	vld.idx.msk [tilespmem:v62+s15+$0x0], $0xffff;
	v50 =	vor.u32 v27, v51;
	v35 =	vadd.f32 v37, v33;
	v56 =	vadd.f32 v38, v33  }
0x5f: {  	v38 =	vor.u32 v29, v52;
	v37 =	vor.u32 v16, v52;
	v52 =	vld.idx.msk [tilespmem:v60+s15+$0x0], $0xffff;
	v60 =	vadd.f32 v12, v55  }
0x60: {  	v58 =	vld.idx.msk [tilespmem:v58+s15+$0x0], $0xffff;
	v39 =	vadd.f32 v61, v35;
	v35 =	vor.u32 v22, v51;
	v42 =	vadd.f32 v49, v56  }
0x61: {  	v55 =	vld.idx.msk [tilespmem:v1+s15+$0x0], $0xffff;
	v56 =	vadd.f32 v13, v54;
	v61 =	vor.u32 v17, v51;
	v54 =	vor.u32 v18, v51  }
0x62: {  	v1 =	vld.idx.msk [tilespmem:v9+s15+$0x0], $0xffff;
	v51 =	vor.u32 v24, v51;
	v49 =	vadd.f32 v8, v7;
	v3 =	vmul.f32 v3, v34  }
0x63: {  	s30 =	simm.s32 $0x4;
	v44 =	vld.idx.msk [tilespmem:v5+s12+$0x0], $0xffff;
	v5 =	vadd.f32 v4, v33;
	v4 =	vmul.f32 v10, v46;
	v46 =	vimm.f32 $0.0e+00  }
.LBB2_3:
0x64: {  	p0 =	slt.u32 s30, $0x7E;
	v63 =	vld.idx.msk [tilespmem:v63+s15+$0x0], $0xffff;
	v33 =	vadd.f32 v41, v33;
	v41 =	vadd.f32 v32, v46;
	v32 =	vmul.f32 v59, v34;
	s3 =	smov.u32 s30;
	s30 =	sadd.s32 $0x2, s30  }
0x65: {  	v53 =	vmul.f32 v53, v34;
	v59 =	vmul.f32 v62, v34;
	s31 =	sadd.s32 $0x1, s3;
	v48 =	vld.idx.msk [tilespmem:v48+s15+$0x0], $0xffff;
	v5 =	vadd.f32 v47, v5  }
0x66: {  	v3 =	vadd.f32 v3, v60;
	v47 =	vadd.s32 s31, v19;
	v40 =	vld.idx.msk [tilespmem:v40+s15+$0x0], $0xffff;
	v46 =	vadd.f32 v4, v41;
	v4 =	vmovc v34  }
0x67: {  	v2 =	vadd.f32 v53, v2;
	v33 =	vadd.f32 v45, v33;
	v34 =	vld.idx.msk [tilespmem:v38+s15+$0x0], $0xffff;
	v38 =	vmul.f32 v52, v4  }
0x68: {  	v49 =	vadd.f32 v59, v49;
	v55 =	vmul.f32 v55, v44;
	v1 =	vmul.f32 v1, v4;
	v45 =	vld.idx.msk [tilespmem:v61+s15+$0x0], $0xffff  }
0x69: {  	v41 =	vadd.s32 s3, v19;
	v6 =	vmovc v44;
	v56 =	vadd.f32 v38, v56;
	v38 =	vmul.f32 v58, v4;
	v50 =	vld.idx.msk [tilespmem:v50+s15+$0x0], $0xffff  }
0x6a: {  	v44 =	vand.u32 $0x7F, v41;
	v1 =	vadd.f32 v1, v39;
	v58 =	vmul.f32 v63, v6;
	v39 =	vld.idx.msk [tilespmem:v57+s15+$0x0], $0xffff  }
0x6b: {  	v52 =	vor.u32 v31, v44;
	v53 =	vor.u32 v20, v44;
	v42 =	vadd.f32 v38, v42;
	v54 =	vld.idx.msk [tilespmem:v54+s15+$0x0], $0xffff  }
0x6c: {  	v7 =	vor.u32 v17, v44;
	v57 =	vor.u32 v25, v44;
	v41 =	vmul.f32 v40, v4;
	v51 =	vld.idx.msk [tilespmem:v51+s15+$0x0], $0xffff  }
0x6d: {  	v40 =	vor.u32 v27, v44;
	v38 =	vor.u32 v29, v44;
	v34 =	vmul.f32 v34, v4;
	v61 =	vld.idx.msk [tilespmem:v43+s15+$0x0], $0xffff  }
0x6e: {  	v60 =	vor.u32 v24, v44;
	v43 =	vor.u32 v22, v44;
	v45 =	vmul.f32 v45, v6;
	v8 =	vld.idx.msk [tilespmem:v35+s15+$0x0], $0xffff  }
0x6f: {  	v9 =	vor.u32 v18, v44;
	v62 =	vor.u32 v0, v44;
	v36 =	vadd.f32 v34, v36;
	v10 =	vld.idx.msk [tilespmem:v37+s15+$0x0], $0xffff  }
0x70: {  	v11 =	vand.u32 $0x7F, v47;
	v47 =	vmul.f32 v48, v6;
	v12 =	vmul.f32 v39, v6;
	v34 =	vld.idx.msk [tilespmem:v52+s12+$0x0], $0xffff  }
0x71: {  	v14 =	vor.u32 v31, v11;
	v15 =	vor.u32 v29, v11;
	v39 =	vadd.f32 v45, v1;
	v13 =	vld.idx.msk [tilespmem:v53+s15+$0x0], $0xffff  }
0x72: {  	v35 =	vor.u32 v22, v11;
	v45 =	vmul.f32 v50, v6;
	v1 =	vmul.f32 v54, v6;
	v53 =	vld.idx.msk [tilespmem:v57+s15+$0x0], $0xffff  }
0x73: {  	v63 =	vor.u32 v0, v11;
	v51 =	vmul.f32 v51, v6;
	v59 =	vld.idx.msk [tilespmem:v43+s15+$0x0], $0xffff;
	v43 =	vor.u32 v25, v11  }
0x74: {  	v48 =	vor.u32 v16, v11;
	v37 =	vor.u32 v16, v44;
	v36 =	vadd.f32 v55, v36;
	v52 =	vld.idx.msk [tilespmem:v60+s15+$0x0], $0xffff  }
.Ltmp0:
0x75: {  	v50 =	vor.u32 v27, v11;
	v42 =	vadd.f32 v1, v42;
	v60 =	vadd.f32 v12, v3;
	v62 =	vld.idx.msk [tilespmem:v62+s15+$0x0], $0xffff;
	(pc) =	sbr.rel @p0 .LBB2_3-.Ltmp0, $4  }
0x76: {  	v57 =	vor.u32 v20, v11;
	v56 =	vadd.f32 v51, v56;
	v3 =	vmul.f32 v61, v6;
	v55 =	vld.idx.msk [tilespmem:v15+s15+$0x0], $0xffff  }
0x77: {  	v54 =	vor.u32 v18, v11;
	v61 =	vor.u32 v17, v11;
	v4 =	vmul.f32 v10, v4;
	v44 =	vld.idx.msk [tilespmem:v14+s12+$0x0], $0xffff  }
0x78: {  	v49 =	vadd.f32 v58, v49;
	v51 =	vor.u32 v24, v11;
	v2 =	vadd.f32 v3, v2;
	v1 =	vld.idx.msk [tilespmem:v7+s15+$0x0], $0xffff  }
0x79: {  	v3 =	vmul.f32 v13, v34;
	v5 =	vadd.f32 v4, v5;
	v4 =	vmul.f32 v8, v6;
	v58 =	vld.idx.msk [tilespmem:v9+s15+$0x0], $0xffff  }
0x7a: {  	_ =	sdelay $0x3  }
0x7b: {  	v6 =	vld.idx.msk [tilespmem:v63+s15+$0x0], $0xffff  }
0x7c: {  	v7 =	vld.idx.msk [tilespmem:v40+s15+$0x0], $0xffff  }
0x7d: {  	v8 =	vld.idx.msk [tilespmem:v38+s15+$0x0], $0xffff  }
0x7e: {  	v9 =	vld.idx.msk [tilespmem:v57+s15+$0x0], $0xffff  }
0x7f: {  	v10 =	vmul.f32 v59, v34;
	v11 =	vadd.f32 v41, v33;
	v12 =	vadd.f32 v32, v46;
	v13 =	vld.idx.msk [tilespmem:v43+s15+$0x0], $0xffff  }
0x80: {  	v14 =	vmul.f32 v53, v34;
	v15 =	vmul.f32 v62, v34;
	v53 =	vld.idx.msk [tilespmem:v61+s15+$0x0], $0xffff;
	v5 =	vadd.f32 v47, v5  }
0x81: {  	v57 =	vmul.f32 v52, v34;
	v59 =	vld.idx.msk [tilespmem:v50+s15+$0x0], $0xffff;
	v3 =	vadd.f32 v3, v60;
	v4 =	vadd.f32 v4, v12  }
0x82: {  	v35 =	vld.idx.msk [tilespmem:v35+s15+$0x0], $0xffff;
	v2 =	vadd.f32 v14, v2;
	v11 =	vadd.f32 v45, v11;
	v1 =	vmul.f32 v1, v34  }
0x83: {  	v62 =	vld.idx.msk [tilespmem:v51+s15+$0x0], $0xffff;
	v12 =	vadd.f32 v57, v56;
	v4 =	vadd.f32 v10, v4;
	v9 =	vmul.f32 v9, v44  }
0x84: {  	v37 =	vld.idx.msk [tilespmem:v37+s15+$0x0], $0xffff;
	v1 =	vadd.f32 v1, v39;
	v7 =	vmul.f32 v7, v34;
	v13 =	vmul.f32 v13, v44  }
0x85: {  	s3 =	sshll.u32 s29, $0x9;
	v60 =	vld.idx.msk [tilespmem:v54+s15+$0x0], $0xffff;
	v8 =	vmul.f32 v8, v34;
	v32 =	vmul.f32 v53, v44;
	v3 =	vadd.f32 v9, v3  }
0x86: {  	v63 =	vld.idx.msk [tilespmem:v48+s15+$0x0], $0xffff;
	s30 =	sand.u32 $0x3FFFFE00, s3;
	v33 =	vmul.f32 v59, v44;
	v2 =	vadd.f32 v13, v2;
	v7 =	vadd.f32 v7, v11  }
0x87: {  	v61 =	vmul.f32 v55, v44;
	v8 =	vadd.f32 v8, v36;
	v1 =	vadd.f32 v32, v1;
	[tilespmem:s30+$0x16E00] =	vst v3  }
0x88: {  	v13 =	vmul.f32 v58, v34;
	v3 =	vmul.f32 v35, v44;
	v7 =	vadd.f32 v33, v7;
	[tilespmem:s30+$0x16E10] =	vst v2  }
0x89: {  	v39 =	vmul.f32 v37, v34;
	v36 =	vmul.f32 v62, v44;
	v8 =	vadd.f32 v61, v8;
	[tilespmem:s30+$0x16E20] =	vst v1  }
0x8a: {  	v2 =	vadd.f32 v13, v42;
	v1 =	vmul.f32 v60, v44;
	v3 =	vadd.f32 v3, v4;
	[tilespmem:s30+$0x16E30] =	vst v7  }
0x8b: {  	v6 =	vmul.f32 v6, v44;
	v4 =	vadd.f32 v15, v49;
	v7 =	vadd.f32 v36, v12;
	[tilespmem:s30+$0x16E40] =	vst v8  }
0x8c: {  	v40 =	vmul.f32 v63, v44;
	v1 =	vadd.f32 v1, v2;
	v2 =	vadd.f32 v39, v5;
	[tilespmem:s30+$0x16E50] =	vst v3  }
0x8d: {  	v3 =	vadd.f32 v6, v4;
	[tilespmem:s30+$0x16E60] =	vst v7  }
0x8e: {  	v2 =	vadd.f32 v40, v2;
	[tilespmem:s30+$0x16E70] =	vst v1  }
0x8f: {  	[tilespmem:s30+$0x16E80] =	vst v3  }
0x90: {  	[tilespmem:s30+$0x16E90] =	vst v2  }
0x91: {  	_ =	swait.ge [sflag:s21], $0x3000  }
0x92: {  	[sflag:s21] =	ssyncset.done $0x0  }
0x93: {  	[sflag:s21] =	ssyncadd.s32 $0xFFFFD000  }
0x94: {  	s0 =	simm.s32 $0x0;
	v0 =	vld [tilespmem:$0x1FE50];
	_ =	swait.ge [sflag:s22], $0x3000  }
0x95: {  	v1 =	vadd.s32 s0, v19;
	v19 =	vld [tilespmem:$0x1FE60]  }
0x96: {  	v22 =	vlaneseq.u32;
	s10 =	simm.s32 $0x1;
	v1 =	vand.u32 $0x7F, v1;
	v24 =	vld [tilespmem:$0x1FE90]  }
0x97: {  	v6 =	vadd.s32 s10, v22;
	v2 =	vor.u32 v31, v1;
	v25 =	vld [tilespmem:$0x1FEB0]  }
0x98: {  	v6 =	vand.u32 $0x7F, v6;
	v5 =	vor.u32 v21, v1;
	v20 =	vld [tilespmem:$0x1FE70]  }
0x99: {  	v42 =	vor.u32 v23, v6;
	v29 =	vld [tilespmem:$0x1FEA0]  }
0x9a: {  	v43 =	vor.u32 v31, v6;
	[sflag:s22] =	ssyncset.done $0x0;
	v26 =	vld [tilespmem:$0x1FFB0]  }
0x9b: {  	v49 =	vor.u32 v23, v1;
	v27 =	vld [tilespmem:$0x1FE80];
	[sflag:s22] =	ssyncadd.s32 $0xFFFFD000  }
0x9c: {  	v3 =	vor.u32 v0, v1;
	v2 =	vld.idx.msk [tilespmem:v2+s12+$0x0], $0xffff  }
0x9d: {  	v5 =	vld.idx.msk [tilespmem:v5+s15+$0x0], $0xffff;
	v61 =	vor.u32 v0, v6  }
0x9e: {  	v9 =	vld.idx.msk [tilespmem:v42+s15+$0x0], $0xffff;
	v4 =	vor.u32 v19, v1  }
0x9f: {  	v10 =	vld.idx.msk [tilespmem:v43+s12+$0x0], $0xffff;
	v7 =	vor.u32 v24, v1  }
0xa0: {  	v34 =	vld.idx.msk [tilespmem:v49+s15+$0x0], $0xffff;
	v41 =	vor.u32 v25, v1  }
0xa1: {  	v44 =	vor.u32 v20, v1;
	v3 =	vld.idx.msk [tilespmem:v3+s15+$0x0], $0xffff  }
0xa2: {  	v45 =	vor.u32 v29, v1;
	v39 =	vld.idx.msk [tilespmem:v61+s15+$0x0], $0xffff  }
0xa3: {  	v46 =	vor.u32 v25, v6;
	v4 =	vld.idx.msk [tilespmem:v4+s15+$0x0], $0xffff  }
0xa4: {  	v47 =	vor.u32 v26, v6;
	v7 =	vld.idx.msk [tilespmem:v7+s15+$0x0], $0xffff  }
0xa5: {  	v48 =	vor.u32 v27, v1;
	v8 =	vld.idx.msk [tilespmem:v41+s15+$0x0], $0xffff  }
0xa6: {  	v33 =	vimm.f32 $0.0e+00;
	s0 =	simm.s32 $0x3;
	s10 =	simm.s32 $0x2;
	v60 =	vor.u32 v20, v6;
	v11 =	vld.idx.msk [tilespmem:v44+s15+$0x0], $0xffff  }
0xa7: {  	v14 =	vadd.s32 s0, v22;
	v51 =	vadd.s32 s10, v22;
	v50 =	vor.u32 v27, v6;
	v12 =	vld.idx.msk [tilespmem:v45+s15+$0x0], $0xffff  }
0xa8: {  	v35 =	vor.u32 v21, v6;
	v14 =	vand.u32 $0x7F, v14;
	v62 =	vor.u32 v29, v6;
	v13 =	vld.idx.msk [tilespmem:v46+s15+$0x0], $0xffff  }
0xa9: {  	v36 =	vor.u32 v19, v6;
	v1 =	vor.u32 v26, v1;
	v32 =	vmul.f32 v5, v2;
	v5 =	vld.idx.msk [tilespmem:v47+s15+$0x0], $0xffff  }
0xaa: {  	v6 =	vor.u32 v24, v6;
	v43 =	vor.u32 v19, v14;
	v9 =	vmul.f32 v9, v10;
	v15 =	vld.idx.msk [tilespmem:v48+s15+$0x0], $0xffff  }
0xab: {  	v34 =	vmul.f32 v34, v2;
	v61 =	vor.u32 v23, v14;
	v63 =	vld.idx.msk [tilespmem:v60+s15+$0x0], $0xffff;
	v44 =	vand.u32 $0x7F, v51  }
0xac: {  	v37 =	vld.idx.msk [tilespmem:v50+s15+$0x0], $0xffff;
	v59 =	vor.u32 v31, v44;
	v45 =	vor.u32 v0, v44;
	v48 =	vor.u32 v19, v44  }
0xad: {  	v46 =	vld.idx.msk [tilespmem:v62+s15+$0x0], $0xffff;
	v51 =	vor.u32 v20, v44;
	v40 =	vor.u32 v27, v44;
	v38 =	vor.u32 v23, v44  }
0xae: {  	v50 =	vld.idx.msk [tilespmem:v36+s15+$0x0], $0xffff;
	v36 =	vor.u32 v21, v44;
	v3 =	vmul.f32 v3, v2;
	v56 =	vmul.f32 v39, v10  }
0xaf: {  	v6 =	vld.idx.msk [tilespmem:v6+s15+$0x0], $0xffff;
	v49 =	vor.u32 v24, v44;
	v4 =	vmul.f32 v4, v2;
	v8 =	vmul.f32 v8, v2  }
0xb0: {  	v55 =	vor.u32 v25, v44;
	v7 =	vmul.f32 v7, v2;
	v11 =	vmul.f32 v11, v2  }
0xb1: {  	v57 =	vadd.f32 v3, v33;
	v12 =	vmul.f32 v12, v2;
	v42 =	vmul.f32 v63, v10;
	v63 =	vld.idx.msk [tilespmem:v1+s15+$0x0], $0xffff  }
0xb2: {  	v13 =	vmul.f32 v13, v10;
	v41 =	vmul.f32 v15, v2;
	v15 =	vadd.f32 v34, v33;
	v34 =	vld.idx.msk [tilespmem:v59+s12+$0x0], $0xffff  }
0xb3: {  	v47 =	vmul.f32 v5, v10;
	v5 =	vor.u32 v31, v14;
	v46 =	vmul.f32 v46, v10;
	v3 =	vld.idx.msk [tilespmem:v45+s15+$0x0], $0xffff  }
0xb4: {  	v1 =	vor.u32 v25, v14;
	v6 =	vmul.f32 v6, v10;
	v53 =	vld.idx.msk [tilespmem:v48+s15+$0x0], $0xffff;
	v45 =	vmul.f32 v37, v10  }
0xb5: {  	v37 =	vor.u32 v26, v44;
	v52 =	vld.idx.msk [tilespmem:v49+s15+$0x0], $0xffff;
	v48 =	vor.u32 v26, v14;
	v49 =	vor.u32 v27, v14  }
0xb6: {  	v62 =	vld.idx.msk [tilespmem:v55+s15+$0x0], $0xffff;
	v60 =	vadd.f32 v56, v57;
	v57 =	vor.u32 v0, v14;
	v58 =	vadd.f32 v4, v33  }
0xb7: {  	v55 =	vld.idx.msk [tilespmem:v61+s15+$0x0], $0xffff;
	v61 =	vor.u32 v20, v14;
	v8 =	vadd.f32 v8, v33;
	v54 =	vadd.f32 v7, v33  }
0xb8: {  	v11 =	vadd.f32 v11, v33;
	v12 =	vadd.f32 v12, v33;
	v4 =	vld.idx.msk [tilespmem:v35+s15+$0x0], $0xffff;
	v7 =	vor.u32 v29, v44  }
0xb9: {  	v59 =	vld.idx.msk [tilespmem:v36+s15+$0x0], $0xffff;
	v35 =	vor.u32 v21, v14;
	v36 =	vadd.f32 v9, v15;
	v15 =	vmul.f32 v50, v10  }
0xba: {  	v50 =	vor.u32 v24, v14;
	v39 =	vadd.f32 v42, v11;
	v42 =	vadd.f32 v46, v12  }
0xbb: {  	v56 =	vadd.f32 v6, v54;
	v54 =	vor.u32 v29, v14;
	v44 =	vld.idx.msk [tilespmem:v5+s12+$0x0], $0xffff;
	v5 =	vmul.f32 v63, v2  }
0xbc: {  	v46 =	vimm.f32 $0.0e+00;
	v63 =	vld.idx.msk [tilespmem:v51+s15+$0x0], $0xffff;
	v2 =	vadd.f32 v15, v58;
	v51 =	vadd.f32 v13, v8  }
0xbd: {  	s31 =	simm.s32 $0x4;
	v3 =	vmul.f32 v3, v34;
	v58 =	vld.idx.msk [tilespmem:v7+s15+$0x0], $0xffff;
	v5 =	vadd.f32 v5, v33;
	v4 =	vmul.f32 v4, v10  }
.LBB2_5:
0xbe: {  	p0 =	slt.u32 s31, $0x7E;
	v1 =	vld.idx.msk [tilespmem:v1+s15+$0x0], $0xffff;
	v6 =	vadd.f32 v41, v33;
	v7 =	vadd.f32 v32, v46;
	v32 =	vmul.f32 v59, v34;
	s3 =	smov.u32 s31;
	s31 =	sadd.s32 $0x2, s31  }
0xbf: {  	v8 =	vmul.f32 v53, v34;
	v9 =	vmul.f32 v62, v34;
	s0 =	sadd.s32 $0x1, s3;
	v10 =	vld.idx.msk [tilespmem:v48+s15+$0x0], $0xffff;
	v5 =	vadd.f32 v47, v5  }
0xc0: {  	v3 =	vadd.f32 v3, v60;
	v11 =	vadd.s32 s0, v22;
	v12 =	vld.idx.msk [tilespmem:v40+s15+$0x0], $0xffff;
	v46 =	vadd.f32 v4, v7;
	v4 =	vmovc v34  }
0xc1: {  	v2 =	vadd.f32 v8, v2;
	v33 =	vadd.f32 v45, v6;
	v7 =	vld.idx.msk [tilespmem:v38+s15+$0x0], $0xffff;
	v8 =	vmul.f32 v52, v4  }
0xc2: {  	v9 =	vadd.f32 v9, v51;
	v14 =	vmul.f32 v55, v44;
	v6 =	vmul.f32 v63, v4;
	v13 =	vld.idx.msk [tilespmem:v61+s15+$0x0], $0xffff  }
0xc3: {  	v15 =	vadd.s32 s3, v22;
	v16 =	vmovc v44;
	v34 =	vmul.f32 v58, v4;
	v8 =	vadd.f32 v8, v56;
	v45 =	vld.idx.msk [tilespmem:v49+s15+$0x0], $0xffff  }
0xc4: {  	v15 =	vand.u32 $0x7F, v15;
	v6 =	vadd.f32 v6, v39;
	v51 =	vmul.f32 v1, v16;
	v39 =	vld.idx.msk [tilespmem:v57+s15+$0x0], $0xffff  }
0xc5: {  	v44 =	vor.u32 v0, v15;
	v1 =	vor.u32 v31, v15;
	v42 =	vadd.f32 v34, v42;
	v48 =	vld.idx.msk [tilespmem:v54+s15+$0x0], $0xffff  }
0xc6: {  	v58 =	vor.u32 v20, v15;
	v49 =	vor.u32 v19, v15;
	v41 =	vmul.f32 v12, v4;
	v12 =	vld.idx.msk [tilespmem:v50+s15+$0x0], $0xffff  }
0xc7: {  	v40 =	vor.u32 v27, v15;
	v38 =	vor.u32 v23, v15;
	v7 =	vmul.f32 v7, v4;
	v50 =	vld.idx.msk [tilespmem:v43+s15+$0x0], $0xffff  }
0xc8: {  	v52 =	vor.u32 v24, v15;
	v43 =	vor.u32 v21, v15;
	v13 =	vmul.f32 v13, v16;
	v17 =	vld.idx.msk [tilespmem:v35+s15+$0x0], $0xffff  }
0xc9: {  	v18 =	vor.u32 v29, v15;
	v54 =	vor.u32 v25, v15;
	v7 =	vadd.f32 v7, v36;
	v63 =	vld.idx.msk [tilespmem:v37+s15+$0x0], $0xffff  }
0xca: {  	v11 =	vand.u32 $0x7F, v11;
	v47 =	vmul.f32 v10, v16;
	v55 =	vmul.f32 v39, v16;
	v34 =	vld.idx.msk [tilespmem:v1+s12+$0x0], $0xffff  }
0xcb: {  	v56 =	vor.u32 v23, v11;
	v39 =	vadd.f32 v13, v6;
	v10 =	vld.idx.msk [tilespmem:v44+s15+$0x0], $0xffff;
	v44 =	vor.u32 v31, v11  }
0xcc: {  	v35 =	vor.u32 v21, v11;
	v45 =	vmul.f32 v45, v16;
	v6 =	vmul.f32 v48, v16;
	v53 =	vld.idx.msk [tilespmem:v49+s15+$0x0], $0xffff  }
0xcd: {  	v1 =	vor.u32 v25, v11;
	v12 =	vmul.f32 v12, v16;
	v59 =	vld.idx.msk [tilespmem:v43+s15+$0x0], $0xffff;
	v43 =	vor.u32 v19, v11  }
0xce: {  	v37 =	vor.u32 v26, v15;
	v48 =	vor.u32 v26, v11;
	v36 =	vadd.f32 v14, v7;
	v52 =	vld.idx.msk [tilespmem:v52+s15+$0x0], $0xffff  }
.Ltmp1:
0xcf: {  	v60 =	vadd.f32 v55, v3;
	v49 =	vor.u32 v27, v11;
	v42 =	vadd.f32 v6, v42;
	v62 =	vld.idx.msk [tilespmem:v54+s15+$0x0], $0xffff;
	(pc) =	sbr.rel @p0 .LBB2_5-.Ltmp1, $4  }
0xd0: {  	v57 =	vor.u32 v0, v11;
	v3 =	vmul.f32 v50, v16;
	v55 =	vld.idx.msk [tilespmem:v56+s15+$0x0], $0xffff;
	v56 =	vadd.f32 v12, v8  }
0xd1: {  	v61 =	vor.u32 v20, v11;
	v4 =	vmul.f32 v63, v4;
	v54 =	vor.u32 v29, v11;
	v44 =	vld.idx.msk [tilespmem:v44+s12+$0x0], $0xffff  }
0xd2: {  	v51 =	vadd.f32 v51, v9;
	v50 =	vor.u32 v24, v11;
	v2 =	vadd.f32 v3, v2;
	v63 =	vld.idx.msk [tilespmem:v58+s15+$0x0], $0xffff  }
0xd3: {  	v3 =	vmul.f32 v10, v34;
	v5 =	vadd.f32 v4, v5;
	v4 =	vmul.f32 v17, v16;
	v58 =	vld.idx.msk [tilespmem:v18+s15+$0x0], $0xffff  }
0xd4: {  	_ =	sdelay $0x3  }
0xd5: {  	v1 =	vld.idx.msk [tilespmem:v1+s15+$0x0], $0xffff  }
0xd6: {  	v6 =	vld.idx.msk [tilespmem:v40+s15+$0x0], $0xffff  }
0xd7: {  	v7 =	vld.idx.msk [tilespmem:v38+s15+$0x0], $0xffff  }
0xd8: {  	v8 =	vld.idx.msk [tilespmem:v57+s15+$0x0], $0xffff  }
0xd9: {  	v9 =	vmul.f32 v59, v34;
	v10 =	vadd.f32 v41, v33;
	v11 =	vadd.f32 v32, v46;
	v12 =	vld.idx.msk [tilespmem:v43+s15+$0x0], $0xffff  }
0xda: {  	v13 =	vmul.f32 v53, v34;
	v14 =	vmul.f32 v62, v34;
	v15 =	vld.idx.msk [tilespmem:v61+s15+$0x0], $0xffff;
	v5 =	vadd.f32 v47, v5  }
0xdb: {  	v40 =	vmul.f32 v52, v34;
	v16 =	vld.idx.msk [tilespmem:v49+s15+$0x0], $0xffff;
	v3 =	vadd.f32 v3, v60;
	v4 =	vadd.f32 v4, v11  }
0xdc: {  	v17 =	vld.idx.msk [tilespmem:v54+s15+$0x0], $0xffff;
	v2 =	vadd.f32 v13, v2;
	v10 =	vadd.f32 v45, v10;
	v41 =	vmul.f32 v63, v34  }
0xdd: {  	v43 =	vld.idx.msk [tilespmem:v35+s15+$0x0], $0xffff;
	v18 =	vmul.f32 v55, v44;
	v11 =	vadd.f32 v40, v56;
	v8 =	vmul.f32 v8, v44  }
0xde: {  	v45 =	vld.idx.msk [tilespmem:v50+s15+$0x0], $0xffff;
	v13 =	vadd.f32 v41, v39;
	v6 =	vmul.f32 v6, v34;
	v12 =	vmul.f32 v12, v44  }
0xdf: {  	v46 =	vld.idx.msk [tilespmem:v37+s15+$0x0], $0xffff;
	v7 =	vmul.f32 v7, v34;
	v15 =	vmul.f32 v15, v44;
	v3 =	vadd.f32 v8, v3  }
0xe0: {  	v47 =	vld.idx.msk [tilespmem:v48+s15+$0x0], $0xffff;
	v16 =	vmul.f32 v16, v44;
	v2 =	vadd.f32 v12, v2;
	v6 =	vadd.f32 v6, v10  }
0xe1: {  	v48 =	vmul.f32 v58, v34;
	v7 =	vadd.f32 v7, v36;
	v49 =	vadd.f32 v15, v13;
	[tilespmem:s30+$0x16EA0] =	vst v3  }
0xe2: {  	v4 =	vadd.f32 v9, v4;
	v3 =	vmul.f32 v43, v44;
	v6 =	vadd.f32 v16, v6;
	[tilespmem:s30+$0x16EB0] =	vst v2  }
0xe3: {  	v52 =	vmul.f32 v17, v44;
	v50 =	vmul.f32 v45, v44;
	v7 =	vadd.f32 v18, v7;
	[tilespmem:s30+$0x16EC0] =	vst v49  }
0xe4: {  	v53 =	vmul.f32 v46, v34;
	v2 =	vadd.f32 v48, v42;
	v3 =	vadd.f32 v3, v4;
	[tilespmem:s30+$0x16ED0] =	vst v6  }
0xe5: {  	v1 =	vmul.f32 v1, v44;
	v4 =	vadd.f32 v14, v51;
	v6 =	vadd.f32 v50, v11;
	[tilespmem:s30+$0x16EE0] =	vst v7  }
0xe6: {  	v5 =	vadd.f32 v53, v5;
	v7 =	vmul.f32 v47, v44;
	v2 =	vadd.f32 v52, v2;
	[tilespmem:s30+$0x16EF0] =	vst v3  }
0xe7: {  	v1 =	vadd.f32 v1, v4;
	[tilespmem:s30+$0x16F00] =	vst v6  }
0xe8: {  	v4 =	vadd.f32 v7, v5;
	[tilespmem:s30+$0x16F10] =	vst v2  }
0xe9: {  	[tilespmem:s30+$0x16F20] =	vst v1  }
0xea: {  	s0 =	simm.s32 $0x0;
	v23 =	vld [tilespmem:$0x1FEC0];
	[tilespmem:s30+$0x16F30] =	vst v4  }
0xeb: {  	v3 =	vadd.s32 s0, v22;
	_ =	swait.ge [sflag:s23], $0x3000  }
0xec: {  	s10 =	simm.s32 $0x1;
	v2 =	vand.u32 $0x7F, v3;
	v24 =	vld [tilespmem:$0x1FED0]  }
0xed: {  	v6 =	vadd.s32 s10, v22;
	v1 =	vor.u32 v31, v2;
	v22 =	vld [tilespmem:$0x1FF00]  }
0xee: {  	v27 =	vld [tilespmem:$0x1FFE0]  }
0xef: {  	v0 =	vlaneseq.u32;
	s10 =	simm.s32 $0x2;
	v3 =	vor.u32 v23, v2;
	v25 =	vld [tilespmem:$0x1FEE0]  }
0xf0: {  	v52 =	vadd.s32 s10, v0;
	v5 =	vor.u32 v30, v2;
	[sflag:s23] =	ssyncset.done $0x0;
	v29 =	vld [tilespmem:$0x1FF10]  }
0xf1: {  	v61 =	vor.u32 v28, v2;
	v44 =	vand.u32 $0x7F, v52;
	v21 =	vld [tilespmem:$0x1FFF0];
	[sflag:s23] =	ssyncadd.s32 $0xFFFFD000  }
0xf2: {  	v53 =	vor.u32 v31, v44;
	v9 =	vld.idx.msk [tilespmem:v1+s12+$0x0], $0xffff;
	v1 =	vand.u32 $0x7F, v6  }
0xf3: {  	v26 =	vld [tilespmem:$0x1FEF0];
	v6 =	vor.u32 v28, v1  }
0xf4: {  	v3 =	vld.idx.msk [tilespmem:v3+s15+$0x0], $0xffff;
	v55 =	vor.u32 v31, v1  }
0xf5: {  	v5 =	vld.idx.msk [tilespmem:v5+s15+$0x0], $0xffff;
	v50 =	vor.u32 v23, v1  }
0xf6: {  	v16 =	vld.idx.msk [tilespmem:v61+s15+$0x0], $0xffff;
	v62 =	vor.u32 v30, v1  }
0xf7: {  	v34 =	vld.idx.msk [tilespmem:v53+s12+$0x0], $0xffff;
	v4 =	vor.u32 v24, v2  }
0xf8: {  	v7 =	vor.u32 v22, v2;
	v6 =	vld.idx.msk [tilespmem:v6+s15+$0x0], $0xffff  }
0xf9: {  	v54 =	vor.u32 v27, v2;
	v10 =	vld.idx.msk [tilespmem:v55+s12+$0x0], $0xffff  }
0xfa: {  	v56 =	vor.u32 v25, v2;
	v36 =	vld.idx.msk [tilespmem:v50+s15+$0x0], $0xffff  }
0xfb: {  	v57 =	vor.u32 v29, v2;
	v17 =	vld.idx.msk [tilespmem:v62+s15+$0x0], $0xffff  }
0xfc: {  	v58 =	vor.u32 v27, v1;
	v4 =	vld.idx.msk [tilespmem:v4+s15+$0x0], $0xffff  }
0xfd: {  	s3 =	simm.s32 $0x3;
	v59 =	vor.u32 v21, v1;
	v7 =	vld.idx.msk [tilespmem:v7+s15+$0x0], $0xffff  }
0xfe: {  	v14 =	vadd.s32 s3, v0;
	v60 =	vor.u32 v26, v2;
	v8 =	vld.idx.msk [tilespmem:v54+s15+$0x0], $0xffff  }
0xff: {  	v33 =	vimm.f32 $0.0e+00;
	v14 =	vand.u32 $0x7F, v14;
	v49 =	vor.u32 v25, v1;
	v11 =	vld.idx.msk [tilespmem:v56+s15+$0x0], $0xffff  }
0x100: {  	v38 =	vor.u32 v28, v44;
	v63 =	vor.u32 v24, v1;
	v51 =	vor.u32 v29, v1;
	v12 =	vld.idx.msk [tilespmem:v57+s15+$0x0], $0xffff  }
0x101: {  	v2 =	vor.u32 v21, v2;
	v48 =	vor.u32 v26, v1;
	v43 =	vor.u32 v24, v44;
	v13 =	vld.idx.msk [tilespmem:v58+s15+$0x0], $0xffff  }
0x102: {  	v1 =	vor.u32 v22, v1;
	v46 =	vor.u32 v25, v44;
	v32 =	vmul.f32 v5, v9;
	v5 =	vld.idx.msk [tilespmem:v59+s15+$0x0], $0xffff  }
0x103: {  	v40 =	vor.u32 v26, v44;
	v61 =	vor.u32 v22, v44;
	v3 =	vmul.f32 v3, v9;
	v15 =	vld.idx.msk [tilespmem:v60+s15+$0x0], $0xffff  }
0x104: {  	v55 =	vor.u32 v23, v44;
	v62 =	vor.u32 v27, v44;
	v50 =	vor.u32 v22, v14;
	v35 =	vld.idx.msk [tilespmem:v49+s15+$0x0], $0xffff  }
0x105: {  	v54 =	vadd.f32 v3, v33;
	v37 =	vld.idx.msk [tilespmem:v51+s15+$0x0], $0xffff;
	v60 =	vor.u32 v30, v44;
	v58 =	vor.u32 v29, v44  }
0x106: {  	v53 =	vld.idx.msk [tilespmem:v43+s15+$0x0], $0xffff;
	v43 =	vor.u32 v24, v14;
	v6 =	vmul.f32 v6, v10;
	v51 =	vmul.f32 v36, v10  }
0x107: {  	v42 =	vld.idx.msk [tilespmem:v48+s15+$0x0], $0xffff;
	v48 =	vor.u32 v21, v14;
	v4 =	vmul.f32 v4, v9;
	v8 =	vmul.f32 v8, v9  }
0x108: {  	v2 =	vld.idx.msk [tilespmem:v2+s15+$0x0], $0xffff;
	v49 =	vor.u32 v26, v14;
	v7 =	vmul.f32 v7, v9;
	v11 =	vmul.f32 v11, v9  }
0x109: {  	v52 =	vld.idx.msk [tilespmem:v61+s15+$0x0], $0xffff;
	v57 =	vor.u32 v23, v14;
	v12 =	vmul.f32 v12, v9;
	v13 =	vmul.f32 v13, v10  }
0x10a: {  	v61 =	vor.u32 v25, v14;
	v41 =	vmul.f32 v15, v9;
	v15 =	vld.idx.msk [tilespmem:v1+s15+$0x0], $0xffff;
	v1 =	vmul.f32 v16, v9  }
0x10b: {  	v3 =	vld.idx.msk [tilespmem:v55+s15+$0x0], $0xffff;
	v55 =	vor.u32 v28, v14;
	v35 =	vmul.f32 v35, v10;
	v47 =	vmul.f32 v5, v10  }
0x10c: {  	v5 =	vor.u32 v31, v14;
	v45 =	vmul.f32 v42, v10;
	v59 =	vld.idx.msk [tilespmem:v60+s15+$0x0], $0xffff;
	v60 =	vadd.f32 v51, v54  }
0x10d: {  	v16 =	vld.idx.msk [tilespmem:v63+s15+$0x0], $0xffff;
	v19 =	vmul.f32 v37, v10;
	v4 =	vadd.f32 v4, v33;
	v8 =	vadd.f32 v8, v33  }
0x10e: {  	v37 =	vor.u32 v21, v44;
	v7 =	vadd.f32 v7, v33;
	v11 =	vadd.f32 v11, v33  }
0x10f: {  	v54 =	vor.u32 v29, v14;
	v12 =	vadd.f32 v12, v33;
	v63 =	vadd.f32 v1, v33  }
0x110: {  	v62 =	vld.idx.msk [tilespmem:v62+s15+$0x0], $0xffff;
	v1 =	vor.u32 v27, v14;
	v39 =	vadd.f32 v35, v11;
	v35 =	vor.u32 v30, v14  }
0x111: {  	v58 =	vld.idx.msk [tilespmem:v58+s15+$0x0], $0xffff;
	v36 =	vadd.f32 v6, v63;
	v42 =	vadd.f32 v19, v12;
	v15 =	vmul.f32 v15, v10  }
0x112: {  	v51 =	vadd.f32 v13, v8;
	v6 =	vmul.f32 v16, v10;
	v44 =	vld.idx.msk [tilespmem:v5+s12+$0x0], $0xffff;
	v5 =	vmul.f32 v2, v9  }
0x113: {  	v63 =	vld.idx.msk [tilespmem:v46+s15+$0x0], $0xffff;
	v3 =	vmul.f32 v3, v34;
	v46 =	vimm.f32 $0.0e+00;
	v56 =	vadd.f32 v15, v7  }
0x114: {  	s31 =	simm.s32 $0x4;
	v55 =	vld.idx.msk [tilespmem:v55+s15+$0x0], $0xffff;
	v2 =	vadd.f32 v6, v4;
	v5 =	vadd.f32 v5, v33;
	v4 =	vmul.f32 v17, v10  }
.LBB2_7:
0x115: {  	p0 =	slt.u32 s31, $0x7E;
	v1 =	vld.idx.msk [tilespmem:v1+s15+$0x0], $0xffff;
	v6 =	vadd.f32 v41, v33;
	v7 =	vadd.f32 v32, v46;
	v32 =	vmul.f32 v59, v34;
	s0 =	smov.u32 s31;
	s31 =	sadd.s32 $0x2, s31  }
0x116: {  	v8 =	vmul.f32 v53, v34;
	v9 =	vmul.f32 v62, v34;
	s3 =	sadd.s32 $0x1, s0;
	v10 =	vld.idx.msk [tilespmem:v48+s15+$0x0], $0xffff;
	v5 =	vadd.f32 v47, v5  }
0x117: {  	v3 =	vadd.f32 v3, v60;
	v11 =	vadd.s32 s3, v0;
	v12 =	vld.idx.msk [tilespmem:v40+s15+$0x0], $0xffff;
	v46 =	vadd.f32 v4, v7;
	v4 =	vmovc v34  }
0x118: {  	v2 =	vadd.f32 v8, v2;
	v33 =	vadd.f32 v45, v6;
	v7 =	vld.idx.msk [tilespmem:v38+s15+$0x0], $0xffff;
	v8 =	vmul.f32 v52, v4  }
0x119: {  	v9 =	vadd.f32 v9, v51;
	v14 =	vmul.f32 v55, v44;
	v6 =	vmul.f32 v63, v4;
	v13 =	vld.idx.msk [tilespmem:v61+s15+$0x0], $0xffff  }
0x11a: {  	v15 =	vadd.s32 s0, v0;
	v18 =	vmovc v44;
	v16 =	vmul.f32 v58, v4;
	v8 =	vadd.f32 v8, v56;
	v17 =	vld.idx.msk [tilespmem:v49+s15+$0x0], $0xffff  }
0x11b: {  	v15 =	vand.u32 $0x7F, v15;
	v6 =	vadd.f32 v6, v39;
	v51 =	vmul.f32 v1, v18;
	v39 =	vld.idx.msk [tilespmem:v57+s15+$0x0], $0xffff  }
0x11c: {  	v44 =	vor.u32 v23, v15;
	v1 =	vor.u32 v31, v15;
	v16 =	vadd.f32 v16, v42;
	v42 =	vld.idx.msk [tilespmem:v54+s15+$0x0], $0xffff  }
0x11d: {  	v45 =	vor.u32 v24, v15;
	v58 =	vor.u32 v25, v15;
	v41 =	vmul.f32 v12, v4;
	v12 =	vld.idx.msk [tilespmem:v50+s15+$0x0], $0xffff  }
0x11e: {  	v40 =	vor.u32 v26, v15;
	v38 =	vor.u32 v28, v15;
	v7 =	vmul.f32 v7, v4;
	v50 =	vld.idx.msk [tilespmem:v43+s15+$0x0], $0xffff  }
0x11f: {  	v48 =	vor.u32 v22, v15;
	v43 =	vor.u32 v30, v15;
	v13 =	vmul.f32 v13, v18;
	v19 =	vld.idx.msk [tilespmem:v35+s15+$0x0], $0xffff  }
0x120: {  	v20 =	vor.u32 v29, v15;
	v49 =	vor.u32 v27, v15;
	v7 =	vadd.f32 v7, v36;
	v63 =	vld.idx.msk [tilespmem:v37+s15+$0x0], $0xffff  }
0x121: {  	v11 =	vand.u32 $0x7F, v11;
	v47 =	vmul.f32 v10, v18;
	v54 =	vmul.f32 v39, v18;
	v34 =	vld.idx.msk [tilespmem:v1+s12+$0x0], $0xffff  }
0x122: {  	v55 =	vor.u32 v28, v11;
	v39 =	vadd.f32 v13, v6;
	v10 =	vld.idx.msk [tilespmem:v44+s15+$0x0], $0xffff;
	v44 =	vor.u32 v31, v11  }
0x123: {  	v35 =	vor.u32 v30, v11;
	v6 =	vmul.f32 v42, v18;
	v53 =	vld.idx.msk [tilespmem:v45+s15+$0x0], $0xffff;
	v45 =	vmul.f32 v17, v18  }
0x124: {  	v1 =	vor.u32 v27, v11;
	v12 =	vmul.f32 v12, v18;
	v59 =	vld.idx.msk [tilespmem:v43+s15+$0x0], $0xffff;
	v43 =	vor.u32 v24, v11  }
0x125: {  	v37 =	vor.u32 v21, v15;
	v36 =	vadd.f32 v14, v7;
	v52 =	vld.idx.msk [tilespmem:v48+s15+$0x0], $0xffff;
	v48 =	vor.u32 v21, v11  }
.Ltmp2:
0x126: {  	v60 =	vadd.f32 v54, v3;
	v42 =	vadd.f32 v6, v16;
	v62 =	vld.idx.msk [tilespmem:v49+s15+$0x0], $0xffff;
	v49 =	vor.u32 v26, v11;
	(pc) =	sbr.rel @p0 .LBB2_7-.Ltmp2, $4  }
0x127: {  	v57 =	vor.u32 v23, v11;
	v3 =	vmul.f32 v50, v18;
	v56 =	vadd.f32 v12, v8;
	v55 =	vld.idx.msk [tilespmem:v55+s15+$0x0], $0xffff  }
0x128: {  	v61 =	vor.u32 v25, v11;
	v54 =	vor.u32 v29, v11;
	v4 =	vmul.f32 v63, v4;
	v44 =	vld.idx.msk [tilespmem:v44+s12+$0x0], $0xffff  }
0x129: {  	v51 =	vadd.f32 v51, v9;
	v50 =	vor.u32 v22, v11;
	v2 =	vadd.f32 v3, v2;
	v63 =	vld.idx.msk [tilespmem:v58+s15+$0x0], $0xffff  }
0x12a: {  	v3 =	vmul.f32 v10, v34;
	v5 =	vadd.f32 v4, v5;
	v4 =	vmul.f32 v19, v18;
	v58 =	vld.idx.msk [tilespmem:v20+s15+$0x0], $0xffff  }
0x12b: {  	_ =	sdelay $0x3  }
0x12c: {  	v1 =	vld.idx.msk [tilespmem:v1+s15+$0x0], $0xffff  }
0x12d: {  	v6 =	vld.idx.msk [tilespmem:v40+s15+$0x0], $0xffff  }
0x12e: {  	v7 =	vld.idx.msk [tilespmem:v38+s15+$0x0], $0xffff  }
0x12f: {  	v8 =	vld.idx.msk [tilespmem:v57+s15+$0x0], $0xffff;
	v9 =	vmul.f32 v59, v34  }
0x130: {  	v10 =	vadd.f32 v41, v33;
	v11 =	vadd.f32 v32, v46;
	v12 =	vld.idx.msk [tilespmem:v43+s15+$0x0], $0xffff;
	v13 =	vmul.f32 v53, v34  }
0x131: {  	v15 =	vld.idx.msk [tilespmem:v61+s15+$0x0], $0xffff;
	v52 =	vmul.f32 v52, v34;
	v5 =	vadd.f32 v47, v5;
	v3 =	vadd.f32 v3, v60  }
0x132: {  	v14 =	vmul.f32 v62, v34;
	v20 =	vld.idx.msk [tilespmem:v50+s15+$0x0], $0xffff;
	v4 =	vadd.f32 v4, v11;
	v2 =	vadd.f32 v13, v2  }
0x133: {  	v16 =	vld.idx.msk [tilespmem:v49+s15+$0x0], $0xffff;
	v10 =	vadd.f32 v45, v10;
	v18 =	vmul.f32 v55, v44;
	v11 =	vadd.f32 v52, v56  }
0x134: {  	v17 =	vld.idx.msk [tilespmem:v54+s15+$0x0], $0xffff;
	v61 =	vadd.f32 v14, v51;
	v53 =	vmul.f32 v63, v34;
	v8 =	vmul.f32 v8, v44  }
0x135: {  	v19 =	vld.idx.msk [tilespmem:v35+s15+$0x0], $0xffff;
	v56 =	vmul.f32 v58, v34;
	v4 =	vadd.f32 v9, v4;
	v12 =	vmul.f32 v12, v44  }
0x136: {  	v31 =	vld.idx.msk [tilespmem:v37+s15+$0x0], $0xffff;
	v13 =	vadd.f32 v53, v39;
	v15 =	vmul.f32 v15, v44;
	v3 =	vadd.f32 v8, v3  }
0x137: {  	v55 =	vld.idx.msk [tilespmem:v48+s15+$0x0], $0xffff;
	v6 =	vmul.f32 v6, v34;
	v58 =	vmul.f32 v20, v44;
	v2 =	vadd.f32 v12, v2  }
0x138: {  	v7 =	vmul.f32 v7, v34;
	v1 =	vmul.f32 v1, v44;
	v57 =	vadd.f32 v15, v13;
	[tilespmem:s30+$0x16F40] =	vst v3  }
0x139: {  	v27 =	vld [tilespmem:$0x1FF80];
	v16 =	vmul.f32 v16, v44;
	v6 =	vadd.f32 v6, v10;
	v62 =	vadd.f32 v58, v11;
	[tilespmem:s30+$0x16F50] =	vst v2  }
0x13a: {  	v29 =	vld [tilespmem:$0x1FF40];
	v7 =	vadd.f32 v7, v36;
	v1 =	vadd.f32 v1, v61;
	[tilespmem:s30+$0x16F60] =	vst v57  }
0x13b: {  	s29 =	sadd.s32 $0x1, s29;
	v22 =	vld [tilespmem:$0x1FF50];
	v60 =	vmul.f32 v31, v34;
	v3 =	vmul.f32 v19, v44;
	v6 =	vadd.f32 v16, v6;
	[tilespmem:s30+$0x16FA0] =	vst v62  }
0x13c: {  	v24 =	vld [tilespmem:$0x1FF60];
	p0 =	sne.s32 s29, $0x8;
	v59 =	vmul.f32 v17, v44;
	v2 =	vadd.f32 v56, v42;
	v7 =	vadd.f32 v18, v7;
	[tilespmem:s30+$0x16FC0] =	vst v1  }
.Ltmp3:
0x13d: {  	v0 =	vld [tilespmem:$0x1FF70];
	v63 =	vmul.f32 v55, v44;
	v5 =	vadd.f32 v60, v5;
	v3 =	vadd.f32 v3, v4;
	[tilespmem:s30+$0x16F70] =	vst v6;
	(pc) =	sbr.rel @p0 .LBB2_2-.Ltmp3, $4  }
0x13e: {  	v25 =	vld [tilespmem:$0x1FF30];
	[tilespmem:s30+$0x16F80] =	vst v7;
	v2 =	vadd.f32 v59, v2  }
0x13f: {  	v21 =	vld [tilespmem:$0x1FFA0];
	[tilespmem:s30+$0x16F90] =	vst v3;
	v3 =	vadd.f32 v63, v5  }
0x140: {  	v23 =	vld [tilespmem:$0x1FF90];
	[tilespmem:s30+$0x16FB0] =	vst v2  }
0x141: {  	v20 =	vld [tilespmem:$0x1FF20];
	v19 =	vlaneseq.u32;
	[tilespmem:s30+$0x16FD0] =	vst v3  }
0x142: {  	[tilespmem:s12], [sflag:$0x1] =	stream.indirect.gather [hbm4b:s1+s11], $0x80, s11, s11, $0xb8;
	[tilespmem:$0x1AE00] =	vst v63  }
0x143: {  	_ =	swait.ge [sflag:s13], $0x4000  }
0x144: {  	[sflag:s13] =	ssyncset.done $0x0  }
0x145: {  	s29 =	simm.s32 $0x0;
	s30 =	simm.s32 $0x0;
	[sflag:s13] =	ssyncadd.s32 $0xFFFFC000  }
.LBB2_10:
0x146: {  	s31 =	sor.u32 $0x8, s30  }
0x147: {  	s0 =	smul.u32 $0x780, s31;
	_ =	sdelay $0x1  }
0x148: {  	s0 =	sshra.s32 s0, $0x2  }
0x149: {  	s3 =	sadd.s32 $0x200, s0  }
0x14a: {  	[tilespmem:s15], [sflag:$0x1] =	stream.indirect.gather [hbm4b:s2+s14], $0x80, s3, s14, $0xb8;
	[tilespmem:$0x1AE00] =	vst v63  }
0x14b: {  	s10 =	sadd.s32 $0x260, s0  }
0x14c: {  	[tilespmem:s16], [sflag:$0x2] =	stream.indirect.gather [hbm4b:s2+s14], $0x80, s10, s14, $0xb8;
	[tilespmem:$0x1AE00] =	vst v63  }
0x14d: {  	s10 =	sadd.s32 $0x2C0, s0  }
0x14e: {  	[tilespmem:s17], [sflag:$0x3] =	stream.indirect.gather [hbm4b:s2+s14], $0x80, s10, s14, $0xb8;
	[tilespmem:$0x1AE00] =	vst v63  }
0x14f: {  	s10 =	sadd.s32 $0x320, s0  }
0x150: {  	[tilespmem:s18], [sflag:$0x4] =	stream.indirect.gather [hbm4b:s2+s14], $0x80, s10, s14, $0xb8;
	[tilespmem:$0x1AE00] =	vst v63  }
0x151: {  	s10 =	sshll.u32 s31, $0x4  }
0x152: {  	s0 =	sadd.s32 $0x380, s0;
	s3 =	sadd.s32 $0xFFFFFF80, s10;
	s10 =	simm.s32 $0x1  }
0x153: {  	[tilespmem:s19], [sflag:$0x5] =	stream.indirect.gather [hbm4b:s2+s14], $0x80, s0, s14, $0xb8;
	[tilespmem:$0x1AE00] =	vst v63  }
0x154: {  	v6 =	vadd.s32 s10, v19;
	_ =	swait.ge [sflag:s13], $0x3000  }
0x155: {  	v6 =	vand.u32 $0x7F, v6;
	[sflag:s13] =	ssyncset.done $0x0  }
0x156: {  	v9 =	vor.u32 v29, v6;
	[sflag:s13] =	ssyncadd.s32 $0xFFFFD000  }
0x157: {  	v1 =	vmov s3;
	v13 =	vor.u32 v0, v6;
	_ =	swait.ge [sflag:s20], $0x3000  }
0x158: {  	v2 =	vadd.s32 s29, v19;
	v31 =	vmovc v20;
	v1 =	vshll.u32 v1, $0x7;
	v59 =	vor.u32 v27, v6;
	v26 =	vld [tilespmem:$0x1FE20]  }
0x159: {  	v21 =	vor.u32 v20, v1;
	v1 =	vand.u32 $0x7F, v2;
	v34 =	vor.u32 v31, v6;
	[sflag:s20] =	ssyncset.done $0x0;
	v28 =	vld [tilespmem:$0x1FE30]  }
0x15a: {  	v2 =	vor.u32 v21, v1;
	v23 =	vld [tilespmem:$0x1FE40];
	[sflag:s20] =	ssyncadd.s32 $0xFFFFD000  }
0x15b: {  	v3 =	vor.u32 v20, v1;
	v9 =	vld.idx.msk [tilespmem:v9+s15+$0x0], $0xffff  }
0x15c: {  	v4 =	vor.u32 v25, v1;
	v13 =	vld.idx.msk [tilespmem:v13+s15+$0x0], $0xffff  }
0x15d: {  	v5 =	vor.u32 v22, v1;
	v19 =	vld.idx.msk [tilespmem:v59+s15+$0x0], $0xffff  }
0x15e: {  	v7 =	vor.u32 v24, v1;
	v37 =	vld.idx.msk [tilespmem:v34+s15+$0x0], $0xffff  }
0x15f: {  	v8 =	vor.u32 v0, v1;
	v2 =	vld.idx.msk [tilespmem:v2+s12+$0x0], $0xffff  }
0x160: {  	v30 =	vlaneseq.u32;
	s10 =	simm.s32 $0x2;
	v10 =	vor.u32 v21, v6;
	v3 =	vld.idx.msk [tilespmem:v3+s15+$0x0], $0xffff  }
0x161: {  	v36 =	vadd.s32 s10, v30;
	v15 =	vor.u32 v27, v1;
	v4 =	vld.idx.msk [tilespmem:v4+s15+$0x0], $0xffff  }
0x162: {  	v36 =	vand.u32 $0x7F, v36;
	v16 =	vor.u32 v29, v1;
	v5 =	vld.idx.msk [tilespmem:v5+s15+$0x0], $0xffff  }
0x163: {  	v61 =	vor.u32 v21, v36;
	v7 =	vld.idx.msk [tilespmem:v7+s15+$0x0], $0xffff  }
0x164: {  	s3 =	simm.s32 $0x3;
	v43 =	vor.u32 v25, v36;
	v8 =	vld.idx.msk [tilespmem:v8+s15+$0x0], $0xffff  }
0x165: {  	v33 =	vimm.f32 $0.0e+00;
	v60 =	vadd.s32 s3, v30;
	v63 =	vor.u32 v22, v36;
	v10 =	vld.idx.msk [tilespmem:v10+s12+$0x0], $0xffff  }
0x166: {  	v17 =	vor.u32 v22, v6;
	v18 =	vor.u32 v25, v6;
	v15 =	vld.idx.msk [tilespmem:v15+s15+$0x0], $0xffff;
	v11 =	vor.u32 v26, v1  }
0x167: {  	v39 =	vor.u32 v31, v36;
	v40 =	vor.u32 v27, v36;
	v16 =	vld.idx.msk [tilespmem:v16+s15+$0x0], $0xffff;
	v12 =	vor.u32 v28, v1  }
0x168: {  	v38 =	vor.u32 v29, v36;
	v44 =	vor.u32 v24, v36;
	v34 =	vld.idx.msk [tilespmem:v61+s12+$0x0], $0xffff;
	v14 =	vor.u32 v23, v6  }
0x169: {  	v49 =	vor.u32 v0, v36;
	v53 =	vld.idx.msk [tilespmem:v43+s15+$0x0], $0xffff;
	v20 =	vor.u32 v26, v6;
	v3 =	vmul.f32 v3, v2  }
0x16a: {  	v59 =	vld.idx.msk [tilespmem:v63+s15+$0x0], $0xffff;
	v35 =	vor.u32 v28, v6;
	v32 =	vmul.f32 v5, v2;
	v4 =	vmul.f32 v4, v2  }
0x16b: {  	v6 =	vor.u32 v24, v6;
	v8 =	vmul.f32 v8, v2;
	v7 =	vmul.f32 v7, v2;
	v11 =	vld.idx.msk [tilespmem:v11+s15+$0x0], $0xffff  }
0x16c: {  	v46 =	vor.u32 v26, v36;
	v9 =	vmul.f32 v9, v10;
	v13 =	vmul.f32 v13, v10;
	v12 =	vld.idx.msk [tilespmem:v12+s15+$0x0], $0xffff  }
0x16d: {  	v1 =	vor.u32 v23, v1;
	v41 =	vmul.f32 v15, v2;
	v62 =	vmul.f32 v16, v2;
	v5 =	vld.idx.msk [tilespmem:v14+s15+$0x0], $0xffff  }
0x16e: {  	v58 =	vor.u32 v28, v36;
	v54 =	vmul.f32 v37, v10;
	v45 =	vmul.f32 v19, v10;
	v20 =	vld.idx.msk [tilespmem:v20+s15+$0x0], $0xffff  }
0x16f: {  	v37 =	vor.u32 v23, v36;
	v55 =	vadd.f32 v3, v33;
	v4 =	vadd.f32 v4, v33;
	v42 =	vld.idx.msk [tilespmem:v35+s15+$0x0], $0xffff  }
0x170: {  	v8 =	vadd.f32 v8, v33;
	v7 =	vadd.f32 v7, v33;
	v6 =	vld.idx.msk [tilespmem:v6+s15+$0x0], $0xffff;
	v14 =	vand.u32 $0x7F, v60  }
0x171: {  	v15 =	vadd.f32 v62, v33;
	v63 =	vld.idx.msk [tilespmem:v46+s15+$0x0], $0xffff;
	v46 =	vimm.f32 $0.0e+00;
	v56 =	vor.u32 v29, v14  }
0x172: {  	v51 =	vld.idx.msk [tilespmem:v1+s15+$0x0], $0xffff;
	v35 =	vor.u32 v22, v14;
	v43 =	vor.u32 v25, v14;
	v1 =	vor.u32 v0, v14  }
0x173: {  	v3 =	vld.idx.msk [tilespmem:v39+s15+$0x0], $0xffff;
	v48 =	vor.u32 v23, v14;
	v50 =	vor.u32 v27, v14;
	v57 =	vor.u32 v31, v14  }
0x174: {  	v16 =	vld.idx.msk [tilespmem:v18+s15+$0x0], $0xffff;
	v61 =	vor.u32 v26, v14;
	v47 =	vmul.f32 v5, v10;
	v5 =	vor.u32 v21, v14  }
0x175: {  	v17 =	vld.idx.msk [tilespmem:v17+s15+$0x0], $0xffff;
	v36 =	vadd.f32 v9, v15;
	v60 =	vadd.f32 v54, v55;
	v12 =	vmul.f32 v12, v2  }
0x176: {  	v62 =	vld.idx.msk [tilespmem:v49+s15+$0x0], $0xffff;
	v54 =	vor.u32 v28, v14;
	v49 =	vadd.f32 v13, v8;
	v11 =	vmul.f32 v11, v2  }
0x177: {  	[tilespmem:$0x1FE10] =	vst v21;
	v20 =	vmul.f32 v20, v10;
	v19 =	vmul.f32 v42, v10;
	v12 =	vadd.f32 v12, v33  }
0x178: {  	v52 =	vld.idx.msk [tilespmem:v44+s15+$0x0], $0xffff;
	v6 =	vmul.f32 v6, v10;
	v3 =	vmul.f32 v3, v34;
	v11 =	vadd.f32 v11, v33  }
0x179: {  	v42 =	vadd.f32 v19, v12;
	v19 =	vmul.f32 v16, v10;
	v44 =	vld.idx.msk [tilespmem:v5+s12+$0x0], $0xffff;
	v5 =	vmul.f32 v51, v2  }
0x17a: {  	v55 =	vld.idx.msk [tilespmem:v56+s15+$0x0], $0xffff;
	v56 =	vadd.f32 v6, v7;
	v39 =	vadd.f32 v20, v11;
	v51 =	vor.u32 v24, v14  }
0x17b: {  	s3 =	simm.s32 $0x4;
	v58 =	vld.idx.msk [tilespmem:v58+s15+$0x0], $0xffff;
	v2 =	vadd.f32 v19, v4;
	v4 =	vmul.f32 v17, v10;
	v5 =	vadd.f32 v5, v33  }
.LBB2_11:
0x17c: {  	_ =	sdelay $0x2  }
0x17d: {  	v1 =	vld.idx.msk [tilespmem:v1+s15+$0x0], $0xffff  }
0x17e: {  	v10 =	vld.idx.msk [tilespmem:v48+s15+$0x0], $0xffff  }
0x17f: {  	v6 =	vadd.f32 v41, v33;
	s0 =	smov.u32 s3;
	v12 =	vld.idx.msk [tilespmem:v40+s15+$0x0], $0xffff  }
0x180: {  	v7 =	vadd.f32 v32, v46;
	v13 =	vld.idx.msk [tilespmem:v61+s15+$0x0], $0xffff;
	s10 =	sadd.s32 $0x1, s0;
	v5 =	vadd.f32 v47, v5  }
0x181: {  	v17 =	vld.idx.msk [tilespmem:v50+s15+$0x0], $0xffff;
	v3 =	vadd.f32 v3, v60;
	v15 =	vadd.s32 s0, v30;
	v11 =	vadd.s32 s10, v30  }
0x182: {  	v19 =	vld.idx.msk [tilespmem:v57+s15+$0x0], $0xffff;
	v46 =	vadd.f32 v4, v7;
	v33 =	vadd.f32 v45, v6;
	v15 =	vand.u32 $0x7F, v15  }
0x183: {  	v7 =	vld.idx.msk [tilespmem:v38+s15+$0x0], $0xffff;
	v40 =	vor.u32 v27, v15;
	v38 =	vor.u32 v29, v15;
	v32 =	vmul.f32 v59, v34  }
0x184: {  	v4 =	vmovc v34;
	v48 =	vor.u32 v24, v15;
	v8 =	vmul.f32 v53, v34;
	v9 =	vmul.f32 v62, v34  }
0x185: {  	v21 =	vld.idx.msk [tilespmem:v35+s15+$0x0], $0xffff;
	v50 =	vor.u32 v0, v15;
	v53 =	vmul.f32 v52, v4;
	v6 =	vmul.f32 v63, v4  }
0x186: {  	v45 =	vld [tilespmem:$0x1FE10];
	v11 =	vand.u32 $0x7F, v11;
	v14 =	vmul.f32 v55, v44;
	v16 =	vmul.f32 v58, v4  }
0x187: {  	v18 =	vmovc v44;
	v55 =	vor.u32 v31, v15;
	v44 =	vor.u32 v25, v15;
	v58 =	vor.u32 v28, v15  }
0x188: {  	v63 =	vld.idx.msk [tilespmem:v37+s15+$0x0], $0xffff;
	v35 =	vor.u32 v22, v11;
	v37 =	vor.u32 v23, v15;
	v57 =	vor.u32 v31, v11  }
0x189: {  	v61 =	vor.u32 v26, v11;
	v20 =	vmul.f32 v1, v18;
	v41 =	vmul.f32 v12, v4;
	v12 =	vld.idx.msk [tilespmem:v51+s15+$0x0], $0xffff  }
0x18a: {  	v51 =	vld.idx.msk [tilespmem:v43+s15+$0x0], $0xffff;
	v43 =	vor.u32 v22, v15;
	v13 =	vmul.f32 v13, v18;
	v19 =	vmul.f32 v19, v18  }
0x18b: {  	v2 =	vadd.f32 v8, v2;
	v16 =	vadd.f32 v16, v42;
	v42 =	vld.idx.msk [tilespmem:v54+s15+$0x0], $0xffff;
	v1 =	vor.u32 v45, v15  }
0x18c: {  	v47 =	vmul.f32 v10, v18;
	v9 =	vadd.f32 v9, v49;
	v8 =	vadd.f32 v53, v56;
	v52 =	vld.idx.msk [tilespmem:v48+s15+$0x0], $0xffff  }
0x18d: {  	v6 =	vadd.f32 v6, v39;
	v49 =	vor.u32 v26, v15;
	v7 =	vmul.f32 v7, v4;
	v62 =	vld.idx.msk [tilespmem:v50+s15+$0x0], $0xffff  }
0x18e: {  	v54 =	vor.u32 v45, v11;
	v45 =	vmul.f32 v17, v18;
	v60 =	vadd.f32 v19, v3;
	v10 =	vld.idx.msk [tilespmem:v55+s15+$0x0], $0xffff  }
0x18f: {  	v39 =	vadd.f32 v13, v6;
	v48 =	vor.u32 v23, v11;
	v50 =	vor.u32 v27, v11;
	v53 =	vld.idx.msk [tilespmem:v44+s15+$0x0], $0xffff  }
0x190: {  	p0 =	slt.u32 s3, $0x7E;
	v7 =	vadd.f32 v7, v36;
	v55 =	vor.u32 v29, v11;
	v4 =	vmul.f32 v63, v4;
	v34 =	vld.idx.msk [tilespmem:v1+s12+$0x0], $0xffff  }
.Ltmp4:
0x191: {  	v59 =	vld.idx.msk [tilespmem:v43+s15+$0x0], $0xffff;
	v43 =	vor.u32 v25, v11;
	v12 =	vmul.f32 v12, v18;
	v3 =	vmul.f32 v51, v18;
	(pc) =	sbr.rel @p0 .LBB2_11-.Ltmp4, $4  }
0x192: {  	v58 =	vld.idx.msk [tilespmem:v58+s15+$0x0], $0xffff;
	v51 =	vor.u32 v24, v11;
	v6 =	vmul.f32 v42, v18;
	v36 =	vadd.f32 v14, v7  }
0x193: {  	v63 =	vld.idx.msk [tilespmem:v49+s15+$0x0], $0xffff;
	v49 =	vadd.f32 v20, v9;
	v5 =	vadd.f32 v4, v5;
	v4 =	vmul.f32 v21, v18  }
0x194: {  	v1 =	vor.u32 v0, v11;
	v56 =	vadd.f32 v12, v8;
	v44 =	vld.idx.msk [tilespmem:v54+s12+$0x0], $0xffff;
	v54 =	vor.u32 v28, v11  }
0x195: {  	s3 =	sadd.s32 $0x2, s3;
	v2 =	vadd.f32 v3, v2;
	v42 =	vadd.f32 v6, v16;
	v55 =	vld.idx.msk [tilespmem:v55+s15+$0x0], $0xffff;
	v3 =	vmul.f32 v10, v34  }
0x196: {  	_ =	sdelay $0x3  }
0x197: {  	v1 =	vld.idx.msk [tilespmem:v1+s15+$0x0], $0xffff  }
0x198: {  	v6 =	vld.idx.msk [tilespmem:v40+s15+$0x0], $0xffff  }
0x199: {  	v7 =	vld.idx.msk [tilespmem:v38+s15+$0x0], $0xffff  }
0x19a: {  	v8 =	vld.idx.msk [tilespmem:v57+s15+$0x0], $0xffff  }
0x19b: {  	v9 =	vmul.f32 v59, v34;
	v10 =	vadd.f32 v41, v33;
	v11 =	vadd.f32 v32, v46;
	v12 =	vld.idx.msk [tilespmem:v43+s15+$0x0], $0xffff  }
0x19c: {  	v13 =	vmul.f32 v53, v34;
	v14 =	vmul.f32 v62, v34;
	v5 =	vadd.f32 v47, v5;
	v15 =	vld.idx.msk [tilespmem:v61+s15+$0x0], $0xffff  }
0x19d: {  	v61 =	vmul.f32 v52, v34;
	v16 =	vld.idx.msk [tilespmem:v50+s15+$0x0], $0xffff;
	v3 =	vadd.f32 v3, v60;
	v32 =	vmul.f32 v58, v34  }
0x19e: {  	v19 =	vld.idx.msk [tilespmem:v35+s15+$0x0], $0xffff;
	v4 =	vadd.f32 v4, v11;
	v2 =	vadd.f32 v13, v2;
	v62 =	vmul.f32 v63, v34  }
0x19f: {  	v20 =	vld.idx.msk [tilespmem:v51+s15+$0x0], $0xffff;
	v10 =	vadd.f32 v45, v10;
	v11 =	vadd.f32 v61, v56;
	v8 =	vmul.f32 v8, v44  }
0x1a0: {  	v21 =	vld.idx.msk [tilespmem:v37+s15+$0x0], $0xffff;
	v13 =	vadd.f32 v62, v39;
	v6 =	vmul.f32 v6, v34;
	v12 =	vmul.f32 v12, v44  }
0x1a1: {  	v17 =	vld.idx.msk [tilespmem:v54+s15+$0x0], $0xffff;
	s0 =	sshll.u32 s31, $0x9;
	v7 =	vmul.f32 v7, v34;
	v15 =	vmul.f32 v15, v44;
	v3 =	vadd.f32 v8, v3  }
0x1a2: {  	s31 =	sand.u32 $0x3FFFFE00, s0;
	v63 =	vld.idx.msk [tilespmem:v48+s15+$0x0], $0xffff;
	v16 =	vmul.f32 v16, v44;
	v2 =	vadd.f32 v12, v2;
	v6 =	vadd.f32 v6, v10  }
0x1a3: {  	v18 =	vmul.f32 v55, v44;
	v7 =	vadd.f32 v7, v36;
	v33 =	vadd.f32 v15, v13;
	[tilespmem:s31+$0x16E00] =	vst v3  }
0x1a4: {  	v4 =	vadd.f32 v9, v4;
	v3 =	vmul.f32 v19, v44;
	v6 =	vadd.f32 v16, v6;
	[tilespmem:s31+$0x16E10] =	vst v2  }
0x1a5: {  	v35 =	vmul.f32 v20, v44;
	v37 =	vmul.f32 v21, v34;
	v7 =	vadd.f32 v18, v7;
	[tilespmem:s31+$0x16E20] =	vst v33  }
0x1a6: {  	v36 =	vmul.f32 v17, v44;
	v2 =	vadd.f32 v32, v42;
	v3 =	vadd.f32 v3, v4;
	[tilespmem:s31+$0x16E30] =	vst v6  }
0x1a7: {  	v1 =	vmul.f32 v1, v44;
	v4 =	vadd.f32 v14, v49;
	v6 =	vadd.f32 v35, v11;
	[tilespmem:s31+$0x16E40] =	vst v7  }
0x1a8: {  	v5 =	vadd.f32 v37, v5;
	v7 =	vmul.f32 v63, v44;
	v2 =	vadd.f32 v36, v2;
	[tilespmem:s31+$0x16E50] =	vst v3  }
0x1a9: {  	v1 =	vadd.f32 v1, v4;
	[tilespmem:s31+$0x16E60] =	vst v6  }
0x1aa: {  	v3 =	vadd.f32 v7, v5;
	[tilespmem:s31+$0x16E70] =	vst v2  }
0x1ab: {  	[tilespmem:s31+$0x16E80] =	vst v1  }
0x1ac: {  	[tilespmem:s31+$0x16E90] =	vst v3  }
0x1ad: {  	_ =	swait.ge [sflag:s21], $0x3000  }
0x1ae: {  	[sflag:s21] =	ssyncset.done $0x0  }
0x1af: {  	v22 =	vld [tilespmem:$0x1FE10];
	[sflag:s21] =	ssyncadd.s32 $0xFFFFD000  }
0x1b0: {  	v31 =	vld [tilespmem:$0x1FE50];
	_ =	swait.ge [sflag:s22], $0x3000  }
0x1b1: {  	v23 =	vld [tilespmem:$0x1FE60]  }
0x1b2: {  	s3 =	simm.s32 $0x0;
	v28 =	vld [tilespmem:$0x1FFA0]  }
0x1b3: {  	v1 =	vadd.s32 s3, v30;
	v24 =	vld [tilespmem:$0x1FE90]  }
0x1b4: {  	s10 =	simm.s32 $0x1;
	v1 =	vand.u32 $0x7F, v1;
	v26 =	vld [tilespmem:$0x1FEB0]  }
0x1b5: {  	v6 =	vadd.s32 s10, v30;
	v0 =	vld [tilespmem:$0x1FF90];
	v2 =	vor.u32 v22, v1  }
0x1b6: {  	v44 =	vlaneseq.u32;
	s10 =	simm.s32 $0x2;
	v6 =	vand.u32 $0x7F, v6;
	v30 =	vld [tilespmem:$0x1FE70];
	v3 =	vor.u32 v31, v1  }
0x1b7: {  	v35 =	vadd.s32 s10, v44;
	v27 =	vld [tilespmem:$0x1FEA0];
	v40 =	vor.u32 v22, v6  }
0x1b8: {  	v36 =	vand.u32 $0x7F, v35;
	[sflag:s22] =	ssyncset.done $0x0;
	v25 =	vld [tilespmem:$0x1FFB0];
	v21 =	vor.u32 v31, v6  }
0x1b9: {  	v29 =	vld [tilespmem:$0x1FE80];
	[sflag:s22] =	ssyncadd.s32 $0xFFFFD000;
	v35 =	vor.u32 v22, v36  }
0x1ba: {  	v4 =	vor.u32 v23, v1;
	v2 =	vld.idx.msk [tilespmem:v2+s12+$0x0], $0xffff  }
0x1bb: {  	v5 =	vor.u32 v28, v1;
	v3 =	vld.idx.msk [tilespmem:v3+s15+$0x0], $0xffff  }
0x1bc: {  	v7 =	vor.u32 v24, v1;
	v10 =	vld.idx.msk [tilespmem:v40+s12+$0x0], $0xffff  }
0x1bd: {  	v38 =	vor.u32 v26, v1;
	v21 =	vld.idx.msk [tilespmem:v21+s15+$0x0], $0xffff  }
0x1be: {  	v39 =	vor.u32 v0, v6;
	v34 =	vld.idx.msk [tilespmem:v35+s12+$0x0], $0xffff  }
0x1bf: {  	v41 =	vor.u32 v30, v1;
	v4 =	vld.idx.msk [tilespmem:v4+s15+$0x0], $0xffff  }
0x1c0: {  	v42 =	vor.u32 v27, v1;
	v5 =	vld.idx.msk [tilespmem:v5+s15+$0x0], $0xffff  }
0x1c1: {  	v43 =	vor.u32 v26, v6;
	v7 =	vld.idx.msk [tilespmem:v7+s15+$0x0], $0xffff  }
0x1c2: {  	v46 =	vor.u32 v29, v1;
	v8 =	vld.idx.msk [tilespmem:v38+s15+$0x0], $0xffff  }
0x1c3: {  	v47 =	vor.u32 v0, v1;
	v9 =	vld.idx.msk [tilespmem:v39+s15+$0x0], $0xffff  }
0x1c4: {  	s3 =	simm.s32 $0x3;
	v20 =	vor.u32 v30, v6;
	v11 =	vld.idx.msk [tilespmem:v41+s15+$0x0], $0xffff  }
0x1c5: {  	v14 =	vadd.s32 s3, v44;
	v50 =	vor.u32 v29, v6;
	v12 =	vld.idx.msk [tilespmem:v42+s15+$0x0], $0xffff  }
0x1c6: {  	v33 =	vimm.f32 $0.0e+00;
	v14 =	vand.u32 $0x7F, v14;
	v51 =	vor.u32 v27, v6;
	v13 =	vld.idx.msk [tilespmem:v43+s15+$0x0], $0xffff  }
0x1c7: {  	v55 =	vor.u32 v31, v36;
	v57 =	vor.u32 v31, v14;
	v48 =	vor.u32 v28, v6;
	v15 =	vld.idx.msk [tilespmem:v46+s15+$0x0], $0xffff  }
0x1c8: {  	v45 =	vor.u32 v25, v6;
	v49 =	vor.u32 v23, v6;
	v1 =	vor.u32 v25, v1;
	v16 =	vld.idx.msk [tilespmem:v47+s15+$0x0], $0xffff  }
0x1c9: {  	v6 =	vor.u32 v24, v6;
	v61 =	vor.u32 v28, v36;
	v62 =	vor.u32 v24, v36;
	v20 =	vld.idx.msk [tilespmem:v20+s15+$0x0], $0xffff  }
0x1ca: {  	v58 =	vor.u32 v27, v36;
	v63 =	vor.u32 v26, v36;
	v37 =	vor.u32 v25, v36;
	v19 =	vld.idx.msk [tilespmem:v50+s15+$0x0], $0xffff  }
0x1cb: {  	v40 =	vor.u32 v29, v36;
	v35 =	vor.u32 v28, v14;
	v42 =	vld.idx.msk [tilespmem:v51+s15+$0x0], $0xffff;
	v43 =	vor.u32 v23, v36  }
0x1cc: {  	v46 =	vor.u32 v30, v36;
	v38 =	vor.u32 v0, v36;
	v17 =	vld.idx.msk [tilespmem:v48+s15+$0x0], $0xffff;
	v3 =	vmul.f32 v3, v2  }
0x1cd: {  	v51 =	vld.idx.msk [tilespmem:v1+s15+$0x0], $0xffff;
	v1 =	vor.u32 v26, v14;
	v21 =	vmul.f32 v21, v10;
	v32 =	vmul.f32 v5, v2  }
0x1ce: {  	v59 =	vld.idx.msk [tilespmem:v61+s15+$0x0], $0xffff;
	v48 =	vor.u32 v25, v14;
	v4 =	vmul.f32 v4, v2;
	v8 =	vmul.f32 v8, v2  }
0x1cf: {  	v61 =	vor.u32 v30, v14;
	v5 =	vld.idx.msk [tilespmem:v45+s15+$0x0], $0xffff;
	v7 =	vmul.f32 v7, v2;
	v11 =	vmul.f32 v11, v2  }
0x1d0: {  	v6 =	vld.idx.msk [tilespmem:v6+s15+$0x0], $0xffff;
	v50 =	vor.u32 v24, v14;
	v9 =	vmul.f32 v9, v10;
	v12 =	vmul.f32 v12, v2  }
0x1d1: {  	v54 =	vadd.f32 v3, v33;
	v3 =	vld.idx.msk [tilespmem:v55+s15+$0x0], $0xffff;
	v13 =	vmul.f32 v13, v10;
	v41 =	vmul.f32 v15, v2  }
0x1d2: {  	v55 =	vor.u32 v0, v14;
	v60 =	vmul.f32 v16, v2;
	v16 =	vld.idx.msk [tilespmem:v49+s15+$0x0], $0xffff;
	v20 =	vmul.f32 v20, v10  }
0x1d3: {  	v53 =	vld.idx.msk [tilespmem:v43+s15+$0x0], $0xffff;
	v45 =	vmul.f32 v19, v10;
	v19 =	vmul.f32 v42, v10;
	v43 =	vor.u32 v23, v14  }
0x1d4: {  	v4 =	vadd.f32 v4, v33;
	v47 =	vmul.f32 v5, v10;
	v5 =	vor.u32 v22, v14  }
0x1d5: {  	v52 =	vld.idx.msk [tilespmem:v62+s15+$0x0], $0xffff;
	v6 =	vmul.f32 v6, v10;
	v8 =	vadd.f32 v8, v33;
	v7 =	vadd.f32 v7, v33  }
0x1d6: {  	v62 =	vld.idx.msk [tilespmem:v63+s15+$0x0], $0xffff;
	v49 =	vor.u32 v29, v14;
	v11 =	vadd.f32 v11, v33;
	v12 =	vadd.f32 v12, v33  }
0x1d7: {  	v63 =	vld.idx.msk [tilespmem:v46+s15+$0x0], $0xffff;
	v46 =	vimm.f32 $0.0e+00;
	v15 =	vadd.f32 v60, v33;
	v60 =	vadd.f32 v21, v54  }
0x1d8: {  	v54 =	vor.u32 v27, v14;
	v42 =	vadd.f32 v19, v12;
	v19 =	vmul.f32 v16, v10  }
0x1d9: {  	v39 =	vadd.f32 v20, v11;
	v36 =	vadd.f32 v9, v15;
	v44 =	vld.idx.msk [tilespmem:v5+s12+$0x0], $0xffff;
	v5 =	vmul.f32 v51, v2  }
0x1da: {  	v58 =	vld.idx.msk [tilespmem:v58+s15+$0x0], $0xffff;
	v56 =	vadd.f32 v6, v7;
	v3 =	vmul.f32 v3, v34;
	v2 =	vadd.f32 v19, v4  }
0x1db: {  	s3 =	simm.s32 $0x4;
	v55 =	vld.idx.msk [tilespmem:v55+s15+$0x0], $0xffff;
	v51 =	vadd.f32 v13, v8;
	v4 =	vmul.f32 v17, v10;
	v5 =	vadd.f32 v5, v33  }
.LBB2_13:
0x1dc: {  	_ =	sdelay $0x3  }
0x1dd: {  	v1 =	vld.idx.msk [tilespmem:v1+s15+$0x0], $0xffff;
	v7 =	vadd.f32 v32, v46;
	s0 =	smov.u32 s3  }
0x1de: {  	v6 =	vadd.f32 v41, v33;
	v10 =	vld.idx.msk [tilespmem:v48+s15+$0x0], $0xffff;
	v15 =	vlaneseq.u32;
	s10 =	sadd.s32 $0x1, s0;
	v5 =	vadd.f32 v47, v5  }
0x1df: {  	v12 =	vld.idx.msk [tilespmem:v40+s15+$0x0], $0xffff;
	v3 =	vadd.f32 v3, v60;
	v11 =	vadd.s32 s10, v15;
	v46 =	vadd.f32 v4, v7  }
0x1e0: {  	v13 =	vld.idx.msk [tilespmem:v61+s15+$0x0], $0xffff;
	v33 =	vadd.f32 v45, v6;
	v15 =	vadd.s32 s0, v15;
	v32 =	vmul.f32 v59, v34  }
0x1e1: {  	v17 =	vld.idx.msk [tilespmem:v49+s15+$0x0], $0xffff;
	v4 =	vmovc v34;
	v15 =	vand.u32 $0x7F, v15;
	v8 =	vmul.f32 v53, v34;
	v9 =	vmul.f32 v62, v34  }
0x1e2: {  	v19 =	vld.idx.msk [tilespmem:v57+s15+$0x0], $0xffff;
	v11 =	vand.u32 $0x7F, v11;
	v53 =	vmul.f32 v52, v4;
	v6 =	vmul.f32 v63, v4  }
0x1e3: {  	v7 =	vld.idx.msk [tilespmem:v38+s15+$0x0], $0xffff;
	v14 =	vmul.f32 v55, v44;
	v16 =	vmul.f32 v58, v4;
	v21 =	vor.u32 v31, v15  }
0x1e4: {  	v18 =	vmovc v44;
	v55 =	vld [tilespmem:$0x1FE10];
	v44 =	vor.u32 v23, v15;
	v40 =	vor.u32 v29, v15;
	v38 =	vor.u32 v0, v15  }
0x1e5: {  	v22 =	vld.idx.msk [tilespmem:v35+s15+$0x0], $0xffff;
	v48 =	vor.u32 v24, v15;
	v58 =	vor.u32 v27, v15;
	v49 =	vor.u32 v26, v15  }
0x1e6: {  	v63 =	vld.idx.msk [tilespmem:v37+s15+$0x0], $0xffff;
	v35 =	vor.u32 v28, v11;
	v37 =	vor.u32 v25, v15;
	v57 =	vor.u32 v31, v11  }
0x1e7: {  	v61 =	vor.u32 v30, v11;
	v20 =	vmul.f32 v1, v18;
	v41 =	vmul.f32 v12, v4;
	v12 =	vld.idx.msk [tilespmem:v50+s15+$0x0], $0xffff  }
0x1e8: {  	v50 =	vld.idx.msk [tilespmem:v43+s15+$0x0], $0xffff;
	v43 =	vor.u32 v28, v15;
	v13 =	vmul.f32 v13, v18;
	v19 =	vmul.f32 v19, v18  }
0x1e9: {  	v47 =	vmul.f32 v10, v18;
	v16 =	vadd.f32 v16, v42;
	v42 =	vld.idx.msk [tilespmem:v54+s15+$0x0], $0xffff;
	v1 =	vor.u32 v55, v15  }
0x1ea: {  	v45 =	vmul.f32 v17, v18;
	v2 =	vadd.f32 v8, v2;
	v8 =	vadd.f32 v53, v56;
	v10 =	vld.idx.msk [tilespmem:v21+s15+$0x0], $0xffff  }
0x1eb: {  	v6 =	vadd.f32 v6, v39;
	v54 =	vor.u32 v0, v11;
	v7 =	vmul.f32 v7, v4;
	v53 =	vld.idx.msk [tilespmem:v44+s15+$0x0], $0xffff  }
0x1ec: {  	v9 =	vadd.f32 v9, v51;
	v51 =	vor.u32 v30, v15;
	v60 =	vadd.f32 v19, v3;
	v52 =	vld.idx.msk [tilespmem:v48+s15+$0x0], $0xffff  }
0x1ed: {  	v39 =	vadd.f32 v13, v6;
	v7 =	vadd.f32 v7, v36;
	v21 =	vor.u32 v55, v11;
	v62 =	vld.idx.msk [tilespmem:v49+s15+$0x0], $0xffff  }
0x1ee: {  	p0 =	slt.u32 s3, $0x7E;
	v48 =	vor.u32 v25, v11;
	v49 =	vor.u32 v29, v11;
	v4 =	vmul.f32 v63, v4;
	v34 =	vld.idx.msk [tilespmem:v1+s12+$0x0], $0xffff  }
.Ltmp5:
0x1ef: {  	v59 =	vld.idx.msk [tilespmem:v43+s15+$0x0], $0xffff;
	v43 =	vor.u32 v23, v11;
	v12 =	vmul.f32 v12, v18;
	v3 =	vmul.f32 v50, v18;
	(pc) =	sbr.rel @p0 .LBB2_13-.Ltmp5, $4  }
0x1f0: {  	v50 =	vor.u32 v24, v11;
	v6 =	vmul.f32 v42, v18;
	v36 =	vadd.f32 v14, v7;
	v55 =	vld.idx.msk [tilespmem:v54+s15+$0x0], $0xffff  }
0x1f1: {  	v54 =	vor.u32 v27, v11;
	v63 =	vld.idx.msk [tilespmem:v51+s15+$0x0], $0xffff;
	v51 =	vadd.f32 v20, v9;
	v5 =	vadd.f32 v4, v5  }
0x1f2: {  	v58 =	vld.idx.msk [tilespmem:v58+s15+$0x0], $0xffff;
	v4 =	vmul.f32 v22, v18;
	v56 =	vadd.f32 v12, v8;
	v2 =	vadd.f32 v3, v2  }
0x1f3: {  	s3 =	sadd.s32 $0x2, s3;
	v42 =	vadd.f32 v6, v16;
	v1 =	vor.u32 v26, v11;
	v44 =	vld.idx.msk [tilespmem:v21+s12+$0x0], $0xffff;
	v3 =	vmul.f32 v10, v34  }
0x1f4: {  	_ =	sdelay $0x3  }
0x1f5: {  	v1 =	vld.idx.msk [tilespmem:v1+s15+$0x0], $0xffff  }
0x1f6: {  	v6 =	vld.idx.msk [tilespmem:v40+s15+$0x0], $0xffff  }
0x1f7: {  	v7 =	vld.idx.msk [tilespmem:v38+s15+$0x0], $0xffff  }
0x1f8: {  	v8 =	vld.idx.msk [tilespmem:v57+s15+$0x0], $0xffff  }
0x1f9: {  	v9 =	vmul.f32 v59, v34;
	v10 =	vadd.f32 v41, v33;
	v11 =	vadd.f32 v32, v46;
	v12 =	vld.idx.msk [tilespmem:v43+s15+$0x0], $0xffff  }
0x1fa: {  	v13 =	vmul.f32 v53, v34;
	v14 =	vmul.f32 v62, v34;
	v5 =	vadd.f32 v47, v5;
	v15 =	vld.idx.msk [tilespmem:v61+s15+$0x0], $0xffff  }
0x1fb: {  	v32 =	vmul.f32 v52, v34;
	v16 =	vld.idx.msk [tilespmem:v49+s15+$0x0], $0xffff;
	v3 =	vadd.f32 v3, v60;
	v4 =	vadd.f32 v4, v11  }
0x1fc: {  	v19 =	vld.idx.msk [tilespmem:v35+s15+$0x0], $0xffff;
	v2 =	vadd.f32 v13, v2;
	v10 =	vadd.f32 v45, v10;
	v33 =	vmul.f32 v63, v34  }
0x1fd: {  	v20 =	vld.idx.msk [tilespmem:v50+s15+$0x0], $0xffff;
	v11 =	vadd.f32 v32, v56;
	v18 =	vmul.f32 v55, v44;
	v8 =	vmul.f32 v8, v44  }
0x1fe: {  	v21 =	vld.idx.msk [tilespmem:v37+s15+$0x0], $0xffff;
	v13 =	vadd.f32 v33, v39;
	v6 =	vmul.f32 v6, v34;
	v12 =	vmul.f32 v12, v44  }
0x1ff: {  	v17 =	vld.idx.msk [tilespmem:v54+s15+$0x0], $0xffff;
	v7 =	vmul.f32 v7, v34;
	v15 =	vmul.f32 v15, v44;
	v3 =	vadd.f32 v8, v3  }
0x200: {  	v38 =	vld.idx.msk [tilespmem:v48+s15+$0x0], $0xffff;
	v16 =	vmul.f32 v16, v44;
	v2 =	vadd.f32 v12, v2;
	v6 =	vadd.f32 v6, v10  }
0x201: {  	v39 =	vmul.f32 v58, v34;
	v7 =	vadd.f32 v7, v36;
	v40 =	vadd.f32 v15, v13;
	[tilespmem:s31+$0x16EA0] =	vst v3  }
0x202: {  	v4 =	vadd.f32 v9, v4;
	v3 =	vmul.f32 v19, v44;
	v6 =	vadd.f32 v16, v6;
	[tilespmem:s31+$0x16EB0] =	vst v2  }
0x203: {  	v41 =	vmul.f32 v20, v44;
	v43 =	vmul.f32 v21, v34;
	v7 =	vadd.f32 v18, v7;
	[tilespmem:s31+$0x16EC0] =	vst v40  }
0x204: {  	v2 =	vadd.f32 v39, v42;
	v42 =	vmul.f32 v17, v44;
	v3 =	vadd.f32 v3, v4;
	[tilespmem:s31+$0x16ED0] =	vst v6  }
0x205: {  	v1 =	vmul.f32 v1, v44;
	v4 =	vadd.f32 v14, v51;
	v6 =	vadd.f32 v41, v11;
	[tilespmem:s31+$0x16EE0] =	vst v7  }
0x206: {  	v5 =	vadd.f32 v43, v5;
	v7 =	vmul.f32 v38, v44;
	v2 =	vadd.f32 v42, v2;
	[tilespmem:s31+$0x16EF0] =	vst v3  }
0x207: {  	v1 =	vadd.f32 v1, v4;
	[tilespmem:s31+$0x16F00] =	vst v6  }
0x208: {  	v23 =	vld [tilespmem:$0x1FE10];
	v4 =	vadd.f32 v7, v5;
	[tilespmem:s31+$0x16F10] =	vst v2  }
0x209: {  	[tilespmem:s31+$0x16F20] =	vst v1  }
0x20a: {  	s0 =	simm.s32 $0x0;
	v44 =	vlaneseq.u32;
	[tilespmem:s31+$0x16F30] =	vst v4  }
0x20b: {  	v54 =	vld [tilespmem:$0x1FEC0];
	v3 =	vadd.s32 s0, v44;
	_ =	swait.ge [sflag:s23], $0x3000  }
0x20c: {  	v2 =	vand.u32 $0x7F, v3;
	v0 =	vld [tilespmem:$0x1FED0]  }
0x20d: {  	v1 =	vor.u32 v23, v2;
	v31 =	vld [tilespmem:$0x1FFD0]  }
0x20e: {  	s10 =	simm.s32 $0x1;
	v26 =	vld [tilespmem:$0x1FF00]  }
0x20f: {  	v6 =	vadd.s32 s10, v44;
	s10 =	simm.s32 $0x2;
	v30 =	vld [tilespmem:$0x1FFE0]  }
0x210: {  	v34 =	vadd.s32 s10, v44;
	[sflag:s23] =	ssyncset.done $0x0;
	v28 =	vld [tilespmem:$0x1FFC0]  }
0x211: {  	v3 =	vor.u32 v54, v2;
	v36 =	vand.u32 $0x7F, v34;
	v24 =	vld [tilespmem:$0x1FEE0];
	[sflag:s23] =	ssyncadd.s32 $0xFFFFD000  }
0x212: {  	v34 =	vor.u32 v23, v36;
	v9 =	vld.idx.msk [tilespmem:v1+s12+$0x0], $0xffff;
	v1 =	vand.u32 $0x7F, v6  }
0x213: {  	v27 =	vld [tilespmem:$0x1FF10];
	v55 =	vor.u32 v23, v1  }
0x214: {  	v29 =	vld [tilespmem:$0x1FFF0];
	v47 =	vor.u32 v54, v1  }
0x215: {  	v25 =	vld [tilespmem:$0x1FEF0];
	v4 =	vor.u32 v0, v2  }
0x216: {  	v3 =	vld.idx.msk [tilespmem:v3+s15+$0x0], $0xffff;
	v5 =	vor.u32 v31, v2  }
0x217: {  	v34 =	vld.idx.msk [tilespmem:v34+s12+$0x0], $0xffff;
	v7 =	vor.u32 v26, v2  }
0x218: {  	v53 =	vor.u32 v30, v2;
	v10 =	vld.idx.msk [tilespmem:v55+s12+$0x0], $0xffff  }
0x219: {  	v6 =	vor.u32 v28, v1;
	v21 =	vld.idx.msk [tilespmem:v47+s15+$0x0], $0xffff  }
0x21a: {  	v56 =	vor.u32 v24, v2;
	v4 =	vld.idx.msk [tilespmem:v4+s15+$0x0], $0xffff  }
0x21b: {  	v57 =	vor.u32 v27, v2;
	v5 =	vld.idx.msk [tilespmem:v5+s15+$0x0], $0xffff  }
0x21c: {  	s3 =	simm.s32 $0x3;
	v58 =	vor.u32 v30, v1;
	v7 =	vld.idx.msk [tilespmem:v7+s15+$0x0], $0xffff  }
0x21d: {  	v14 =	vadd.s32 s3, v44;
	v60 =	vor.u32 v25, v2;
	v8 =	vld.idx.msk [tilespmem:v53+s15+$0x0], $0xffff  }
0x21e: {  	v33 =	vimm.f32 $0.0e+00;
	v14 =	vand.u32 $0x7F, v14;
	v61 =	vor.u32 v28, v2;
	v6 =	vld.idx.msk [tilespmem:v6+s15+$0x0], $0xffff  }
0x21f: {  	v59 =	vor.u32 v29, v1;
	v62 =	vor.u32 v31, v1;
	v46 =	vor.u32 v24, v1;
	v11 =	vld.idx.msk [tilespmem:v56+s15+$0x0], $0xffff  }
0x220: {  	v63 =	vor.u32 v0, v1;
	v2 =	vor.u32 v29, v2;
	v45 =	vor.u32 v25, v1;
	v12 =	vld.idx.msk [tilespmem:v57+s15+$0x0], $0xffff  }
0x221: {  	v22 =	vor.u32 v27, v1;
	v1 =	vor.u32 v26, v1;
	v40 =	vor.u32 v25, v36;
	v13 =	vld.idx.msk [tilespmem:v58+s15+$0x0], $0xffff  }
0x222: {  	v38 =	vor.u32 v28, v36;
	v50 =	vor.u32 v28, v14;
	v35 =	vor.u32 v31, v14;
	v15 =	vld.idx.msk [tilespmem:v60+s15+$0x0], $0xffff  }
0x223: {  	v43 =	vor.u32 v0, v14;
	v37 =	vor.u32 v29, v36;
	v3 =	vmul.f32 v3, v9;
	v16 =	vld.idx.msk [tilespmem:v61+s15+$0x0], $0xffff  }
0x224: {  	v48 =	vor.u32 v29, v14;
	v49 =	vor.u32 v25, v14;
	v55 =	vor.u32 v0, v36;
	v20 =	vld.idx.msk [tilespmem:v46+s15+$0x0], $0xffff  }
0x225: {  	v3 =	vadd.f32 v3, v33;
	v19 =	vld.idx.msk [tilespmem:v45+s15+$0x0], $0xffff;
	v53 =	vor.u32 v54, v36;
	v46 =	vor.u32 v24, v36  }
0x226: {  	v22 =	vld.idx.msk [tilespmem:v22+s15+$0x0], $0xffff;
	v60 =	vor.u32 v31, v36;
	v21 =	vmul.f32 v21, v10;
	v32 =	vmul.f32 v5, v9  }
0x227: {  	v61 =	vor.u32 v26, v36;
	v17 =	vld.idx.msk [tilespmem:v62+s15+$0x0], $0xffff;
	v4 =	vmul.f32 v4, v9;
	v8 =	vmul.f32 v8, v9  }
0x228: {  	v58 =	vor.u32 v27, v36;
	v5 =	vld.idx.msk [tilespmem:v59+s15+$0x0], $0xffff;
	v7 =	vmul.f32 v7, v9;
	v11 =	vmul.f32 v11, v9  }
0x229: {  	v62 =	vor.u32 v30, v36;
	v2 =	vld.idx.msk [tilespmem:v2+s15+$0x0], $0xffff;
	v6 =	vmul.f32 v6, v10;
	v12 =	vmul.f32 v12, v9  }
0x22a: {  	v57 =	vor.u32 v54, v14;
	v13 =	vmul.f32 v13, v10;
	v41 =	vmul.f32 v15, v9;
	v15 =	vld.idx.msk [tilespmem:v1+s15+$0x0], $0xffff  }
0x22b: {  	v54 =	vor.u32 v27, v14;
	v1 =	vmul.f32 v16, v9;
	v16 =	vld.idx.msk [tilespmem:v63+s15+$0x0], $0xffff;
	v20 =	vmul.f32 v20, v10  }
0x22c: {  	v45 =	vmul.f32 v19, v10;
	v59 =	vld.idx.msk [tilespmem:v60+s15+$0x0], $0xffff;
	v60 =	vadd.f32 v21, v3;
	v51 =	vadd.f32 v4, v33  }
0x22d: {  	v52 =	vld.idx.msk [tilespmem:v61+s15+$0x0], $0xffff;
	v8 =	vadd.f32 v8, v33;
	v47 =	vmul.f32 v5, v10;
	v5 =	vor.u32 v23, v14  }
0x22e: {  	v61 =	vor.u32 v24, v14;
	v7 =	vadd.f32 v7, v33;
	v11 =	vadd.f32 v11, v33;
	v4 =	vld.idx.msk [tilespmem:v53+s15+$0x0], $0xffff  }
0x22f: {  	v12 =	vadd.f32 v12, v33;
	v63 =	vadd.f32 v1, v33;
	v53 =	vld.idx.msk [tilespmem:v55+s15+$0x0], $0xffff;
	v1 =	vor.u32 v30, v14  }
0x230: {  	v55 =	vld.idx.msk [tilespmem:v50+s15+$0x0], $0xffff;
	v50 =	vor.u32 v26, v14;
	v23 =	vmul.f32 v22, v10;
	v15 =	vmul.f32 v15, v10  }
0x231: {  	v62 =	vld.idx.msk [tilespmem:v62+s15+$0x0], $0xffff;
	v39 =	vadd.f32 v20, v11;
	v36 =	vadd.f32 v6, v63;
	v3 =	vmul.f32 v16, v10  }
0x232: {  	v42 =	vadd.f32 v23, v12;
	v56 =	vadd.f32 v15, v7;
	v44 =	vld.idx.msk [tilespmem:v5+s12+$0x0], $0xffff;
	v5 =	vmul.f32 v2, v9  }
0x233: {  	v63 =	vld.idx.msk [tilespmem:v46+s15+$0x0], $0xffff;
	v46 =	vimm.f32 $0.0e+00;
	v2 =	vadd.f32 v3, v51;
	v51 =	vadd.f32 v13, v8  }
0x234: {  	s3 =	simm.s32 $0x4;
	v58 =	vld.idx.msk [tilespmem:v58+s15+$0x0], $0xffff;
	v3 =	vmul.f32 v4, v34;
	v4 =	vmul.f32 v17, v10;
	v5 =	vadd.f32 v5, v33  }
.LBB2_15:
0x235: {  	_ =	sdelay $0x3  }
0x236: {  	v1 =	vld.idx.msk [tilespmem:v1+s15+$0x0], $0xffff  }
0x237: {  	v10 =	vld.idx.msk [tilespmem:v48+s15+$0x0], $0xffff  }
0x238: {  	v12 =	vld.idx.msk [tilespmem:v40+s15+$0x0], $0xffff  }
0x239: {  	v13 =	vld.idx.msk [tilespmem:v61+s15+$0x0], $0xffff  }
0x23a: {  	v7 =	vadd.f32 v32, v46;
	s0 =	smov.u32 s3;
	v17 =	vld.idx.msk [tilespmem:v49+s15+$0x0], $0xffff  }
0x23b: {  	v6 =	vadd.f32 v41, v33;
	v15 =	vlaneseq.u32;
	v19 =	vld.idx.msk [tilespmem:v57+s15+$0x0], $0xffff;
	s10 =	sadd.s32 $0x1, s0;
	v5 =	vadd.f32 v47, v5  }
0x23c: {  	v22 =	vld.idx.msk [tilespmem:v54+s15+$0x0], $0xffff;
	v3 =	vadd.f32 v3, v60;
	v11 =	vadd.s32 s10, v15;
	v46 =	vadd.f32 v4, v7  }
0x23d: {  	v23 =	vld.idx.msk [tilespmem:v35+s15+$0x0], $0xffff;
	v33 =	vadd.f32 v45, v6;
	v15 =	vadd.s32 s0, v15;
	v32 =	vmul.f32 v59, v34  }
0x23e: {  	v60 =	vld.idx.msk [tilespmem:v50+s15+$0x0], $0xffff;
	v4 =	vmovc v34;
	v15 =	vand.u32 $0x7F, v15;
	v8 =	vmul.f32 v53, v34;
	v9 =	vmul.f32 v62, v34  }
0x23f: {  	v7 =	vld.idx.msk [tilespmem:v38+s15+$0x0], $0xffff;
	v11 =	vand.u32 $0x7F, v11;
	v59 =	vmul.f32 v52, v4;
	v6 =	vmul.f32 v63, v4  }
0x240: {  	v14 =	vmul.f32 v55, v44;
	v16 =	vmul.f32 v58, v4;
	v55 =	vld [tilespmem:$0x1FEC0];
	v40 =	vor.u32 v25, v15  }
0x241: {  	v38 =	vor.u32 v28, v15;
	v61 =	vor.u32 v31, v15;
	v6 =	vadd.f32 v6, v39;
	v39 =	vld [tilespmem:$0x1FE10]  }
0x242: {  	v18 =	vmovc v44;
	v62 =	vor.u32 v26, v15;
	v58 =	vor.u32 v27, v15;
	v63 =	vor.u32 v30, v15  }
0x243: {  	v44 =	vld.idx.msk [tilespmem:v43+s15+$0x0], $0xffff;
	v54 =	vor.u32 v28, v11;
	v35 =	vor.u32 v31, v11;
	v43 =	vor.u32 v0, v11  }
0x244: {  	v50 =	vld.idx.msk [tilespmem:v37+s15+$0x0], $0xffff;
	v37 =	vor.u32 v29, v15;
	v48 =	vor.u32 v29, v11;
	v49 =	vor.u32 v25, v11  }
0x245: {  	v20 =	vmul.f32 v1, v18;
	v41 =	vmul.f32 v12, v4;
	v21 =	vor.u32 v55, v15  }
0x246: {  	v13 =	vmul.f32 v13, v18;
	v19 =	vmul.f32 v19, v18;
	v1 =	vor.u32 v39, v15  }
0x247: {  	v47 =	vmul.f32 v10, v18;
	v2 =	vadd.f32 v8, v2;
	v8 =	vadd.f32 v59, v56;
	v59 =	vld.idx.msk [tilespmem:v61+s15+$0x0], $0xffff  }
0x248: {  	v45 =	vmul.f32 v17, v18;
	v9 =	vadd.f32 v9, v51;
	v16 =	vadd.f32 v16, v42;
	v52 =	vld.idx.msk [tilespmem:v62+s15+$0x0], $0xffff  }
0x249: {  	v42 =	vor.u32 v0, v15;
	v51 =	vor.u32 v24, v15;
	v12 =	vmul.f32 v60, v18;
	v62 =	vld.idx.msk [tilespmem:v63+s15+$0x0], $0xffff  }
0x24a: {  	v7 =	vmul.f32 v7, v4;
	v60 =	vadd.f32 v19, v3;
	v4 =	vmul.f32 v50, v4;
	v10 =	vld.idx.msk [tilespmem:v21+s15+$0x0], $0xffff  }
0x24b: {  	p0 =	slt.u32 s3, $0x7E;
	v50 =	vor.u32 v26, v11;
	v56 =	vadd.f32 v12, v8;
	v21 =	vor.u32 v39, v11;
	v34 =	vld.idx.msk [tilespmem:v1+s12+$0x0], $0xffff  }
.Ltmp6:
0x24c: {  	v7 =	vadd.f32 v7, v36;
	v57 =	vor.u32 v55, v11;
	v55 =	vld.idx.msk [tilespmem:v54+s15+$0x0], $0xffff;
	v3 =	vmul.f32 v44, v18;
	(pc) =	sbr.rel @p0 .LBB2_15-.Ltmp6, $4  }
0x24d: {  	v61 =	vor.u32 v24, v11;
	v54 =	vor.u32 v27, v11;
	v58 =	vld.idx.msk [tilespmem:v58+s15+$0x0], $0xffff;
	v5 =	vadd.f32 v4, v5  }
0x24e: {  	v53 =	vld.idx.msk [tilespmem:v42+s15+$0x0], $0xffff;
	v36 =	vadd.f32 v14, v7;
	v39 =	vadd.f32 v13, v6;
	v6 =	vmul.f32 v22, v18  }
0x24f: {  	v4 =	vmul.f32 v23, v18;
	v63 =	vld.idx.msk [tilespmem:v51+s15+$0x0], $0xffff;
	v2 =	vadd.f32 v3, v2;
	v51 =	vadd.f32 v20, v9  }
0x250: {  	s3 =	sadd.s32 $0x2, s3;
	v1 =	vor.u32 v30, v11;
	v42 =	vadd.f32 v6, v16;
	v44 =	vld.idx.msk [tilespmem:v21+s12+$0x0], $0xffff;
	v3 =	vmul.f32 v10, v34  }
0x251: {  	_ =	sdelay $0x3  }
0x252: {  	v1 =	vld.idx.msk [tilespmem:v1+s15+$0x0], $0xffff  }
0x253: {  	v6 =	vld.idx.msk [tilespmem:v40+s15+$0x0], $0xffff  }
0x254: {  	v7 =	vld.idx.msk [tilespmem:v38+s15+$0x0], $0xffff  }
0x255: {  	v8 =	vld.idx.msk [tilespmem:v57+s15+$0x0], $0xffff;
	v9 =	vmul.f32 v59, v34  }
0x256: {  	v10 =	vadd.f32 v41, v33;
	v11 =	vadd.f32 v32, v46;
	v12 =	vld.idx.msk [tilespmem:v43+s15+$0x0], $0xffff;
	v14 =	vmul.f32 v62, v34  }
0x257: {  	v5 =	vadd.f32 v47, v5;
	v15 =	vld.idx.msk [tilespmem:v61+s15+$0x0], $0xffff;
	v52 =	vmul.f32 v52, v34;
	v3 =	vadd.f32 v3, v60  }
0x258: {  	v20 =	vld.idx.msk [tilespmem:v50+s15+$0x0], $0xffff;
	v13 =	vmul.f32 v53, v34;
	v4 =	vadd.f32 v4, v11;
	v10 =	vadd.f32 v45, v10  }
0x259: {  	v16 =	vld.idx.msk [tilespmem:v49+s15+$0x0], $0xffff;
	v11 =	vadd.f32 v52, v56;
	v56 =	vmul.f32 v58, v34;
	v61 =	vadd.f32 v14, v51  }
0x25a: {  	v17 =	vld.idx.msk [tilespmem:v54+s15+$0x0], $0xffff;
	v53 =	vmul.f32 v63, v34;
	v2 =	vadd.f32 v13, v2;
	v8 =	vmul.f32 v8, v44  }
0x25b: {  	v19 =	vld.idx.msk [tilespmem:v35+s15+$0x0], $0xffff;
	v18 =	vmul.f32 v55, v44;
	v4 =	vadd.f32 v9, v4;
	v12 =	vmul.f32 v12, v44  }
0x25c: {  	v21 =	vld.idx.msk [tilespmem:v37+s15+$0x0], $0xffff;
	v13 =	vadd.f32 v53, v39;
	v15 =	vmul.f32 v15, v44;
	v3 =	vadd.f32 v8, v3  }
0x25d: {  	v55 =	vld.idx.msk [tilespmem:v48+s15+$0x0], $0xffff;
	v6 =	vmul.f32 v6, v34;
	v58 =	vmul.f32 v20, v44;
	v2 =	vadd.f32 v12, v2  }
0x25e: {  	v7 =	vmul.f32 v7, v34;
	v1 =	vmul.f32 v1, v44;
	v57 =	vadd.f32 v15, v13;
	[tilespmem:s31+$0x16F40] =	vst v3  }
0x25f: {  	v16 =	vmul.f32 v16, v44;
	v6 =	vadd.f32 v6, v10;
	v62 =	vadd.f32 v58, v11;
	[tilespmem:s31+$0x16F50] =	vst v2  }
0x260: {  	v7 =	vadd.f32 v7, v36;
	v1 =	vadd.f32 v1, v61;
	[tilespmem:s31+$0x16F60] =	vst v57  }
0x261: {  	s30 =	sadd.s32 $0x1, s30;
	v27 =	vld [tilespmem:$0x1FF80];
	v60 =	vmul.f32 v21, v34;
	v3 =	vmul.f32 v19, v44;
	v6 =	vadd.f32 v16, v6;
	[tilespmem:s31+$0x16FA0] =	vst v62  }
0x262: {  	v29 =	vld [tilespmem:$0x1FF40];
	p0 =	sne.s32 s30, $0x8;
	v59 =	vmul.f32 v17, v44;
	v2 =	vadd.f32 v56, v42;
	v7 =	vadd.f32 v18, v7;
	[tilespmem:s31+$0x16FC0] =	vst v1  }
.Ltmp7:
0x263: {  	v22 =	vld [tilespmem:$0x1FF50];
	v5 =	vadd.f32 v60, v5;
	v63 =	vmul.f32 v55, v44;
	v3 =	vadd.f32 v3, v4;
	[tilespmem:s31+$0x16F70] =	vst v6;
	(pc) =	sbr.rel @p0 .LBB2_10-.Ltmp7, $4  }
0x264: {  	v24 =	vld [tilespmem:$0x1FF60];
	[tilespmem:s31+$0x16F80] =	vst v7;
	v2 =	vadd.f32 v59, v2  }
0x265: {  	v0 =	vld [tilespmem:$0x1FF70];
	[tilespmem:s31+$0x16F90] =	vst v3;
	v3 =	vadd.f32 v63, v5  }
0x266: {  	v25 =	vld [tilespmem:$0x1FF30];
	[tilespmem:s31+$0x16FB0] =	vst v2  }
0x267: {  	v20 =	vld [tilespmem:$0x1FF20];
	v19 =	vlaneseq.u32;
	[tilespmem:s31+$0x16FD0] =	vst v3  }
0x268: {  	[tilespmem:s12], [sflag:$0x1] =	stream.indirect.gather [hbm4b:s1+s11], $0x80, s24, s11, $0xb8;
	[tilespmem:$0x1AE00] =	vst v63  }
0x269: {  	_ =	swait.ge [sflag:s13], $0x4000  }
0x26a: {  	[sflag:s13] =	ssyncset.done $0x0;
	v26 =	vld [tilespmem:$0x1FE20]  }
0x26b: {  	s29 =	simm.s32 $0x0;
	s30 =	simm.s32 $0x0;
	v30 =	vld [tilespmem:$0x1FE30];
	[sflag:s13] =	ssyncadd.s32 $0xFFFFC000  }
.LBB2_18:
0x26c: {  	s31 =	sor.u32 $0x10, s30  }
0x26d: {  	s0 =	smul.u32 $0x780, s31;
	_ =	sdelay $0x1  }
0x26e: {  	s0 =	sshra.s32 s0, $0x2  }
0x26f: {  	s3 =	sadd.s32 $0x200, s0  }
0x270: {  	[tilespmem:s15], [sflag:$0x1] =	stream.indirect.gather [hbm4b:s2+s14], $0x80, s3, s14, $0xb8;
	[tilespmem:$0x1AE00] =	vst v63  }
0x271: {  	s10 =	sadd.s32 $0x260, s0  }
0x272: {  	[tilespmem:s16], [sflag:$0x2] =	stream.indirect.gather [hbm4b:s2+s14], $0x80, s10, s14, $0xb8;
	[tilespmem:$0x1AE00] =	vst v63  }
0x273: {  	s10 =	sadd.s32 $0x2C0, s0  }
0x274: {  	[tilespmem:s17], [sflag:$0x3] =	stream.indirect.gather [hbm4b:s2+s14], $0x80, s10, s14, $0xb8;
	[tilespmem:$0x1AE00] =	vst v63  }
0x275: {  	s10 =	sadd.s32 $0x320, s0  }
0x276: {  	[tilespmem:s18], [sflag:$0x4] =	stream.indirect.gather [hbm4b:s2+s14], $0x80, s10, s14, $0xb8;
	[tilespmem:$0x1AE00] =	vst v63  }
0x277: {  	s10 =	sshll.u32 s31, $0x4  }
0x278: {  	s0 =	sadd.s32 $0x380, s0;
	s3 =	sadd.s32 $0xFFFFFF00, s10;
	s10 =	simm.s32 $0x1  }
0x279: {  	[tilespmem:s19], [sflag:$0x5] =	stream.indirect.gather [hbm4b:s2+s14], $0x80, s0, s14, $0xb8;
	v6 =	vadd.s32 s10, v19;
	[tilespmem:$0x1AE00] =	vst v63  }
0x27a: {  	_ =	swait.ge [sflag:s13], $0x3000;
	v6 =	vand.u32 $0x7F, v6  }
0x27b: {  	v1 =	vmov s3;
	[sflag:s13] =	ssyncset.done $0x0;
	v9 =	vor.u32 v29, v6  }
0x27c: {  	v2 =	vadd.s32 s29, v19;
	v1 =	vshll.u32 v1, $0x7;
	v13 =	vor.u32 v0, v6;
	[sflag:s13] =	ssyncadd.s32 $0xFFFFD000  }
0x27d: {  	v31 =	vor.u32 v20, v1;
	v1 =	vand.u32 $0x7F, v2;
	v59 =	vor.u32 v26, v6;
	_ =	swait.ge [sflag:s20], $0x3000  }
0x27e: {  	v2 =	vor.u32 v31, v1;
	[sflag:s20] =	ssyncset.done $0x0  }
0x27f: {  	v3 =	vor.u32 v20, v1;
	v28 =	vld [tilespmem:$0x1FE40];
	[sflag:s20] =	ssyncadd.s32 $0xFFFFD000  }
0x280: {  	v4 =	vor.u32 v25, v1;
	v9 =	vld.idx.msk [tilespmem:v9+s15+$0x0], $0xffff  }
0x281: {  	v5 =	vor.u32 v22, v1;
	v13 =	vld.idx.msk [tilespmem:v13+s15+$0x0], $0xffff  }
0x282: {  	v55 =	vmov v20;
	v7 =	vor.u32 v24, v1;
	v20 =	vld.idx.msk [tilespmem:v59+s15+$0x0], $0xffff  }
0x283: {  	v8 =	vor.u32 v0, v1;
	v2 =	vld.idx.msk [tilespmem:v2+s12+$0x0], $0xffff  }
0x284: {  	v10 =	vor.u32 v31, v6;
	v3 =	vld.idx.msk [tilespmem:v3+s15+$0x0], $0xffff  }
0x285: {  	v11 =	vor.u32 v26, v1;
	v4 =	vld.idx.msk [tilespmem:v4+s15+$0x0], $0xffff  }
0x286: {  	v12 =	vor.u32 v30, v1;
	v5 =	vld.idx.msk [tilespmem:v5+s15+$0x0], $0xffff  }
0x287: {  	v23 =	vlaneseq.u32;
	s3 =	simm.s32 $0x3;
	v15 =	vor.u32 v27, v1;
	v7 =	vld.idx.msk [tilespmem:v7+s15+$0x0], $0xffff  }
0x288: {  	v33 =	vimm.f32 $0.0e+00;
	s10 =	simm.s32 $0x2;
	v61 =	vadd.s32 s3, v23;
	v16 =	vor.u32 v29, v1;
	v8 =	vld.idx.msk [tilespmem:v8+s15+$0x0], $0xffff  }
0x289: {  	v23 =	vadd.s32 s10, v23;
	v17 =	vor.u32 v22, v6;
	v21 =	vor.u32 v55, v6;
	v10 =	vld.idx.msk [tilespmem:v10+s12+$0x0], $0xffff  }
0x28a: {  	v37 =	vmovc v22;
	v18 =	vor.u32 v25, v6;
	v58 =	vor.u32 v27, v6;
	v23 =	vand.u32 $0x7F, v23;
	v11 =	vld.idx.msk [tilespmem:v11+s15+$0x0], $0xffff  }
0x28b: {  	v60 =	vor.u32 v30, v6;
	v34 =	vor.u32 v31, v23;
	v35 =	vor.u32 v55, v23;
	v12 =	vld.idx.msk [tilespmem:v12+s15+$0x0], $0xffff  }
0x28c: {  	v36 =	vor.u32 v25, v23;
	v46 =	vor.u32 v26, v23;
	v40 =	vor.u32 v27, v23;
	v15 =	vld.idx.msk [tilespmem:v15+s15+$0x0], $0xffff  }
0x28d: {  	v38 =	vor.u32 v29, v23;
	v63 =	vor.u32 v37, v23;
	v16 =	vld.idx.msk [tilespmem:v16+s15+$0x0], $0xffff;
	v3 =	vmul.f32 v3, v2  }
0x28e: {  	v42 =	vor.u32 v24, v23;
	v21 =	vld.idx.msk [tilespmem:v21+s15+$0x0], $0xffff;
	v32 =	vmul.f32 v5, v2;
	v4 =	vmul.f32 v4, v2  }
0x28f: {  	v19 =	vld.idx.msk [tilespmem:v58+s15+$0x0], $0xffff;
	v14 =	vor.u32 v28, v6;
	v8 =	vmul.f32 v8, v2;
	v7 =	vmul.f32 v7, v2  }
0x290: {  	v44 =	vor.u32 v0, v23;
	v22 =	vld.idx.msk [tilespmem:v60+s15+$0x0], $0xffff;
	v11 =	vmul.f32 v11, v2;
	v9 =	vmul.f32 v9, v10  }
0x291: {  	v17 =	vld.idx.msk [tilespmem:v17+s15+$0x0], $0xffff;
	v6 =	vor.u32 v24, v6;
	v12 =	vmul.f32 v12, v2;
	v13 =	vmul.f32 v13, v10  }
0x292: {  	v58 =	vor.u32 v30, v23;
	v34 =	vld.idx.msk [tilespmem:v34+s12+$0x0], $0xffff;
	v41 =	vmul.f32 v15, v2;
	v62 =	vmul.f32 v16, v2  }
0x293: {  	v53 =	vld.idx.msk [tilespmem:v36+s15+$0x0], $0xffff;
	v1 =	vor.u32 v28, v1;
	v20 =	vmul.f32 v20, v10;
	v21 =	vmul.f32 v21, v10  }
0x294: {  	v45 =	vmul.f32 v19, v10;
	v5 =	vld.idx.msk [tilespmem:v14+s15+$0x0], $0xffff;
	v51 =	vadd.f32 v3, v33;
	v4 =	vadd.f32 v4, v33  }
0x295: {  	v16 =	vld.idx.msk [tilespmem:v18+s15+$0x0], $0xffff;
	v22 =	vmul.f32 v22, v10;
	v8 =	vadd.f32 v8, v33;
	v7 =	vadd.f32 v7, v33  }
0x296: {  	[tilespmem:$0x1FE00] =	vst v31;
	v11 =	vadd.f32 v11, v33;
	v12 =	vadd.f32 v12, v33;
	v6 =	vld.idx.msk [tilespmem:v6+s15+$0x0], $0xffff;
	v14 =	vand.u32 $0x7F, v61  }
0x297: {  	v15 =	vadd.f32 v62, v33;
	v3 =	vld.idx.msk [tilespmem:v35+s15+$0x0], $0xffff;
	v54 =	vor.u32 v29, v14;
	v35 =	vor.u32 v37, v14  }
0x298: {  	v49 =	vld.idx.msk [tilespmem:v1+s15+$0x0], $0xffff;
	v43 =	vor.u32 v25, v14;
	v1 =	vor.u32 v0, v14;
	v37 =	vor.u32 v28, v23  }
0x299: {  	v59 =	vld.idx.msk [tilespmem:v63+s15+$0x0], $0xffff;
	v48 =	vor.u32 v28, v14;
	v47 =	vmul.f32 v5, v10;
	v5 =	vor.u32 v31, v14  }
0x29a: {  	v52 =	vld.idx.msk [tilespmem:v42+s15+$0x0], $0xffff;
	v50 =	vor.u32 v27, v14;
	v57 =	vor.u32 v55, v14;
	v39 =	vadd.f32 v20, v11  }
0x29b: {  	v63 =	vld.idx.msk [tilespmem:v46+s15+$0x0], $0xffff;
	v61 =	vor.u32 v26, v14;
	v36 =	vadd.f32 v9, v15;
	v60 =	vadd.f32 v21, v51  }
0x29c: {  	v58 =	vld.idx.msk [tilespmem:v58+s15+$0x0], $0xffff;
	v42 =	vadd.f32 v22, v12;
	v51 =	vor.u32 v24, v14;
	v23 =	vmul.f32 v16, v10  }
0x29d: {  	v46 =	vimm.f32 $0.0e+00;
	v62 =	vld.idx.msk [tilespmem:v44+s15+$0x0], $0xffff;
	v6 =	vmul.f32 v6, v10;
	v3 =	vmul.f32 v3, v34;
	v31 =	vmovc v25;
	v25 =	vmovc v26  }
0x29e: {  	v26 =	vmovc v27;
	v27 =	vmovc v28;
	v28 =	vmov v29;
	v29 =	vmov v0;
	v44 =	vld.idx.msk [tilespmem:v5+s12+$0x0], $0xffff;
	v5 =	vmul.f32 v49, v2  }
0x29f: {  	v55 =	vld.idx.msk [tilespmem:v54+s15+$0x0], $0xffff;
	v54 =	vor.u32 v30, v14;
	v56 =	vadd.f32 v6, v7;
	v2 =	vadd.f32 v23, v4  }
0x2a0: {  	s3 =	simm.s32 $0x4;
	v0 =	vmovc v24;
	v49 =	vadd.f32 v13, v8;
	v4 =	vmul.f32 v17, v10;
	v5 =	vadd.f32 v5, v33  }
.LBB2_19:
0x2a1: {  	_ =	sdelay $0x3  }
0x2a2: {  	v1 =	vld.idx.msk [tilespmem:v1+s15+$0x0], $0xffff  }
0x2a3: {  	v10 =	vld.idx.msk [tilespmem:v48+s15+$0x0], $0xffff  }
0x2a4: {  	v7 =	vadd.f32 v32, v46;
	s0 =	smov.u32 s3;
	v12 =	vld.idx.msk [tilespmem:v40+s15+$0x0], $0xffff  }
0x2a5: {  	v6 =	vadd.f32 v41, v33;
	v15 =	vlaneseq.u32;
	v13 =	vld.idx.msk [tilespmem:v61+s15+$0x0], $0xffff;
	s10 =	sadd.s32 $0x1, s0;
	v5 =	vadd.f32 v47, v5  }
0x2a6: {  	v17 =	vld.idx.msk [tilespmem:v50+s15+$0x0], $0xffff;
	v3 =	vadd.f32 v3, v60;
	v11 =	vadd.s32 s10, v15;
	v46 =	vadd.f32 v4, v7  }
0x2a7: {  	v19 =	vld.idx.msk [tilespmem:v57+s15+$0x0], $0xffff;
	v33 =	vadd.f32 v45, v6;
	v15 =	vadd.s32 s0, v15;
	v32 =	vmul.f32 v59, v34  }
0x2a8: {  	v22 =	vld.idx.msk [tilespmem:v54+s15+$0x0], $0xffff;
	v4 =	vmovc v34;
	v15 =	vand.u32 $0x7F, v15;
	v8 =	vmul.f32 v53, v34;
	v9 =	vmul.f32 v62, v34  }
0x2a9: {  	v7 =	vld.idx.msk [tilespmem:v38+s15+$0x0], $0xffff;
	v11 =	vand.u32 $0x7F, v11;
	v59 =	vmul.f32 v52, v4;
	v6 =	vmul.f32 v63, v4  }
0x2aa: {  	v14 =	vmul.f32 v55, v44;
	v16 =	vmul.f32 v58, v4;
	v55 =	vld [tilespmem:$0x1FF20];
	v23 =	vor.u32 v31, v15  }
0x2ab: {  	v40 =	vor.u32 v26, v15;
	v38 =	vor.u32 v28, v15;
	v6 =	vadd.f32 v6, v39;
	v39 =	vld [tilespmem:$0x1FE00]  }
0x2ac: {  	v60 =	vld [tilespmem:$0x1FF50];
	v18 =	vmovc v44;
	v62 =	vor.u32 v0, v15;
	v58 =	vor.u32 v30, v15;
	v63 =	vor.u32 v29, v15  }
0x2ad: {  	v44 =	vld.idx.msk [tilespmem:v43+s15+$0x0], $0xffff;
	v54 =	vor.u32 v28, v11;
	v43 =	vor.u32 v31, v11;
	v48 =	vor.u32 v27, v11  }
0x2ae: {  	v24 =	vld.idx.msk [tilespmem:v35+s15+$0x0], $0xffff;
	v50 =	vor.u32 v26, v11;
	v20 =	vmul.f32 v1, v18;
	v41 =	vmul.f32 v12, v4  }
0x2af: {  	v12 =	vld.idx.msk [tilespmem:v51+s15+$0x0], $0xffff;
	v13 =	vmul.f32 v13, v18;
	v19 =	vmul.f32 v19, v18;
	v21 =	vor.u32 v55, v15  }
0x2b0: {  	v51 =	vld.idx.msk [tilespmem:v37+s15+$0x0], $0xffff;
	v47 =	vmul.f32 v10, v18;
	v45 =	vmul.f32 v17, v18;
	v1 =	vor.u32 v39, v15  }
0x2b1: {  	v37 =	vor.u32 v27, v15;
	v2 =	vadd.f32 v8, v2;
	v9 =	vadd.f32 v9, v49;
	v53 =	vld.idx.msk [tilespmem:v23+s15+$0x0], $0xffff  }
0x2b2: {  	v8 =	vadd.f32 v59, v56;
	v61 =	vor.u32 v60, v15;
	v7 =	vmul.f32 v7, v4;
	v52 =	vld.idx.msk [tilespmem:v62+s15+$0x0], $0xffff  }
0x2b3: {  	v16 =	vadd.f32 v16, v42;
	v49 =	vor.u32 v25, v15;
	v57 =	vor.u32 v55, v11;
	v55 =	vld.idx.msk [tilespmem:v54+s15+$0x0], $0xffff  }
0x2b4: {  	v35 =	vor.u32 v60, v11;
	v60 =	vadd.f32 v19, v3;
	v7 =	vadd.f32 v7, v36;
	v10 =	vld.idx.msk [tilespmem:v21+s15+$0x0], $0xffff  }
0x2b5: {  	p0 =	slt.u32 s3, $0x7E;
	v3 =	vmul.f32 v44, v18;
	v54 =	vor.u32 v30, v11;
	v21 =	vor.u32 v39, v11;
	v34 =	vld.idx.msk [tilespmem:v1+s12+$0x0], $0xffff  }
.Ltmp8:
0x2b6: {  	v62 =	vld.idx.msk [tilespmem:v63+s15+$0x0], $0xffff;
	v12 =	vmul.f32 v12, v18;
	v4 =	vmul.f32 v51, v4;
	v51 =	vor.u32 v0, v11;
	(pc) =	sbr.rel @p0 .LBB2_19-.Ltmp8, $4  }
0x2b7: {  	v59 =	vld.idx.msk [tilespmem:v61+s15+$0x0], $0xffff;
	v36 =	vadd.f32 v14, v7;
	v61 =	vor.u32 v25, v11;
	v2 =	vadd.f32 v3, v2  }
0x2b8: {  	v63 =	vld.idx.msk [tilespmem:v49+s15+$0x0], $0xffff;
	v49 =	vadd.f32 v20, v9;
	v39 =	vadd.f32 v13, v6;
	v6 =	vmul.f32 v22, v18  }
0x2b9: {  	v58 =	vld.idx.msk [tilespmem:v58+s15+$0x0], $0xffff;
	v56 =	vadd.f32 v12, v8;
	v5 =	vadd.f32 v4, v5;
	v4 =	vmul.f32 v24, v18  }
0x2ba: {  	s3 =	sadd.s32 $0x2, s3;
	v1 =	vor.u32 v29, v11;
	v42 =	vadd.f32 v6, v16;
	v44 =	vld.idx.msk [tilespmem:v21+s12+$0x0], $0xffff;
	v3 =	vmul.f32 v10, v34  }
0x2bb: {  	_ =	sdelay $0x3  }
0x2bc: {  	v1 =	vld.idx.msk [tilespmem:v1+s15+$0x0], $0xffff  }
0x2bd: {  	v6 =	vld.idx.msk [tilespmem:v40+s15+$0x0], $0xffff  }
0x2be: {  	v7 =	vld.idx.msk [tilespmem:v38+s15+$0x0], $0xffff  }
0x2bf: {  	v8 =	vld.idx.msk [tilespmem:v57+s15+$0x0], $0xffff  }
0x2c0: {  	v10 =	vadd.f32 v41, v33;
	v11 =	vadd.f32 v32, v46;
	v12 =	vld.idx.msk [tilespmem:v43+s15+$0x0], $0xffff;
	v13 =	vmul.f32 v53, v34  }
0x2c1: {  	v14 =	vmul.f32 v62, v34;
	v5 =	vadd.f32 v47, v5;
	v15 =	vld.idx.msk [tilespmem:v61+s15+$0x0], $0xffff;
	v38 =	vmul.f32 v52, v34  }
0x2c2: {  	v16 =	vld.idx.msk [tilespmem:v50+s15+$0x0], $0xffff;
	v9 =	vmul.f32 v59, v34;
	v3 =	vadd.f32 v3, v60;
	v4 =	vadd.f32 v4, v11  }
0x2c3: {  	v17 =	vld.idx.msk [tilespmem:v54+s15+$0x0], $0xffff;
	v2 =	vadd.f32 v13, v2;
	v10 =	vadd.f32 v45, v10;
	v13 =	vmul.f32 v63, v34  }
0x2c4: {  	v19 =	vld.idx.msk [tilespmem:v35+s15+$0x0], $0xffff;
	v11 =	vadd.f32 v38, v56;
	v41 =	vmul.f32 v58, v34;
	v8 =	vmul.f32 v8, v44  }
0x2c5: {  	v20 =	vld.idx.msk [tilespmem:v51+s15+$0x0], $0xffff;
	v13 =	vadd.f32 v13, v39;
	v6 =	vmul.f32 v6, v34;
	v12 =	vmul.f32 v12, v44  }
0x2c6: {  	v21 =	vld.idx.msk [tilespmem:v37+s15+$0x0], $0xffff;
	s0 =	sshll.u32 s31, $0x9;
	v7 =	vmul.f32 v7, v34;
	v15 =	vmul.f32 v15, v44;
	v3 =	vadd.f32 v8, v3  }
0x2c7: {  	v40 =	vld.idx.msk [tilespmem:v48+s15+$0x0], $0xffff;
	s31 =	sand.u32 $0x3FFFFE00, s0;
	v16 =	vmul.f32 v16, v44;
	v2 =	vadd.f32 v12, v2;
	v6 =	vadd.f32 v6, v10  }
0x2c8: {  	v18 =	vmul.f32 v55, v44;
	v7 =	vadd.f32 v7, v36;
	v12 =	vadd.f32 v15, v13;
	[tilespmem:s31+$0x16E00] =	vst v3  }
0x2c9: {  	v4 =	vadd.f32 v9, v4;
	v3 =	vmul.f32 v19, v44;
	v6 =	vadd.f32 v16, v6;
	[tilespmem:s31+$0x16E10] =	vst v2  }
0x2ca: {  	v43 =	vmul.f32 v20, v44;
	v45 =	vmul.f32 v17, v44;
	v7 =	vadd.f32 v18, v7;
	[tilespmem:s31+$0x16E20] =	vst v12  }
0x2cb: {  	v2 =	vadd.f32 v41, v42;
	v12 =	vmul.f32 v21, v34;
	v3 =	vadd.f32 v3, v4;
	[tilespmem:s31+$0x16E30] =	vst v6  }
0x2cc: {  	v1 =	vmul.f32 v1, v44;
	v4 =	vadd.f32 v14, v49;
	v6 =	vadd.f32 v43, v11;
	[tilespmem:s31+$0x16E40] =	vst v7  }
0x2cd: {  	v7 =	vmul.f32 v40, v44;
	v2 =	vadd.f32 v45, v2;
	v5 =	vadd.f32 v12, v5;
	[tilespmem:s31+$0x16E50] =	vst v3  }
0x2ce: {  	v1 =	vadd.f32 v1, v4;
	[tilespmem:s31+$0x16E60] =	vst v6  }
0x2cf: {  	v3 =	vadd.f32 v7, v5;
	[tilespmem:s31+$0x16E70] =	vst v2  }
0x2d0: {  	[tilespmem:s31+$0x16E80] =	vst v1  }
0x2d1: {  	[tilespmem:s31+$0x16E90] =	vst v3  }
0x2d2: {  	_ =	swait.ge [sflag:s21], $0x3000  }
0x2d3: {  	[sflag:s21] =	ssyncset.done $0x0  }
0x2d4: {  	v25 =	vld [tilespmem:$0x1FE00];
	[sflag:s21] =	ssyncadd.s32 $0xFFFFD000  }
0x2d5: {  	v54 =	vld [tilespmem:$0x1FE50];
	_ =	swait.ge [sflag:s22], $0x3000  }
0x2d6: {  	v37 =	vld [tilespmem:$0x1FE60]  }
0x2d7: {  	s3 =	simm.s32 $0x0;
	v23 =	vlaneseq.u32;
	v43 =	vld [tilespmem:$0x1FFA0]  }
0x2d8: {  	v1 =	vadd.s32 s3, v23;
	v0 =	vld [tilespmem:$0x1FE90]  }
0x2d9: {  	s10 =	simm.s32 $0x1;
	v1 =	vand.u32 $0x7F, v1;
	v26 =	vld [tilespmem:$0x1FEB0]  }
0x2da: {  	v6 =	vadd.s32 s10, v23;
	v28 =	vld [tilespmem:$0x1FF90];
	v2 =	vor.u32 v25, v1  }
0x2db: {  	v6 =	vand.u32 $0x7F, v6;
	v29 =	vld [tilespmem:$0x1FE70];
	v3 =	vor.u32 v54, v1  }
0x2dc: {  	v31 =	vld [tilespmem:$0x1FEA0];
	v48 =	vor.u32 v25, v6  }
0x2dd: {  	[sflag:s22] =	ssyncset.done $0x0;
	v27 =	vld [tilespmem:$0x1FFB0];
	v53 =	vor.u32 v54, v6  }
0x2de: {  	v30 =	vld [tilespmem:$0x1FE80];
	[sflag:s22] =	ssyncadd.s32 $0xFFFFD000;
	v4 =	vor.u32 v37, v1  }
0x2df: {  	v5 =	vor.u32 v43, v1;
	v2 =	vld.idx.msk [tilespmem:v2+s12+$0x0], $0xffff  }
0x2e0: {  	v7 =	vor.u32 v0, v1;
	v3 =	vld.idx.msk [tilespmem:v3+s15+$0x0], $0xffff  }
0x2e1: {  	v46 =	vor.u32 v26, v1;
	v10 =	vld.idx.msk [tilespmem:v48+s12+$0x0], $0xffff  }
0x2e2: {  	v47 =	vor.u32 v28, v6;
	v21 =	vld.idx.msk [tilespmem:v53+s15+$0x0], $0xffff  }
0x2e3: {  	v49 =	vor.u32 v29, v1;
	v4 =	vld.idx.msk [tilespmem:v4+s15+$0x0], $0xffff  }
0x2e4: {  	v12 =	vor.u32 v31, v1;
	v5 =	vld.idx.msk [tilespmem:v5+s15+$0x0], $0xffff  }
0x2e5: {  	v13 =	vor.u32 v26, v6;
	v7 =	vld.idx.msk [tilespmem:v7+s15+$0x0], $0xffff  }
0x2e6: {  	v15 =	vor.u32 v30, v1;
	v8 =	vld.idx.msk [tilespmem:v46+s15+$0x0], $0xffff  }
0x2e7: {  	v16 =	vor.u32 v28, v1;
	v9 =	vld.idx.msk [tilespmem:v47+s15+$0x0], $0xffff  }
0x2e8: {  	v52 =	vor.u32 v29, v6;
	v11 =	vld.idx.msk [tilespmem:v49+s15+$0x0], $0xffff  }
0x2e9: {  	v51 =	vor.u32 v30, v6;
	v12 =	vld.idx.msk [tilespmem:v12+s15+$0x0], $0xffff  }
0x2ea: {  	v14 =	vor.u32 v27, v6;
	v22 =	vor.u32 v31, v6;
	v13 =	vld.idx.msk [tilespmem:v13+s15+$0x0], $0xffff  }
0x2eb: {  	v17 =	vor.u32 v43, v6;
	v50 =	vor.u32 v37, v6;
	v6 =	vor.u32 v0, v6;
	v15 =	vld.idx.msk [tilespmem:v15+s15+$0x0], $0xffff  }
0x2ec: {  	v16 =	vld.idx.msk [tilespmem:v16+s15+$0x0], $0xffff  }
0x2ed: {  	v20 =	vld.idx.msk [tilespmem:v52+s15+$0x0], $0xffff;
	v3 =	vmul.f32 v3, v2  }
0x2ee: {  	v19 =	vld.idx.msk [tilespmem:v51+s15+$0x0], $0xffff;
	v21 =	vmul.f32 v21, v10;
	v32 =	vmul.f32 v5, v2  }
0x2ef: {  	v33 =	vimm.f32 $0.0e+00;
	v22 =	vld.idx.msk [tilespmem:v22+s15+$0x0], $0xffff;
	v4 =	vmul.f32 v4, v2;
	v8 =	vmul.f32 v8, v2  }
0x2f0: {  	v1 =	vor.u32 v27, v1;
	v6 =	vld.idx.msk [tilespmem:v6+s15+$0x0], $0xffff;
	v7 =	vmul.f32 v7, v2;
	v11 =	vmul.f32 v11, v2  }
0x2f1: {  	s3 =	simm.s32 $0x3;
	v3 =	vadd.f32 v3, v33;
	v9 =	vmul.f32 v9, v10;
	v12 =	vmul.f32 v12, v2  }
0x2f2: {  	s10 =	simm.s32 $0x2;
	v5 =	vld.idx.msk [tilespmem:v14+s15+$0x0], $0xffff;
	v14 =	vadd.s32 s3, v23;
	v13 =	vmul.f32 v13, v10;
	v41 =	vmul.f32 v15, v2  }
0x2f3: {  	v23 =	vadd.s32 s10, v23;
	v15 =	vmul.f32 v16, v2;
	v20 =	vmul.f32 v20, v10  }
0x2f4: {  	v45 =	vmul.f32 v19, v10;
	v22 =	vmul.f32 v22, v10;
	v23 =	vand.u32 $0x7F, v23  }
0x2f5: {  	v6 =	vmul.f32 v6, v10;
	v14 =	vand.u32 $0x7F, v14;
	v24 =	vor.u32 v25, v23  }
0x2f6: {  	v4 =	vadd.f32 v4, v33;
	v8 =	vadd.f32 v8, v33;
	v55 =	vor.u32 v54, v23  }
0x2f7: {  	v17 =	vld.idx.msk [tilespmem:v17+s15+$0x0], $0xffff;
	v7 =	vadd.f32 v7, v33;
	v11 =	vadd.f32 v11, v33;
	v60 =	vor.u32 v37, v23  }
0x2f8: {  	v16 =	vld.idx.msk [tilespmem:v50+s15+$0x0], $0xffff;
	v12 =	vadd.f32 v12, v33;
	v46 =	vor.u32 v29, v23;
	v61 =	vor.u32 v43, v23  }
0x2f9: {  	v50 =	vld.idx.msk [tilespmem:v1+s15+$0x0], $0xffff;
	v40 =	vor.u32 v30, v23;
	v38 =	vor.u32 v28, v23;
	v62 =	vor.u32 v0, v23  }
0x2fa: {  	v58 =	vor.u32 v31, v23;
	v63 =	vor.u32 v26, v23;
	v15 =	vadd.f32 v15, v33;
	v34 =	vld.idx.msk [tilespmem:v24+s12+$0x0], $0xffff  }
0x2fb: {  	v51 =	vor.u32 v28, v14;
	v35 =	vor.u32 v43, v14;
	v43 =	vor.u32 v37, v14;
	v24 =	vld.idx.msk [tilespmem:v55+s15+$0x0], $0xffff  }
0x2fc: {  	v1 =	vor.u32 v26, v14;
	v47 =	vmul.f32 v5, v10;
	v5 =	vor.u32 v25, v14;
	v53 =	vld.idx.msk [tilespmem:v60+s15+$0x0], $0xffff  }
0x2fd: {  	v37 =	vor.u32 v27, v23;
	v48 =	vor.u32 v27, v14;
	v49 =	vor.u32 v30, v14;
	v59 =	vld.idx.msk [tilespmem:v61+s15+$0x0], $0xffff  }
0x2fe: {  	v57 =	vor.u32 v54, v14;
	v39 =	vadd.f32 v20, v11;
	v36 =	vadd.f32 v9, v15;
	v52 =	vld.idx.msk [tilespmem:v62+s15+$0x0], $0xffff  }
0x2ff: {  	v54 =	vor.u32 v31, v14;
	v42 =	vadd.f32 v22, v12;
	v56 =	vadd.f32 v6, v7;
	v62 =	vld.idx.msk [tilespmem:v63+s15+$0x0], $0xffff  }
0x300: {  	v15 =	vlaneseq.u32;
	v60 =	vadd.f32 v21, v3;
	v55 =	vld.idx.msk [tilespmem:v51+s15+$0x0], $0xffff;
	v3 =	vmul.f32 v16, v10  }
0x301: {  	v61 =	vor.u32 v29, v14;
	v51 =	vadd.f32 v13, v8;
	v44 =	vld.idx.msk [tilespmem:v5+s12+$0x0], $0xffff;
	v5 =	vmul.f32 v50, v2  }
0x302: {  	v63 =	vld.idx.msk [tilespmem:v46+s15+$0x0], $0xffff;
	v46 =	vimm.f32 $0.0e+00;
	v50 =	vor.u32 v0, v14;
	v2 =	vadd.f32 v3, v4  }
0x303: {  	s3 =	simm.s32 $0x4;
	v58 =	vld.idx.msk [tilespmem:v58+s15+$0x0], $0xffff;
	v4 =	vmul.f32 v17, v10;
	v3 =	vmul.f32 v24, v34;
	v5 =	vadd.f32 v5, v33  }
.LBB2_21:
0x304: {  	_ =	sdelay $0x3  }
0x305: {  	v1 =	vld.idx.msk [tilespmem:v1+s15+$0x0], $0xffff  }
0x306: {  	v10 =	vld.idx.msk [tilespmem:v48+s15+$0x0], $0xffff  }
0x307: {  	v12 =	vld.idx.msk [tilespmem:v40+s15+$0x0], $0xffff  }
0x308: {  	v6 =	vadd.f32 v41, v33;
	v7 =	vadd.f32 v32, v46;
	s0 =	smov.u32 s3;
	v13 =	vld.idx.msk [tilespmem:v61+s15+$0x0], $0xffff  }
0x309: {  	v17 =	vld.idx.msk [tilespmem:v49+s15+$0x0], $0xffff;
	s10 =	sadd.s32 $0x1, s0;
	v5 =	vadd.f32 v47, v5;
	v3 =	vadd.f32 v3, v60  }
0x30a: {  	v19 =	vld.idx.msk [tilespmem:v57+s15+$0x0], $0xffff;
	v11 =	vadd.s32 s10, v15;
	v46 =	vadd.f32 v4, v7;
	v33 =	vadd.f32 v45, v6  }
0x30b: {  	v22 =	vld.idx.msk [tilespmem:v54+s15+$0x0], $0xffff;
	v4 =	vmovc v34;
	v15 =	vadd.s32 s0, v15;
	v32 =	vmul.f32 v59, v34;
	v8 =	vmul.f32 v53, v34  }
0x30c: {  	v60 =	vld [tilespmem:$0x1FFA0];
	v15 =	vand.u32 $0x7F, v15;
	v9 =	vmul.f32 v62, v34;
	v59 =	vmul.f32 v52, v4  }
0x30d: {  	v7 =	vld.idx.msk [tilespmem:v38+s15+$0x0], $0xffff;
	v11 =	vand.u32 $0x7F, v11;
	v6 =	vmul.f32 v63, v4;
	v14 =	vmul.f32 v55, v44  }
0x30e: {  	v16 =	vmul.f32 v58, v4;
	v55 =	vld [tilespmem:$0x1FE50];
	v24 =	vor.u32 v29, v15;
	v40 =	vor.u32 v30, v15  }
0x30f: {  	v38 =	vor.u32 v28, v15;
	v62 =	vor.u32 v0, v15;
	v6 =	vadd.f32 v6, v39;
	v39 =	vld [tilespmem:$0x1FE00]  }
0x310: {  	v18 =	vmovc v44;
	v52 =	vld [tilespmem:$0x1FE60];
	v58 =	vor.u32 v31, v15;
	v63 =	vor.u32 v26, v15;
	v48 =	vor.u32 v27, v11  }
0x311: {  	v25 =	vld.idx.msk [tilespmem:v35+s15+$0x0], $0xffff;
	v49 =	vor.u32 v30, v11;
	v20 =	vmul.f32 v1, v18;
	v41 =	vmul.f32 v12, v4  }
0x312: {  	v44 =	vld.idx.msk [tilespmem:v43+s15+$0x0], $0xffff;
	v54 =	vor.u32 v31, v11;
	v13 =	vmul.f32 v13, v18;
	v19 =	vmul.f32 v19, v18  }
0x313: {  	v12 =	vld.idx.msk [tilespmem:v50+s15+$0x0], $0xffff;
	v47 =	vmul.f32 v10, v18;
	v45 =	vmul.f32 v17, v18;
	v21 =	vor.u32 v55, v15  }
0x314: {  	v50 =	vld.idx.msk [tilespmem:v37+s15+$0x0], $0xffff;
	v37 =	vor.u32 v27, v15;
	v2 =	vadd.f32 v8, v2;
	v1 =	vor.u32 v39, v15  }
0x315: {  	v61 =	vor.u32 v60, v15;
	v23 =	vor.u32 v52, v15;
	v43 =	vor.u32 v52, v11;
	v52 =	vld.idx.msk [tilespmem:v62+s15+$0x0], $0xffff  }
0x316: {  	v9 =	vadd.f32 v9, v51;
	v51 =	vor.u32 v28, v11;
	v7 =	vmul.f32 v7, v4;
	v62 =	vld.idx.msk [tilespmem:v63+s15+$0x0], $0xffff  }
0x317: {  	v8 =	vadd.f32 v59, v56;
	v16 =	vadd.f32 v16, v42;
	v35 =	vor.u32 v60, v11;
	v63 =	vld.idx.msk [tilespmem:v24+s15+$0x0], $0xffff  }
0x318: {  	v60 =	vadd.f32 v19, v3;
	v7 =	vadd.f32 v7, v36;
	v57 =	vor.u32 v55, v11;
	v10 =	vld.idx.msk [tilespmem:v21+s15+$0x0], $0xffff  }
0x319: {  	p0 =	slt.u32 s3, $0x7E;
	v3 =	vmul.f32 v44, v18;
	v12 =	vmul.f32 v12, v18;
	v21 =	vor.u32 v39, v11;
	v34 =	vld.idx.msk [tilespmem:v1+s12+$0x0], $0xffff  }
.Ltmp9:
0x31a: {  	v4 =	vmul.f32 v50, v4;
	v50 =	vor.u32 v0, v11;
	v59 =	vld.idx.msk [tilespmem:v61+s15+$0x0], $0xffff;
	v36 =	vadd.f32 v14, v7;
	(pc) =	sbr.rel @p0 .LBB2_21-.Ltmp9, $4  }
0x31b: {  	v55 =	vld.idx.msk [tilespmem:v51+s15+$0x0], $0xffff;
	v61 =	vor.u32 v29, v11;
	v2 =	vadd.f32 v3, v2;
	v51 =	vadd.f32 v20, v9  }
0x31c: {  	v58 =	vld.idx.msk [tilespmem:v58+s15+$0x0], $0xffff;
	v15 =	vlaneseq.u32;
	v39 =	vadd.f32 v13, v6;
	v6 =	vmul.f32 v22, v18  }
0x31d: {  	v56 =	vadd.f32 v12, v8;
	v5 =	vadd.f32 v4, v5;
	v4 =	vmul.f32 v25, v18;
	v53 =	vld.idx.msk [tilespmem:v23+s15+$0x0], $0xffff  }
0x31e: {  	s3 =	sadd.s32 $0x2, s3;
	v1 =	vor.u32 v26, v11;
	v42 =	vadd.f32 v6, v16;
	v44 =	vld.idx.msk [tilespmem:v21+s12+$0x0], $0xffff;
	v3 =	vmul.f32 v10, v34  }
0x31f: {  	_ =	sdelay $0x3  }
0x320: {  	v1 =	vld.idx.msk [tilespmem:v1+s15+$0x0], $0xffff  }
0x321: {  	v6 =	vld.idx.msk [tilespmem:v40+s15+$0x0], $0xffff  }
0x322: {  	v7 =	vld.idx.msk [tilespmem:v38+s15+$0x0], $0xffff  }
0x323: {  	v8 =	vld.idx.msk [tilespmem:v57+s15+$0x0], $0xffff  }
0x324: {  	v9 =	vmul.f32 v59, v34;
	v10 =	vadd.f32 v41, v33;
	v11 =	vadd.f32 v32, v46;
	v12 =	vld.idx.msk [tilespmem:v43+s15+$0x0], $0xffff  }
0x325: {  	v14 =	vmul.f32 v62, v34;
	v5 =	vadd.f32 v47, v5;
	v15 =	vld.idx.msk [tilespmem:v61+s15+$0x0], $0xffff;
	v46 =	vmul.f32 v52, v34  }
0x326: {  	v16 =	vld.idx.msk [tilespmem:v49+s15+$0x0], $0xffff;
	v3 =	vadd.f32 v3, v60;
	v4 =	vadd.f32 v4, v11;
	v13 =	vmul.f32 v53, v34  }
0x327: {  	v47 =	vmul.f32 v63, v34;
	v17 =	vld.idx.msk [tilespmem:v54+s15+$0x0], $0xffff;
	v10 =	vadd.f32 v45, v10;
	v11 =	vadd.f32 v46, v56  }
0x328: {  	v19 =	vld.idx.msk [tilespmem:v35+s15+$0x0], $0xffff;
	v49 =	vmul.f32 v58, v34;
	v2 =	vadd.f32 v13, v2;
	v8 =	vmul.f32 v8, v44  }
0x329: {  	v20 =	vld.idx.msk [tilespmem:v50+s15+$0x0], $0xffff;
	v13 =	vadd.f32 v47, v39;
	v6 =	vmul.f32 v6, v34;
	v12 =	vmul.f32 v12, v44  }
0x32a: {  	v21 =	vld.idx.msk [tilespmem:v37+s15+$0x0], $0xffff;
	v7 =	vmul.f32 v7, v34;
	v15 =	vmul.f32 v15, v44;
	v3 =	vadd.f32 v8, v3  }
0x32b: {  	v48 =	vld.idx.msk [tilespmem:v48+s15+$0x0], $0xffff;
	v16 =	vmul.f32 v16, v44;
	v2 =	vadd.f32 v12, v2;
	v6 =	vadd.f32 v6, v10  }
0x32c: {  	v18 =	vmul.f32 v55, v44;
	v7 =	vadd.f32 v7, v36;
	v50 =	vadd.f32 v15, v13;
	[tilespmem:s31+$0x16EA0] =	vst v3  }
0x32d: {  	v4 =	vadd.f32 v9, v4;
	v3 =	vmul.f32 v19, v44;
	v6 =	vadd.f32 v16, v6;
	[tilespmem:s31+$0x16EB0] =	vst v2  }
0x32e: {  	v52 =	vmul.f32 v20, v44;
	v53 =	vmul.f32 v17, v44;
	v7 =	vadd.f32 v18, v7;
	[tilespmem:s31+$0x16EC0] =	vst v50  }
0x32f: {  	v54 =	vmul.f32 v21, v34;
	v2 =	vadd.f32 v49, v42;
	v3 =	vadd.f32 v3, v4;
	[tilespmem:s31+$0x16ED0] =	vst v6  }
0x330: {  	v1 =	vmul.f32 v1, v44;
	v4 =	vadd.f32 v14, v51;
	v6 =	vadd.f32 v52, v11;
	[tilespmem:s31+$0x16EE0] =	vst v7  }
0x331: {  	v5 =	vadd.f32 v54, v5;
	v7 =	vmul.f32 v48, v44;
	v2 =	vadd.f32 v53, v2;
	[tilespmem:s31+$0x16EF0] =	vst v3  }
0x332: {  	v1 =	vadd.f32 v1, v4;
	[tilespmem:s31+$0x16F00] =	vst v6  }
0x333: {  	v4 =	vadd.f32 v7, v5;
	[tilespmem:s31+$0x16F10] =	vst v2  }
0x334: {  	v26 =	vld [tilespmem:$0x1FE00];
	[tilespmem:s31+$0x16F20] =	vst v1  }
0x335: {  	[tilespmem:s31+$0x16F30] =	vst v4  }
0x336: {  	v23 =	vlaneseq.u32;
	s0 =	simm.s32 $0x0;
	v50 =	vld [tilespmem:$0x1FEC0];
	_ =	swait.ge [sflag:s23], $0x3000  }
0x337: {  	v3 =	vadd.s32 s0, v23;
	v37 =	vld [tilespmem:$0x1FED0]  }
0x338: {  	v2 =	vand.u32 $0x7F, v3;
	v35 =	vld [tilespmem:$0x1FFD0]  }
0x339: {  	s10 =	simm.s32 $0x1;
	v1 =	vor.u32 v26, v2;
	v51 =	vld [tilespmem:$0x1FF00]  }
0x33a: {  	s3 =	simm.s32 $0x3;
	v6 =	vadd.s32 s10, v23;
	s10 =	simm.s32 $0x2;
	v31 =	vld [tilespmem:$0x1FFE0]  }
0x33b: {  	v54 =	vadd.s32 s3, v23;
	v23 =	vadd.s32 s10, v23;
	v30 =	vld [tilespmem:$0x1FFC0]  }
0x33c: {  	v3 =	vor.u32 v50, v2;
	v23 =	vand.u32 $0x7F, v23;
	[sflag:s23] =	ssyncset.done $0x0;
	v28 =	vld [tilespmem:$0x1FEE0]  }
0x33d: {  	v24 =	vor.u32 v26, v23;
	v27 =	vld [tilespmem:$0x1FF10];
	[sflag:s23] =	ssyncadd.s32 $0xFFFFD000  }
0x33e: {  	v25 =	vor.u32 v50, v23;
	v9 =	vld.idx.msk [tilespmem:v1+s12+$0x0], $0xffff;
	v1 =	vand.u32 $0x7F, v6  }
0x33f: {  	v0 =	vld [tilespmem:$0x1FFF0];
	v56 =	vor.u32 v26, v1  }
0x340: {  	v29 =	vld [tilespmem:$0x1FEF0];
	v53 =	vor.u32 v50, v1  }
0x341: {  	v3 =	vld.idx.msk [tilespmem:v3+s15+$0x0], $0xffff;
	v4 =	vor.u32 v37, v2  }
0x342: {  	v34 =	vld.idx.msk [tilespmem:v24+s12+$0x0], $0xffff;
	v5 =	vor.u32 v35, v2  }
0x343: {  	v24 =	vld.idx.msk [tilespmem:v25+s15+$0x0], $0xffff;
	v7 =	vor.u32 v51, v2  }
0x344: {  	v55 =	vor.u32 v31, v2;
	v10 =	vld.idx.msk [tilespmem:v56+s12+$0x0], $0xffff  }
0x345: {  	v6 =	vor.u32 v30, v1;
	v21 =	vld.idx.msk [tilespmem:v53+s15+$0x0], $0xffff  }
0x346: {  	v57 =	vor.u32 v28, v2;
	v4 =	vld.idx.msk [tilespmem:v4+s15+$0x0], $0xffff  }
0x347: {  	v58 =	vor.u32 v27, v2;
	v5 =	vld.idx.msk [tilespmem:v5+s15+$0x0], $0xffff  }
0x348: {  	v59 =	vor.u32 v31, v1;
	v7 =	vld.idx.msk [tilespmem:v7+s15+$0x0], $0xffff  }
0x349: {  	v33 =	vimm.f32 $0.0e+00;
	v14 =	vand.u32 $0x7F, v54;
	v61 =	vor.u32 v29, v2;
	v8 =	vld.idx.msk [tilespmem:v55+s15+$0x0], $0xffff  }
0x34a: {  	v60 =	vor.u32 v0, v1;
	v62 =	vor.u32 v30, v2;
	v63 =	vor.u32 v35, v1;
	v6 =	vld.idx.msk [tilespmem:v6+s15+$0x0], $0xffff  }
0x34b: {  	v48 =	vor.u32 v37, v1;
	v2 =	vor.u32 v0, v2;
	v52 =	vor.u32 v28, v1;
	v11 =	vld.idx.msk [tilespmem:v57+s15+$0x0], $0xffff  }
0x34c: {  	v49 =	vor.u32 v29, v1;
	v22 =	vor.u32 v27, v1;
	v1 =	vor.u32 v51, v1;
	v12 =	vld.idx.msk [tilespmem:v58+s15+$0x0], $0xffff  }
0x34d: {  	v46 =	vor.u32 v28, v23;
	v40 =	vor.u32 v29, v23;
	v3 =	vmul.f32 v3, v9;
	v13 =	vld.idx.msk [tilespmem:v59+s15+$0x0], $0xffff  }
0x34e: {  	v38 =	vor.u32 v30, v23;
	v25 =	vor.u32 v30, v14;
	v43 =	vor.u32 v37, v14;
	v15 =	vld.idx.msk [tilespmem:v61+s15+$0x0], $0xffff  }
0x34f: {  	v54 =	vor.u32 v27, v14;
	v3 =	vadd.f32 v3, v33;
	v16 =	vld.idx.msk [tilespmem:v62+s15+$0x0], $0xffff;
	v55 =	vor.u32 v37, v23  }
0x350: {  	v20 =	vld.idx.msk [tilespmem:v52+s15+$0x0], $0xffff;
	v61 =	vor.u32 v51, v23;
	v58 =	vor.u32 v27, v23;
	v21 =	vmul.f32 v21, v10  }
0x351: {  	v19 =	vld.idx.msk [tilespmem:v49+s15+$0x0], $0xffff;
	v62 =	vor.u32 v31, v23;
	v32 =	vmul.f32 v5, v9;
	v4 =	vmul.f32 v4, v9  }
0x352: {  	v22 =	vld.idx.msk [tilespmem:v22+s15+$0x0], $0xffff;
	v37 =	vor.u32 v0, v23;
	v8 =	vmul.f32 v8, v9;
	v7 =	vmul.f32 v7, v9  }
0x353: {  	v49 =	vor.u32 v29, v14;
	v5 =	vld.idx.msk [tilespmem:v60+s15+$0x0], $0xffff;
	v11 =	vmul.f32 v11, v9;
	v6 =	vmul.f32 v6, v10  }
0x354: {  	v17 =	vld.idx.msk [tilespmem:v63+s15+$0x0], $0xffff;
	v57 =	vor.u32 v50, v14;
	v12 =	vmul.f32 v12, v9;
	v13 =	vmul.f32 v13, v10  }
0x355: {  	v50 =	vor.u32 v51, v14;
	v41 =	vmul.f32 v15, v9;
	v15 =	vld.idx.msk [tilespmem:v1+s15+$0x0], $0xffff;
	v1 =	vmul.f32 v16, v9  }
0x356: {  	v2 =	vld.idx.msk [tilespmem:v2+s15+$0x0], $0xffff;
	v60 =	vor.u32 v35, v23;
	v20 =	vmul.f32 v20, v10;
	v35 =	vor.u32 v35, v14  }
0x357: {  	v16 =	vld.idx.msk [tilespmem:v48+s15+$0x0], $0xffff;
	v45 =	vmul.f32 v19, v10;
	v22 =	vmul.f32 v22, v10;
	v4 =	vadd.f32 v4, v33  }
0x358: {  	v53 =	vld.idx.msk [tilespmem:v55+s15+$0x0], $0xffff;
	v8 =	vadd.f32 v8, v33;
	v47 =	vmul.f32 v5, v10;
	v5 =	vor.u32 v26, v14  }
0x359: {  	v52 =	vld.idx.msk [tilespmem:v61+s15+$0x0], $0xffff;
	v48 =	vor.u32 v0, v14;
	v11 =	vadd.f32 v11, v33;
	v63 =	vadd.f32 v1, v33  }
0x35a: {  	v62 =	vld.idx.msk [tilespmem:v62+s15+$0x0], $0xffff;
	v61 =	vor.u32 v28, v14;
	v7 =	vadd.f32 v7, v33;
	v12 =	vadd.f32 v12, v33  }
0x35b: {  	v55 =	vld.idx.msk [tilespmem:v25+s15+$0x0], $0xffff;
	v1 =	vor.u32 v31, v14;
	v39 =	vadd.f32 v20, v11;
	v36 =	vadd.f32 v6, v63  }
0x35c: {  	v59 =	vld.idx.msk [tilespmem:v60+s15+$0x0], $0xffff;
	v15 =	vmul.f32 v15, v10;
	v60 =	vadd.f32 v21, v3;
	v3 =	vmul.f32 v16, v10  }
0x35d: {  	v42 =	vadd.f32 v22, v12;
	v51 =	vadd.f32 v13, v8;
	v44 =	vld.idx.msk [tilespmem:v5+s12+$0x0], $0xffff;
	v5 =	vmul.f32 v2, v9  }
0x35e: {  	v63 =	vld.idx.msk [tilespmem:v46+s15+$0x0], $0xffff;
	v46 =	vimm.f32 $0.0e+00;
	v56 =	vadd.f32 v15, v7;
	v2 =	vadd.f32 v3, v4  }
0x35f: {  	s3 =	simm.s32 $0x4;
	v58 =	vld.idx.msk [tilespmem:v58+s15+$0x0], $0xffff;
	v3 =	vmul.f32 v24, v34;
	v4 =	vmul.f32 v17, v10;
	v5 =	vadd.f32 v5, v33  }
.LBB2_23:
0x360: {  	_ =	sdelay $0x1  }
0x361: {  	v1 =	vld.idx.msk [tilespmem:v1+s15+$0x0], $0xffff  }
0x362: {  	v10 =	vld.idx.msk [tilespmem:v48+s15+$0x0], $0xffff  }
0x363: {  	v12 =	vld.idx.msk [tilespmem:v40+s15+$0x0], $0xffff  }
0x364: {  	v13 =	vld.idx.msk [tilespmem:v61+s15+$0x0], $0xffff  }
0x365: {  	v17 =	vld.idx.msk [tilespmem:v49+s15+$0x0], $0xffff  }
0x366: {  	v19 =	vld.idx.msk [tilespmem:v57+s15+$0x0], $0xffff  }
0x367: {  	v6 =	vadd.f32 v41, v33;
	s0 =	smov.u32 s3;
	v22 =	vld.idx.msk [tilespmem:v54+s15+$0x0], $0xffff  }
0x368: {  	v7 =	vadd.f32 v32, v46;
	v15 =	vlaneseq.u32;
	v48 =	vld [tilespmem:$0x1FED0];
	s10 =	sadd.s32 $0x1, s0;
	v5 =	vadd.f32 v47, v5  }
0x369: {  	v25 =	vld.idx.msk [tilespmem:v43+s15+$0x0], $0xffff;
	v3 =	vadd.f32 v3, v60;
	v32 =	vmul.f32 v59, v34;
	v11 =	vadd.s32 s10, v15  }
0x36a: {  	v43 =	vld [tilespmem:$0x1FFD0];
	v46 =	vadd.f32 v4, v7;
	v33 =	vadd.f32 v45, v6;
	v15 =	vadd.s32 s0, v15  }
0x36b: {  	v31 =	vld [tilespmem:$0x1FF00];
	v4 =	vmovc v34;
	v15 =	vand.u32 $0x7F, v15;
	v8 =	vmul.f32 v53, v34;
	v9 =	vmul.f32 v62, v34  }
0x36c: {  	v7 =	vld.idx.msk [tilespmem:v38+s15+$0x0], $0xffff;
	v11 =	vand.u32 $0x7F, v11;
	v59 =	vmul.f32 v52, v4;
	v6 =	vmul.f32 v63, v4  }
0x36d: {  	v14 =	vmul.f32 v55, v44;
	v16 =	vmul.f32 v58, v4;
	v55 =	vld [tilespmem:$0x1FEC0];
	v24 =	vor.u32 v28, v15  }
0x36e: {  	v40 =	vor.u32 v29, v15;
	v38 =	vor.u32 v30, v15;
	v6 =	vadd.f32 v6, v39;
	v39 =	vld [tilespmem:$0x1FE00]  }
0x36f: {  	v18 =	vmovc v44;
	v58 =	vor.u32 v27, v15;
	v49 =	vor.u32 v29, v11;
	v54 =	vor.u32 v27, v11  }
0x370: {  	v26 =	vld.idx.msk [tilespmem:v35+s15+$0x0], $0xffff;
	v20 =	vmul.f32 v1, v18;
	v23 =	vor.u32 v48, v15;
	v41 =	vmul.f32 v12, v4  }
0x371: {  	v62 =	vld [tilespmem:$0x1FFE0];
	v60 =	vor.u32 v43, v15;
	v61 =	vor.u32 v31, v15;
	v13 =	vmul.f32 v13, v18  }
0x372: {  	v12 =	vld.idx.msk [tilespmem:v50+s15+$0x0], $0xffff;
	v19 =	vmul.f32 v19, v18;
	v47 =	vmul.f32 v10, v18;
	v21 =	vor.u32 v55, v15  }
0x373: {  	v50 =	vld.idx.msk [tilespmem:v37+s15+$0x0], $0xffff;
	v35 =	vor.u32 v43, v11;
	v45 =	vmul.f32 v17, v18;
	v1 =	vor.u32 v39, v15  }
0x374: {  	v43 =	vor.u32 v48, v11;
	v37 =	vor.u32 v0, v15;
	v48 =	vor.u32 v0, v11;
	v58 =	vld.idx.msk [tilespmem:v58+s15+$0x0], $0xffff  }
0x375: {  	v9 =	vadd.f32 v9, v51;
	v51 =	vor.u32 v30, v11;
	v7 =	vmul.f32 v7, v4;
	v53 =	vld.idx.msk [tilespmem:v23+s15+$0x0], $0xffff  }
0x376: {  	v2 =	vadd.f32 v8, v2;
	v8 =	vadd.f32 v59, v56;
	v63 =	vor.u32 v62, v15;
	v59 =	vld.idx.msk [tilespmem:v60+s15+$0x0], $0xffff  }
0x377: {  	v16 =	vadd.f32 v16, v42;
	v7 =	vadd.f32 v7, v36;
	v57 =	vor.u32 v55, v11;
	v10 =	vld.idx.msk [tilespmem:v21+s15+$0x0], $0xffff  }
0x378: {  	p0 =	slt.u32 s3, $0x7E;
	v12 =	vmul.f32 v12, v18;
	v60 =	vadd.f32 v19, v3;
	v21 =	vor.u32 v39, v11;
	v34 =	vld.idx.msk [tilespmem:v1+s12+$0x0], $0xffff  }
.Ltmp10:
0x379: {  	v52 =	vld.idx.msk [tilespmem:v61+s15+$0x0], $0xffff;
	v3 =	vmul.f32 v25, v18;
	v61 =	vor.u32 v28, v11;
	v36 =	vadd.f32 v14, v7;
	(pc) =	sbr.rel @p0 .LBB2_23-.Ltmp10, $4  }
0x37a: {  	v4 =	vmul.f32 v50, v4;
	v55 =	vld.idx.msk [tilespmem:v51+s15+$0x0], $0xffff;
	v51 =	vadd.f32 v20, v9;
	v56 =	vadd.f32 v12, v8  }
0x37b: {  	v39 =	vadd.f32 v13, v6;
	v6 =	vmul.f32 v22, v18;
	v1 =	vor.u32 v62, v11;
	v62 =	vld.idx.msk [tilespmem:v63+s15+$0x0], $0xffff  }
0x37c: {  	v50 =	vor.u32 v31, v11;
	v2 =	vadd.f32 v3, v2;
	v5 =	vadd.f32 v4, v5;
	v63 =	vld.idx.msk [tilespmem:v24+s15+$0x0], $0xffff  }
0x37d: {  	s3 =	sadd.s32 $0x2, s3;
	v4 =	vmul.f32 v26, v18;
	v42 =	vadd.f32 v6, v16;
	v44 =	vld.idx.msk [tilespmem:v21+s12+$0x0], $0xffff;
	v3 =	vmul.f32 v10, v34  }
0x37e: {  	_ =	sdelay $0x3  }
0x37f: {  	v1 =	vld.idx.msk [tilespmem:v1+s15+$0x0], $0xffff  }
0x380: {  	v6 =	vld.idx.msk [tilespmem:v40+s15+$0x0], $0xffff  }
0x381: {  	v7 =	vld.idx.msk [tilespmem:v38+s15+$0x0], $0xffff  }
0x382: {  	v8 =	vld.idx.msk [tilespmem:v57+s15+$0x0], $0xffff;
	v9 =	vmul.f32 v59, v34  }
0x383: {  	v10 =	vadd.f32 v41, v33;
	v11 =	vadd.f32 v32, v46;
	v12 =	vld.idx.msk [tilespmem:v43+s15+$0x0], $0xffff;
	v13 =	vmul.f32 v53, v34  }
0x384: {  	v5 =	vadd.f32 v47, v5;
	v15 =	vld.idx.msk [tilespmem:v61+s15+$0x0], $0xffff;
	v52 =	vmul.f32 v52, v34;
	v3 =	vadd.f32 v3, v60  }
0x385: {  	v20 =	vld.idx.msk [tilespmem:v50+s15+$0x0], $0xffff;
	v14 =	vmul.f32 v62, v34;
	v4 =	vadd.f32 v4, v11;
	v2 =	vadd.f32 v13, v2  }
0x386: {  	v16 =	vld.idx.msk [tilespmem:v49+s15+$0x0], $0xffff;
	v11 =	vadd.f32 v52, v56;
	v56 =	vmul.f32 v58, v34;
	v53 =	vmul.f32 v63, v34  }
0x387: {  	v17 =	vld.idx.msk [tilespmem:v54+s15+$0x0], $0xffff;
	v10 =	vadd.f32 v45, v10;
	v18 =	vmul.f32 v55, v44;
	v8 =	vmul.f32 v8, v44  }
0x388: {  	v19 =	vld.idx.msk [tilespmem:v35+s15+$0x0], $0xffff;
	v4 =	vadd.f32 v9, v4;
	v61 =	vadd.f32 v14, v51;
	v12 =	vmul.f32 v12, v44  }
0x389: {  	v21 =	vld.idx.msk [tilespmem:v37+s15+$0x0], $0xffff;
	v13 =	vadd.f32 v53, v39;
	v15 =	vmul.f32 v15, v44;
	v3 =	vadd.f32 v8, v3  }
0x38a: {  	v55 =	vld.idx.msk [tilespmem:v48+s15+$0x0], $0xffff;
	v6 =	vmul.f32 v6, v34;
	v58 =	vmul.f32 v20, v44;
	v2 =	vadd.f32 v12, v2  }
0x38b: {  	v7 =	vmul.f32 v7, v34;
	v1 =	vmul.f32 v1, v44;
	v57 =	vadd.f32 v15, v13;
	[tilespmem:s31+$0x16F40] =	vst v3  }
0x38c: {  	v25 =	vld [tilespmem:$0x1FF30];
	v16 =	vmul.f32 v16, v44;
	v6 =	vadd.f32 v6, v10;
	v62 =	vadd.f32 v58, v11;
	[tilespmem:s31+$0x16F50] =	vst v2  }
0x38d: {  	v26 =	vld [tilespmem:$0x1FE20];
	v7 =	vadd.f32 v7, v36;
	v1 =	vadd.f32 v1, v61;
	[tilespmem:s31+$0x16F60] =	vst v57  }
0x38e: {  	s30 =	sadd.s32 $0x1, s30;
	v30 =	vld [tilespmem:$0x1FE30];
	v60 =	vmul.f32 v21, v34;
	v3 =	vmul.f32 v19, v44;
	v6 =	vadd.f32 v16, v6;
	[tilespmem:s31+$0x16FA0] =	vst v62  }
0x38f: {  	v27 =	vld [tilespmem:$0x1FF80];
	p0 =	sne.s32 s30, $0x8;
	v59 =	vmul.f32 v17, v44;
	v2 =	vadd.f32 v56, v42;
	v7 =	vadd.f32 v18, v7;
	[tilespmem:s31+$0x16FC0] =	vst v1  }
.Ltmp11:
0x390: {  	v29 =	vld [tilespmem:$0x1FF40];
	v5 =	vadd.f32 v60, v5;
	v63 =	vmul.f32 v55, v44;
	v3 =	vadd.f32 v3, v4;
	[tilespmem:s31+$0x16F70] =	vst v6;
	(pc) =	sbr.rel @p0 .LBB2_18-.Ltmp11, $4  }
0x391: {  	v22 =	vld [tilespmem:$0x1FF50];
	[tilespmem:s31+$0x16F80] =	vst v7;
	v2 =	vadd.f32 v59, v2  }
0x392: {  	v24 =	vld [tilespmem:$0x1FF60];
	[tilespmem:s31+$0x16F90] =	vst v3;
	v3 =	vadd.f32 v63, v5  }
0x393: {  	v0 =	vld [tilespmem:$0x1FF70];
	[tilespmem:s31+$0x16FB0] =	vst v2  }
0x394: {  	v20 =	vld [tilespmem:$0x1FF20];
	v19 =	vlaneseq.u32;
	[tilespmem:s31+$0x16FD0] =	vst v3  }
0x395: {  	[tilespmem:s12], [sflag:$0x1] =	stream.indirect.gather [hbm4b:s1+s11], $0x80, s25, s11, $0xb8;
	[tilespmem:$0x1AE00] =	vst v63  }
0x396: {  	_ =	swait.ge [sflag:s13], $0x4000  }
0x397: {  	[sflag:s13] =	ssyncset.done $0x0  }
0x398: {  	s29 =	simm.s32 $0x0;
	s30 =	simm.s32 $0x0;
	v34 =	vld [tilespmem:$0x1FE40];
	[sflag:s13] =	ssyncadd.s32 $0xFFFFC000  }
.LBB2_26:
0x399: {  	s31 =	sor.u32 $0x18, s30  }
0x39a: {  	s0 =	smul.u32 $0x780, s31;
	_ =	sdelay $0x1  }
0x39b: {  	s0 =	sshra.s32 s0, $0x2  }
0x39c: {  	s3 =	sadd.s32 $0x200, s0  }
0x39d: {  	[tilespmem:s15], [sflag:$0x1] =	stream.indirect.gather [hbm4b:s2+s14], $0x80, s3, s14, $0xb8;
	[tilespmem:$0x1AE00] =	vst v63  }
0x39e: {  	s10 =	sadd.s32 $0x260, s0  }
0x39f: {  	[tilespmem:s16], [sflag:$0x2] =	stream.indirect.gather [hbm4b:s2+s14], $0x80, s10, s14, $0xb8;
	[tilespmem:$0x1AE00] =	vst v63  }
0x3a0: {  	s10 =	sadd.s32 $0x2C0, s0  }
0x3a1: {  	[tilespmem:s17], [sflag:$0x3] =	stream.indirect.gather [hbm4b:s2+s14], $0x80, s10, s14, $0xb8;
	[tilespmem:$0x1AE00] =	vst v63  }
0x3a2: {  	s10 =	sadd.s32 $0x320, s0  }
0x3a3: {  	[tilespmem:s18], [sflag:$0x4] =	stream.indirect.gather [hbm4b:s2+s14], $0x80, s10, s14, $0xb8;
	[tilespmem:$0x1AE00] =	vst v63  }
0x3a4: {  	s10 =	sshll.u32 s31, $0x4  }
0x3a5: {  	s0 =	sadd.s32 $0x380, s0;
	s3 =	sadd.s32 $0xFFFFFE80, s10;
	s10 =	simm.s32 $0x1  }
0x3a6: {  	[tilespmem:s19], [sflag:$0x5] =	stream.indirect.gather [hbm4b:s2+s14], $0x80, s0, s14, $0xb8;
	v6 =	vadd.s32 s10, v19;
	[tilespmem:$0x1AE00] =	vst v63  }
0x3a7: {  	_ =	swait.ge [sflag:s13], $0x3000;
	v6 =	vand.u32 $0x7F, v6  }
0x3a8: {  	v1 =	vmov s3;
	[sflag:s13] =	ssyncset.done $0x0;
	v9 =	vor.u32 v29, v6  }
0x3a9: {  	v2 =	vadd.s32 s29, v19;
	v1 =	vshll.u32 v1, $0x7;
	v13 =	vor.u32 v0, v6;
	[sflag:s13] =	ssyncadd.s32 $0xFFFFD000  }
0x3aa: {  	v37 =	vor.u32 v20, v1;
	v1 =	vand.u32 $0x7F, v2;
	v58 =	vor.u32 v26, v6;
	_ =	swait.ge [sflag:s20], $0x3000  }
0x3ab: {  	v35 =	vmovc v26;
	v57 =	vor.u32 v27, v6;
	v11 =	vor.u32 v26, v1;
	v26 =	vmov v22;
	[sflag:s20] =	ssyncset.done $0x0  }
0x3ac: {  	v2 =	vor.u32 v37, v1;
	v43 =	vmov v26;
	v26 =	vld [tilespmem:$0x1FF30];
	[sflag:s20] =	ssyncadd.s32 $0xFFFFD000  }
0x3ad: {  	v3 =	vor.u32 v20, v1;
	v9 =	vld.idx.msk [tilespmem:v9+s15+$0x0], $0xffff  }
0x3ae: {  	v4 =	vor.u32 v25, v1;
	v13 =	vld.idx.msk [tilespmem:v13+s15+$0x0], $0xffff  }
0x3af: {  	v36 =	vmov v20;
	v5 =	vor.u32 v22, v1;
	v20 =	vld.idx.msk [tilespmem:v58+s15+$0x0], $0xffff  }
0x3b0: {  	v7 =	vor.u32 v24, v1;
	v19 =	vld.idx.msk [tilespmem:v57+s15+$0x0], $0xffff  }
0x3b1: {  	v8 =	vor.u32 v0, v1;
	v2 =	vld.idx.msk [tilespmem:v2+s12+$0x0], $0xffff  }
0x3b2: {  	v10 =	vor.u32 v37, v6;
	v3 =	vld.idx.msk [tilespmem:v3+s15+$0x0], $0xffff  }
0x3b3: {  	v4 =	vld.idx.msk [tilespmem:v4+s15+$0x0], $0xffff  }
0x3b4: {  	v12 =	vor.u32 v30, v1;
	v5 =	vld.idx.msk [tilespmem:v5+s15+$0x0], $0xffff  }
0x3b5: {  	v23 =	vlaneseq.u32;
	s3 =	simm.s32 $0x3;
	s10 =	simm.s32 $0x2;
	v15 =	vor.u32 v27, v1;
	v7 =	vld.idx.msk [tilespmem:v7+s15+$0x0], $0xffff  }
0x3b6: {  	v51 =	vmovc v30;
	v28 =	vmovc v24;
	v60 =	vadd.s32 s3, v23;
	v23 =	vadd.s32 s10, v23;
	v16 =	vor.u32 v29, v1;
	v8 =	vld.idx.msk [tilespmem:v8+s15+$0x0], $0xffff  }
0x3b7: {  	v14 =	vor.u32 v34, v6;
	v17 =	vor.u32 v22, v6;
	v21 =	vor.u32 v36, v6;
	v10 =	vld.idx.msk [tilespmem:v10+s12+$0x0], $0xffff  }
0x3b8: {  	v31 =	vmovc v29;
	v18 =	vor.u32 v25, v6;
	v59 =	vor.u32 v30, v6;
	v23 =	vand.u32 $0x7F, v23;
	v11 =	vld.idx.msk [tilespmem:v11+s15+$0x0], $0xffff  }
0x3b9: {  	v1 =	vor.u32 v34, v1;
	v6 =	vor.u32 v24, v6;
	v24 =	vor.u32 v37, v23;
	v12 =	vld.idx.msk [tilespmem:v12+s15+$0x0], $0xffff  }
0x3ba: {  	v33 =	vimm.f32 $0.0e+00;
	v44 =	vmovc v27;
	v25 =	vor.u32 v36, v23;
	v30 =	vmovc v0;
	v63 =	vor.u32 v28, v23;
	v15 =	vld.idx.msk [tilespmem:v15+s15+$0x0], $0xffff  }
0x3bb: {  	v46 =	vor.u32 v35, v23;
	v40 =	vor.u32 v44, v23;
	v16 =	vld.idx.msk [tilespmem:v16+s15+$0x0], $0xffff;
	v3 =	vmul.f32 v3, v2  }
0x3bc: {  	v38 =	vor.u32 v31, v23;
	v21 =	vld.idx.msk [tilespmem:v21+s15+$0x0], $0xffff;
	v32 =	vmul.f32 v5, v2;
	v4 =	vmul.f32 v4, v2  }
0x3bd: {  	v42 =	vor.u32 v30, v23;
	v22 =	vld.idx.msk [tilespmem:v59+s15+$0x0], $0xffff;
	v8 =	vmul.f32 v8, v2;
	v7 =	vmul.f32 v7, v2  }
0x3be: {  	v62 =	vor.u32 v43, v23;
	v6 =	vld.idx.msk [tilespmem:v6+s15+$0x0], $0xffff;
	v11 =	vmul.f32 v11, v2;
	v9 =	vmul.f32 v9, v10  }
0x3bf: {  	v58 =	vor.u32 v51, v23;
	v52 =	vld.idx.msk [tilespmem:v63+s15+$0x0], $0xffff;
	v12 =	vmul.f32 v12, v2;
	v13 =	vmul.f32 v13, v10  }
0x3c0: {  	v29 =	vmovc v34;
	v27 =	vmovc v36;
	v63 =	vld.idx.msk [tilespmem:v46+s15+$0x0], $0xffff;
	v46 =	vimm.f32 $0.0e+00;
	v41 =	vmul.f32 v15, v2;
	v61 =	vmul.f32 v16, v2  }
0x3c1: {  	v26 =	vor.u32 v26, v23;
	v5 =	vld.idx.msk [tilespmem:v14+s15+$0x0], $0xffff;
	v20 =	vmul.f32 v20, v10;
	v21 =	vmul.f32 v21, v10  }
0x3c2: {  	v0 =	vmovc v35;
	v34 =	vld.idx.msk [tilespmem:v24+s12+$0x0], $0xffff;
	v14 =	vand.u32 $0x7F, v60;
	v45 =	vmul.f32 v19, v10;
	v22 =	vmul.f32 v22, v10  }
0x3c3: {  	v24 =	vld.idx.msk [tilespmem:v25+s15+$0x0], $0xffff;
	v6 =	vmul.f32 v6, v10;
	v25 =	vor.u32 v31, v14;
	v35 =	vor.u32 v43, v14  }
0x3c4: {  	v49 =	vld.idx.msk [tilespmem:v1+s15+$0x0], $0xffff;
	v1 =	vor.u32 v30, v14;
	v48 =	vor.u32 v29, v14;
	v50 =	vor.u32 v44, v14  }
0x3c5: {  	v16 =	vld.idx.msk [tilespmem:v18+s15+$0x0], $0xffff;
	v57 =	vor.u32 v27, v14;
	v3 =	vadd.f32 v3, v33;
	v4 =	vadd.f32 v4, v33  }
0x3c6: {  	v8 =	vadd.f32 v8, v33;
	v53 =	vld.idx.msk [tilespmem:v26+s15+$0x0], $0xffff;
	v47 =	vmul.f32 v5, v10;
	v5 =	vor.u32 v37, v14  }
0x3c7: {  	[tilespmem:$0x1FDF0] =	vst v37;
	v54 =	vor.u32 v51, v14;
	v11 =	vadd.f32 v11, v33;
	v15 =	vadd.f32 v61, v33;
	v26 =	vld [tilespmem:$0x1FF30]  }
0x3c8: {  	v17 =	vld.idx.msk [tilespmem:v17+s15+$0x0], $0xffff;
	v51 =	vor.u32 v28, v14;
	v7 =	vadd.f32 v7, v33;
	v12 =	vadd.f32 v12, v33  }
0x3c9: {  	v59 =	vld.idx.msk [tilespmem:v62+s15+$0x0], $0xffff;
	v61 =	vor.u32 v0, v14;
	v39 =	vadd.f32 v20, v11;
	v36 =	vadd.f32 v9, v15  }
0x3ca: {  	v62 =	vld.idx.msk [tilespmem:v42+s15+$0x0], $0xffff;
	v60 =	vadd.f32 v21, v3;
	v42 =	vadd.f32 v22, v12;
	v3 =	vmul.f32 v16, v10  }
0x3cb: {  	v56 =	vadd.f32 v6, v7;
	v37 =	vor.u32 v29, v23;
	v44 =	vld.idx.msk [tilespmem:v5+s12+$0x0], $0xffff;
	v5 =	vmul.f32 v49, v2  }
0x3cc: {  	v58 =	vld.idx.msk [tilespmem:v58+s15+$0x0], $0xffff;
	v43 =	vor.u32 v26, v14;
	v2 =	vadd.f32 v3, v4;
	v49 =	vadd.f32 v13, v8  }
0x3cd: {  	s3 =	simm.s32 $0x4;
	v55 =	vld.idx.msk [tilespmem:v25+s15+$0x0], $0xffff;
	v3 =	vmul.f32 v24, v34;
	v4 =	vmul.f32 v17, v10;
	v5 =	vadd.f32 v5, v33  }
.LBB2_27:
0x3ce: {  	_ =	sdelay $0x3  }
0x3cf: {  	v1 =	vld.idx.msk [tilespmem:v1+s15+$0x0], $0xffff  }
0x3d0: {  	v10 =	vld.idx.msk [tilespmem:v48+s15+$0x0], $0xffff  }
0x3d1: {  	v12 =	vld.idx.msk [tilespmem:v40+s15+$0x0], $0xffff  }
0x3d2: {  	v13 =	vld.idx.msk [tilespmem:v61+s15+$0x0], $0xffff  }
0x3d3: {  	v17 =	vld.idx.msk [tilespmem:v50+s15+$0x0], $0xffff  }
0x3d4: {  	v19 =	vld.idx.msk [tilespmem:v57+s15+$0x0], $0xffff  }
0x3d5: {  	v6 =	vadd.f32 v41, v33;
	s0 =	smov.u32 s3;
	v22 =	vld.idx.msk [tilespmem:v54+s15+$0x0], $0xffff  }
0x3d6: {  	v7 =	vadd.f32 v32, v46;
	v32 =	vmul.f32 v59, v34;
	v15 =	vlaneseq.u32;
	v50 =	vld [tilespmem:$0x1FF80];
	s10 =	sadd.s32 $0x1, s0  }
0x3d7: {  	v61 =	vld [tilespmem:$0x1FF50];
	v5 =	vadd.f32 v47, v5;
	v3 =	vadd.f32 v3, v60;
	v11 =	vadd.s32 s10, v15  }
0x3d8: {  	v54 =	vld [tilespmem:$0x1FE30];
	v46 =	vadd.f32 v4, v7;
	v33 =	vadd.f32 v45, v6;
	v15 =	vadd.s32 s0, v15  }
0x3d9: {  	v60 =	vld.idx.msk [tilespmem:v51+s15+$0x0], $0xffff;
	v4 =	vmovc v34;
	v15 =	vand.u32 $0x7F, v15;
	v8 =	vmul.f32 v53, v34;
	v9 =	vmul.f32 v62, v34  }
0x3da: {  	v7 =	vld.idx.msk [tilespmem:v38+s15+$0x0], $0xffff;
	v11 =	vand.u32 $0x7F, v11;
	v59 =	vmul.f32 v52, v4;
	v6 =	vmul.f32 v63, v4  }
0x3db: {  	v14 =	vmul.f32 v55, v44;
	v16 =	vmul.f32 v58, v4;
	v55 =	vld [tilespmem:$0x1FF20];
	v23 =	vor.u32 v26, v15  }
0x3dc: {  	v24 =	vor.u32 v0, v15;
	v38 =	vor.u32 v31, v15;
	v6 =	vadd.f32 v6, v39;
	v39 =	vld [tilespmem:$0x1FDF0]  }
0x3dd: {  	v18 =	vmovc v44;
	v62 =	vor.u32 v28, v15;
	v63 =	vor.u32 v30, v15;
	v51 =	vor.u32 v31, v11  }
0x3de: {  	v25 =	vld.idx.msk [tilespmem:v43+s15+$0x0], $0xffff;
	v48 =	vor.u32 v29, v11;
	v20 =	vmul.f32 v1, v18;
	v26 =	vor.u32 v61, v15  }
0x3df: {  	v27 =	vld.idx.msk [tilespmem:v35+s15+$0x0], $0xffff;
	v41 =	vmul.f32 v12, v4;
	v40 =	vor.u32 v50, v15;
	v13 =	vmul.f32 v13, v18  }
0x3e0: {  	v58 =	vor.u32 v54, v15;
	v9 =	vadd.f32 v9, v49;
	v49 =	vld.idx.msk [tilespmem:v37+s15+$0x0], $0xffff;
	v21 =	vor.u32 v55, v15  }
0x3e1: {  	v19 =	vmul.f32 v19, v18;
	v47 =	vmul.f32 v10, v18;
	v53 =	vld.idx.msk [tilespmem:v23+s15+$0x0], $0xffff;
	v1 =	vor.u32 v39, v15  }
0x3e2: {  	v35 =	vor.u32 v61, v11;
	v45 =	vmul.f32 v17, v18;
	v50 =	vor.u32 v50, v11;
	v52 =	vld.idx.msk [tilespmem:v62+s15+$0x0], $0xffff  }
0x3e3: {  	v61 =	vor.u32 v0, v11;
	v2 =	vadd.f32 v8, v2;
	v8 =	vadd.f32 v59, v56;
	v59 =	vld.idx.msk [tilespmem:v26+s15+$0x0], $0xffff  }
0x3e4: {  	v54 =	vor.u32 v54, v11;
	v16 =	vadd.f32 v16, v42;
	v7 =	vmul.f32 v7, v4;
	v26 =	vld [tilespmem:$0x1FF30]  }
0x3e5: {  	v12 =	vmul.f32 v60, v18;
	v37 =	vor.u32 v29, v15;
	v60 =	vadd.f32 v19, v3;
	v10 =	vld.idx.msk [tilespmem:v21+s15+$0x0], $0xffff  }
0x3e6: {  	p0 =	slt.u32 s3, $0x7E;
	v3 =	vmul.f32 v25, v18;
	v7 =	vadd.f32 v7, v36;
	v21 =	vor.u32 v39, v11;
	v34 =	vld.idx.msk [tilespmem:v1+s12+$0x0], $0xffff  }
.Ltmp12:
0x3e7: {  	v56 =	vadd.f32 v12, v8;
	v57 =	vor.u32 v55, v11;
	v55 =	vld.idx.msk [tilespmem:v51+s15+$0x0], $0xffff;
	v51 =	vor.u32 v28, v11;
	(pc) =	sbr.rel @p0 .LBB2_27-.Ltmp12, $4  }
0x3e8: {  	v62 =	vld.idx.msk [tilespmem:v63+s15+$0x0], $0xffff;
	v2 =	vadd.f32 v3, v2;
	v36 =	vadd.f32 v14, v7;
	v4 =	vmul.f32 v49, v4  }
0x3e9: {  	v63 =	vld.idx.msk [tilespmem:v24+s15+$0x0], $0xffff;
	v49 =	vadd.f32 v20, v9;
	v39 =	vadd.f32 v13, v6;
	v6 =	vmul.f32 v22, v18  }
0x3ea: {  	v58 =	vld.idx.msk [tilespmem:v58+s15+$0x0], $0xffff;
	v5 =	vadd.f32 v4, v5;
	v4 =	vmul.f32 v27, v18;
	v43 =	vor.u32 v26, v11  }
0x3eb: {  	s3 =	sadd.s32 $0x2, s3;
	v1 =	vor.u32 v30, v11;
	v42 =	vadd.f32 v6, v16;
	v44 =	vld.idx.msk [tilespmem:v21+s12+$0x0], $0xffff;
	v3 =	vmul.f32 v10, v34  }
0x3ec: {  	_ =	sdelay $0x3  }
0x3ed: {  	v6 =	vld.idx.msk [tilespmem:v40+s15+$0x0], $0xffff  }
0x3ee: {  	v7 =	vld.idx.msk [tilespmem:v38+s15+$0x0], $0xffff  }
0x3ef: {  	v8 =	vld.idx.msk [tilespmem:v57+s15+$0x0], $0xffff;
	v9 =	vmul.f32 v59, v34  }
0x3f0: {  	v10 =	vadd.f32 v41, v33;
	v11 =	vadd.f32 v32, v46;
	v12 =	vld.idx.msk [tilespmem:v43+s15+$0x0], $0xffff;
	v13 =	vmul.f32 v53, v34  }
0x3f1: {  	v5 =	vadd.f32 v47, v5;
	v15 =	vld.idx.msk [tilespmem:v61+s15+$0x0], $0xffff;
	v33 =	vmul.f32 v52, v34;
	v3 =	vadd.f32 v3, v60  }
0x3f2: {  	v16 =	vld.idx.msk [tilespmem:v50+s15+$0x0], $0xffff;
	v14 =	vmul.f32 v62, v34;
	v4 =	vadd.f32 v4, v11;
	v2 =	vadd.f32 v13, v2  }
0x3f3: {  	v17 =	vld.idx.msk [tilespmem:v54+s15+$0x0], $0xffff;
	v10 =	vadd.f32 v45, v10;
	v38 =	vmul.f32 v63, v34;
	v40 =	vmul.f32 v58, v34  }
0x3f4: {  	v19 =	vld.idx.msk [tilespmem:v35+s15+$0x0], $0xffff;
	v11 =	vadd.f32 v33, v56;
	v18 =	vmul.f32 v55, v44;
	v8 =	vmul.f32 v8, v44  }
0x3f5: {  	v20 =	vld.idx.msk [tilespmem:v51+s15+$0x0], $0xffff;
	v13 =	vadd.f32 v38, v39;
	v6 =	vmul.f32 v6, v34;
	v12 =	vmul.f32 v12, v44  }
0x3f6: {  	v21 =	vld.idx.msk [tilespmem:v37+s15+$0x0], $0xffff;
	s0 =	sshll.u32 s31, $0x9;
	v7 =	vmul.f32 v7, v34;
	v15 =	vmul.f32 v15, v44;
	v3 =	vadd.f32 v8, v3  }
0x3f7: {  	v1 =	vld.idx.msk [tilespmem:v1+s15+$0x0], $0xffff;
	s31 =	sand.u32 $0x3FFFFE00, s0;
	v16 =	vmul.f32 v16, v44;
	v2 =	vadd.f32 v12, v2;
	v6 =	vadd.f32 v6, v10  }
0x3f8: {  	v39 =	vld.idx.msk [tilespmem:v48+s15+$0x0], $0xffff;
	v7 =	vadd.f32 v7, v36;
	v41 =	vadd.f32 v15, v13;
	[tilespmem:s31+$0x16E00] =	vst v3  }
0x3f9: {  	v4 =	vadd.f32 v9, v4;
	v3 =	vmul.f32 v19, v44;
	v6 =	vadd.f32 v16, v6;
	[tilespmem:s31+$0x16E10] =	vst v2  }
0x3fa: {  	v2 =	vadd.f32 v40, v42;
	v42 =	vmul.f32 v20, v44;
	v7 =	vadd.f32 v18, v7;
	[tilespmem:s31+$0x16E20] =	vst v41  }
0x3fb: {  	v43 =	vmul.f32 v17, v44;
	v45 =	vmul.f32 v21, v34;
	v3 =	vadd.f32 v3, v4;
	[tilespmem:s31+$0x16E30] =	vst v6  }
0x3fc: {  	v1 =	vmul.f32 v1, v44;
	v4 =	vadd.f32 v14, v49;
	v6 =	vadd.f32 v42, v11;
	[tilespmem:s31+$0x16E40] =	vst v7  }
0x3fd: {  	v5 =	vadd.f32 v45, v5;
	v7 =	vmul.f32 v39, v44;
	v2 =	vadd.f32 v43, v2;
	[tilespmem:s31+$0x16E50] =	vst v3  }
0x3fe: {  	v1 =	vadd.f32 v1, v4;
	[tilespmem:s31+$0x16E60] =	vst v6  }
0x3ff: {  	v3 =	vadd.f32 v7, v5;
	[tilespmem:s31+$0x16E70] =	vst v2  }
0x400: {  	[tilespmem:s31+$0x16E80] =	vst v1  }
0x401: {  	[tilespmem:s31+$0x16E90] =	vst v3  }
0x402: {  	_ =	swait.ge [sflag:s21], $0x3000  }
0x403: {  	[sflag:s21] =	ssyncset.done $0x0  }
0x404: {  	v35 =	vld [tilespmem:$0x1FDF0];
	[sflag:s21] =	ssyncadd.s32 $0xFFFFD000  }
0x405: {  	v28 =	vld [tilespmem:$0x1FE50];
	_ =	swait.ge [sflag:s22], $0x3000  }
0x406: {  	v37 =	vld [tilespmem:$0x1FE60]  }
0x407: {  	s3 =	simm.s32 $0x0;
	v23 =	vlaneseq.u32;
	v43 =	vld [tilespmem:$0x1FFA0]  }
0x408: {  	v1 =	vadd.s32 s3, v23;
	v51 =	vld [tilespmem:$0x1FE90]  }
0x409: {  	s10 =	simm.s32 $0x1;
	v1 =	vand.u32 $0x7F, v1;
	v44 =	vld [tilespmem:$0x1FEB0]  }
0x40a: {  	v6 =	vadd.s32 s10, v23;
	v39 =	vld [tilespmem:$0x1FF90];
	v2 =	vor.u32 v35, v1  }
0x40b: {  	s10 =	simm.s32 $0x2;
	v6 =	vand.u32 $0x7F, v6;
	s3 =	simm.s32 $0x3;
	v31 =	vld [tilespmem:$0x1FE70];
	v3 =	vor.u32 v28, v1  }
0x40c: {  	v59 =	vadd.s32 s3, v23;
	v23 =	vadd.s32 s10, v23;
	v30 =	vld [tilespmem:$0x1FEA0];
	v48 =	vor.u32 v35, v6  }
0x40d: {  	v23 =	vand.u32 $0x7F, v23;
	[sflag:s22] =	ssyncset.done $0x0;
	v0 =	vld [tilespmem:$0x1FFB0];
	v21 =	vor.u32 v28, v6  }
0x40e: {  	v29 =	vld [tilespmem:$0x1FE80];
	[sflag:s22] =	ssyncadd.s32 $0xFFFFD000;
	v24 =	vor.u32 v35, v23  }
0x40f: {  	v25 =	vor.u32 v28, v23;
	v2 =	vld.idx.msk [tilespmem:v2+s12+$0x0], $0xffff  }
0x410: {  	v4 =	vor.u32 v37, v1;
	v3 =	vld.idx.msk [tilespmem:v3+s15+$0x0], $0xffff  }
0x411: {  	v5 =	vor.u32 v43, v1;
	v10 =	vld.idx.msk [tilespmem:v48+s12+$0x0], $0xffff  }
0x412: {  	v7 =	vor.u32 v51, v1;
	v21 =	vld.idx.msk [tilespmem:v21+s15+$0x0], $0xffff  }
0x413: {  	v46 =	vor.u32 v44, v1;
	v34 =	vld.idx.msk [tilespmem:v24+s12+$0x0], $0xffff  }
0x414: {  	v47 =	vor.u32 v39, v6;
	v24 =	vld.idx.msk [tilespmem:v25+s15+$0x0], $0xffff  }
0x415: {  	v49 =	vor.u32 v31, v1;
	v4 =	vld.idx.msk [tilespmem:v4+s15+$0x0], $0xffff  }
0x416: {  	v50 =	vor.u32 v30, v1;
	v5 =	vld.idx.msk [tilespmem:v5+s15+$0x0], $0xffff  }
0x417: {  	v52 =	vor.u32 v44, v6;
	v7 =	vld.idx.msk [tilespmem:v7+s15+$0x0], $0xffff  }
0x418: {  	v54 =	vor.u32 v29, v1;
	v8 =	vld.idx.msk [tilespmem:v46+s15+$0x0], $0xffff  }
0x419: {  	v55 =	vor.u32 v39, v1;
	v9 =	vld.idx.msk [tilespmem:v47+s15+$0x0], $0xffff  }
0x41a: {  	v33 =	vimm.f32 $0.0e+00;
	v20 =	vor.u32 v31, v6;
	v11 =	vld.idx.msk [tilespmem:v49+s15+$0x0], $0xffff  }
0x41b: {  	v14 =	vand.u32 $0x7F, v59;
	v53 =	vor.u32 v0, v6;
	v58 =	vor.u32 v29, v6;
	v12 =	vld.idx.msk [tilespmem:v50+s15+$0x0], $0xffff  }
0x41c: {  	v56 =	vor.u32 v43, v6;
	v57 =	vor.u32 v37, v6;
	v22 =	vor.u32 v30, v6;
	v13 =	vld.idx.msk [tilespmem:v52+s15+$0x0], $0xffff  }
0x41d: {  	v1 =	vor.u32 v0, v1;
	v6 =	vor.u32 v51, v6;
	v26 =	vor.u32 v37, v23;
	v15 =	vld.idx.msk [tilespmem:v54+s15+$0x0], $0xffff  }
0x41e: {  	v27 =	vor.u32 v31, v23;
	v40 =	vor.u32 v29, v23;
	v61 =	vor.u32 v43, v23;
	v16 =	vld.idx.msk [tilespmem:v55+s15+$0x0], $0xffff  }
0x41f: {  	v38 =	vor.u32 v39, v23;
	v62 =	vor.u32 v51, v23;
	v63 =	vor.u32 v44, v23;
	v20 =	vld.idx.msk [tilespmem:v20+s15+$0x0], $0xffff  }
0x420: {  	v25 =	vor.u32 v39, v14;
	v48 =	vor.u32 v0, v14;
	v19 =	vld.idx.msk [tilespmem:v58+s15+$0x0], $0xffff;
	v3 =	vmul.f32 v3, v2  }
0x421: {  	v22 =	vld.idx.msk [tilespmem:v22+s15+$0x0], $0xffff;
	v46 =	vor.u32 v30, v23;
	v21 =	vmul.f32 v21, v10;
	v32 =	vmul.f32 v5, v2  }
0x422: {  	v50 =	vld.idx.msk [tilespmem:v1+s15+$0x0], $0xffff;
	v1 =	vor.u32 v44, v14;
	v4 =	vmul.f32 v4, v2;
	v8 =	vmul.f32 v8, v2  }
0x423: {  	v59 =	vld.idx.msk [tilespmem:v61+s15+$0x0], $0xffff;
	v49 =	vor.u32 v29, v14;
	v7 =	vmul.f32 v7, v2;
	v11 =	vmul.f32 v11, v2  }
0x424: {  	v61 =	vor.u32 v31, v14;
	v5 =	vld.idx.msk [tilespmem:v53+s15+$0x0], $0xffff;
	v9 =	vmul.f32 v9, v10;
	v12 =	vmul.f32 v12, v2  }
0x425: {  	v6 =	vld.idx.msk [tilespmem:v6+s15+$0x0], $0xffff;
	v54 =	vor.u32 v30, v14;
	v13 =	vmul.f32 v13, v10;
	v41 =	vmul.f32 v15, v2  }
0x426: {  	v3 =	vadd.f32 v3, v33;
	v60 =	vmul.f32 v16, v2;
	v20 =	vmul.f32 v20, v10  }
0x427: {  	v16 =	vld.idx.msk [tilespmem:v57+s15+$0x0], $0xffff;
	v45 =	vmul.f32 v19, v10;
	v4 =	vadd.f32 v4, v33;
	v8 =	vadd.f32 v8, v33  }
0x428: {  	v53 =	vld.idx.msk [tilespmem:v26+s15+$0x0], $0xffff;
	v26 =	vmul.f32 v22, v10;
	v7 =	vadd.f32 v7, v33;
	v11 =	vadd.f32 v11, v33  }
0x429: {  	v17 =	vld.idx.msk [tilespmem:v56+s15+$0x0], $0xffff;
	v15 =	vadd.f32 v60, v33;
	v47 =	vmul.f32 v5, v10;
	v5 =	vor.u32 v35, v14  }
0x42a: {  	v52 =	vld.idx.msk [tilespmem:v62+s15+$0x0], $0xffff;
	v6 =	vmul.f32 v6, v10;
	v12 =	vadd.f32 v12, v33;
	v60 =	vadd.f32 v21, v3  }
0x42b: {  	v62 =	vld.idx.msk [tilespmem:v63+s15+$0x0], $0xffff;
	v57 =	vor.u32 v28, v14;
	v39 =	vadd.f32 v20, v11;
	v36 =	vadd.f32 v9, v15  }
0x42c: {  	v58 =	vld.idx.msk [tilespmem:v46+s15+$0x0], $0xffff;
	v46 =	vimm.f32 $0.0e+00;
	v42 =	vadd.f32 v26, v12;
	v56 =	vadd.f32 v6, v7  }
0x42d: {  	v63 =	vld.idx.msk [tilespmem:v27+s15+$0x0], $0xffff;
	v35 =	vor.u32 v43, v14;
	v43 =	vor.u32 v37, v14;
	v3 =	vmul.f32 v16, v10  }
0x42e: {  	v37 =	vor.u32 v0, v23;
	v23 =	vlaneseq.u32;
	v44 =	vld.idx.msk [tilespmem:v5+s12+$0x0], $0xffff;
	v5 =	vmul.f32 v50, v2  }
0x42f: {  	v55 =	vld.idx.msk [tilespmem:v25+s15+$0x0], $0xffff;
	v50 =	vor.u32 v51, v14;
	v2 =	vadd.f32 v3, v4;
	v51 =	vadd.f32 v13, v8  }
0x430: {  	s3 =	simm.s32 $0x4;
	v22 =	vmovc v28;
	v3 =	vmul.f32 v24, v34;
	v4 =	vmul.f32 v17, v10;
	v5 =	vadd.f32 v5, v33  }
.LBB2_29:
0x431: {  	_ = 	snop  }
0x432: {  	v1 =	vld.idx.msk [tilespmem:v1+s15+$0x0], $0xffff  }
0x433: {  	v10 =	vld.idx.msk [tilespmem:v48+s15+$0x0], $0xffff  }
0x434: {  	v12 =	vld.idx.msk [tilespmem:v40+s15+$0x0], $0xffff  }
0x435: {  	v13 =	vld.idx.msk [tilespmem:v61+s15+$0x0], $0xffff  }
0x436: {  	v17 =	vld.idx.msk [tilespmem:v49+s15+$0x0], $0xffff  }
0x437: {  	v19 =	vld.idx.msk [tilespmem:v57+s15+$0x0], $0xffff  }
0x438: {  	v6 =	vadd.f32 v41, v33;
	s0 =	smov.u32 s3;
	v48 =	vld [tilespmem:$0x1FE60]  }
0x439: {  	v7 =	vadd.f32 v32, v46;
	v25 =	vld.idx.msk [tilespmem:v43+s15+$0x0], $0xffff;
	s10 =	sadd.s32 $0x1, s0;
	v5 =	vadd.f32 v47, v5;
	v15 =	vadd.s32 s0, v23  }
0x43a: {  	v61 =	vld [tilespmem:$0x1FFA0];
	v3 =	vadd.f32 v3, v60;
	v11 =	vadd.s32 s10, v23;
	v15 =	vand.u32 $0x7F, v15  }
0x43b: {  	v28 =	vld.idx.msk [tilespmem:v35+s15+$0x0], $0xffff;
	v46 =	vadd.f32 v4, v7;
	v33 =	vadd.f32 v45, v6;
	v21 =	vor.u32 v22, v15  }
0x43c: {  	v60 =	vld [tilespmem:$0x1FF90];
	v4 =	vmovc v34;
	v24 =	vor.u32 v31, v15;
	v32 =	vmul.f32 v59, v34;
	v8 =	vmul.f32 v53, v34  }
0x43d: {  	v7 =	vld.idx.msk [tilespmem:v38+s15+$0x0], $0xffff;
	v40 =	vor.u32 v29, v15;
	v9 =	vmul.f32 v62, v34;
	v53 =	vmul.f32 v52, v4  }
0x43e: {  	v22 =	vld.idx.msk [tilespmem:v54+s15+$0x0], $0xffff;
	v11 =	vand.u32 $0x7F, v11;
	v6 =	vmul.f32 v63, v4;
	v14 =	vmul.f32 v55, v44  }
0x43f: {  	v16 =	vmul.f32 v58, v4;
	v18 =	vmovc v44;
	v55 =	vld [tilespmem:$0x1FDF0];
	v58 =	vor.u32 v30, v15;
	v49 =	vor.u32 v29, v11  }
0x440: {  	v62 =	vld [tilespmem:$0x1FEB0];
	v54 =	vor.u32 v30, v11;
	v20 =	vmul.f32 v1, v18;
	v23 =	vor.u32 v48, v15  }
0x441: {  	v41 =	vmul.f32 v12, v4;
	v12 =	vld.idx.msk [tilespmem:v50+s15+$0x0], $0xffff;
	v26 =	vor.u32 v61, v15;
	v13 =	vmul.f32 v13, v18  }
0x442: {  	v50 =	vld.idx.msk [tilespmem:v37+s15+$0x0], $0xffff;
	v19 =	vmul.f32 v19, v18;
	v47 =	vmul.f32 v10, v18;
	v35 =	vor.u32 v61, v11  }
0x443: {  	v45 =	vmul.f32 v17, v18;
	v9 =	vadd.f32 v9, v51;
	v6 =	vadd.f32 v6, v39;
	v51 =	vld [tilespmem:$0x1FE90]  }
0x444: {  	v43 =	vor.u32 v48, v11;
	v37 =	vor.u32 v0, v15;
	v10 =	vld.idx.msk [tilespmem:v21+s15+$0x0], $0xffff;
	v1 =	vor.u32 v55, v15  }
0x445: {  	v44 =	vor.u32 v60, v11;
	v39 =	vadd.f32 v13, v6;
	v6 =	vmul.f32 v22, v18;
	v22 =	vld [tilespmem:$0x1FE50]  }
0x446: {  	v48 =	vor.u32 v0, v11;
	v2 =	vadd.f32 v8, v2;
	v63 =	vor.u32 v62, v15;
	v58 =	vld.idx.msk [tilespmem:v58+s15+$0x0], $0xffff  }
0x447: {  	v8 =	vadd.f32 v53, v56;
	v38 =	vor.u32 v60, v15;
	v21 =	vor.u32 v55, v11;
	v53 =	vld.idx.msk [tilespmem:v23+s15+$0x0], $0xffff  }
0x448: {  	v7 =	vmul.f32 v7, v4;
	v60 =	vadd.f32 v19, v3;
	v3 =	vmul.f32 v25, v18;
	v59 =	vld.idx.msk [tilespmem:v26+s15+$0x0], $0xffff  }
0x449: {  	p0 =	slt.u32 s3, $0x7E;
	v61 =	vor.u32 v31, v11;
	v16 =	vadd.f32 v16, v42;
	v27 =	vor.u32 v51, v15;
	v34 =	vld.idx.msk [tilespmem:v1+s12+$0x0], $0xffff  }
.Ltmp13:
0x44a: {  	v7 =	vadd.f32 v7, v36;
	v2 =	vadd.f32 v3, v2;
	v12 =	vmul.f32 v12, v18;
	v55 =	vld.idx.msk [tilespmem:v44+s15+$0x0], $0xffff;
	(pc) =	sbr.rel @p0 .LBB2_29-.Ltmp13, $4  }
0x44b: {  	v42 =	vadd.f32 v6, v16;
	v4 =	vmul.f32 v50, v4;
	v1 =	vor.u32 v62, v11;
	v62 =	vld.idx.msk [tilespmem:v63+s15+$0x0], $0xffff  }
0x44c: {  	v36 =	vadd.f32 v14, v7;
	v50 =	vor.u32 v51, v11;
	v51 =	vadd.f32 v20, v9;
	v44 =	vld.idx.msk [tilespmem:v21+s12+$0x0], $0xffff  }
0x44d: {  	v23 =	vlaneseq.u32;
	v56 =	vadd.f32 v12, v8;
	v5 =	vadd.f32 v4, v5;
	v63 =	vld.idx.msk [tilespmem:v24+s15+$0x0], $0xffff  }
0x44e: {  	s3 =	sadd.s32 $0x2, s3;
	v4 =	vmul.f32 v28, v18;
	v57 =	vor.u32 v22, v11;
	v52 =	vld.idx.msk [tilespmem:v27+s15+$0x0], $0xffff;
	v3 =	vmul.f32 v10, v34  }
0x44f: {  	_ =	sdelay $0x3  }
0x450: {  	v1 =	vld.idx.msk [tilespmem:v1+s15+$0x0], $0xffff  }
0x451: {  	v6 =	vld.idx.msk [tilespmem:v40+s15+$0x0], $0xffff  }
0x452: {  	v7 =	vld.idx.msk [tilespmem:v38+s15+$0x0], $0xffff  }
0x453: {  	v8 =	vld.idx.msk [tilespmem:v57+s15+$0x0], $0xffff  }
0x454: {  	v9 =	vmul.f32 v59, v34;
	v10 =	vadd.f32 v41, v33;
	v11 =	vadd.f32 v32, v46;
	v12 =	vld.idx.msk [tilespmem:v43+s15+$0x0], $0xffff  }
0x455: {  	v13 =	vmul.f32 v53, v34;
	v5 =	vadd.f32 v47, v5;
	v15 =	vld.idx.msk [tilespmem:v61+s15+$0x0], $0xffff;
	v46 =	vmul.f32 v58, v34  }
0x456: {  	v16 =	vld.idx.msk [tilespmem:v49+s15+$0x0], $0xffff;
	v14 =	vmul.f32 v62, v34;
	v3 =	vadd.f32 v3, v60;
	v4 =	vadd.f32 v4, v11  }
0x457: {  	v19 =	vld.idx.msk [tilespmem:v35+s15+$0x0], $0xffff;
	v2 =	vadd.f32 v13, v2;
	v10 =	vadd.f32 v45, v10;
	v43 =	vmul.f32 v63, v34  }
0x458: {  	v20 =	vld.idx.msk [tilespmem:v50+s15+$0x0], $0xffff;
	v18 =	vmul.f32 v55, v44;
	v4 =	vadd.f32 v9, v4;
	v8 =	vmul.f32 v8, v44  }
0x459: {  	v17 =	vld.idx.msk [tilespmem:v54+s15+$0x0], $0xffff;
	v13 =	vadd.f32 v43, v39;
	v6 =	vmul.f32 v6, v34;
	v12 =	vmul.f32 v12, v44  }
0x45a: {  	v21 =	vld.idx.msk [tilespmem:v37+s15+$0x0], $0xffff;
	v7 =	vmul.f32 v7, v34;
	v15 =	vmul.f32 v15, v44;
	v3 =	vadd.f32 v8, v3  }
0x45b: {  	v45 =	vld.idx.msk [tilespmem:v48+s15+$0x0], $0xffff;
	v16 =	vmul.f32 v16, v44;
	v2 =	vadd.f32 v12, v2;
	v6 =	vadd.f32 v6, v10  }
0x45c: {  	v41 =	vmul.f32 v52, v34;
	v7 =	vadd.f32 v7, v36;
	v47 =	vadd.f32 v15, v13;
	[tilespmem:s31+$0x16EA0] =	vst v3  }
0x45d: {  	v48 =	vmul.f32 v20, v44;
	v3 =	vmul.f32 v19, v44;
	v6 =	vadd.f32 v16, v6;
	[tilespmem:s31+$0x16EB0] =	vst v2  }
0x45e: {  	v49 =	vmul.f32 v17, v44;
	v11 =	vadd.f32 v41, v56;
	v7 =	vadd.f32 v18, v7;
	[tilespmem:s31+$0x16EC0] =	vst v47  }
0x45f: {  	v50 =	vmul.f32 v21, v34;
	v2 =	vadd.f32 v46, v42;
	v3 =	vadd.f32 v3, v4;
	[tilespmem:s31+$0x16ED0] =	vst v6  }
0x460: {  	v1 =	vmul.f32 v1, v44;
	v4 =	vadd.f32 v14, v51;
	v6 =	vadd.f32 v48, v11;
	[tilespmem:s31+$0x16EE0] =	vst v7  }
0x461: {  	v5 =	vadd.f32 v50, v5;
	v7 =	vmul.f32 v45, v44;
	v2 =	vadd.f32 v49, v2;
	[tilespmem:s31+$0x16EF0] =	vst v3  }
0x462: {  	v35 =	vld [tilespmem:$0x1FDF0];
	v1 =	vadd.f32 v1, v4;
	[tilespmem:s31+$0x16F00] =	vst v6  }
0x463: {  	v4 =	vadd.f32 v7, v5;
	[tilespmem:s31+$0x16F10] =	vst v2  }
0x464: {  	s0 =	simm.s32 $0x0;
	[tilespmem:s31+$0x16F20] =	vst v1  }
0x465: {  	v3 =	vadd.s32 s0, v23;
	[tilespmem:s31+$0x16F30] =	vst v4  }
0x466: {  	v44 =	vld [tilespmem:$0x1FEC0];
	v2 =	vand.u32 $0x7F, v3;
	_ =	swait.ge [sflag:s23], $0x3000  }
0x467: {  	v1 =	vor.u32 v35, v2;
	v43 =	vld [tilespmem:$0x1FED0]  }
0x468: {  	v52 =	vld [tilespmem:$0x1FFD0]  }
0x469: {  	v50 =	vld [tilespmem:$0x1FF00]  }
0x46a: {  	s10 =	simm.s32 $0x1;
	[sflag:s23] =	ssyncset.done $0x0;
	v30 =	vld [tilespmem:$0x1FFE0]  }
0x46b: {  	v6 =	vadd.s32 s10, v23;
	v54 =	vld [tilespmem:$0x1FFC0];
	[sflag:s23] =	ssyncadd.s32 $0xFFFFD000  }
0x46c: {  	v3 =	vor.u32 v44, v2;
	v9 =	vld.idx.msk [tilespmem:v1+s12+$0x0], $0xffff;
	v1 =	vand.u32 $0x7F, v6  }
0x46d: {  	v29 =	vld [tilespmem:$0x1FEE0];
	v55 =	vor.u32 v35, v1  }
0x46e: {  	v0 =	vld [tilespmem:$0x1FF10];
	v26 =	vor.u32 v44, v1  }
0x46f: {  	v37 =	vld [tilespmem:$0x1FFF0];
	v4 =	vor.u32 v43, v2  }
0x470: {  	v31 =	vld [tilespmem:$0x1FEF0];
	v5 =	vor.u32 v52, v2  }
0x471: {  	v3 =	vld.idx.msk [tilespmem:v3+s15+$0x0], $0xffff;
	v7 =	vor.u32 v50, v2  }
0x472: {  	v53 =	vor.u32 v30, v2;
	v10 =	vld.idx.msk [tilespmem:v55+s12+$0x0], $0xffff  }
0x473: {  	v6 =	vor.u32 v54, v1;
	v21 =	vld.idx.msk [tilespmem:v26+s15+$0x0], $0xffff  }
0x474: {  	v56 =	vor.u32 v29, v2;
	v4 =	vld.idx.msk [tilespmem:v4+s15+$0x0], $0xffff  }
0x475: {  	v57 =	vor.u32 v0, v2;
	v5 =	vld.idx.msk [tilespmem:v5+s15+$0x0], $0xffff  }
0x476: {  	v58 =	vor.u32 v30, v1;
	v7 =	vld.idx.msk [tilespmem:v7+s15+$0x0], $0xffff  }
0x477: {  	v60 =	vor.u32 v31, v2;
	v8 =	vld.idx.msk [tilespmem:v53+s15+$0x0], $0xffff  }
0x478: {  	v61 =	vor.u32 v54, v2;
	v6 =	vld.idx.msk [tilespmem:v6+s15+$0x0], $0xffff  }
0x479: {  	s3 =	simm.s32 $0x3;
	s10 =	simm.s32 $0x2;
	v25 =	vor.u32 v29, v1;
	v11 =	vld.idx.msk [tilespmem:v56+s15+$0x0], $0xffff  }
0x47a: {  	v34 =	vadd.s32 s3, v23;
	v48 =	vadd.s32 s10, v23;
	v24 =	vor.u32 v31, v1;
	v12 =	vld.idx.msk [tilespmem:v57+s15+$0x0], $0xffff  }
0x47b: {  	v23 =	vand.u32 $0x7F, v48;
	v59 =	vor.u32 v37, v1;
	v22 =	vor.u32 v0, v1;
	v13 =	vld.idx.msk [tilespmem:v58+s15+$0x0], $0xffff  }
0x47c: {  	v62 =	vor.u32 v52, v1;
	v63 =	vor.u32 v43, v1;
	v1 =	vor.u32 v50, v1;
	v15 =	vld.idx.msk [tilespmem:v60+s15+$0x0], $0xffff  }
0x47d: {  	v33 =	vimm.f32 $0.0e+00;
	v46 =	vor.u32 v0, v23;
	v16 =	vld.idx.msk [tilespmem:v61+s15+$0x0], $0xffff  }
0x47e: {  	v14 =	vand.u32 $0x7F, v34;
	v2 =	vor.u32 v37, v2;
	v26 =	vor.u32 v43, v23;
	v20 =	vld.idx.msk [tilespmem:v25+s15+$0x0], $0xffff  }
0x47f: {  	v27 =	vor.u32 v29, v23;
	v40 =	vor.u32 v31, v23;
	v38 =	vor.u32 v54, v23;
	v19 =	vld.idx.msk [tilespmem:v24+s15+$0x0], $0xffff  }
0x480: {  	v28 =	vor.u32 v50, v23;
	v50 =	vor.u32 v50, v14;
	v3 =	vmul.f32 v3, v9;
	v22 =	vld.idx.msk [tilespmem:v22+s15+$0x0], $0xffff  }
0x481: {  	v43 =	vor.u32 v43, v14;
	v24 =	vor.u32 v35, v23;
	v49 =	vld.idx.msk [tilespmem:v1+s15+$0x0], $0xffff;
	v21 =	vmul.f32 v21, v10  }
0x482: {  	v25 =	vor.u32 v44, v23;
	v58 =	vld.idx.msk [tilespmem:v46+s15+$0x0], $0xffff;
	v32 =	vmul.f32 v5, v9;
	v4 =	vmul.f32 v4, v9  }
0x483: {  	v60 =	vor.u32 v52, v23;
	v53 =	vld.idx.msk [tilespmem:v26+s15+$0x0], $0xffff;
	v8 =	vmul.f32 v8, v9;
	v7 =	vmul.f32 v7, v9  }
0x484: {  	v61 =	vor.u32 v30, v23;
	v5 =	vld.idx.msk [tilespmem:v59+s15+$0x0], $0xffff;
	v11 =	vmul.f32 v11, v9;
	v6 =	vmul.f32 v6, v10  }
0x485: {  	v57 =	vor.u32 v44, v14;
	v12 =	vmul.f32 v12, v9;
	v1 =	vmul.f32 v16, v9;
	v16 =	vld.idx.msk [tilespmem:v63+s15+$0x0], $0xffff  }
0x486: {  	v46 =	vimm.f32 $0.0e+00;
	v13 =	vmul.f32 v13, v10;
	v41 =	vmul.f32 v15, v9;
	v34 =	vld.idx.msk [tilespmem:v24+s12+$0x0], $0xffff  }
0x487: {  	v3 =	vadd.f32 v3, v33;
	v20 =	vmul.f32 v20, v10;
	v24 =	vld.idx.msk [tilespmem:v25+s15+$0x0], $0xffff;
	v45 =	vmul.f32 v19, v10  }
0x488: {  	v25 =	vor.u32 v54, v14;
	v63 =	vmovc v37;
	v26 =	vmul.f32 v22, v10;
	v15 =	vmul.f32 v49, v10  }
0x489: {  	v59 =	vld.idx.msk [tilespmem:v60+s15+$0x0], $0xffff;
	v37 =	vor.u32 v37, v23;
	v49 =	vor.u32 v31, v14;
	v60 =	vadd.f32 v21, v3  }
0x48a: {  	v2 =	vld.idx.msk [tilespmem:v2+s15+$0x0], $0xffff;
	v4 =	vadd.f32 v4, v33;
	v47 =	vmul.f32 v5, v10;
	v5 =	vor.u32 v35, v14  }
0x48b: {  	v54 =	vor.u32 v0, v14;
	v8 =	vadd.f32 v8, v33;
	v11 =	vadd.f32 v11, v33  }
0x48c: {  	v17 =	vld.idx.msk [tilespmem:v62+s15+$0x0], $0xffff;
	v48 =	vor.u32 v63, v14;
	v12 =	vadd.f32 v12, v33;
	v62 =	vadd.f32 v1, v33  }
0x48d: {  	v63 =	vld.idx.msk [tilespmem:v27+s15+$0x0], $0xffff;
	v7 =	vadd.f32 v7, v33;
	v1 =	vor.u32 v30, v14;
	v39 =	vadd.f32 v20, v11  }
0x48e: {  	v36 =	vadd.f32 v6, v62;
	v62 =	vld.idx.msk [tilespmem:v61+s15+$0x0], $0xffff;
	v42 =	vadd.f32 v26, v12;
	v3 =	vmul.f32 v16, v10  }
0x48f: {  	v56 =	vadd.f32 v15, v7;
	v61 =	vor.u32 v29, v14;
	v44 =	vld.idx.msk [tilespmem:v5+s12+$0x0], $0xffff;
	v5 =	vmul.f32 v2, v9  }
0x490: {  	v51 =	vadd.f32 v13, v8;
	v35 =	vor.u32 v52, v14;
	v52 =	vld.idx.msk [tilespmem:v28+s15+$0x0], $0xffff;
	v2 =	vadd.f32 v3, v4  }
0x491: {  	s3 =	simm.s32 $0x4;
	v55 =	vld.idx.msk [tilespmem:v25+s15+$0x0], $0xffff;
	v3 =	vmul.f32 v24, v34;
	v4 =	vmul.f32 v17, v10;
	v5 =	vadd.f32 v5, v33  }
.LBB2_31:
0x492: {  	_ =	sdelay $0x2  }
0x493: {  	v1 =	vld.idx.msk [tilespmem:v1+s15+$0x0], $0xffff  }
0x494: {  	v10 =	vld.idx.msk [tilespmem:v48+s15+$0x0], $0xffff  }
0x495: {  	v12 =	vld.idx.msk [tilespmem:v40+s15+$0x0], $0xffff  }
0x496: {  	v13 =	vld.idx.msk [tilespmem:v61+s15+$0x0], $0xffff  }
0x497: {  	v17 =	vld.idx.msk [tilespmem:v49+s15+$0x0], $0xffff  }
0x498: {  	v19 =	vld.idx.msk [tilespmem:v57+s15+$0x0], $0xffff  }
0x499: {  	v22 =	vld.idx.msk [tilespmem:v54+s15+$0x0], $0xffff  }
0x49a: {  	v7 =	vadd.f32 v32, v46;
	s0 =	smov.u32 s3;
	v48 =	vld [tilespmem:$0x1FED0]  }
0x49b: {  	v6 =	vadd.f32 v41, v33;
	v15 =	vlaneseq.u32;
	v25 =	vld.idx.msk [tilespmem:v43+s15+$0x0], $0xffff;
	s10 =	sadd.s32 $0x1, s0;
	v5 =	vadd.f32 v47, v5  }
0x49c: {  	v30 =	vld [tilespmem:$0x1FF00];
	v3 =	vadd.f32 v3, v60;
	v11 =	vadd.s32 s10, v15;
	v46 =	vadd.f32 v4, v7  }
0x49d: {  	v28 =	vld.idx.msk [tilespmem:v35+s15+$0x0], $0xffff;
	v33 =	vadd.f32 v45, v6;
	v15 =	vadd.s32 s0, v15;
	v32 =	vmul.f32 v59, v34  }
0x49e: {  	v61 =	vld [tilespmem:$0x1FFE0];
	v4 =	vmovc v34;
	v15 =	vand.u32 $0x7F, v15;
	v8 =	vmul.f32 v53, v34;
	v9 =	vmul.f32 v62, v34  }
0x49f: {  	v11 =	vand.u32 $0x7F, v11;
	v62 =	vmul.f32 v52, v4;
	v6 =	vmul.f32 v63, v4;
	v63 =	vld [tilespmem:$0x1FDF0]  }
0x4a0: {  	v14 =	vmul.f32 v55, v44;
	v16 =	vmul.f32 v58, v4;
	v9 =	vadd.f32 v9, v51;
	v51 =	vld [tilespmem:$0x1FEC0]  }
0x4a1: {  	v7 =	vld.idx.msk [tilespmem:v38+s15+$0x0], $0xffff;
	v24 =	vor.u32 v29, v15;
	v40 =	vor.u32 v31, v15;
	v58 =	vor.u32 v0, v15  }
0x4a2: {  	v60 =	vld [tilespmem:$0x1FFD0];
	v18 =	vmovc v44;
	v49 =	vor.u32 v31, v11;
	v54 =	vor.u32 v0, v11;
	v23 =	vor.u32 v48, v15  }
0x4a3: {  	v55 =	vld [tilespmem:$0x1FFC0];
	v20 =	vmul.f32 v1, v18;
	v41 =	vmul.f32 v12, v4;
	v27 =	vor.u32 v30, v15  }
0x4a4: {  	v12 =	vld.idx.msk [tilespmem:v50+s15+$0x0], $0xffff;
	v13 =	vmul.f32 v13, v18;
	v19 =	vmul.f32 v19, v18;
	v1 =	vor.u32 v63, v15  }
0x4a5: {  	v50 =	vld.idx.msk [tilespmem:v37+s15+$0x0], $0xffff;
	v47 =	vmul.f32 v10, v18;
	v45 =	vmul.f32 v17, v18;
	v21 =	vor.u32 v51, v15  }
0x4a6: {  	v43 =	vor.u32 v48, v11;
	v2 =	vadd.f32 v8, v2;
	v8 =	vadd.f32 v62, v56;
	v58 =	vld.idx.msk [tilespmem:v58+s15+$0x0], $0xffff  }
0x4a7: {  	v6 =	vadd.f32 v6, v39;
	v16 =	vadd.f32 v16, v42;
	v26 =	vor.u32 v60, v15;
	v53 =	vld.idx.msk [tilespmem:v23+s15+$0x0], $0xffff  }
0x4a8: {  	v62 =	vor.u32 v61, v15;
	v35 =	vor.u32 v60, v11;
	v7 =	vmul.f32 v7, v4;
	v52 =	vld.idx.msk [tilespmem:v27+s15+$0x0], $0xffff  }
0x4a9: {  	v60 =	vadd.f32 v19, v3;
	v3 =	vmul.f32 v25, v18;
	v44 =	vor.u32 v55, v11;
	v34 =	vld.idx.msk [tilespmem:v1+s12+$0x0], $0xffff  }
0x4aa: {  	v39 =	vadd.f32 v13, v6;
	v6 =	vmul.f32 v22, v18;
	v10 =	vld.idx.msk [tilespmem:v21+s15+$0x0], $0xffff;
	v21 =	vor.u32 v63, v11  }
0x4ab: {  	p0 =	slt.u32 s3, $0x7E;
	v38 =	vor.u32 v55, v15;
	v7 =	vadd.f32 v7, v36;
	v2 =	vadd.f32 v3, v2;
	v63 =	vld [tilespmem:$0x1FFF0]  }
.Ltmp14:
0x4ac: {  	v12 =	vmul.f32 v12, v18;
	v42 =	vadd.f32 v6, v16;
	v4 =	vmul.f32 v50, v4;
	v59 =	vld.idx.msk [tilespmem:v26+s15+$0x0], $0xffff;
	(pc) =	sbr.rel @p0 .LBB2_31-.Ltmp14, $4  }
0x4ad: {  	v36 =	vadd.f32 v14, v7;
	v62 =	vld.idx.msk [tilespmem:v62+s15+$0x0], $0xffff;
	v57 =	vor.u32 v51, v11;
	v51 =	vadd.f32 v20, v9  }
0x4ae: {  	v50 =	vor.u32 v30, v11;
	v56 =	vadd.f32 v12, v8;
	v5 =	vadd.f32 v4, v5;
	v55 =	vld.idx.msk [tilespmem:v44+s15+$0x0], $0xffff  }
0x4af: {  	v4 =	vmul.f32 v28, v18;
	v1 =	vor.u32 v61, v11;
	v61 =	vor.u32 v29, v11;
	v44 =	vld.idx.msk [tilespmem:v21+s12+$0x0], $0xffff  }
0x4b0: {  	s3 =	sadd.s32 $0x2, s3;
	v37 =	vor.u32 v63, v15;
	v48 =	vor.u32 v63, v11;
	v63 =	vld.idx.msk [tilespmem:v24+s15+$0x0], $0xffff;
	v3 =	vmul.f32 v10, v34  }
0x4b1: {  	_ =	sdelay $0x3  }
0x4b2: {  	v1 =	vld.idx.msk [tilespmem:v1+s15+$0x0], $0xffff  }
0x4b3: {  	v6 =	vld.idx.msk [tilespmem:v40+s15+$0x0], $0xffff  }
0x4b4: {  	v7 =	vld.idx.msk [tilespmem:v38+s15+$0x0], $0xffff  }
0x4b5: {  	v8 =	vld.idx.msk [tilespmem:v57+s15+$0x0], $0xffff;
	v9 =	vmul.f32 v59, v34  }
0x4b6: {  	v10 =	vadd.f32 v41, v33;
	v11 =	vadd.f32 v32, v46;
	v12 =	vld.idx.msk [tilespmem:v43+s15+$0x0], $0xffff;
	v13 =	vmul.f32 v53, v34  }
0x4b7: {  	v5 =	vadd.f32 v47, v5;
	v52 =	vmul.f32 v52, v34;
	v20 =	vld.idx.msk [tilespmem:v50+s15+$0x0], $0xffff;
	v3 =	vadd.f32 v3, v60  }
0x4b8: {  	v15 =	vld.idx.msk [tilespmem:v61+s15+$0x0], $0xffff;
	v14 =	vmul.f32 v62, v34;
	v4 =	vadd.f32 v4, v11;
	v2 =	vadd.f32 v13, v2  }
0x4b9: {  	v16 =	vld.idx.msk [tilespmem:v49+s15+$0x0], $0xffff;
	v10 =	vadd.f32 v45, v10;
	v11 =	vadd.f32 v52, v56;
	v56 =	vmul.f32 v58, v34  }
0x4ba: {  	v17 =	vld.idx.msk [tilespmem:v54+s15+$0x0], $0xffff;
	v18 =	vmul.f32 v55, v44;
	v61 =	vadd.f32 v14, v51;
	v8 =	vmul.f32 v8, v44  }
0x4bb: {  	v19 =	vld.idx.msk [tilespmem:v35+s15+$0x0], $0xffff;
	v53 =	vmul.f32 v63, v34;
	v4 =	vadd.f32 v9, v4;
	v12 =	vmul.f32 v12, v44  }
0x4bc: {  	v21 =	vld.idx.msk [tilespmem:v37+s15+$0x0], $0xffff;
	v6 =	vmul.f32 v6, v34;
	v58 =	vmul.f32 v20, v44;
	v3 =	vadd.f32 v8, v3  }
0x4bd: {  	v55 =	vld.idx.msk [tilespmem:v48+s15+$0x0], $0xffff;
	v7 =	vmul.f32 v7, v34;
	v1 =	vmul.f32 v1, v44;
	v2 =	vadd.f32 v12, v2  }
0x4be: {  	v25 =	vld [tilespmem:$0x1FF30];
	v15 =	vmul.f32 v15, v44;
	v13 =	vadd.f32 v53, v39;
	v62 =	vadd.f32 v58, v11;
	[tilespmem:s31+$0x16F40] =	vst v3  }
0x4bf: {  	v26 =	vld [tilespmem:$0x1FE20];
	v16 =	vmul.f32 v16, v44;
	v6 =	vadd.f32 v6, v10;
	v1 =	vadd.f32 v1, v61;
	[tilespmem:s31+$0x16F50] =	vst v2  }
0x4c0: {  	v22 =	vld [tilespmem:$0x1FF50];
	v7 =	vadd.f32 v7, v36;
	v57 =	vadd.f32 v15, v13;
	[tilespmem:s31+$0x16FA0] =	vst v62  }
0x4c1: {  	s30 =	sadd.s32 $0x1, s30;
	v24 =	vld [tilespmem:$0x1FF60];
	v60 =	vmul.f32 v21, v34;
	v3 =	vmul.f32 v19, v44;
	v6 =	vadd.f32 v16, v6;
	[tilespmem:s31+$0x16FC0] =	vst v1  }
0x4c2: {  	v30 =	vld [tilespmem:$0x1FE30];
	p0 =	sne.s32 s30, $0x8;
	v59 =	vmul.f32 v17, v44;
	v2 =	vadd.f32 v56, v42;
	v7 =	vadd.f32 v18, v7;
	[tilespmem:s31+$0x16F60] =	vst v57  }
.Ltmp15:
0x4c3: {  	v27 =	vld [tilespmem:$0x1FF80];
	v5 =	vadd.f32 v60, v5;
	v63 =	vmul.f32 v55, v44;
	v3 =	vadd.f32 v3, v4;
	[tilespmem:s31+$0x16F70] =	vst v6;
	(pc) =	sbr.rel @p0 .LBB2_26-.Ltmp15, $4  }
0x4c4: {  	v29 =	vld [tilespmem:$0x1FF40];
	[tilespmem:s31+$0x16F80] =	vst v7;
	v2 =	vadd.f32 v59, v2  }
0x4c5: {  	v0 =	vld [tilespmem:$0x1FF70];
	[tilespmem:s31+$0x16F90] =	vst v3;
	v3 =	vadd.f32 v63, v5  }
0x4c6: {  	v20 =	vld [tilespmem:$0x1FF20];
	[tilespmem:s31+$0x16FB0] =	vst v2  }
0x4c7: {  	v34 =	vld [tilespmem:$0x1FE40];
	v19 =	vlaneseq.u32;
	[tilespmem:s31+$0x16FD0] =	vst v3  }
0x4c8: {  	[hbm4b:s7+s4] =	stream.linear.scatter [tilespmem:s26], [sflag:$0x6], $0x4000, $0x38;
	[tilespmem:$0x1AE00] =	vst v63  }
0x4c9: {  	s28 =	sadd.s32 $0x1, s28  }
0x4ca: {  	p0 =	sne.s32 s28, s8  }
.Ltmp16:
0x4cb: {  	_ =	swait.ge [sflag:s9], $0x4000;
	(pc) =	sbr.rel @p0 .LBB2_1-.Ltmp16, $4  }
0x4cc: {  	v23 =	vld [tilespmem:$0x1FF90]  }
0x4cd: {  	v21 =	vld [tilespmem:$0x1FFA0]  }
0x4ce: {  	[sflag:s9] =	ssyncset.done $0x0;
	v28 =	vld [tilespmem:$0x1FFC0]  }
0x4cf: {  	v30 =	vld [tilespmem:$0x1FFD0];
	[sflag:s9] =	ssyncadd.s32 $0xFFFFC000  }
0x4d0: {  	_ =	sfence.sel $0x180000  }
0x4d1: {  	[bflag:$0x0] =	sbarrier.arrive $0xFFFF  }
0x4d2: {  	_ =	strace $0x90000047  }
0x4d3: {  	s0 =	stileid.u32;
	[bflag:$0x2] =	sbarrier.arrive $0xFFFF  }
0x4d4: {  	p0 =	sne.s32 s0, $0x0;
	s0 =	rddreg [dreg:$0x4]  }
0x4d5: {  	s0 =	sadd.s32 @!p0 $0x100000, s0  }
0x4d6: {  	[sflag:s0] =	ssyncadd.tile.s32 @!p0 $0x1;
	_ =	shalt  }
.Lfunc_end2:
_tile_overlayer_lowered:
.L_overlay_start_2:
0x4d7: {  	(tag) =	ssettag $0x2  }
0x4d8: {  	s0 =	rddreg [dreg:$0x0];
	s2 =	stileid.u32  }
0x4d9: {  	s1 =	rddreg [dreg:$0x1];
	p0 =	sne.s32 s2, $0x0  }
0x4da: {  	s3 =	rddreg [dreg:$0x2];
	[bflag:$0x3] =	sbarrier.arrive $0xFFFF;
	s2 =	simm.s32 @!p0 $0x1C06  }
0x4db: {  	[timem:s3], [sflag:s2] =	dma.local @!p0 [hbm:s0], s1  }
0x4dc: {  	s0 =	simm.s32 @!p0 $0x6  }
0x4dd: {  	_ =	swait.ge @!p0 [sflag:s0], s1  }
0x4de: {  	s1 =	ssub.s32 @!p0 $0x0, s1;
	[sflag:s0] =	ssyncset.done @!p0 $0x0  }
0x4df: {  	[sflag:s0] =	ssyncadd.s32 @!p0 s1  }
0x4e0: {  	[bflag:$0x3] =	sbarrier.arrive $0xFFFF  }
0x4e1: {  	_ =	shalt  }

</sc_bundles>
